<compile_context>
chip_gen: v7x
topology: tpu7x:2x2x1
jax: 0.10.2.dev20260603
libtpu: 0.0.44.dev20260713+nightly
codegen_flags: <defaults>
</compile_context>

<pallas_src>
import functools

import numpy as np
import jax
from jax import lax
import jax.numpy as jnp
from jax.experimental import pallas as pl
from jax.experimental.pallas import tpu as pltpu
from jax.experimental.pallas import tpu_sc as plsc

BN = 512
S = 20
D = 64
H = 8
DK = 8
E = 8
DFF = 1024
NL = 2
ESM = 1280
NB2 = 2 * BN
T = NB2 * S
TH = BN * S

_BB = 64
_TB = _BB * S
_NATT = NB2 // _BB
_HALF = _NATT // 2

_PRB = 128
_FBB = 64

_F32 = jnp.float32


def _mm(a, b):
    return jnp.dot(a, b, preferred_element_type=_F32)



def _proj_body(x_ref, w_ref, b_ref, o_ref):
    o_ref[...] = jnp.maximum(_mm(x_ref[...], w_ref[...]) + b_ref[...], 0.0)


def _proj(seq2, proj_W, proj_b):
    return pl.pallas_call(
        _proj_body,
        grid=(NB2 // _PRB,),
        in_specs=[
            pl.BlockSpec((_PRB, ESM), lambda i: (i, 0)),
            pl.BlockSpec((ESM, S * D), lambda i: (0, 0)),
            pl.BlockSpec((1, S * D), lambda i: (0, 0)),
        ],
        out_specs=pl.BlockSpec((_PRB, S * D), lambda i: (i, 0)),
        out_shape=jax.ShapeDtypeStruct((NB2, S * D), _F32),
    )(seq2, proj_W, proj_b.reshape(1, S * D))



def _attn_body(has_add, *refs):
    if has_add:
        (x_ref, add_ref, g_ref, wq, bq, wk, bk, wv, bv, wo, bo,
         l1g, l1b, l2g, l2b, rw, rb,
         xo_ref, xn2_ref, gate_ref, idx_ref, st_ref) = refs
        x = x_ref[...] + g_ref[...] * add_ref[...]
    else:
        (x_ref, wq, bq, wk, bk, wv, bv, wo, bo,
         l1g, l1b, l2g, l2b, rw, rb,
         xo_ref, xn2_ref, gate_ref, idx_ref, st_ref) = refs
        x = x_ref[...]

    ones_d = jnp.ones((D, 1), _F32)
    inv_d = np.float32(1.0 / D)

    def ln_fast(xx, g, b):
        s1 = _mm(xx, ones_d) * inv_d
        s2 = _mm(xx * xx, ones_d) * inv_d
        var = s2 - s1 * s1
        return (xx - s1) * jax.lax.rsqrt(var + 1e-6) * g + b

    xn = ln_fast(x, l1g[...], l1b[...])
    scale = np.float32(1.0 / np.sqrt(DK))
    q = (_mm(xn, wq[...]) + bq[...]) * scale
    k = _mm(xn, wk[...]) + bk[...]
    v = _mm(xn, wv[...]) + bv[...]

    CH = 12 * S
    chunks = []
    c0 = 0
    while c0 < _TB:
        chunks.append((c0, min(_TB, c0 + CH)))
        c0 += CH

    def mk_madd(n):
        rid = jax.lax.broadcasted_iota(jnp.int32, (n, n), 0) // S
        cid = jax.lax.broadcasted_iota(jnp.int32, (n, n), 1) // S
        return jnp.where(rid == cid, 0.0, -1e9).astype(_F32)

    madd_full = mk_madd(CH)
    tail_n = chunks[-1][1] - chunks[-1][0]
    madd_tail = mk_madd(tail_n) if tail_n != CH else madd_full
    ones_tb = jnp.ones((_TB, 1), _F32)
    dn = (((1,), (1,)), ((), ()))
    qb = q.astype(jnp.bfloat16)
    kb = k.astype(jnp.bfloat16)
    outs = []
    zs = []
    for h in range(H):
        sl = slice(h * DK, (h + 1) * DK)
        qh = qb[:, sl]
        kh = kb[:, sl]
        vaug = jnp.concatenate([v[:, sl], ones_tb], axis=1)
        avs = []
        for (a0, a1) in chunks:
            scj = jax.lax.dot_general(qh[a0:a1], kh[a0:a1], dn,
                                      preferred_element_type=_F32)
            exj = jnp.exp(scj + (madd_full if a1 - a0 == CH else madd_tail))
            avs.append(_mm(exj, vaug[a0:a1]))
        r = jnp.concatenate(avs, axis=0)
        outs.append(r[:, :DK])
        zs.append(r[:, DK:DK + 1])
    ao = jnp.concatenate(outs, axis=1)
    zc = jnp.concatenate(zs, axis=1)
    rep = (jax.lax.broadcasted_iota(jnp.int32, (H, D), 0)
           == jax.lax.broadcasted_iota(jnp.int32, (H, D), 1) // DK).astype(_F32)
    ao = ao / _mm(zc, rep)

    x2 = x + _mm(ao, wo[...]) + bo[...]
    xo_ref[...] = x2

    xn2 = ln_fast(x2, l2g[...], l2b[...])
    xn2_ref[...] = xn2

    logits = _mm(xn2, rw[...]) + rb[...]
    lmx = jnp.max(logits, axis=-1, keepdims=True)
    lex = jnp.exp(logits - lmx)
    probs = lex / jnp.sum(lex, axis=-1, keepdims=True)
    gate = jnp.max(probs, axis=-1, keepdims=True)
    lane = jax.lax.broadcasted_iota(jnp.int32, (_TB, E), 1)
    idx = jnp.min(jnp.where(probs >= gate, lane, E), axis=-1, keepdims=True)
    gate_ref[...] = gate
    idx_ref[...] = idx

    onehot = (lane == idx).astype(_F32)
    counts = jnp.sum(onehot, axis=0, keepdims=True)
    psum = jnp.sum(probs, axis=0, keepdims=True)
    part = jnp.concatenate([counts[:, None, :], psum[:, None, :]], axis=1)

    i = pl.program_id(0)

    @pl.when(i % _HALF == 0)
    def _():
        st_ref[...] = part

    @pl.when(i % _HALF != 0)
    def _():
        st_ref[...] += part


def _layer(x, add, gate, wq, bq, wk, bk, wv, bv, wo, bo,
           l1g, l1b, l2g, l2b, rw, rb):
    has_add = add is not None
    row_spec = pl.BlockSpec((_TB, D), lambda i: (i, 0))
    one_spec = pl.BlockSpec((_TB, 1), lambda i: (i, 0))
    w_spec = pl.BlockSpec((D, D), lambda i: (0, 0))
    b_spec = pl.BlockSpec((1, D), lambda i: (0, 0))
    in_specs = [row_spec]
    args = [x]
    if has_add:
        in_specs += [row_spec, one_spec]
        args += [add, gate]
    in_specs += [w_spec, b_spec, w_spec, b_spec, w_spec, b_spec, w_spec,
                 b_spec, b_spec, b_spec, b_spec, b_spec,
                 pl.BlockSpec((D, E), lambda i: (0, 0)),
                 pl.BlockSpec((1, E), lambda i: (0, 0))]
    args += [wq, bq.reshape(1, D), wk, bk.reshape(1, D), wv, bv.reshape(1, D),
             wo, bo.reshape(1, D), l1g.reshape(1, D), l1b.reshape(1, D),
             l2g.reshape(1, D), l2b.reshape(1, D), rw, rb.reshape(1, E)]
    out_specs = [
        row_spec,
        row_spec,
        one_spec,
        one_spec,
        pl.BlockSpec((1, 2, E), lambda i: (i // _HALF, 0, 0)),
    ]
    out_shape = [
        jax.ShapeDtypeStruct((T, D), _F32),
        jax.ShapeDtypeStruct((T, D), _F32),
        jax.ShapeDtypeStruct((T, 1), _F32),
        jax.ShapeDtypeStruct((T, 1), jnp.int32),
        jax.ShapeDtypeStruct((2, 2, E), _F32),
    ]
    return pl.pallas_call(
        functools.partial(_attn_body, has_add),
        grid=(_NATT,),
        in_specs=in_specs,
        out_specs=out_specs,
        out_shape=out_shape,
    )(*args)



_BT = 256
_PT = T + E * _BT
_NBK = _PT // _BT
_IR = T // 128
_NW = 32
_TPW = T // _NW
_RPW = _IR // _NW


def _posmaker_body(idx_ref, pos_ref, blk_ref):
    idxv = idx_ref[...]
    tri_l = (jax.lax.broadcasted_iota(jnp.int32, (128, 128), 0)
             <= jax.lax.broadcasted_iota(jnp.int32, (128, 128), 1)).astype(_F32)
    tri_r = (jax.lax.broadcasted_iota(jnp.int32, (_IR, _IR), 1)
             < jax.lax.broadcasted_iota(jnp.int32, (_IR, _IR), 0)).astype(_F32)
    pos = jnp.zeros((_IR, 128), _F32)
    base = np.float32(0.0)
    bases_after = []
    for e in range(E):
        m = (idxv == e).astype(_F32)
        lane_cum = _mm(m, tri_l)
        rowsum = lane_cum[:, 127:128]
        rowpref = _mm(tri_r, rowsum)
        rank = lane_cum + rowpref
        pos = jnp.where(m > 0, base + rank - 1.0, pos)
        cnt = jnp.sum(rowsum)
        padded = jnp.floor((cnt + np.float32(_BT - 1))
                           * np.float32(1.0 / _BT)) * np.float32(_BT)
        base = base + padded
        bases_after.append(base)
    pos_ref[...] = pos.astype(jnp.int32)
    bstart = (jax.lax.broadcasted_iota(jnp.int32, (1, 128), 1)
              * _BT).astype(_F32)
    bx = jnp.zeros((1, 128), jnp.int32)
    for e in range(E - 1):
        bx = bx + (bstart >= bases_after[e]).astype(jnp.int32)
    blk_ref[...] = bx


def _posmaker(idx_l):
    idx_m = idx_l.reshape(_IR, 128)
    return pl.pallas_call(
        _posmaker_body,
        grid=(1,),
        in_specs=[pl.BlockSpec((_IR, 128), lambda i: (0, 0))],
        out_specs=[pl.BlockSpec((_IR, 128), lambda i: (0, 0)),
                   pl.BlockSpec((1, 128), lambda i: (0, 0))],
        out_shape=[jax.ShapeDtypeStruct((_IR, 128), jnp.int32),
                   jax.ShapeDtypeStruct((1, 128), jnp.int32)],
    )(idx_m)



@functools.lru_cache(maxsize=None)
def _sc_kernels():
    mesh = plsc.VectorSubcoreMesh(core_axis_name="c", subcore_axis_name="s")
    cp = pltpu.CompilerParams(use_tc_tiling_on_sc=False)

    @functools.partial(
        pl.kernel, mesh=mesh, compiler_params=cp,
        out_type=jax.ShapeDtypeStruct((_PT, D), _F32),
        scratch_types=[pltpu.VMEM((_RPW, 128), jnp.int32),
                       pltpu.VMEM((_TPW, D), _F32),
                       pltpu.SemaphoreType.DMA])
    def dispatch(x_hbm, pos_hbm, xs_hbm, idx_v, rows_v, sem):
        w = lax.axis_index("s") * 2 + lax.axis_index("c")
        pltpu.sync_copy(pos_hbm.at[w], idx_v)
        pltpu.sync_copy(x_hbm.at[pl.ds(w * _TPW, _TPW)], rows_v)
        cps = [pltpu.async_copy(rows_v.at[pl.ds(j * 128, 128)],
                                xs_hbm.at[idx_v.at[j]], sem)
               for j in range(_RPW)]
        for cp in cps:
            cp.wait()

    @functools.partial(
        pl.kernel, mesh=mesh, compiler_params=cp,
        out_type=jax.ShapeDtypeStruct((T, D), _F32),
        scratch_types=[pltpu.VMEM((_RPW, 128), jnp.int32),
                       pltpu.VMEM((_TPW, D), _F32),
                       pltpu.SemaphoreType.DMA])
    def combine(ys_hbm, pos_hbm, out_hbm, idx_v, rows_v, sem):
        w = lax.axis_index("s") * 2 + lax.axis_index("c")
        pltpu.sync_copy(pos_hbm.at[w], idx_v)
        cps = [pltpu.async_copy(ys_hbm.at[idx_v.at[j]],
                                rows_v.at[pl.ds(j * 128, 128)], sem)
               for j in range(_RPW)]
        for cp in cps:
            cp.wait()
        pltpu.sync_copy(rows_v, out_hbm.at[pl.ds(w * _TPW, _TPW)])

    return dispatch, combine


def _sc_dispatch(x, pos_m):
    return _sc_kernels()[0](x, pos_m.reshape(_NW, _RPW, 128))


def _sc_combine(ys, pos_m):
    return _sc_kernels()[1](ys, pos_m.reshape(_NW, _RPW, 128))



def _gffn_body(s_ref, x_ref, w1_ref, b1_ref, w2_ref, b2_ref, o_ref):
    xb = x_ref[...].astype(jnp.bfloat16)
    hh = jnp.maximum(_mm(xb, w1_ref[0]) + b1_ref[0], 0.0)
    o_ref[...] = _mm(hh.astype(jnp.bfloat16), w2_ref[0]) + b2_ref[0]


def _gffn(xs, blk_expert, w1, b1, w2, b2):
    grid_spec = pltpu.PrefetchScalarGridSpec(
        num_scalar_prefetch=1,
        grid=(_NBK,),
        in_specs=[
            pl.BlockSpec((_BT, D), lambda i, s: (i, 0)),
            pl.BlockSpec((1, D, DFF), lambda i, s: (s[0, i], 0, 0)),
            pl.BlockSpec((1, 1, DFF), lambda i, s: (s[0, i], 0, 0)),
            pl.BlockSpec((1, DFF, D), lambda i, s: (s[0, i], 0, 0)),
            pl.BlockSpec((1, 1, D), lambda i, s: (s[0, i], 0, 0)),
        ],
        out_specs=pl.BlockSpec((_BT, D), lambda i, s: (i, 0)),
    )
    return pl.pallas_call(
        _gffn_body,
        grid_spec=grid_spec,
        out_shape=jax.ShapeDtypeStruct((_PT, D), _F32),
    )(blk_expert, xs, w1.astype(jnp.bfloat16), b1.reshape(E, 1, DFF),
      w2.astype(jnp.bfloat16), b2.reshape(E, 1, D))


def _moe_compact(xn2, idx_l, w1, b1, w2, b2):
    pos_m, blk_expert = _posmaker(idx_l)
    xs = _sc_dispatch(xn2, pos_m)
    ys = _gffn(xs, blk_expert, w1, b1, w2, b2)
    return _sc_combine(ys, pos_m)



def _final_body(xa_ref, aa_ref, ga_ref, xb_ref, ab_ref, gb_ref,
                lg_ref, lb_ref, lw_ref, lbi_ref, s1_ref, s2_ref,
                sq_ref, aux_ref):
    def fin_ln(x):
        m = jnp.mean(x, axis=-1, keepdims=True)
        v = jnp.mean((x - m) ** 2, axis=-1, keepdims=True)
        return lg_ref[...] * (x - m) / jnp.sqrt(v + 1e-6) + lb_ref[...]

    ea = fin_ln(xa_ref[...] + ga_ref[...] * aa_ref[...])
    eb = fin_ln(xb_ref[...] + gb_ref[...] * ab_ref[...])
    inter = ea * eb
    nrm = jnp.sqrt(jnp.sum(inter * inter, axis=-1, keepdims=True))
    mx = jnp.max(nrm, axis=1, keepdims=True)
    ex = jnp.exp(nrm - mx)
    w = ex / jnp.sum(ex, axis=1, keepdims=True)
    ws = jnp.sum(w * inter, axis=1)
    sq_ref[...] = _mm(ws, lw_ref[...]) + lbi_ref[...]

    @pl.when(pl.program_id(0) == 0)
    def _():
        s1 = s1_ref[...]
        s2 = s2_ref[...]
        tot = (jnp.sum(s1[:, 0, :] * s1[:, 1, :])
               + jnp.sum(s2[:, 0, :] * s2[:, 1, :]))
        val = tot * np.float32(E) / np.float32(TH) / np.float32(TH)
        aux_ref[...] = jnp.reshape(val, (1, 1))


def _final(x, add, gate, lnf_g, lnf_b, lin_W, lin_b, st1, st2):
    x3 = x.reshape(NB2, S, D)
    a3 = add.reshape(NB2, S, D)
    g3 = gate.reshape(NB2, S, 1)
    off = BN // _FBB
    blk = pl.BlockSpec((_FBB, S, D), lambda i: (i, 0, 0))
    blk_b = pl.BlockSpec((_FBB, S, D), lambda i: (i + off, 0, 0))
    one = pl.BlockSpec((_FBB, S, 1), lambda i: (i, 0, 0))
    one_b = pl.BlockSpec((_FBB, S, 1), lambda i: (i + off, 0, 0))
    sq, aux = pl.pallas_call(
        _final_body,
        grid=(BN // _FBB,),
        in_specs=[
            blk, blk, one, blk_b, blk_b, one_b,
            pl.BlockSpec((1, D), lambda i: (0, 0)),
            pl.BlockSpec((1, D), lambda i: (0, 0)),
            pl.BlockSpec((D, 1), lambda i: (0, 0)),
            pl.BlockSpec((1, 1), lambda i: (0, 0)),
            pl.BlockSpec((2, 2, E), lambda i: (0, 0, 0)),
            pl.BlockSpec((2, 2, E), lambda i: (0, 0, 0)),
        ],
        out_specs=[
            pl.BlockSpec((_FBB, 1), lambda i: (i, 0)),
            pl.BlockSpec((1, 1), lambda i: (0, 0)),
        ],
        out_shape=[
            jax.ShapeDtypeStruct((BN, 1), _F32),
            jax.ShapeDtypeStruct((1, 1), _F32),
        ],
    )(x3, a3, g3, x3, a3, g3, lnf_g.reshape(1, D), lnf_b.reshape(1, D),
      lin_W, lin_b.reshape(1, 1), st1, st2)
    return sq[:, 0], aux[0, 0]



def kernel(emb_proteinA, emb_proteinB, protA_mask, protB_mask, protA_seq,
           protB_seq, proj_W, proj_b, Wq, bq, Wk, bk, Wv, bv, Wo, bo,
           ln1_g, ln1_b, ln2_g, ln2_b, lnf_g, lnf_b, rW, rb,
           eW1, eb1, eW2, eb2, lin_W, lin_b):
    seq2 = jnp.concatenate([protA_seq, protB_seq], axis=0)
    x = _proj(seq2, proj_W, proj_b).reshape(T, D)
    add = None
    gate = None
    stats = []
    for l in range(NL):
        xattn, xn2, gate_l, idx_l, st = _layer(
            x, add, gate, Wq[l], bq[l], Wk[l], bk[l], Wv[l], bv[l],
            Wo[l], bo[l], ln1_g[l], ln1_b[l], ln2_g[l], ln2_b[l],
            rW[l], rb[l])
        ffn = _moe_compact(xn2, idx_l, eW1[l], eb1[l], eW2[l], eb2[l])
        x = xattn
        add = ffn
        gate = gate_l
        stats.append(st)
    return _final(x, add, gate, lnf_g, lnf_b, lin_W, lin_b,
                  stats[0], stats[1])

# --- scband reference (transcript-rebuilt; emitter-appended) ---
"""Pipeline reference for scband-transformer-go-ablation-wo-go-34557306863958 (READ-ONLY COPY).

The authoritative reference and input builder live on the scoring server;
editing this copy changes nothing except your own understanding.
"""

import jax, jax.numpy as jnp
import numpy as np

B = 512
S = 20
D_MODEL = 64
NHEAD = 8
NLAYERS = 2
DFF = 1024
NEXP = 8
ESM_DIM = 1280


def _layernorm(x, g, b, eps=1e-6):
    m = jnp.mean(x, axis=-1, keepdims=True)
    v = jnp.mean((x - m) ** 2, axis=-1, keepdims=True)
    return g * (x - m) / jnp.sqrt(v + eps) + b


def _mha(q_in, k_in, v_in, mask, Wq, bq, Wk, bk, Wv, bv, Wo, bo):
    Bq, Sq, d = q_in.shape
    h = NHEAD
    dk = d // h

    def proj(x, W, bb):
        return (x @ W + bb).reshape(Bq, -1, h, dk).transpose(0, 2, 1, 3)

    q = proj(q_in, Wq, bq)
    k = proj(k_in, Wk, bk)
    v = proj(v_in, Wv, bv)
    scores = jnp.matmul(q, k.transpose(0, 1, 3, 2)) / np.sqrt(dk)
    scores = jnp.where(mask[:, None, :, :], scores, -1e9)
    attn = jax.nn.softmax(scores, axis=-1)
    out = jnp.matmul(attn, v).transpose(0, 2, 1, 3).reshape(Bq, Sq, d)
    return out @ Wo + bo


def _moe_top1(x, rW, rb, W1, b1, W2, b2):
    Bx, Sx, d = x.shape
    xf = x.reshape(-1, d)
    logits = xf @ rW + rb
    probs = jax.nn.softmax(logits, axis=-1)
    idx = jnp.argmax(probs, axis=-1)
    gate = jnp.max(probs, axis=-1)
    E = rb.shape[0]
    disp = jax.nn.one_hot(idx, E, dtype=xf.dtype)
    ein = jnp.einsum('te,td->etd', disp, xf)
    hh = jax.nn.relu(jnp.einsum('etd,edf->etf', ein, W1) + b1[:, None, :])
    eo = jnp.einsum('etf,efd->etd', hh, W2) + b2[:, None, :]
    out = jnp.einsum('te,etd->td', disp * gate[:, None], eo)
    aux = E * jnp.sum(jnp.mean(disp, axis=0) * jnp.mean(probs, axis=0))
    return out.reshape(Bx, Sx, d), aux


def _encode(x, mask, p):
    aux_total = jnp.float32(0.0)
    for l in range(NLAYERS):
        nx = _layernorm(x, p['ln1_g'][l], p['ln1_b'][l])
        x = x + _mha(nx, nx, nx, mask, p['Wq'][l], p['bq'][l], p['Wk'][l], p['bk'][l], p['Wv'][l], p['bv'][l], p['Wo'][l], p['bo'][l])
        nx = _layernorm(x, p['ln2_g'][l], p['ln2_b'][l])
        ff, aux = _moe_top1(nx, p['rW'][l], p['rb'][l], p['eW1'][l], p['eb1'][l], p['eW2'][l], p['eb2'][l])
        x = x + ff
        aux_total = aux_total + aux
    return _layernorm(x, p['lnf_g'], p['lnf_b']), aux_total


def setup_inputs(seed: int = 0):
    key = jax.random.key(seed)
    ks = [jax.random.fold_in(key, i) for i in range(16)]
    sc = 0.02
    inp = {
        'emb_proteinA': jax.random.normal(ks[0], (B, S, D_MODEL), dtype=jnp.float32),
        'emb_proteinB': jax.random.normal(ks[1], (B, S, D_MODEL), dtype=jnp.float32),
        'protA_mask': jnp.ones((B, S), dtype=bool),
        'protB_mask': jnp.ones((B, S), dtype=bool),
        'protA_seq': jax.random.normal(ks[2], (B, ESM_DIM), dtype=jnp.float32),
        'protB_seq': jax.random.normal(ks[3], (B, ESM_DIM), dtype=jnp.float32),
        'proj_W': jax.random.normal(ks[4], (ESM_DIM, S * D_MODEL), dtype=jnp.float32) * sc,
        'proj_b': jnp.zeros((S * D_MODEL,), dtype=jnp.float32),
        'Wq': jax.random.normal(ks[5], (NLAYERS, D_MODEL, D_MODEL), dtype=jnp.float32) * sc,
        'bq': jnp.zeros((NLAYERS, D_MODEL), dtype=jnp.float32),
        'Wk': jax.random.normal(ks[6], (NLAYERS, D_MODEL, D_MODEL), dtype=jnp.float32) * sc,
        'bk': jnp.zeros((NLAYERS, D_MODEL), dtype=jnp.float32),
        'Wv': jax.random.normal(ks[7], (NLAYERS, D_MODEL, D_MODEL), dtype=jnp.float32) * sc,
        'bv': jnp.zeros((NLAYERS, D_MODEL), dtype=jnp.float32),
        'Wo': jax.random.normal(ks[8], (NLAYERS, D_MODEL, D_MODEL), dtype=jnp.float32) * sc,
        'bo': jnp.zeros((NLAYERS, D_MODEL), dtype=jnp.float32),
        'ln1_g': jnp.ones((NLAYERS, D_MODEL), dtype=jnp.float32),
        'ln1_b': jnp.zeros((NLAYERS, D_MODEL), dtype=jnp.float32),
        'ln2_g': jnp.ones((NLAYERS, D_MODEL), dtype=jnp.float32),
        'ln2_b': jnp.zeros((NLAYERS, D_MODEL), dtype=jnp.float32),
        'lnf_g': jnp.ones((D_MODEL,), dtype=jnp.float32),
        'lnf_b': jnp.zeros((D_MODEL,), dtype=jnp.float32),
        'rW': jax.random.normal(ks[9], (NLAYERS, D_MODEL, NEXP), dtype=jnp.float32) * sc,
        'rb': jnp.zeros((NLAYERS, NEXP), dtype=jnp.float32),
        'eW1': jax.random.normal(ks[10], (NLAYERS, NEXP, D_MODEL, DFF), dtype=jnp.float32) * sc,
        'eb1': jnp.zeros((NLAYERS, NEXP, DFF), dtype=jnp.float32),
        'eW2': jax.random.normal(ks[11], (NLAYERS, NEXP, DFF, D_MODEL), dtype=jnp.float32) * sc,
        'eb2': jnp.zeros((NLAYERS, NEXP, D_MODEL), dtype=jnp.float32),
        'lin_W': jax.random.normal(ks[12], (D_MODEL, 1), dtype=jnp.float32) * sc,
        'lin_b': jnp.zeros((1,), dtype=jnp.float32),
    }
    return inp


def reference(emb_proteinA, emb_proteinB, protA_mask, protB_mask, protA_seq, protB_seq, proj_W, proj_b, Wq, bq, Wk, bk, Wv, bv, Wo, bo, ln1_g, ln1_b, ln2_g, ln2_b, lnf_g, lnf_b, rW, rb, eW1, eb1, eW2, eb2, lin_W, lin_b):
    p = {'Wq': Wq, 'bq': bq, 'Wk': Wk, 'bk': bk, 'Wv': Wv, 'bv': bv, 'Wo': Wo, 'bo': bo,
         'ln1_g': ln1_g, 'ln1_b': ln1_b, 'ln2_g': ln2_g, 'ln2_b': ln2_b, 'lnf_g': lnf_g, 'lnf_b': lnf_b,
         'rW': rW, 'rb': rb, 'eW1': eW1, 'eb1': eb1, 'eW2': eW2, 'eb2': eb2}
    embA = jax.nn.relu(protA_seq @ proj_W + proj_b).reshape(-1, S, D_MODEL)
    embB = jax.nn.relu(protB_seq @ proj_W + proj_b).reshape(-1, S, D_MODEL)
    Bq = embA.shape[0]
    new_mask = jnp.ones((Bq, S, S), dtype=bool)
    encA, auxA = _encode(embA, new_mask, p)
    encB, auxB = _encode(embB, new_mask, p)
    inter = encA * encB
    nrm = jnp.linalg.norm(inter, axis=2)
    w = jax.nn.softmax(nrm, axis=1)[:, None, :]
    ws = jnp.matmul(w, inter)
    sq = (jnp.matmul(ws, lin_W) + lin_b)[:, 0, 0]
    return sq, auxA + auxB

if __name__ == "__main__":
    import jax
    _d = setup_inputs()
    print(jax.jit(kernel)(*tuple(_d.values())))

</pallas_src>

<mosaic_0001>
#map = affine_map<(d0, d1) -> (0, 0)>
#map1 = affine_map<(d0, d1) -> (0, 0, 0)>
module attributes {stable_mosaic.version = 14 : i64} {
  func.func @dispatch(%arg0: i32, %arg1: i32, %arg2: memref<20480x64xf32, #tpu.memory_space<hbm>>, %arg3: memref<32x5x128xi32, #tpu.memory_space<hbm>>, %arg4: memref<22528x64xf32, #tpu.memory_space<hbm>>, %arg5: memref<5x128xi32, #tpu.memory_space<vmem>>, %arg6: memref<640x64xf32, #tpu.memory_space<vmem>>, %arg7: memref<!tpu.dma_semaphore, #tpu.memory_space<semaphore_mem>>) attributes {dimension_semantics = [#tpu.dimension_semantics<core_parallel>, #tpu.dimension_semantics<subcore_parallel>], iteration_bounds = array<i64: 2, 16>, scalar_prefetch = 0 : i64, scratch_operands = 3 : i64, tpu.core_type = #tpu.core_type<sc_vector_subcore>, window_params = [{transform_indices = #map}, {transform_indices = #map1}, {transform_indices = #map}]} {
    %mul3A = arith.constant 2 : i32
    %mul3A_0 = arith.muli %arg1, %mul3A : i32
    %add3A = arith.addi %mul3A_0, %arg0 : i32
    "tpu.region"() ({
      %run_scoped3A = tpu.sem_alloc : memref<!tpu.dma_semaphore, #tpu.memory_space<semaphore_mem>>
      %dma_start3A_101 = arith.constant 0 : i32
      %dma_start3A_102 = arith.constant 0 : i32
      %dma_start3A_103 = tpu.memref_slice %arg3[%add3A, %dma_start3A_101, %dma_start3A_102] : memref<32x5x128xi32, #tpu.memory_space<hbm>> -> memref<1x5x128xi32, #tpu.memory_space<hbm>>
      %dma_start3A_104 = tpu.memref_squeeze %dma_start3A_103 : memref<1x5x128xi32, #tpu.memory_space<hbm>> -> memref<5x128xi32, #tpu.memory_space<hbm>>
      %dma_start3A_105 = arith.constant 0 : i32
      %dma_start3A_106 = arith.constant 0 : i32
      %dma_start3A_107 = tpu.memref_slice %arg3[%add3A, %dma_start3A_105, %dma_start3A_106] : memref<32x5x128xi32, #tpu.memory_space<hbm>> -> memref<1x5x128xi32, #tpu.memory_space<hbm>>
      %dma_start3A_108 = tpu.memref_squeeze %dma_start3A_107 : memref<1x5x128xi32, #tpu.memory_space<hbm>> -> memref<5x128xi32, #tpu.memory_space<hbm>>
      tpu.enqueue_dma source(%dma_start3A_108 : memref<5x128xi32, #tpu.memory_space<hbm>>) target(%arg5 : memref<5x128xi32, #tpu.memory_space<vmem>>) target_semaphore(%run_scoped3A : memref<!tpu.dma_semaphore, #tpu.memory_space<semaphore_mem>>)
      %dma_wait3A_109 = arith.constant 0 : i32
      %dma_wait3A_110 = arith.constant 0 : i32
      %dma_wait3A_111 = tpu.memref_slice %arg3[%add3A, %dma_wait3A_109, %dma_wait3A_110] : memref<32x5x128xi32, #tpu.memory_space<hbm>> -> memref<1x5x128xi32, #tpu.memory_space<hbm>>
      %dma_wait3A_112 = tpu.memref_squeeze %dma_wait3A_111 : memref<1x5x128xi32, #tpu.memory_space<hbm>> -> memref<5x128xi32, #tpu.memory_space<hbm>>
      %dma_wait3A_113 = arith.constant 0 : i32
      %dma_wait3A_114 = arith.constant 0 : i32
      %dma_wait3A_115 = tpu.memref_slice %arg3[%add3A, %dma_wait3A_113, %dma_wait3A_114] : memref<32x5x128xi32, #tpu.memory_space<hbm>> -> memref<1x5x128xi32, #tpu.memory_space<hbm>>
      %dma_wait3A_116 = tpu.memref_squeeze %dma_wait3A_115 : memref<1x5x128xi32, #tpu.memory_space<hbm>> -> memref<5x128xi32, #tpu.memory_space<hbm>>
      tpu.wait_dma2 semaphore(%run_scoped3A : memref<!tpu.dma_semaphore, #tpu.memory_space<semaphore_mem>>) src(%dma_wait3A_116 : memref<5x128xi32, #tpu.memory_space<hbm>>) dst(%arg5 : memref<5x128xi32, #tpu.memory_space<vmem>>)
      tpu.yield
    }) : () -> ()
    %mul3A_1 = arith.constant 640 : i32
    %mul3A_2 = arith.muli %add3A, %mul3A_1 : i32
    "tpu.region"() ({
      %run_scoped3A = tpu.sem_alloc : memref<!tpu.dma_semaphore, #tpu.memory_space<semaphore_mem>>
      %dma_start3A_101 = arith.constant 0 : i32
      %dma_start3A_102 = tpu.memref_slice %arg2[%mul3A_2, %dma_start3A_101] : memref<20480x64xf32, #tpu.memory_space<hbm>> -> memref<640x64xf32, #tpu.memory_space<hbm>>
      %dma_start3A_103 = arith.constant 0 : i32
      %dma_start3A_104 = tpu.memref_slice %arg2[%mul3A_2, %dma_start3A_103] : memref<20480x64xf32, #tpu.memory_space<hbm>> -> memref<640x64xf32, #tpu.memory_space<hbm>>
      tpu.enqueue_dma source(%dma_start3A_104 : memref<640x64xf32, #tpu.memory_space<hbm>>) target(%arg6 : memref<640x64xf32, #tpu.memory_space<vmem>>) target_semaphore(%run_scoped3A : memref<!tpu.dma_semaphore, #tpu.memory_space<semaphore_mem>>)
      %dma_wait3A_105 = arith.constant 0 : i32
      %dma_wait3A_106 = tpu.memref_slice %arg2[%mul3A_2, %dma_wait3A_105] : memref<20480x64xf32, #tpu.memory_space<hbm>> -> memref<640x64xf32, #tpu.memory_space<hbm>>
      %dma_wait3A_107 = arith.constant 0 : i32
      %dma_wait3A_108 = tpu.memref_slice %arg2[%mul3A_2, %dma_wait3A_107] : memref<20480x64xf32, #tpu.memory_space<hbm>> -> memref<640x64xf32, #tpu.memory_space<hbm>>
      tpu.wait_dma2 semaphore(%run_scoped3A : memref<!tpu.dma_semaphore, #tpu.memory_space<semaphore_mem>>) src(%dma_wait3A_108 : memref<640x64xf32, #tpu.memory_space<hbm>>) dst(%arg6 : memref<640x64xf32, #tpu.memory_space<vmem>>)
      tpu.yield
    }) : () -> ()
    %dma_start3A = arith.constant 0 : i32
    %dma_start3A_3 = arith.constant 0 : i32
    %dma_start3A_4 = arith.constant 0 : i32
    %dma_start3A_5 = tpu.memref_slice %arg6[%dma_start3A_3, %dma_start3A_4] : memref<640x64xf32, #tpu.memory_space<vmem>> -> memref<128x64xf32, #tpu.memory_space<vmem>>
    %dma_start3A_6 = arith.constant 0 : i32
    %dma_start3A_7 = tpu.memref_slice %arg5[%dma_start3A, %dma_start3A_6] : memref<5x128xi32, #tpu.memory_space<vmem>> -> memref<1x128xi32, #tpu.memory_space<vmem>>
    %dma_start3A_8 = tpu.memref_squeeze %dma_start3A_7 : memref<1x128xi32, #tpu.memory_space<vmem>> -> memref<128xi32, #tpu.memory_space<vmem>>
    %dma_start3A_9 = arith.constant 0 : i32
    %dma_start3A_10 = arith.constant 0 : i32
    %dma_start3A_11 = tpu.memref_slice %arg4[%dma_start3A_9, %dma_start3A_10] : memref<22528x64xf32, #tpu.memory_space<hbm>> -> memref<22528x64xf32, #tpu.memory_space<hbm>>
    tpu.enqueue_indirect_dma source(%dma_start3A_5 : memref<128x64xf32, #tpu.memory_space<vmem>>) target(%dma_start3A_11 : memref<22528x64xf32, #tpu.memory_space<hbm>>) offsets(%dma_start3A_8 : memref<128xi32, #tpu.memory_space<vmem>>) semaphore(%arg7 : memref<!tpu.dma_semaphore, #tpu.memory_space<semaphore_mem>>)
    %dma_start3A_12 = arith.constant 1 : i32
    %dma_start3A_13 = arith.constant 128 : i32
    %dma_start3A_14 = arith.constant 0 : i32
    %dma_start3A_15 = tpu.memref_slice %arg6[%dma_start3A_13, %dma_start3A_14] : memref<640x64xf32, #tpu.memory_space<vmem>> -> memref<128x64xf32, #tpu.memory_space<vmem>>
    %dma_start3A_16 = arith.constant 0 : i32
    %dma_start3A_17 = tpu.memref_slice %arg5[%dma_start3A_12, %dma_start3A_16] : memref<5x128xi32, #tpu.memory_space<vmem>> -> memref<1x128xi32, #tpu.memory_space<vmem>>
    %dma_start3A_18 = tpu.memref_squeeze %dma_start3A_17 : memref<1x128xi32, #tpu.memory_space<vmem>> -> memref<128xi32, #tpu.memory_space<vmem>>
    %dma_start3A_19 = arith.constant 0 : i32
    %dma_start3A_20 = arith.constant 0 : i32
    %dma_start3A_21 = tpu.memref_slice %arg4[%dma_start3A_19, %dma_start3A_20] : memref<22528x64xf32, #tpu.memory_space<hbm>> -> memref<22528x64xf32, #tpu.memory_space<hbm>>
    tpu.enqueue_indirect_dma source(%dma_start3A_15 : memref<128x64xf32, #tpu.memory_space<vmem>>) target(%dma_start3A_21 : memref<22528x64xf32, #tpu.memory_space<hbm>>) offsets(%dma_start3A_18 : memref<128xi32, #tpu.memory_space<vmem>>) semaphore(%arg7 : memref<!tpu.dma_semaphore, #tpu.memory_space<semaphore_mem>>)
    %dma_start3A_22 = arith.constant 2 : i32
    %dma_start3A_23 = arith.constant 256 : i32
    %dma_start3A_24 = arith.constant 0 : i32
    %dma_start3A_25 = tpu.memref_slice %arg6[%dma_start3A_23, %dma_start3A_24] : memref<640x64xf32, #tpu.memory_space<vmem>> -> memref<128x64xf32, #tpu.memory_space<vmem>>
    %dma_start3A_26 = arith.constant 0 : i32
    %dma_start3A_27 = tpu.memref_slice %arg5[%dma_start3A_22, %dma_start3A_26] : memref<5x128xi32, #tpu.memory_space<vmem>> -> memref<1x128xi32, #tpu.memory_space<vmem>>
    %dma_start3A_28 = tpu.memref_squeeze %dma_start3A_27 : memref<1x128xi32, #tpu.memory_space<vmem>> -> memref<128xi32, #tpu.memory_space<vmem>>
    %dma_start3A_29 = arith.constant 0 : i32
    %dma_start3A_30 = arith.constant 0 : i32
    %dma_start3A_31 = tpu.memref_slice %arg4[%dma_start3A_29, %dma_start3A_30] : memref<22528x64xf32, #tpu.memory_space<hbm>> -> memref<22528x64xf32, #tpu.memory_space<hbm>>
    tpu.enqueue_indirect_dma source(%dma_start3A_25 : memref<128x64xf32, #tpu.memory_space<vmem>>) target(%dma_start3A_31 : memref<22528x64xf32, #tpu.memory_space<hbm>>) offsets(%dma_start3A_28 : memref<128xi32, #tpu.memory_space<vmem>>) semaphore(%arg7 : memref<!tpu.dma_semaphore, #tpu.memory_space<semaphore_mem>>)
    %dma_start3A_32 = arith.constant 3 : i32
    %dma_start3A_33 = arith.constant 384 : i32
    %dma_start3A_34 = arith.constant 0 : i32
    %dma_start3A_35 = tpu.memref_slice %arg6[%dma_start3A_33, %dma_start3A_34] : memref<640x64xf32, #tpu.memory_space<vmem>> -> memref<128x64xf32, #tpu.memory_space<vmem>>
    %dma_start3A_36 = arith.constant 0 : i32
    %dma_start3A_37 = tpu.memref_slice %arg5[%dma_start3A_32, %dma_start3A_36] : memref<5x128xi32, #tpu.memory_space<vmem>> -> memref<1x128xi32, #tpu.memory_space<vmem>>
    %dma_start3A_38 = tpu.memref_squeeze %dma_start3A_37 : memref<1x128xi32, #tpu.memory_space<vmem>> -> memref<128xi32, #tpu.memory_space<vmem>>
    %dma_start3A_39 = arith.constant 0 : i32
    %dma_start3A_40 = arith.constant 0 : i32
    %dma_start3A_41 = tpu.memref_slice %arg4[%dma_start3A_39, %dma_start3A_40] : memref<22528x64xf32, #tpu.memory_space<hbm>> -> memref<22528x64xf32, #tpu.memory_space<hbm>>
    tpu.enqueue_indirect_dma source(%dma_start3A_35 : memref<128x64xf32, #tpu.memory_space<vmem>>) target(%dma_start3A_41 : memref<22528x64xf32, #tpu.memory_space<hbm>>) offsets(%dma_start3A_38 : memref<128xi32, #tpu.memory_space<vmem>>) semaphore(%arg7 : memref<!tpu.dma_semaphore, #tpu.memory_space<semaphore_mem>>)
    %dma_start3A_42 = arith.constant 4 : i32
    %dma_start3A_43 = arith.constant 512 : i32
    %dma_start3A_44 = arith.constant 0 : i32
    %dma_start3A_45 = tpu.memref_slice %arg6[%dma_start3A_43, %dma_start3A_44] : memref<640x64xf32, #tpu.memory_space<vmem>> -> memref<128x64xf32, #tpu.memory_space<vmem>>
    %dma_start3A_46 = arith.constant 0 : i32
    %dma_start3A_47 = tpu.memref_slice %arg5[%dma_start3A_42, %dma_start3A_46] : memref<5x128xi32, #tpu.memory_space<vmem>> -> memref<1x128xi32, #tpu.memory_space<vmem>>
    %dma_start3A_48 = tpu.memref_squeeze %dma_start3A_47 : memref<1x128xi32, #tpu.memory_space<vmem>> -> memref<128xi32, #tpu.memory_space<vmem>>
    %dma_start3A_49 = arith.constant 0 : i32
    %dma_start3A_50 = arith.constant 0 : i32
    %dma_start3A_51 = tpu.memref_slice %arg4[%dma_start3A_49, %dma_start3A_50] : memref<22528x64xf32, #tpu.memory_space<hbm>> -> memref<22528x64xf32, #tpu.memory_space<hbm>>
    tpu.enqueue_indirect_dma source(%dma_start3A_45 : memref<128x64xf32, #tpu.memory_space<vmem>>) target(%dma_start3A_51 : memref<22528x64xf32, #tpu.memory_space<hbm>>) offsets(%dma_start3A_48 : memref<128xi32, #tpu.memory_space<vmem>>) semaphore(%arg7 : memref<!tpu.dma_semaphore, #tpu.memory_space<semaphore_mem>>)
    %dma_wait3A = arith.constant 0 : i32
    %dma_wait3A_52 = arith.constant 0 : i32
    %dma_wait3A_53 = arith.constant 0 : i32
    %dma_wait3A_54 = tpu.memref_slice %arg6[%dma_wait3A_52, %dma_wait3A_53] : memref<640x64xf32, #tpu.memory_space<vmem>> -> memref<128x64xf32, #tpu.memory_space<vmem>>
    %dma_wait3A_55 = arith.constant 0 : i32
    %dma_wait3A_56 = tpu.memref_slice %arg5[%dma_wait3A, %dma_wait3A_55] : memref<5x128xi32, #tpu.memory_space<vmem>> -> memref<1x128xi32, #tpu.memory_space<vmem>>
    %dma_wait3A_57 = tpu.memref_squeeze %dma_wait3A_56 : memref<1x128xi32, #tpu.memory_space<vmem>> -> memref<128xi32, #tpu.memory_space<vmem>>
    %dma_wait3A_58 = arith.constant 0 : i32
    %dma_wait3A_59 = arith.constant 0 : i32
    %dma_wait3A_60 = tpu.memref_slice %arg4[%dma_wait3A_58, %dma_wait3A_59] : memref<22528x64xf32, #tpu.memory_space<hbm>> -> memref<22528x64xf32, #tpu.memory_space<hbm>>
    tpu.wait_indirect_dma semaphore(%arg7 : memref<!tpu.dma_semaphore, #tpu.memory_space<semaphore_mem>>) src(%dma_wait3A_54 : memref<128x64xf32, #tpu.memory_space<vmem>>) dst(%dma_wait3A_60 : memref<22528x64xf32, #tpu.memory_space<hbm>>)
    %dma_wait3A_61 = arith.constant 1 : i32
    %dma_wait3A_62 = arith.constant 128 : i32
    %dma_wait3A_63 = arith.constant 0 : i32
    %dma_wait3A_64 = tpu.memref_slice %arg6[%dma_wait3A_62, %dma_wait3A_63] : memref<640x64xf32, #tpu.memory_space<vmem>> -> memref<128x64xf32, #tpu.memory_space<vmem>>
    %dma_wait3A_65 = arith.constant 0 : i32
    %dma_wait3A_66 = tpu.memref_slice %arg5[%dma_wait3A_61, %dma_wait3A_65] : memref<5x128xi32, #tpu.memory_space<vmem>> -> memref<1x128xi32, #tpu.memory_space<vmem>>
    %dma_wait3A_67 = tpu.memref_squeeze %dma_wait3A_66 : memref<1x128xi32, #tpu.memory_space<vmem>> -> memref<128xi32, #tpu.memory_space<vmem>>
    %dma_wait3A_68 = arith.constant 0 : i32
    %dma_wait3A_69 = arith.constant 0 : i32
    %dma_wait3A_70 = tpu.memref_slice %arg4[%dma_wait3A_68, %dma_wait3A_69] : memref<22528x64xf32, #tpu.memory_space<hbm>> -> memref<22528x64xf32, #tpu.memory_space<hbm>>
    tpu.wait_indirect_dma semaphore(%arg7 : memref<!tpu.dma_semaphore, #tpu.memory_space<semaphore_mem>>) src(%dma_wait3A_64 : memref<128x64xf32, #tpu.memory_space<vmem>>) dst(%dma_wait3A_70 : memref<22528x64xf32, #tpu.memory_space<hbm>>)
    %dma_wait3A_71 = arith.constant 2 : i32
    %dma_wait3A_72 = arith.constant 256 : i32
    %dma_wait3A_73 = arith.constant 0 : i32
    %dma_wait3A_74 = tpu.memref_slice %arg6[%dma_wait3A_72, %dma_wait3A_73] : memref<640x64xf32, #tpu.memory_space<vmem>> -> memref<128x64xf32, #tpu.memory_space<vmem>>
    %dma_wait3A_75 = arith.constant 0 : i32
    %dma_wait3A_76 = tpu.memref_slice %arg5[%dma_wait3A_71, %dma_wait3A_75] : memref<5x128xi32, #tpu.memory_space<vmem>> -> memref<1x128xi32, #tpu.memory_space<vmem>>
    %dma_wait3A_77 = tpu.memref_squeeze %dma_wait3A_76 : memref<1x128xi32, #tpu.memory_space<vmem>> -> memref<128xi32, #tpu.memory_space<vmem>>
    %dma_wait3A_78 = arith.constant 0 : i32
    %dma_wait3A_79 = arith.constant 0 : i32
    %dma_wait3A_80 = tpu.memref_slice %arg4[%dma_wait3A_78, %dma_wait3A_79] : memref<22528x64xf32, #tpu.memory_space<hbm>> -> memref<22528x64xf32, #tpu.memory_space<hbm>>
    tpu.wait_indirect_dma semaphore(%arg7 : memref<!tpu.dma_semaphore, #tpu.memory_space<semaphore_mem>>) src(%dma_wait3A_74 : memref<128x64xf32, #tpu.memory_space<vmem>>) dst(%dma_wait3A_80 : memref<22528x64xf32, #tpu.memory_space<hbm>>)
    %dma_wait3A_81 = arith.constant 3 : i32
    %dma_wait3A_82 = arith.constant 384 : i32
    %dma_wait3A_83 = arith.constant 0 : i32
    %dma_wait3A_84 = tpu.memref_slice %arg6[%dma_wait3A_82, %dma_wait3A_83] : memref<640x64xf32, #tpu.memory_space<vmem>> -> memref<128x64xf32, #tpu.memory_space<vmem>>
    %dma_wait3A_85 = arith.constant 0 : i32
    %dma_wait3A_86 = tpu.memref_slice %arg5[%dma_wait3A_81, %dma_wait3A_85] : memref<5x128xi32, #tpu.memory_space<vmem>> -> memref<1x128xi32, #tpu.memory_space<vmem>>
    %dma_wait3A_87 = tpu.memref_squeeze %dma_wait3A_86 : memref<1x128xi32, #tpu.memory_space<vmem>> -> memref<128xi32, #tpu.memory_space<vmem>>
    %dma_wait3A_88 = arith.constant 0 : i32
    %dma_wait3A_89 = arith.constant 0 : i32
    %dma_wait3A_90 = tpu.memref_slice %arg4[%dma_wait3A_88, %dma_wait3A_89] : memref<22528x64xf32, #tpu.memory_space<hbm>> -> memref<22528x64xf32, #tpu.memory_space<hbm>>
    tpu.wait_indirect_dma semaphore(%arg7 : memref<!tpu.dma_semaphore, #tpu.memory_space<semaphore_mem>>) src(%dma_wait3A_84 : memref<128x64xf32, #tpu.memory_space<vmem>>) dst(%dma_wait3A_90 : memref<22528x64xf32, #tpu.memory_space<hbm>>)
    %dma_wait3A_91 = arith.constant 4 : i32
    %dma_wait3A_92 = arith.constant 512 : i32
    %dma_wait3A_93 = arith.constant 0 : i32
    %dma_wait3A_94 = tpu.memref_slice %arg6[%dma_wait3A_92, %dma_wait3A_93] : memref<640x64xf32, #tpu.memory_space<vmem>> -> memref<128x64xf32, #tpu.memory_space<vmem>>
    %dma_wait3A_95 = arith.constant 0 : i32
    %dma_wait3A_96 = tpu.memref_slice %arg5[%dma_wait3A_91, %dma_wait3A_95] : memref<5x128xi32, #tpu.memory_space<vmem>> -> memref<1x128xi32, #tpu.memory_space<vmem>>
    %dma_wait3A_97 = tpu.memref_squeeze %dma_wait3A_96 : memref<1x128xi32, #tpu.memory_space<vmem>> -> memref<128xi32, #tpu.memory_space<vmem>>
    %dma_wait3A_98 = arith.constant 0 : i32
    %dma_wait3A_99 = arith.constant 0 : i32
    %dma_wait3A_100 = tpu.memref_slice %arg4[%dma_wait3A_98, %dma_wait3A_99] : memref<22528x64xf32, #tpu.memory_space<hbm>> -> memref<22528x64xf32, #tpu.memory_space<hbm>>
    tpu.wait_indirect_dma semaphore(%arg7 : memref<!tpu.dma_semaphore, #tpu.memory_space<semaphore_mem>>) src(%dma_wait3A_94 : memref<128x64xf32, #tpu.memory_space<vmem>>) dst(%dma_wait3A_100 : memref<22528x64xf32, #tpu.memory_space<hbm>>)
    return
  }
}

#map = affine_map<(d0, d1) -> (0, 0)>
#map1 = affine_map<(d0, d1) -> (0, 0, 0)>
module attributes {stable_mosaic.version = 14 : i64} {
  func.func @dispatch(%arg0: i32, %arg1: i32, %arg2: memref<20480x64xf32, #tpu.memory_space<hbm>>, %arg3: memref<32x5x128xi32, #tpu.memory_space<hbm>>, %arg4: memref<22528x64xf32, #tpu.memory_space<hbm>>, %arg5: memref<5x128xi32, #tpu.memory_space<vmem>>, %arg6: memref<640x64xf32, #tpu.memory_space<vmem>>, %arg7: memref<!tpu.dma_semaphore, #tpu.memory_space<semaphore_mem>>) attributes {dimension_semantics = [#tpu.dimension_semantics<core_parallel>, #tpu.dimension_semantics<subcore_parallel>], iteration_bounds = array<i64: 2, 16>, scalar_prefetch = 0 : i64, scratch_operands = 3 : i64, tpu.core_type = #tpu.core_type<sc_vector_subcore>, window_params = [{transform_indices = #map}, {transform_indices = #map1}, {transform_indices = #map}]} {
    %mul3A = arith.constant 2 : i32
    %mul3A_0 = arith.muli %arg1, %mul3A : i32
    %add3A = arith.addi %mul3A_0, %arg0 : i32
    "tpu.region"() ({
      %run_scoped3A = tpu.sem_alloc : memref<!tpu.dma_semaphore, #tpu.memory_space<semaphore_mem>>
      %dma_start3A_101 = arith.constant 0 : i32
      %dma_start3A_102 = arith.constant 0 : i32
      %dma_start3A_103 = tpu.memref_slice %arg3[%add3A, %dma_start3A_101, %dma_start3A_102] : memref<32x5x128xi32, #tpu.memory_space<hbm>> -> memref<1x5x128xi32, #tpu.memory_space<hbm>>
      %dma_start3A_104 = tpu.memref_squeeze %dma_start3A_103 : memref<1x5x128xi32, #tpu.memory_space<hbm>> -> memref<5x128xi32, #tpu.memory_space<hbm>>
      %dma_start3A_105 = arith.constant 0 : i32
      %dma_start3A_106 = arith.constant 0 : i32
      %dma_start3A_107 = tpu.memref_slice %arg3[%add3A, %dma_start3A_105, %dma_start3A_106] : memref<32x5x128xi32, #tpu.memory_space<hbm>> -> memref<1x5x128xi32, #tpu.memory_space<hbm>>
      %dma_start3A_108 = tpu.memref_squeeze %dma_start3A_107 : memref<1x5x128xi32, #tpu.memory_space<hbm>> -> memref<5x128xi32, #tpu.memory_space<hbm>>
      tpu.enqueue_dma source(%dma_start3A_108 : memref<5x128xi32, #tpu.memory_space<hbm>>) target(%arg5 : memref<5x128xi32, #tpu.memory_space<vmem>>) target_semaphore(%run_scoped3A : memref<!tpu.dma_semaphore, #tpu.memory_space<semaphore_mem>>)
      %dma_wait3A_109 = arith.constant 0 : i32
      %dma_wait3A_110 = arith.constant 0 : i32
      %dma_wait3A_111 = tpu.memref_slice %arg3[%add3A, %dma_wait3A_109, %dma_wait3A_110] : memref<32x5x128xi32, #tpu.memory_space<hbm>> -> memref<1x5x128xi32, #tpu.memory_space<hbm>>
      %dma_wait3A_112 = tpu.memref_squeeze %dma_wait3A_111 : memref<1x5x128xi32, #tpu.memory_space<hbm>> -> memref<5x128xi32, #tpu.memory_space<hbm>>
      %dma_wait3A_113 = arith.constant 0 : i32
      %dma_wait3A_114 = arith.constant 0 : i32
      %dma_wait3A_115 = tpu.memref_slice %arg3[%add3A, %dma_wait3A_113, %dma_wait3A_114] : memref<32x5x128xi32, #tpu.memory_space<hbm>> -> memref<1x5x128xi32, #tpu.memory_space<hbm>>
      %dma_wait3A_116 = tpu.memref_squeeze %dma_wait3A_115 : memref<1x5x128xi32, #tpu.memory_space<hbm>> -> memref<5x128xi32, #tpu.memory_space<hbm>>
      tpu.wait_dma2 semaphore(%run_scoped3A : memref<!tpu.dma_semaphore, #tpu.memory_space<semaphore_mem>>) src(%dma_wait3A_116 : memref<5x128xi32, #tpu.memory_space<hbm>>) dst(%arg5 : memref<5x128xi32, #tpu.memory_space<vmem>>)
      tpu.yield
    }) : () -> ()
    %mul3A_1 = arith.constant 640 : i32
    %mul3A_2 = arith.muli %add3A, %mul3A_1 : i32
    "tpu.region"() ({
      %run_scoped3A = tpu.sem_alloc : memref<!tpu.dma_semaphore, #tpu.memory_space<semaphore_mem>>
      %dma_start3A_101 = arith.constant 0 : i32
      %dma_start3A_102 = tpu.memref_slice %arg2[%mul3A_2, %dma_start3A_101] : memref<20480x64xf32, #tpu.memory_space<hbm>> -> memref<640x64xf32, #tpu.memory_space<hbm>>
      %dma_start3A_103 = arith.constant 0 : i32
      %dma_start3A_104 = tpu.memref_slice %arg2[%mul3A_2, %dma_start3A_103] : memref<20480x64xf32, #tpu.memory_space<hbm>> -> memref<640x64xf32, #tpu.memory_space<hbm>>
      tpu.enqueue_dma source(%dma_start3A_104 : memref<640x64xf32, #tpu.memory_space<hbm>>) target(%arg6 : memref<640x64xf32, #tpu.memory_space<vmem>>) target_semaphore(%run_scoped3A : memref<!tpu.dma_semaphore, #tpu.memory_space<semaphore_mem>>)
      %dma_wait3A_105 = arith.constant 0 : i32
      %dma_wait3A_106 = tpu.memref_slice %arg2[%mul3A_2, %dma_wait3A_105] : memref<20480x64xf32, #tpu.memory_space<hbm>> -> memref<640x64xf32, #tpu.memory_space<hbm>>
      %dma_wait3A_107 = arith.constant 0 : i32
      %dma_wait3A_108 = tpu.memref_slice %arg2[%mul3A_2, %dma_wait3A_107] : memref<20480x64xf32, #tpu.memory_space<hbm>> -> memref<640x64xf32, #tpu.memory_space<hbm>>
      tpu.wait_dma2 semaphore(%run_scoped3A : memref<!tpu.dma_semaphore, #tpu.memory_space<semaphore_mem>>) src(%dma_wait3A_108 : memref<640x64xf32, #tpu.memory_space<hbm>>) dst(%arg6 : memref<640x64xf32, #tpu.memory_space<vmem>>)
      tpu.yield
    }) : () -> ()
    %dma_start3A = arith.constant 0 : i32
    %dma_start3A_3 = arith.constant 0 : i32
    %dma_start3A_4 = arith.constant 0 : i32
    %dma_start3A_5 = tpu.memref_slice %arg6[%dma_start3A_3, %dma_start3A_4] : memref<640x64xf32, #tpu.memory_space<vmem>> -> memref<128x64xf32, #tpu.memory_space<vmem>>
    %dma_start3A_6 = arith.constant 0 : i32
    %dma_start3A_7 = tpu.memref_slice %arg5[%dma_start3A, %dma_start3A_6] : memref<5x128xi32, #tpu.memory_space<vmem>> -> memref<1x128xi32, #tpu.memory_space<vmem>>
    %dma_start3A_8 = tpu.memref_squeeze %dma_start3A_7 : memref<1x128xi32, #tpu.memory_space<vmem>> -> memref<128xi32, #tpu.memory_space<vmem>>
    %dma_start3A_9 = arith.constant 0 : i32
    %dma_start3A_10 = arith.constant 0 : i32
    %dma_start3A_11 = tpu.memref_slice %arg4[%dma_start3A_9, %dma_start3A_10] : memref<22528x64xf32, #tpu.memory_space<hbm>> -> memref<22528x64xf32, #tpu.memory_space<hbm>>
    tpu.enqueue_indirect_dma source(%dma_start3A_5 : memref<128x64xf32, #tpu.memory_space<vmem>>) target(%dma_start3A_11 : memref<22528x64xf32, #tpu.memory_space<hbm>>) offsets(%dma_start3A_8 : memref<128xi32, #tpu.memory_space<vmem>>) semaphore(%arg7 : memref<!tpu.dma_semaphore, #tpu.memory_space<semaphore_mem>>)
    %dma_start3A_12 = arith.constant 1 : i32
    %dma_start3A_13 = arith.constant 128 : i32
    %dma_start3A_14 = arith.constant 0 : i32
    %dma_start3A_15 = tpu.memref_slice %arg6[%dma_start3A_13, %dma_start3A_14] : memref<640x64xf32, #tpu.memory_space<vmem>> -> memref<128x64xf32, #tpu.memory_space<vmem>>
    %dma_start3A_16 = arith.constant 0 : i32
    %dma_start3A_17 = tpu.memref_slice %arg5[%dma_start3A_12, %dma_start3A_16] : memref<5x128xi32, #tpu.memory_space<vmem>> -> memref<1x128xi32, #tpu.memory_space<vmem>>
    %dma_start3A_18 = tpu.memref_squeeze %dma_start3A_17 : memref<1x128xi32, #tpu.memory_space<vmem>> -> memref<128xi32, #tpu.memory_space<vmem>>
    %dma_start3A_19 = arith.constant 0 : i32
    %dma_start3A_20 = arith.constant 0 : i32
    %dma_start3A_21 = tpu.memref_slice %arg4[%dma_start3A_19, %dma_start3A_20] : memref<22528x64xf32, #tpu.memory_space<hbm>> -> memref<22528x64xf32, #tpu.memory_space<hbm>>
    tpu.enqueue_indirect_dma source(%dma_start3A_15 : memref<128x64xf32, #tpu.memory_space<vmem>>) target(%dma_start3A_21 : memref<22528x64xf32, #tpu.memory_space<hbm>>) offsets(%dma_start3A_18 : memref<128xi32, #tpu.memory_space<vmem>>) semaphore(%arg7 : memref<!tpu.dma_semaphore, #tpu.memory_space<semaphore_mem>>)
    %dma_start3A_22 = arith.constant 2 : i32
    %dma_start3A_23 = arith.constant 256 : i32
    %dma_start3A_24 = arith.constant 0 : i32
    %dma_start3A_25 = tpu.memref_slice %arg6[%dma_start3A_23, %dma_start3A_24] : memref<640x64xf32, #tpu.memory_space<vmem>> -> memref<128x64xf32, #tpu.memory_space<vmem>>
    %dma_start3A_26 = arith.constant 0 : i32
    %dma_start3A_27 = tpu.memref_slice %arg5[%dma_start3A_22, %dma_start3A_26] : memref<5x128xi32, #tpu.memory_space<vmem>> -> memref<1x128xi32, #tpu.memory_space<vmem>>
    %dma_start3A_28 = tpu.memref_squeeze %dma_start3A_27 : memref<1x128xi32, #tpu.memory_space<vmem>> -> memref<128xi32, #tpu.memory_space<vmem>>
    %dma_start3A_29 = arith.constant 0 : i32
    %dma_start3A_30 = arith.constant 0 : i32
    %dma_start3A_31 = tpu.memref_slice %arg4[%dma_start3A_29, %dma_start3A_30] : memref<22528x64xf32, #tpu.memory_space<hbm>> -> memref<22528x64xf32, #tpu.memory_space<hbm>>
    tpu.enqueue_indirect_dma source(%dma_start3A_25 : memref<128x64xf32, #tpu.memory_space<vmem>>) target(%dma_start3A_31 : memref<22528x64xf32, #tpu.memory_space<hbm>>) offsets(%dma_start3A_28 : memref<128xi32, #tpu.memory_space<vmem>>) semaphore(%arg7 : memref<!tpu.dma_semaphore, #tpu.memory_space<semaphore_mem>>)
    %dma_start3A_32 = arith.constant 3 : i32
    %dma_start3A_33 = arith.constant 384 : i32
    %dma_start3A_34 = arith.constant 0 : i32
    %dma_start3A_35 = tpu.memref_slice %arg6[%dma_start3A_33, %dma_start3A_34] : memref<640x64xf32, #tpu.memory_space<vmem>> -> memref<128x64xf32, #tpu.memory_space<vmem>>
    %dma_start3A_36 = arith.constant 0 : i32
    %dma_start3A_37 = tpu.memref_slice %arg5[%dma_start3A_32, %dma_start3A_36] : memref<5x128xi32, #tpu.memory_space<vmem>> -> memref<1x128xi32, #tpu.memory_space<vmem>>
    %dma_start3A_38 = tpu.memref_squeeze %dma_start3A_37 : memref<1x128xi32, #tpu.memory_space<vmem>> -> memref<128xi32, #tpu.memory_space<vmem>>
    %dma_start3A_39 = arith.constant 0 : i32
    %dma_start3A_40 = arith.constant 0 : i32
    %dma_start3A_41 = tpu.memref_slice %arg4[%dma_start3A_39, %dma_start3A_40] : memref<22528x64xf32, #tpu.memory_space<hbm>> -> memref<22528x64xf32, #tpu.memory_space<hbm>>
    tpu.enqueue_indirect_dma source(%dma_start3A_35 : memref<128x64xf32, #tpu.memory_space<vmem>>) target(%dma_start3A_41 : memref<22528x64xf32, #tpu.memory_space<hbm>>) offsets(%dma_start3A_38 : memref<128xi32, #tpu.memory_space<vmem>>) semaphore(%arg7 : memref<!tpu.dma_semaphore, #tpu.memory_space<semaphore_mem>>)
    %dma_start3A_42 = arith.constant 4 : i32
    %dma_start3A_43 = arith.constant 512 : i32
    %dma_start3A_44 = arith.constant 0 : i32
    %dma_start3A_45 = tpu.memref_slice %arg6[%dma_start3A_43, %dma_start3A_44] : memref<640x64xf32, #tpu.memory_space<vmem>> -> memref<128x64xf32, #tpu.memory_space<vmem>>
    %dma_start3A_46 = arith.constant 0 : i32
    %dma_start3A_47 = tpu.memref_slice %arg5[%dma_start3A_42, %dma_start3A_46] : memref<5x128xi32, #tpu.memory_space<vmem>> -> memref<1x128xi32, #tpu.memory_space<vmem>>
    %dma_start3A_48 = tpu.memref_squeeze %dma_start3A_47 : memref<1x128xi32, #tpu.memory_space<vmem>> -> memref<128xi32, #tpu.memory_space<vmem>>
    %dma_start3A_49 = arith.constant 0 : i32
    %dma_start3A_50 = arith.constant 0 : i32
    %dma_start3A_51 = tpu.memref_slice %arg4[%dma_start3A_49, %dma_start3A_50] : memref<22528x64xf32, #tpu.memory_space<hbm>> -> memref<22528x64xf32, #tpu.memory_space<hbm>>
    tpu.enqueue_indirect_dma source(%dma_start3A_45 : memref<128x64xf32, #tpu.memory_space<vmem>>) target(%dma_start3A_51 : memref<22528x64xf32, #tpu.memory_space<hbm>>) offsets(%dma_start3A_48 : memref<128xi32, #tpu.memory_space<vmem>>) semaphore(%arg7 : memref<!tpu.dma_semaphore, #tpu.memory_space<semaphore_mem>>)
    %dma_wait3A = arith.constant 0 : i32
    %dma_wait3A_52 = arith.constant 0 : i32
    %dma_wait3A_53 = arith.constant 0 : i32
    %dma_wait3A_54 = tpu.memref_slice %arg6[%dma_wait3A_52, %dma_wait3A_53] : memref<640x64xf32, #tpu.memory_space<vmem>> -> memref<128x64xf32, #tpu.memory_space<vmem>>
    %dma_wait3A_55 = arith.constant 0 : i32
    %dma_wait3A_56 = tpu.memref_slice %arg5[%dma_wait3A, %dma_wait3A_55] : memref<5x128xi32, #tpu.memory_space<vmem>> -> memref<1x128xi32, #tpu.memory_space<vmem>>
    %dma_wait3A_57 = tpu.memref_squeeze %dma_wait3A_56 : memref<1x128xi32, #tpu.memory_space<vmem>> -> memref<128xi32, #tpu.memory_space<vmem>>
    %dma_wait3A_58 = arith.constant 0 : i32
    %dma_wait3A_59 = arith.constant 0 : i32
    %dma_wait3A_60 = tpu.memref_slice %arg4[%dma_wait3A_58, %dma_wait3A_59] : memref<22528x64xf32, #tpu.memory_space<hbm>> -> memref<22528x64xf32, #tpu.memory_space<hbm>>
    tpu.wait_indirect_dma semaphore(%arg7 : memref<!tpu.dma_semaphore, #tpu.memory_space<semaphore_mem>>) src(%dma_wait3A_54 : memref<128x64xf32, #tpu.memory_space<vmem>>) dst(%dma_wait3A_60 : memref<22528x64xf32, #tpu.memory_space<hbm>>)
    %dma_wait3A_61 = arith.constant 1 : i32
    %dma_wait3A_62 = arith.constant 128 : i32
    %dma_wait3A_63 = arith.constant 0 : i32
    %dma_wait3A_64 = tpu.memref_slice %arg6[%dma_wait3A_62, %dma_wait3A_63] : memref<640x64xf32, #tpu.memory_space<vmem>> -> memref<128x64xf32, #tpu.memory_space<vmem>>
    %dma_wait3A_65 = arith.constant 0 : i32
    %dma_wait3A_66 = tpu.memref_slice %arg5[%dma_wait3A_61, %dma_wait3A_65] : memref<5x128xi32, #tpu.memory_space<vmem>> -> memref<1x128xi32, #tpu.memory_space<vmem>>
    %dma_wait3A_67 = tpu.memref_squeeze %dma_wait3A_66 : memref<1x128xi32, #tpu.memory_space<vmem>> -> memref<128xi32, #tpu.memory_space<vmem>>
    %dma_wait3A_68 = arith.constant 0 : i32
    %dma_wait3A_69 = arith.constant 0 : i32
    %dma_wait3A_70 = tpu.memref_slice %arg4[%dma_wait3A_68, %dma_wait3A_69] : memref<22528x64xf32, #tpu.memory_space<hbm>> -> memref<22528x64xf32, #tpu.memory_space<hbm>>
    tpu.wait_indirect_dma semaphore(%arg7 : memref<!tpu.dma_semaphore, #tpu.memory_space<semaphore_mem>>) src(%dma_wait3A_64 : memref<128x64xf32, #tpu.memory_space<vmem>>) dst(%dma_wait3A_70 : memref<22528x64xf32, #tpu.memory_space<hbm>>)
    %dma_wait3A_71 = arith.constant 2 : i32
    %dma_wait3A_72 = arith.constant 256 : i32
    %dma_wait3A_73 = arith.constant 0 : i32
    %dma_wait3A_74 = tpu.memref_slice %arg6[%dma_wait3A_72, %dma_wait3A_73] : memref<640x64xf32, #tpu.memory_space<vmem>> -> memref<128x64xf32, #tpu.memory_space<vmem>>
    %dma_wait3A_75 = arith.constant 0 : i32
    %dma_wait3A_76 = tpu.memref_slice %arg5[%dma_wait3A_71, %dma_wait3A_75] : memref<5x128xi32, #tpu.memory_space<vmem>> -> memref<1x128xi32, #tpu.memory_space<vmem>>
    %dma_wait3A_77 = tpu.memref_squeeze %dma_wait3A_76 : memref<1x128xi32, #tpu.memory_space<vmem>> -> memref<128xi32, #tpu.memory_space<vmem>>
    %dma_wait3A_78 = arith.constant 0 : i32
    %dma_wait3A_79 = arith.constant 0 : i32
    %dma_wait3A_80 = tpu.memref_slice %arg4[%dma_wait3A_78, %dma_wait3A_79] : memref<22528x64xf32, #tpu.memory_space<hbm>> -> memref<22528x64xf32, #tpu.memory_space<hbm>>
    tpu.wait_indirect_dma semaphore(%arg7 : memref<!tpu.dma_semaphore, #tpu.memory_space<semaphore_mem>>) src(%dma_wait3A_74 : memref<128x64xf32, #tpu.memory_space<vmem>>) dst(%dma_wait3A_80 : memref<22528x64xf32, #tpu.memory_space<hbm>>)
    %dma_wait3A_81 = arith.constant 3 : i32
    %dma_wait3A_82 = arith.constant 384 : i32
    %dma_wait3A_83 = arith.constant 0 : i32
    %dma_wait3A_84 = tpu.memref_slice %arg6[%dma_wait3A_82, %dma_wait3A_83] : memref<640x64xf32, #tpu.memory_space<vmem>> -> memref<128x64xf32, #tpu.memory_space<vmem>>
    %dma_wait3A_85 = arith.constant 0 : i32
    %dma_wait3A_86 = tpu.memref_slice %arg5[%dma_wait3A_81, %dma_wait3A_85] : memref<5x128xi32, #tpu.memory_space<vmem>> -> memref<1x128xi32, #tpu.memory_space<vmem>>
    %dma_wait3A_87 = tpu.memref_squeeze %dma_wait3A_86 : memref<1x128xi32, #tpu.memory_space<vmem>> -> memref<128xi32, #tpu.memory_space<vmem>>
    %dma_wait3A_88 = arith.constant 0 : i32
    %dma_wait3A_89 = arith.constant 0 : i32
    %dma_wait3A_90 = tpu.memref_slice %arg4[%dma_wait3A_88, %dma_wait3A_89] : memref<22528x64xf32, #tpu.memory_space<hbm>> -> memref<22528x64xf32, #tpu.memory_space<hbm>>
    tpu.wait_indirect_dma semaphore(%arg7 : memref<!tpu.dma_semaphore, #tpu.memory_space<semaphore_mem>>) src(%dma_wait3A_84 : memref<128x64xf32, #tpu.memory_space<vmem>>) dst(%dma_wait3A_90 : memref<22528x64xf32, #tpu.memory_space<hbm>>)
    %dma_wait3A_91 = arith.constant 4 : i32
    %dma_wait3A_92 = arith.constant 512 : i32
    %dma_wait3A_93 = arith.constant 0 : i32
    %dma_wait3A_94 = tpu.memref_slice %arg6[%dma_wait3A_92, %dma_wait3A_93] : memref<640x64xf32, #tpu.memory_space<vmem>> -> memref<128x64xf32, #tpu.memory_space<vmem>>
    %dma_wait3A_95 = arith.constant 0 : i32
    %dma_wait3A_96 = tpu.memref_slice %arg5[%dma_wait3A_91, %dma_wait3A_95] : memref<5x128xi32, #tpu.memory_space<vmem>> -> memref<1x128xi32, #tpu.memory_space<vmem>>
    %dma_wait3A_97 = tpu.memref_squeeze %dma_wait3A_96 : memref<1x128xi32, #tpu.memory_space<vmem>> -> memref<128xi32, #tpu.memory_space<vmem>>
    %dma_wait3A_98 = arith.constant 0 : i32
    %dma_wait3A_99 = arith.constant 0 : i32
    %dma_wait3A_100 = tpu.memref_slice %arg4[%dma_wait3A_98, %dma_wait3A_99] : memref<22528x64xf32, #tpu.memory_space<hbm>> -> memref<22528x64xf32, #tpu.memory_space<hbm>>
    tpu.wait_indirect_dma semaphore(%arg7 : memref<!tpu.dma_semaphore, #tpu.memory_space<semaphore_mem>>) src(%dma_wait3A_94 : memref<128x64xf32, #tpu.memory_space<vmem>>) dst(%dma_wait3A_100 : memref<22528x64xf32, #tpu.memory_space<hbm>>)
    return
  }
}

#map = affine_map<(d0, d1) -> (0, 0)>
#map1 = affine_map<(d0, d1) -> (0, 0, 0)>
module attributes {stable_mosaic.version = 14 : i64} {
  func.func @combine(%arg0: i32, %arg1: i32, %arg2: memref<22528x64xf32, #tpu.memory_space<hbm>>, %arg3: memref<32x5x128xi32, #tpu.memory_space<hbm>>, %arg4: memref<20480x64xf32, #tpu.memory_space<hbm>>, %arg5: memref<5x128xi32, #tpu.memory_space<vmem>>, %arg6: memref<640x64xf32, #tpu.memory_space<vmem>>, %arg7: memref<!tpu.dma_semaphore, #tpu.memory_space<semaphore_mem>>) attributes {dimension_semantics = [#tpu.dimension_semantics<core_parallel>, #tpu.dimension_semantics<subcore_parallel>], iteration_bounds = array<i64: 2, 16>, scalar_prefetch = 0 : i64, scratch_operands = 3 : i64, tpu.core_type = #tpu.core_type<sc_vector_subcore>, window_params = [{transform_indices = #map}, {transform_indices = #map1}, {transform_indices = #map}]} {
    %mul3A = arith.constant 2 : i32
    %mul3A_0 = arith.muli %arg1, %mul3A : i32
    %add3A = arith.addi %mul3A_0, %arg0 : i32
    "tpu.region"() ({
      %run_scoped3A = tpu.sem_alloc : memref<!tpu.dma_semaphore, #tpu.memory_space<semaphore_mem>>
      %dma_start3A_101 = arith.constant 0 : i32
      %dma_start3A_102 = arith.constant 0 : i32
      %dma_start3A_103 = tpu.memref_slice %arg3[%add3A, %dma_start3A_101, %dma_start3A_102] : memref<32x5x128xi32, #tpu.memory_space<hbm>> -> memref<1x5x128xi32, #tpu.memory_space<hbm>>
      %dma_start3A_104 = tpu.memref_squeeze %dma_start3A_103 : memref<1x5x128xi32, #tpu.memory_space<hbm>> -> memref<5x128xi32, #tpu.memory_space<hbm>>
      %dma_start3A_105 = arith.constant 0 : i32
      %dma_start3A_106 = arith.constant 0 : i32
      %dma_start3A_107 = tpu.memref_slice %arg3[%add3A, %dma_start3A_105, %dma_start3A_106] : memref<32x5x128xi32, #tpu.memory_space<hbm>> -> memref<1x5x128xi32, #tpu.memory_space<hbm>>
      %dma_start3A_108 = tpu.memref_squeeze %dma_start3A_107 : memref<1x5x128xi32, #tpu.memory_space<hbm>> -> memref<5x128xi32, #tpu.memory_space<hbm>>
      tpu.enqueue_dma source(%dma_start3A_108 : memref<5x128xi32, #tpu.memory_space<hbm>>) target(%arg5 : memref<5x128xi32, #tpu.memory_space<vmem>>) target_semaphore(%run_scoped3A : memref<!tpu.dma_semaphore, #tpu.memory_space<semaphore_mem>>)
      %dma_wait3A_109 = arith.constant 0 : i32
      %dma_wait3A_110 = arith.constant 0 : i32
      %dma_wait3A_111 = tpu.memref_slice %arg3[%add3A, %dma_wait3A_109, %dma_wait3A_110] : memref<32x5x128xi32, #tpu.memory_space<hbm>> -> memref<1x5x128xi32, #tpu.memory_space<hbm>>
      %dma_wait3A_112 = tpu.memref_squeeze %dma_wait3A_111 : memref<1x5x128xi32, #tpu.memory_space<hbm>> -> memref<5x128xi32, #tpu.memory_space<hbm>>
      %dma_wait3A_113 = arith.constant 0 : i32
      %dma_wait3A_114 = arith.constant 0 : i32
      %dma_wait3A_115 = tpu.memref_slice %arg3[%add3A, %dma_wait3A_113, %dma_wait3A_114] : memref<32x5x128xi32, #tpu.memory_space<hbm>> -> memref<1x5x128xi32, #tpu.memory_space<hbm>>
      %dma_wait3A_116 = tpu.memref_squeeze %dma_wait3A_115 : memref<1x5x128xi32, #tpu.memory_space<hbm>> -> memref<5x128xi32, #tpu.memory_space<hbm>>
      tpu.wait_dma2 semaphore(%run_scoped3A : memref<!tpu.dma_semaphore, #tpu.memory_space<semaphore_mem>>) src(%dma_wait3A_116 : memref<5x128xi32, #tpu.memory_space<hbm>>) dst(%arg5 : memref<5x128xi32, #tpu.memory_space<vmem>>)
      tpu.yield
    }) : () -> ()
    %dma_start3A = arith.constant 0 : i32
    %dma_start3A_1 = arith.constant 0 : i32
    %dma_start3A_2 = arith.constant 0 : i32
    %dma_start3A_3 = tpu.memref_slice %arg6[%dma_start3A_1, %dma_start3A_2] : memref<640x64xf32, #tpu.memory_space<vmem>> -> memref<128x64xf32, #tpu.memory_space<vmem>>
    %dma_start3A_4 = arith.constant 0 : i32
    %dma_start3A_5 = tpu.memref_slice %arg5[%dma_start3A, %dma_start3A_4] : memref<5x128xi32, #tpu.memory_space<vmem>> -> memref<1x128xi32, #tpu.memory_space<vmem>>
    %dma_start3A_6 = tpu.memref_squeeze %dma_start3A_5 : memref<1x128xi32, #tpu.memory_space<vmem>> -> memref<128xi32, #tpu.memory_space<vmem>>
    %dma_start3A_7 = arith.constant 0 : i32
    %dma_start3A_8 = arith.constant 0 : i32
    %dma_start3A_9 = tpu.memref_slice %arg2[%dma_start3A_7, %dma_start3A_8] : memref<22528x64xf32, #tpu.memory_space<hbm>> -> memref<22528x64xf32, #tpu.memory_space<hbm>>
    tpu.enqueue_indirect_dma source(%dma_start3A_9 : memref<22528x64xf32, #tpu.memory_space<hbm>>) target(%dma_start3A_3 : memref<128x64xf32, #tpu.memory_space<vmem>>) offsets(%dma_start3A_6 : memref<128xi32, #tpu.memory_space<vmem>>) semaphore(%arg7 : memref<!tpu.dma_semaphore, #tpu.memory_space<semaphore_mem>>)
    %dma_start3A_10 = arith.constant 1 : i32
    %dma_start3A_11 = arith.constant 128 : i32
    %dma_start3A_12 = arith.constant 0 : i32
    %dma_start3A_13 = tpu.memref_slice %arg6[%dma_start3A_11, %dma_start3A_12] : memref<640x64xf32, #tpu.memory_space<vmem>> -> memref<128x64xf32, #tpu.memory_space<vmem>>
    %dma_start3A_14 = arith.constant 0 : i32
    %dma_start3A_15 = tpu.memref_slice %arg5[%dma_start3A_10, %dma_start3A_14] : memref<5x128xi32, #tpu.memory_space<vmem>> -> memref<1x128xi32, #tpu.memory_space<vmem>>
    %dma_start3A_16 = tpu.memref_squeeze %dma_start3A_15 : memref<1x128xi32, #tpu.memory_space<vmem>> -> memref<128xi32, #tpu.memory_space<vmem>>
    %dma_start3A_17 = arith.constant 0 : i32
    %dma_start3A_18 = arith.constant 0 : i32
    %dma_start3A_19 = tpu.memref_slice %arg2[%dma_start3A_17, %dma_start3A_18] : memref<22528x64xf32, #tpu.memory_space<hbm>> -> memref<22528x64xf32, #tpu.memory_space<hbm>>
    tpu.enqueue_indirect_dma source(%dma_start3A_19 : memref<22528x64xf32, #tpu.memory_space<hbm>>) target(%dma_start3A_13 : memref<128x64xf32, #tpu.memory_space<vmem>>) offsets(%dma_start3A_16 : memref<128xi32, #tpu.memory_space<vmem>>) semaphore(%arg7 : memref<!tpu.dma_semaphore, #tpu.memory_space<semaphore_mem>>)
    %dma_start3A_20 = arith.constant 2 : i32
    %dma_start3A_21 = arith.constant 256 : i32
    %dma_start3A_22 = arith.constant 0 : i32
    %dma_start3A_23 = tpu.memref_slice %arg6[%dma_start3A_21, %dma_start3A_22] : memref<640x64xf32, #tpu.memory_space<vmem>> -> memref<128x64xf32, #tpu.memory_space<vmem>>
    %dma_start3A_24 = arith.constant 0 : i32
    %dma_start3A_25 = tpu.memref_slice %arg5[%dma_start3A_20, %dma_start3A_24] : memref<5x128xi32, #tpu.memory_space<vmem>> -> memref<1x128xi32, #tpu.memory_space<vmem>>
    %dma_start3A_26 = tpu.memref_squeeze %dma_start3A_25 : memref<1x128xi32, #tpu.memory_space<vmem>> -> memref<128xi32, #tpu.memory_space<vmem>>
    %dma_start3A_27 = arith.constant 0 : i32
    %dma_start3A_28 = arith.constant 0 : i32
    %dma_start3A_29 = tpu.memref_slice %arg2[%dma_start3A_27, %dma_start3A_28] : memref<22528x64xf32, #tpu.memory_space<hbm>> -> memref<22528x64xf32, #tpu.memory_space<hbm>>
    tpu.enqueue_indirect_dma source(%dma_start3A_29 : memref<22528x64xf32, #tpu.memory_space<hbm>>) target(%dma_start3A_23 : memref<128x64xf32, #tpu.memory_space<vmem>>) offsets(%dma_start3A_26 : memref<128xi32, #tpu.memory_space<vmem>>) semaphore(%arg7 : memref<!tpu.dma_semaphore, #tpu.memory_space<semaphore_mem>>)
    %dma_start3A_30 = arith.constant 3 : i32
    %dma_start3A_31 = arith.constant 384 : i32
    %dma_start3A_32 = arith.constant 0 : i32
    %dma_start3A_33 = tpu.memref_slice %arg6[%dma_start3A_31, %dma_start3A_32] : memref<640x64xf32, #tpu.memory_space<vmem>> -> memref<128x64xf32, #tpu.memory_space<vmem>>
    %dma_start3A_34 = arith.constant 0 : i32
    %dma_start3A_35 = tpu.memref_slice %arg5[%dma_start3A_30, %dma_start3A_34] : memref<5x128xi32, #tpu.memory_space<vmem>> -> memref<1x128xi32, #tpu.memory_space<vmem>>
    %dma_start3A_36 = tpu.memref_squeeze %dma_start3A_35 : memref<1x128xi32, #tpu.memory_space<vmem>> -> memref<128xi32, #tpu.memory_space<vmem>>
    %dma_start3A_37 = arith.constant 0 : i32
    %dma_start3A_38 = arith.constant 0 : i32
    %dma_start3A_39 = tpu.memref_slice %arg2[%dma_start3A_37, %dma_start3A_38] : memref<22528x64xf32, #tpu.memory_space<hbm>> -> memref<22528x64xf32, #tpu.memory_space<hbm>>
    tpu.enqueue_indirect_dma source(%dma_start3A_39 : memref<22528x64xf32, #tpu.memory_space<hbm>>) target(%dma_start3A_33 : memref<128x64xf32, #tpu.memory_space<vmem>>) offsets(%dma_start3A_36 : memref<128xi32, #tpu.memory_space<vmem>>) semaphore(%arg7 : memref<!tpu.dma_semaphore, #tpu.memory_space<semaphore_mem>>)
    %dma_start3A_40 = arith.constant 4 : i32
    %dma_start3A_41 = arith.constant 512 : i32
    %dma_start3A_42 = arith.constant 0 : i32
    %dma_start3A_43 = tpu.memref_slice %arg6[%dma_start3A_41, %dma_start3A_42] : memref<640x64xf32, #tpu.memory_space<vmem>> -> memref<128x64xf32, #tpu.memory_space<vmem>>
    %dma_start3A_44 = arith.constant 0 : i32
    %dma_start3A_45 = tpu.memref_slice %arg5[%dma_start3A_40, %dma_start3A_44] : memref<5x128xi32, #tpu.memory_space<vmem>> -> memref<1x128xi32, #tpu.memory_space<vmem>>
    %dma_start3A_46 = tpu.memref_squeeze %dma_start3A_45 : memref<1x128xi32, #tpu.memory_space<vmem>> -> memref<128xi32, #tpu.memory_space<vmem>>
    %dma_start3A_47 = arith.constant 0 : i32
    %dma_start3A_48 = arith.constant 0 : i32
    %dma_start3A_49 = tpu.memref_slice %arg2[%dma_start3A_47, %dma_start3A_48] : memref<22528x64xf32, #tpu.memory_space<hbm>> -> memref<22528x64xf32, #tpu.memory_space<hbm>>
    tpu.enqueue_indirect_dma source(%dma_start3A_49 : memref<22528x64xf32, #tpu.memory_space<hbm>>) target(%dma_start3A_43 : memref<128x64xf32, #tpu.memory_space<vmem>>) offsets(%dma_start3A_46 : memref<128xi32, #tpu.memory_space<vmem>>) semaphore(%arg7 : memref<!tpu.dma_semaphore, #tpu.memory_space<semaphore_mem>>)
    %dma_wait3A = arith.constant 0 : i32
    %dma_wait3A_50 = arith.constant 0 : i32
    %dma_wait3A_51 = arith.constant 0 : i32
    %dma_wait3A_52 = tpu.memref_slice %arg6[%dma_wait3A_50, %dma_wait3A_51] : memref<640x64xf32, #tpu.memory_space<vmem>> -> memref<128x64xf32, #tpu.memory_space<vmem>>
    %dma_wait3A_53 = arith.constant 0 : i32
    %dma_wait3A_54 = tpu.memref_slice %arg5[%dma_wait3A, %dma_wait3A_53] : memref<5x128xi32, #tpu.memory_space<vmem>> -> memref<1x128xi32, #tpu.memory_space<vmem>>
    %dma_wait3A_55 = tpu.memref_squeeze %dma_wait3A_54 : memref<1x128xi32, #tpu.memory_space<vmem>> -> memref<128xi32, #tpu.memory_space<vmem>>
    %dma_wait3A_56 = arith.constant 0 : i32
    %dma_wait3A_57 = arith.constant 0 : i32
    %dma_wait3A_58 = tpu.memref_slice %arg2[%dma_wait3A_56, %dma_wait3A_57] : memref<22528x64xf32, #tpu.memory_space<hbm>> -> memref<22528x64xf32, #tpu.memory_space<hbm>>
    tpu.wait_indirect_dma semaphore(%arg7 : memref<!tpu.dma_semaphore, #tpu.memory_space<semaphore_mem>>) src(%dma_wait3A_58 : memref<22528x64xf32, #tpu.memory_space<hbm>>) dst(%dma_wait3A_52 : memref<128x64xf32, #tpu.memory_space<vmem>>)
    %dma_wait3A_59 = arith.constant 1 : i32
    %dma_wait3A_60 = arith.constant 128 : i32
    %dma_wait3A_61 = arith.constant 0 : i32
    %dma_wait3A_62 = tpu.memref_slice %arg6[%dma_wait3A_60, %dma_wait3A_61] : memref<640x64xf32, #tpu.memory_space<vmem>> -> memref<128x64xf32, #tpu.memory_space<vmem>>
    %dma_wait3A_63 = arith.constant 0 : i32
    %dma_wait3A_64 = tpu.memref_slice %arg5[%dma_wait3A_59, %dma_wait3A_63] : memref<5x128xi32, #tpu.memory_space<vmem>> -> memref<1x128xi32, #tpu.memory_space<vmem>>
    %dma_wait3A_65 = tpu.memref_squeeze %dma_wait3A_64 : memref<1x128xi32, #tpu.memory_space<vmem>> -> memref<128xi32, #tpu.memory_space<vmem>>
    %dma_wait3A_66 = arith.constant 0 : i32
    %dma_wait3A_67 = arith.constant 0 : i32
    %dma_wait3A_68 = tpu.memref_slice %arg2[%dma_wait3A_66, %dma_wait3A_67] : memref<22528x64xf32, #tpu.memory_space<hbm>> -> memref<22528x64xf32, #tpu.memory_space<hbm>>
    tpu.wait_indirect_dma semaphore(%arg7 : memref<!tpu.dma_semaphore, #tpu.memory_space<semaphore_mem>>) src(%dma_wait3A_68 : memref<22528x64xf32, #tpu.memory_space<hbm>>) dst(%dma_wait3A_62 : memref<128x64xf32, #tpu.memory_space<vmem>>)
    %dma_wait3A_69 = arith.constant 2 : i32
    %dma_wait3A_70 = arith.constant 256 : i32
    %dma_wait3A_71 = arith.constant 0 : i32
    %dma_wait3A_72 = tpu.memref_slice %arg6[%dma_wait3A_70, %dma_wait3A_71] : memref<640x64xf32, #tpu.memory_space<vmem>> -> memref<128x64xf32, #tpu.memory_space<vmem>>
    %dma_wait3A_73 = arith.constant 0 : i32
    %dma_wait3A_74 = tpu.memref_slice %arg5[%dma_wait3A_69, %dma_wait3A_73] : memref<5x128xi32, #tpu.memory_space<vmem>> -> memref<1x128xi32, #tpu.memory_space<vmem>>
    %dma_wait3A_75 = tpu.memref_squeeze %dma_wait3A_74 : memref<1x128xi32, #tpu.memory_space<vmem>> -> memref<128xi32, #tpu.memory_space<vmem>>
    %dma_wait3A_76 = arith.constant 0 : i32
    %dma_wait3A_77 = arith.constant 0 : i32
    %dma_wait3A_78 = tpu.memref_slice %arg2[%dma_wait3A_76, %dma_wait3A_77] : memref<22528x64xf32, #tpu.memory_space<hbm>> -> memref<22528x64xf32, #tpu.memory_space<hbm>>
    tpu.wait_indirect_dma semaphore(%arg7 : memref<!tpu.dma_semaphore, #tpu.memory_space<semaphore_mem>>) src(%dma_wait3A_78 : memref<22528x64xf32, #tpu.memory_space<hbm>>) dst(%dma_wait3A_72 : memref<128x64xf32, #tpu.memory_space<vmem>>)
    %dma_wait3A_79 = arith.constant 3 : i32
    %dma_wait3A_80 = arith.constant 384 : i32
    %dma_wait3A_81 = arith.constant 0 : i32
    %dma_wait3A_82 = tpu.memref_slice %arg6[%dma_wait3A_80, %dma_wait3A_81] : memref<640x64xf32, #tpu.memory_space<vmem>> -> memref<128x64xf32, #tpu.memory_space<vmem>>
    %dma_wait3A_83 = arith.constant 0 : i32
    %dma_wait3A_84 = tpu.memref_slice %arg5[%dma_wait3A_79, %dma_wait3A_83] : memref<5x128xi32, #tpu.memory_space<vmem>> -> memref<1x128xi32, #tpu.memory_space<vmem>>
    %dma_wait3A_85 = tpu.memref_squeeze %dma_wait3A_84 : memref<1x128xi32, #tpu.memory_space<vmem>> -> memref<128xi32, #tpu.memory_space<vmem>>
    %dma_wait3A_86 = arith.constant 0 : i32
    %dma_wait3A_87 = arith.constant 0 : i32
    %dma_wait3A_88 = tpu.memref_slice %arg2[%dma_wait3A_86, %dma_wait3A_87] : memref<22528x64xf32, #tpu.memory_space<hbm>> -> memref<22528x64xf32, #tpu.memory_space<hbm>>
    tpu.wait_indirect_dma semaphore(%arg7 : memref<!tpu.dma_semaphore, #tpu.memory_space<semaphore_mem>>) src(%dma_wait3A_88 : memref<22528x64xf32, #tpu.memory_space<hbm>>) dst(%dma_wait3A_82 : memref<128x64xf32, #tpu.memory_space<vmem>>)
    %dma_wait3A_89 = arith.constant 4 : i32
    %dma_wait3A_90 = arith.constant 512 : i32
    %dma_wait3A_91 = arith.constant 0 : i32
    %dma_wait3A_92 = tpu.memref_slice %arg6[%dma_wait3A_90, %dma_wait3A_91] : memref<640x64xf32, #tpu.memory_space<vmem>> -> memref<128x64xf32, #tpu.memory_space<vmem>>
    %dma_wait3A_93 = arith.constant 0 : i32
    %dma_wait3A_94 = tpu.memref_slice %arg5[%dma_wait3A_89, %dma_wait3A_93] : memref<5x128xi32, #tpu.memory_space<vmem>> -> memref<1x128xi32, #tpu.memory_space<vmem>>
    %dma_wait3A_95 = tpu.memref_squeeze %dma_wait3A_94 : memref<1x128xi32, #tpu.memory_space<vmem>> -> memref<128xi32, #tpu.memory_space<vmem>>
    %dma_wait3A_96 = arith.constant 0 : i32
    %dma_wait3A_97 = arith.constant 0 : i32
    %dma_wait3A_98 = tpu.memref_slice %arg2[%dma_wait3A_96, %dma_wait3A_97] : memref<22528x64xf32, #tpu.memory_space<hbm>> -> memref<22528x64xf32, #tpu.memory_space<hbm>>
    tpu.wait_indirect_dma semaphore(%arg7 : memref<!tpu.dma_semaphore, #tpu.memory_space<semaphore_mem>>) src(%dma_wait3A_98 : memref<22528x64xf32, #tpu.memory_space<hbm>>) dst(%dma_wait3A_92 : memref<128x64xf32, #tpu.memory_space<vmem>>)
    %mul3A_99 = arith.constant 640 : i32
    %mul3A_100 = arith.muli %add3A, %mul3A_99 : i32
    "tpu.region"() ({
      %run_scoped3A = tpu.sem_alloc : memref<!tpu.dma_semaphore, #tpu.memory_space<semaphore_mem>>
      %dma_start3A_101 = arith.constant 0 : i32
      %dma_start3A_102 = tpu.memref_slice %arg4[%mul3A_100, %dma_start3A_101] : memref<20480x64xf32, #tpu.memory_space<hbm>> -> memref<640x64xf32, #tpu.memory_space<hbm>>
      %dma_start3A_103 = arith.constant 0 : i32
      %dma_start3A_104 = tpu.memref_slice %arg4[%mul3A_100, %dma_start3A_103] : memref<20480x64xf32, #tpu.memory_space<hbm>> -> memref<640x64xf32, #tpu.memory_space<hbm>>
      tpu.enqueue_dma source(%arg6 : memref<640x64xf32, #tpu.memory_space<vmem>>) target(%dma_start3A_104 : memref<640x64xf32, #tpu.memory_space<hbm>>) target_semaphore(%run_scoped3A : memref<!tpu.dma_semaphore, #tpu.memory_space<semaphore_mem>>)
      %dma_wait3A_105 = arith.constant 0 : i32
      %dma_wait3A_106 = tpu.memref_slice %arg4[%mul3A_100, %dma_wait3A_105] : memref<20480x64xf32, #tpu.memory_space<hbm>> -> memref<640x64xf32, #tpu.memory_space<hbm>>
      %dma_wait3A_107 = arith.constant 0 : i32
      %dma_wait3A_108 = tpu.memref_slice %arg4[%mul3A_100, %dma_wait3A_107] : memref<20480x64xf32, #tpu.memory_space<hbm>> -> memref<640x64xf32, #tpu.memory_space<hbm>>
      tpu.wait_dma2 semaphore(%run_scoped3A : memref<!tpu.dma_semaphore, #tpu.memory_space<semaphore_mem>>) src(%arg6 : memref<640x64xf32, #tpu.memory_space<vmem>>) dst(%dma_wait3A_108 : memref<640x64xf32, #tpu.memory_space<hbm>>)
      tpu.yield
    }) : () -> ()
    return
  }
}

#map = affine_map<(d0, d1) -> (0, 0)>
#map1 = affine_map<(d0, d1) -> (0, 0, 0)>
module attributes {stable_mosaic.version = 14 : i64} {
  func.func @combine(%arg0: i32, %arg1: i32, %arg2: memref<22528x64xf32, #tpu.memory_space<hbm>>, %arg3: memref<32x5x128xi32, #tpu.memory_space<hbm>>, %arg4: memref<20480x64xf32, #tpu.memory_space<hbm>>, %arg5: memref<5x128xi32, #tpu.memory_space<vmem>>, %arg6: memref<640x64xf32, #tpu.memory_space<vmem>>, %arg7: memref<!tpu.dma_semaphore, #tpu.memory_space<semaphore_mem>>) attributes {dimension_semantics = [#tpu.dimension_semantics<core_parallel>, #tpu.dimension_semantics<subcore_parallel>], iteration_bounds = array<i64: 2, 16>, scalar_prefetch = 0 : i64, scratch_operands = 3 : i64, tpu.core_type = #tpu.core_type<sc_vector_subcore>, window_params = [{transform_indices = #map}, {transform_indices = #map1}, {transform_indices = #map}]} {
    %mul3A = arith.constant 2 : i32
    %mul3A_0 = arith.muli %arg1, %mul3A : i32
    %add3A = arith.addi %mul3A_0, %arg0 : i32
    "tpu.region"() ({
      %run_scoped3A = tpu.sem_alloc : memref<!tpu.dma_semaphore, #tpu.memory_space<semaphore_mem>>
      %dma_start3A_101 = arith.constant 0 : i32
      %dma_start3A_102 = arith.constant 0 : i32
      %dma_start3A_103 = tpu.memref_slice %arg3[%add3A, %dma_start3A_101, %dma_start3A_102] : memref<32x5x128xi32, #tpu.memory_space<hbm>> -> memref<1x5x128xi32, #tpu.memory_space<hbm>>
      %dma_start3A_104 = tpu.memref_squeeze %dma_start3A_103 : memref<1x5x128xi32, #tpu.memory_space<hbm>> -> memref<5x128xi32, #tpu.memory_space<hbm>>
      %dma_start3A_105 = arith.constant 0 : i32
      %dma_start3A_106 = arith.constant 0 : i32
      %dma_start3A_107 = tpu.memref_slice %arg3[%add3A, %dma_start3A_105, %dma_start3A_106] : memref<32x5x128xi32, #tpu.memory_space<hbm>> -> memref<1x5x128xi32, #tpu.memory_space<hbm>>
      %dma_start3A_108 = tpu.memref_squeeze %dma_start3A_107 : memref<1x5x128xi32, #tpu.memory_space<hbm>> -> memref<5x128xi32, #tpu.memory_space<hbm>>
      tpu.enqueue_dma source(%dma_start3A_108 : memref<5x128xi32, #tpu.memory_space<hbm>>) target(%arg5 : memref<5x128xi32, #tpu.memory_space<vmem>>) target_semaphore(%run_scoped3A : memref<!tpu.dma_semaphore, #tpu.memory_space<semaphore_mem>>)
      %dma_wait3A_109 = arith.constant 0 : i32
      %dma_wait3A_110 = arith.constant 0 : i32
      %dma_wait3A_111 = tpu.memref_slice %arg3[%add3A, %dma_wait3A_109, %dma_wait3A_110] : memref<32x5x128xi32, #tpu.memory_space<hbm>> -> memref<1x5x128xi32, #tpu.memory_space<hbm>>
      %dma_wait3A_112 = tpu.memref_squeeze %dma_wait3A_111 : memref<1x5x128xi32, #tpu.memory_space<hbm>> -> memref<5x128xi32, #tpu.memory_space<hbm>>
      %dma_wait3A_113 = arith.constant 0 : i32
      %dma_wait3A_114 = arith.constant 0 : i32
      %dma_wait3A_115 = tpu.memref_slice %arg3[%add3A, %dma_wait3A_113, %dma_wait3A_114] : memref<32x5x128xi32, #tpu.memory_space<hbm>> -> memref<1x5x128xi32, #tpu.memory_space<hbm>>
      %dma_wait3A_116 = tpu.memref_squeeze %dma_wait3A_115 : memref<1x5x128xi32, #tpu.memory_space<hbm>> -> memref<5x128xi32, #tpu.memory_space<hbm>>
      tpu.wait_dma2 semaphore(%run_scoped3A : memref<!tpu.dma_semaphore, #tpu.memory_space<semaphore_mem>>) src(%dma_wait3A_116 : memref<5x128xi32, #tpu.memory_space<hbm>>) dst(%arg5 : memref<5x128xi32, #tpu.memory_space<vmem>>)
      tpu.yield
    }) : () -> ()
    %dma_start3A = arith.constant 0 : i32
    %dma_start3A_1 = arith.constant 0 : i32
    %dma_start3A_2 = arith.constant 0 : i32
    %dma_start3A_3 = tpu.memref_slice %arg6[%dma_start3A_1, %dma_start3A_2] : memref<640x64xf32, #tpu.memory_space<vmem>> -> memref<128x64xf32, #tpu.memory_space<vmem>>
    %dma_start3A_4 = arith.constant 0 : i32
    %dma_start3A_5 = tpu.memref_slice %arg5[%dma_start3A, %dma_start3A_4] : memref<5x128xi32, #tpu.memory_space<vmem>> -> memref<1x128xi32, #tpu.memory_space<vmem>>
    %dma_start3A_6 = tpu.memref_squeeze %dma_start3A_5 : memref<1x128xi32, #tpu.memory_space<vmem>> -> memref<128xi32, #tpu.memory_space<vmem>>
    %dma_start3A_7 = arith.constant 0 : i32
    %dma_start3A_8 = arith.constant 0 : i32
    %dma_start3A_9 = tpu.memref_slice %arg2[%dma_start3A_7, %dma_start3A_8] : memref<22528x64xf32, #tpu.memory_space<hbm>> -> memref<22528x64xf32, #tpu.memory_space<hbm>>
    tpu.enqueue_indirect_dma source(%dma_start3A_9 : memref<22528x64xf32, #tpu.memory_space<hbm>>) target(%dma_start3A_3 : memref<128x64xf32, #tpu.memory_space<vmem>>) offsets(%dma_start3A_6 : memref<128xi32, #tpu.memory_space<vmem>>) semaphore(%arg7 : memref<!tpu.dma_semaphore, #tpu.memory_space<semaphore_mem>>)
    %dma_start3A_10 = arith.constant 1 : i32
    %dma_start3A_11 = arith.constant 128 : i32
    %dma_start3A_12 = arith.constant 0 : i32
    %dma_start3A_13 = tpu.memref_slice %arg6[%dma_start3A_11, %dma_start3A_12] : memref<640x64xf32, #tpu.memory_space<vmem>> -> memref<128x64xf32, #tpu.memory_space<vmem>>
    %dma_start3A_14 = arith.constant 0 : i32
    %dma_start3A_15 = tpu.memref_slice %arg5[%dma_start3A_10, %dma_start3A_14] : memref<5x128xi32, #tpu.memory_space<vmem>> -> memref<1x128xi32, #tpu.memory_space<vmem>>
    %dma_start3A_16 = tpu.memref_squeeze %dma_start3A_15 : memref<1x128xi32, #tpu.memory_space<vmem>> -> memref<128xi32, #tpu.memory_space<vmem>>
    %dma_start3A_17 = arith.constant 0 : i32
    %dma_start3A_18 = arith.constant 0 : i32
    %dma_start3A_19 = tpu.memref_slice %arg2[%dma_start3A_17, %dma_start3A_18] : memref<22528x64xf32, #tpu.memory_space<hbm>> -> memref<22528x64xf32, #tpu.memory_space<hbm>>
    tpu.enqueue_indirect_dma source(%dma_start3A_19 : memref<22528x64xf32, #tpu.memory_space<hbm>>) target(%dma_start3A_13 : memref<128x64xf32, #tpu.memory_space<vmem>>) offsets(%dma_start3A_16 : memref<128xi32, #tpu.memory_space<vmem>>) semaphore(%arg7 : memref<!tpu.dma_semaphore, #tpu.memory_space<semaphore_mem>>)
    %dma_start3A_20 = arith.constant 2 : i32
    %dma_start3A_21 = arith.constant 256 : i32
    %dma_start3A_22 = arith.constant 0 : i32
    %dma_start3A_23 = tpu.memref_slice %arg6[%dma_start3A_21, %dma_start3A_22] : memref<640x64xf32, #tpu.memory_space<vmem>> -> memref<128x64xf32, #tpu.memory_space<vmem>>
    %dma_start3A_24 = arith.constant 0 : i32
    %dma_start3A_25 = tpu.memref_slice %arg5[%dma_start3A_20, %dma_start3A_24] : memref<5x128xi32, #tpu.memory_space<vmem>> -> memref<1x128xi32, #tpu.memory_space<vmem>>
    %dma_start3A_26 = tpu.memref_squeeze %dma_start3A_25 : memref<1x128xi32, #tpu.memory_space<vmem>> -> memref<128xi32, #tpu.memory_space<vmem>>
    %dma_start3A_27 = arith.constant 0 : i32
    %dma_start3A_28 = arith.constant 0 : i32
    %dma_start3A_29 = tpu.memref_slice %arg2[%dma_start3A_27, %dma_start3A_28] : memref<22528x64xf32, #tpu.memory_space<hbm>> -> memref<22528x64xf32, #tpu.memory_space<hbm>>
    tpu.enqueue_indirect_dma source(%dma_start3A_29 : memref<22528x64xf32, #tpu.memory_space<hbm>>) target(%dma_start3A_23 : memref<128x64xf32, #tpu.memory_space<vmem>>) offsets(%dma_start3A_26 : memref<128xi32, #tpu.memory_space<vmem>>) semaphore(%arg7 : memref<!tpu.dma_semaphore, #tpu.memory_space<semaphore_mem>>)
    %dma_start3A_30 = arith.constant 3 : i32
    %dma_start3A_31 = arith.constant 384 : i32
    %dma_start3A_32 = arith.constant 0 : i32
    %dma_start3A_33 = tpu.memref_slice %arg6[%dma_start3A_31, %dma_start3A_32] : memref<640x64xf32, #tpu.memory_space<vmem>> -> memref<128x64xf32, #tpu.memory_space<vmem>>
    %dma_start3A_34 = arith.constant 0 : i32
    %dma_start3A_35 = tpu.memref_slice %arg5[%dma_start3A_30, %dma_start3A_34] : memref<5x128xi32, #tpu.memory_space<vmem>> -> memref<1x128xi32, #tpu.memory_space<vmem>>
    %dma_start3A_36 = tpu.memref_squeeze %dma_start3A_35 : memref<1x128xi32, #tpu.memory_space<vmem>> -> memref<128xi32, #tpu.memory_space<vmem>>
    %dma_start3A_37 = arith.constant 0 : i32
    %dma_start3A_38 = arith.constant 0 : i32
    %dma_start3A_39 = tpu.memref_slice %arg2[%dma_start3A_37, %dma_start3A_38] : memref<22528x64xf32, #tpu.memory_space<hbm>> -> memref<22528x64xf32, #tpu.memory_space<hbm>>
    tpu.enqueue_indirect_dma source(%dma_start3A_39 : memref<22528x64xf32, #tpu.memory_space<hbm>>) target(%dma_start3A_33 : memref<128x64xf32, #tpu.memory_space<vmem>>) offsets(%dma_start3A_36 : memref<128xi32, #tpu.memory_space<vmem>>) semaphore(%arg7 : memref<!tpu.dma_semaphore, #tpu.memory_space<semaphore_mem>>)
    %dma_start3A_40 = arith.constant 4 : i32
    %dma_start3A_41 = arith.constant 512 : i32
    %dma_start3A_42 = arith.constant 0 : i32
    %dma_start3A_43 = tpu.memref_slice %arg6[%dma_start3A_41, %dma_start3A_42] : memref<640x64xf32, #tpu.memory_space<vmem>> -> memref<128x64xf32, #tpu.memory_space<vmem>>
    %dma_start3A_44 = arith.constant 0 : i32
    %dma_start3A_45 = tpu.memref_slice %arg5[%dma_start3A_40, %dma_start3A_44] : memref<5x128xi32, #tpu.memory_space<vmem>> -> memref<1x128xi32, #tpu.memory_space<vmem>>
    %dma_start3A_46 = tpu.memref_squeeze %dma_start3A_45 : memref<1x128xi32, #tpu.memory_space<vmem>> -> memref<128xi32, #tpu.memory_space<vmem>>
    %dma_start3A_47 = arith.constant 0 : i32
    %dma_start3A_48 = arith.constant 0 : i32
    %dma_start3A_49 = tpu.memref_slice %arg2[%dma_start3A_47, %dma_start3A_48] : memref<22528x64xf32, #tpu.memory_space<hbm>> -> memref<22528x64xf32, #tpu.memory_space<hbm>>
    tpu.enqueue_indirect_dma source(%dma_start3A_49 : memref<22528x64xf32, #tpu.memory_space<hbm>>) target(%dma_start3A_43 : memref<128x64xf32, #tpu.memory_space<vmem>>) offsets(%dma_start3A_46 : memref<128xi32, #tpu.memory_space<vmem>>) semaphore(%arg7 : memref<!tpu.dma_semaphore, #tpu.memory_space<semaphore_mem>>)
    %dma_wait3A = arith.constant 0 : i32
    %dma_wait3A_50 = arith.constant 0 : i32
    %dma_wait3A_51 = arith.constant 0 : i32
    %dma_wait3A_52 = tpu.memref_slice %arg6[%dma_wait3A_50, %dma_wait3A_51] : memref<640x64xf32, #tpu.memory_space<vmem>> -> memref<128x64xf32, #tpu.memory_space<vmem>>
    %dma_wait3A_53 = arith.constant 0 : i32
    %dma_wait3A_54 = tpu.memref_slice %arg5[%dma_wait3A, %dma_wait3A_53] : memref<5x128xi32, #tpu.memory_space<vmem>> -> memref<1x128xi32, #tpu.memory_space<vmem>>
    %dma_wait3A_55 = tpu.memref_squeeze %dma_wait3A_54 : memref<1x128xi32, #tpu.memory_space<vmem>> -> memref<128xi32, #tpu.memory_space<vmem>>
    %dma_wait3A_56 = arith.constant 0 : i32
    %dma_wait3A_57 = arith.constant 0 : i32
    %dma_wait3A_58 = tpu.memref_slice %arg2[%dma_wait3A_56, %dma_wait3A_57] : memref<22528x64xf32, #tpu.memory_space<hbm>> -> memref<22528x64xf32, #tpu.memory_space<hbm>>
    tpu.wait_indirect_dma semaphore(%arg7 : memref<!tpu.dma_semaphore, #tpu.memory_space<semaphore_mem>>) src(%dma_wait3A_58 : memref<22528x64xf32, #tpu.memory_space<hbm>>) dst(%dma_wait3A_52 : memref<128x64xf32, #tpu.memory_space<vmem>>)
    %dma_wait3A_59 = arith.constant 1 : i32
    %dma_wait3A_60 = arith.constant 128 : i32
    %dma_wait3A_61 = arith.constant 0 : i32
    %dma_wait3A_62 = tpu.memref_slice %arg6[%dma_wait3A_60, %dma_wait3A_61] : memref<640x64xf32, #tpu.memory_space<vmem>> -> memref<128x64xf32, #tpu.memory_space<vmem>>
    %dma_wait3A_63 = arith.constant 0 : i32
    %dma_wait3A_64 = tpu.memref_slice %arg5[%dma_wait3A_59, %dma_wait3A_63] : memref<5x128xi32, #tpu.memory_space<vmem>> -> memref<1x128xi32, #tpu.memory_space<vmem>>
    %dma_wait3A_65 = tpu.memref_squeeze %dma_wait3A_64 : memref<1x128xi32, #tpu.memory_space<vmem>> -> memref<128xi32, #tpu.memory_space<vmem>>
    %dma_wait3A_66 = arith.constant 0 : i32
    %dma_wait3A_67 = arith.constant 0 : i32
    %dma_wait3A_68 = tpu.memref_slice %arg2[%dma_wait3A_66, %dma_wait3A_67] : memref<22528x64xf32, #tpu.memory_space<hbm>> -> memref<22528x64xf32, #tpu.memory_space<hbm>>
    tpu.wait_indirect_dma semaphore(%arg7 : memref<!tpu.dma_semaphore, #tpu.memory_space<semaphore_mem>>) src(%dma_wait3A_68 : memref<22528x64xf32, #tpu.memory_space<hbm>>) dst(%dma_wait3A_62 : memref<128x64xf32, #tpu.memory_space<vmem>>)
    %dma_wait3A_69 = arith.constant 2 : i32
    %dma_wait3A_70 = arith.constant 256 : i32
    %dma_wait3A_71 = arith.constant 0 : i32
    %dma_wait3A_72 = tpu.memref_slice %arg6[%dma_wait3A_70, %dma_wait3A_71] : memref<640x64xf32, #tpu.memory_space<vmem>> -> memref<128x64xf32, #tpu.memory_space<vmem>>
    %dma_wait3A_73 = arith.constant 0 : i32
    %dma_wait3A_74 = tpu.memref_slice %arg5[%dma_wait3A_69, %dma_wait3A_73] : memref<5x128xi32, #tpu.memory_space<vmem>> -> memref<1x128xi32, #tpu.memory_space<vmem>>
    %dma_wait3A_75 = tpu.memref_squeeze %dma_wait3A_74 : memref<1x128xi32, #tpu.memory_space<vmem>> -> memref<128xi32, #tpu.memory_space<vmem>>
    %dma_wait3A_76 = arith.constant 0 : i32
    %dma_wait3A_77 = arith.constant 0 : i32
    %dma_wait3A_78 = tpu.memref_slice %arg2[%dma_wait3A_76, %dma_wait3A_77] : memref<22528x64xf32, #tpu.memory_space<hbm>> -> memref<22528x64xf32, #tpu.memory_space<hbm>>
    tpu.wait_indirect_dma semaphore(%arg7 : memref<!tpu.dma_semaphore, #tpu.memory_space<semaphore_mem>>) src(%dma_wait3A_78 : memref<22528x64xf32, #tpu.memory_space<hbm>>) dst(%dma_wait3A_72 : memref<128x64xf32, #tpu.memory_space<vmem>>)
    %dma_wait3A_79 = arith.constant 3 : i32
    %dma_wait3A_80 = arith.constant 384 : i32
    %dma_wait3A_81 = arith.constant 0 : i32
    %dma_wait3A_82 = tpu.memref_slice %arg6[%dma_wait3A_80, %dma_wait3A_81] : memref<640x64xf32, #tpu.memory_space<vmem>> -> memref<128x64xf32, #tpu.memory_space<vmem>>
    %dma_wait3A_83 = arith.constant 0 : i32
    %dma_wait3A_84 = tpu.memref_slice %arg5[%dma_wait3A_79, %dma_wait3A_83] : memref<5x128xi32, #tpu.memory_space<vmem>> -> memref<1x128xi32, #tpu.memory_space<vmem>>
    %dma_wait3A_85 = tpu.memref_squeeze %dma_wait3A_84 : memref<1x128xi32, #tpu.memory_space<vmem>> -> memref<128xi32, #tpu.memory_space<vmem>>
    %dma_wait3A_86 = arith.constant 0 : i32
    %dma_wait3A_87 = arith.constant 0 : i32
    %dma_wait3A_88 = tpu.memref_slice %arg2[%dma_wait3A_86, %dma_wait3A_87] : memref<22528x64xf32, #tpu.memory_space<hbm>> -> memref<22528x64xf32, #tpu.memory_space<hbm>>
    tpu.wait_indirect_dma semaphore(%arg7 : memref<!tpu.dma_semaphore, #tpu.memory_space<semaphore_mem>>) src(%dma_wait3A_88 : memref<22528x64xf32, #tpu.memory_space<hbm>>) dst(%dma_wait3A_82 : memref<128x64xf32, #tpu.memory_space<vmem>>)
    %dma_wait3A_89 = arith.constant 4 : i32
    %dma_wait3A_90 = arith.constant 512 : i32
    %dma_wait3A_91 = arith.constant 0 : i32
    %dma_wait3A_92 = tpu.memref_slice %arg6[%dma_wait3A_90, %dma_wait3A_91] : memref<640x64xf32, #tpu.memory_space<vmem>> -> memref<128x64xf32, #tpu.memory_space<vmem>>
    %dma_wait3A_93 = arith.constant 0 : i32
    %dma_wait3A_94 = tpu.memref_slice %arg5[%dma_wait3A_89, %dma_wait3A_93] : memref<5x128xi32, #tpu.memory_space<vmem>> -> memref<1x128xi32, #tpu.memory_space<vmem>>
    %dma_wait3A_95 = tpu.memref_squeeze %dma_wait3A_94 : memref<1x128xi32, #tpu.memory_space<vmem>> -> memref<128xi32, #tpu.memory_space<vmem>>
    %dma_wait3A_96 = arith.constant 0 : i32
    %dma_wait3A_97 = arith.constant 0 : i32
    %dma_wait3A_98 = tpu.memref_slice %arg2[%dma_wait3A_96, %dma_wait3A_97] : memref<22528x64xf32, #tpu.memory_space<hbm>> -> memref<22528x64xf32, #tpu.memory_space<hbm>>
    tpu.wait_indirect_dma semaphore(%arg7 : memref<!tpu.dma_semaphore, #tpu.memory_space<semaphore_mem>>) src(%dma_wait3A_98 : memref<22528x64xf32, #tpu.memory_space<hbm>>) dst(%dma_wait3A_92 : memref<128x64xf32, #tpu.memory_space<vmem>>)
    %mul3A_99 = arith.constant 640 : i32
    %mul3A_100 = arith.muli %add3A, %mul3A_99 : i32
    "tpu.region"() ({
      %run_scoped3A = tpu.sem_alloc : memref<!tpu.dma_semaphore, #tpu.memory_space<semaphore_mem>>
      %dma_start3A_101 = arith.constant 0 : i32
      %dma_start3A_102 = tpu.memref_slice %arg4[%mul3A_100, %dma_start3A_101] : memref<20480x64xf32, #tpu.memory_space<hbm>> -> memref<640x64xf32, #tpu.memory_space<hbm>>
      %dma_start3A_103 = arith.constant 0 : i32
      %dma_start3A_104 = tpu.memref_slice %arg4[%mul3A_100, %dma_start3A_103] : memref<20480x64xf32, #tpu.memory_space<hbm>> -> memref<640x64xf32, #tpu.memory_space<hbm>>
      tpu.enqueue_dma source(%arg6 : memref<640x64xf32, #tpu.memory_space<vmem>>) target(%dma_start3A_104 : memref<640x64xf32, #tpu.memory_space<hbm>>) target_semaphore(%run_scoped3A : memref<!tpu.dma_semaphore, #tpu.memory_space<semaphore_mem>>)
      %dma_wait3A_105 = arith.constant 0 : i32
      %dma_wait3A_106 = tpu.memref_slice %arg4[%mul3A_100, %dma_wait3A_105] : memref<20480x64xf32, #tpu.memory_space<hbm>> -> memref<640x64xf32, #tpu.memory_space<hbm>>
      %dma_wait3A_107 = arith.constant 0 : i32
      %dma_wait3A_108 = tpu.memref_slice %arg4[%mul3A_100, %dma_wait3A_107] : memref<20480x64xf32, #tpu.memory_space<hbm>> -> memref<640x64xf32, #tpu.memory_space<hbm>>
      tpu.wait_dma2 semaphore(%run_scoped3A : memref<!tpu.dma_semaphore, #tpu.memory_space<semaphore_mem>>) src(%arg6 : memref<640x64xf32, #tpu.memory_space<vmem>>) dst(%dma_wait3A_108 : memref<640x64xf32, #tpu.memory_space<hbm>>)
      tpu.yield
    }) : () -> ()
    return
  }
}

module attributes {stable_mosaic.version = 14 : i64} {
  func.func @_proj_body(%arg0: i32, %arg1: memref<128x1280xf32, #tpu.memory_space<vmem>>, %arg2: memref<1280x1280xf32, #tpu.memory_space<vmem>>, %arg3: memref<1x1280xf32, #tpu.memory_space<vmem>>, %arg4: memref<128x1280xf32, #tpu.memory_space<vmem>>) attributes {dimension_semantics = [#tpu.dimension_semantics<arbitrary>], iteration_bounds = array<i64: 8>, scalar_prefetch = 0 : i64, scratch_operands = 0 : i64, tpu.core_type = #tpu.core_type<tc>, window_params = [{transform_indices = @transform_0, window_bounds = array<i64: 128, 1280>}, {pipeline_mode = #tpu.pipeline_mode<synchronous>, transform_indices = @transform_1, window_bounds = array<i64: 1280, 1280>}, {pipeline_mode = #tpu.pipeline_mode<synchronous>, transform_indices = @transform_2, window_bounds = array<i64: 1, 1280>}, {transform_indices = @transform_3, window_bounds = array<i64: 128, 1280>}]} {
    %get3A = arith.constant 0 : index
    %get3A_0 = arith.constant 0 : index
    %get3A_1 = vector.load %arg1[%get3A, %get3A_0] : memref<128x1280xf32, #tpu.memory_space<vmem>>, vector<128x1280xf32>
    %get3A_2 = arith.constant 0 : index
    %get3A_3 = arith.constant 0 : index
    %get3A_4 = vector.load %arg2[%get3A_2, %get3A_3] : memref<1280x1280xf32, #tpu.memory_space<vmem>>, vector<1280x1280xf32>
    %dot_general3A = arith.constant dense<0.000000e+00> : vector<128x1280xf32>
    %dot_general3A_5 = tpu.matmul %get3A_1, %get3A_4, %dot_general3A {dimension_numbers = #tpu.dot_dimension_numbers<[1], [0], [0], [1], [0, 0, 1, 1], [], []>, transpose_lhs_hint = false} : vector<128x1280xf32>, vector<1280x1280xf32>, vector<128x1280xf32> -> vector<128x1280xf32>
    %get3A_6 = arith.constant 0 : index
    %get3A_7 = arith.constant 0 : index
    %get3A_8 = vector.load %arg3[%get3A_6, %get3A_7] : memref<1x1280xf32, #tpu.memory_space<vmem>>, vector<1x1280xf32>
    %add3A = vector.broadcast %get3A_8 : vector<1x1280xf32> to vector<128x1280xf32>
    %add3A_9 = arith.addf %dot_general3A_5, %add3A : vector<128x1280xf32>
    %max3A = arith.constant 0.000000e+00 : f32
    %max3A_10 = vector.broadcast %max3A : f32 to vector<128x1280xf32>
    %max3A_11 = arith.maximumf %add3A_9, %max3A_10 : vector<128x1280xf32>
    %swap3A = arith.constant 0 : index
    %swap3A_12 = arith.constant 0 : index
    %swap3A_13 = vector.load %arg4[%swap3A, %swap3A_12] : memref<128x1280xf32, #tpu.memory_space<vmem>>, vector<128x1280xf32>
    tpu.vector_store %arg4[%swap3A, %swap3A_12], %max3A_11 {strides = array<i32>} : memref<128x1280xf32, #tpu.memory_space<vmem>>, vector<128x1280xf32>,
    return
  }
  func.func @transform_0(%arg0: i32) -> (i32, i32) {
    %c0_i32 = arith.constant 0 : i32
    %c0_i32_0 = arith.constant 0 : i32
    return %arg0, %c0_i32 : i32, i32
  }
  func.func @transform_1(%arg0: i32) -> (i32, i32) {
    %c0_i32 = arith.constant 0 : i32
    %c0_i32_0 = arith.constant 0 : i32
    %c0_i32_1 = arith.constant 0 : i32
    return %c0_i32, %c0_i32_0 : i32, i32
  }
  func.func @transform_2(%arg0: i32) -> (i32, i32) {
    %c0_i32 = arith.constant 0 : i32
    %c0_i32_0 = arith.constant 0 : i32
    %c0_i32_1 = arith.constant 0 : i32
    return %c0_i32, %c0_i32_0 : i32, i32
  }
  func.func @transform_3(%arg0: i32) -> (i32, i32) {
    %c0_i32 = arith.constant 0 : i32
    %c0_i32_0 = arith.constant 0 : i32
    return %arg0, %c0_i32 : i32, i32
  }
}

module attributes {stable_mosaic.version = 14 : i64} {
  func.func @_attn_body(%arg0: i32, %arg1: memref<1280x64xf32, #tpu.memory_space<vmem>>, %arg2: memref<64x64xf32, #tpu.memory_space<vmem>>, %arg3: memref<1x64xf32, #tpu.memory_space<vmem>>, %arg4: memref<64x64xf32, #tpu.memory_space<vmem>>, %arg5: memref<1x64xf32, #tpu.memory_space<vmem>>, %arg6: memref<64x64xf32, #tpu.memory_space<vmem>>, %arg7: memref<1x64xf32, #tpu.memory_space<vmem>>, %arg8: memref<64x64xf32, #tpu.memory_space<vmem>>, %arg9: memref<1x64xf32, #tpu.memory_space<vmem>>, %arg10: memref<1x64xf32, #tpu.memory_space<vmem>>, %arg11: memref<1x64xf32, #tpu.memory_space<vmem>>, %arg12: memref<1x64xf32, #tpu.memory_space<vmem>>, %arg13: memref<1x64xf32, #tpu.memory_space<vmem>>, %arg14: memref<64x8xf32, #tpu.memory_space<vmem>>, %arg15: memref<1x8xf32, #tpu.memory_space<vmem>>, %arg16: memref<1280x64xf32, #tpu.memory_space<vmem>>, %arg17: memref<1280x64xf32, #tpu.memory_space<vmem>>, %arg18: memref<1280x1xf32, #tpu.memory_space<vmem>>, %arg19: memref<1280x1xi32, #tpu.memory_space<vmem>>, %arg20: memref<1x2x8xf32, #tpu.memory_space<vmem>>) attributes {dimension_semantics = [#tpu.dimension_semantics<arbitrary>], iteration_bounds = array<i64: 16>, scalar_prefetch = 0 : i64, scratch_operands = 0 : i64, tpu.core_type = #tpu.core_type<tc>, window_params = [{transform_indices = @transform_0, window_bounds = array<i64: 1280, 64>}, {pipeline_mode = #tpu.pipeline_mode<synchronous>, transform_indices = @transform_1, window_bounds = array<i64: 64, 64>}, {pipeline_mode = #tpu.pipeline_mode<synchronous>, transform_indices = @transform_2, window_bounds = array<i64: 1, 64>}, {pipeline_mode = #tpu.pipeline_mode<synchronous>, transform_indices = @transform_3, window_bounds = array<i64: 64, 64>}, {pipeline_mode = #tpu.pipeline_mode<synchronous>, transform_indices = @transform_4, window_bounds = array<i64: 1, 64>}, {pipeline_mode = #tpu.pipeline_mode<synchronous>, transform_indices = @transform_5, window_bounds = array<i64: 64, 64>}, {pipeline_mode = #tpu.pipeline_mode<synchronous>, transform_indices = @transform_6, window_bounds = array<i64: 1, 64>}, {pipeline_mode = #tpu.pipeline_mode<synchronous>, transform_indices = @transform_7, window_bounds = array<i64: 64, 64>}, {pipeline_mode = #tpu.pipeline_mode<synchronous>, transform_indices = @transform_8, window_bounds = array<i64: 1, 64>}, {pipeline_mode = #tpu.pipeline_mode<synchronous>, transform_indices = @transform_9, window_bounds = array<i64: 1, 64>}, {pipeline_mode = #tpu.pipeline_mode<synchronous>, transform_indices = @transform_10, window_bounds = array<i64: 1, 64>}, {pipeline_mode = #tpu.pipeline_mode<synchronous>, transform_indices = @transform_11, window_bounds = array<i64: 1, 64>}, {pipeline_mode = #tpu.pipeline_mode<synchronous>, transform_indices = @transform_12, window_bounds = array<i64: 1, 64>}, {pipeline_mode = #tpu.pipeline_mode<synchronous>, transform_indices = @transform_13, window_bounds = array<i64: 64, 8>}, {pipeline_mode = #tpu.pipeline_mode<synchronous>, transform_indices = @transform_14, window_bounds = array<i64: 1, 8>}, {transform_indices = @transform_15, window_bounds = array<i64: 1280, 64>}, {transform_indices = @transform_16, window_bounds = array<i64: 1280, 64>}, {transform_indices = @transform_17, window_bounds = array<i64: 1280, 1>}, {transform_indices = @transform_18, window_bounds = array<i64: 1280, 1>}, {transform_indices = @transform_19, window_bounds = array<i64: 1, 2, 8>}]} {
    %get3A = arith.constant 0 : index
    %get3A_0 = arith.constant 0 : index
    %get3A_1 = vector.load %arg1[%get3A, %get3A_0] : memref<1280x64xf32, #tpu.memory_space<vmem>>, vector<1280x64xf32>
    %broadcast_in_dim3A = arith.constant 1.000000e+00 : f32
    %broadcast_in_dim3A_2 = vector.broadcast %broadcast_in_dim3A : f32 to vector<64x1xf32>
    %get3A_3 = arith.constant 0 : index
    %get3A_4 = arith.constant 0 : index
    %get3A_5 = vector.load %arg10[%get3A_3, %get3A_4] : memref<1x64xf32, #tpu.memory_space<vmem>>, vector<1x64xf32>
    %get3A_6 = arith.constant 0 : index
    %get3A_7 = arith.constant 0 : index
    %get3A_8 = vector.load %arg11[%get3A_6, %get3A_7] : memref<1x64xf32, #tpu.memory_space<vmem>>, vector<1x64xf32>
    %dot_general3A = arith.constant dense<0.000000e+00> : vector<1280x1xf32>
    %dot_general3A_9 = tpu.matmul %get3A_1, %broadcast_in_dim3A_2, %dot_general3A {dimension_numbers = #tpu.dot_dimension_numbers<[1], [0], [0], [1], [0, 0, 1, 1], [], []>, transpose_lhs_hint = false} : vector<1280x64xf32>, vector<64x1xf32>, vector<1280x1xf32> -> vector<1280x1xf32>
    %mul3A = arith.constant 1.562500e-02 : f32
    %mul3A_10 = vector.broadcast %mul3A : f32 to vector<1280x1xf32>
    %mul3A_11 = arith.mulf %dot_general3A_9, %mul3A_10 : vector<1280x1xf32>
    %mul3A_12 = arith.mulf %get3A_1, %get3A_1 : vector<1280x64xf32>
    %dot_general3A_13 = arith.constant dense<0.000000e+00> : vector<1280x1xf32>
    %dot_general3A_14 = tpu.matmul %mul3A_12, %broadcast_in_dim3A_2, %dot_general3A_13 {dimension_numbers = #tpu.dot_dimension_numbers<[1], [0], [0], [1], [0, 0, 1, 1], [], []>, transpose_lhs_hint = false} : vector<1280x64xf32>, vector<64x1xf32>, vector<1280x1xf32> -> vector<1280x1xf32>
    %mul3A_15 = arith.constant 1.562500e-02 : f32
    %mul3A_16 = vector.broadcast %mul3A_15 : f32 to vector<1280x1xf32>
    %mul3A_17 = arith.mulf %dot_general3A_14, %mul3A_16 : vector<1280x1xf32>
    %mul3A_18 = arith.mulf %mul3A_11, %mul3A_11 : vector<1280x1xf32>
    %sub3A = arith.subf %mul3A_17, %mul3A_18 : vector<1280x1xf32>
    %sub3A_19 = vector.broadcast %mul3A_11 : vector<1280x1xf32> to vector<1280x64xf32>
    %sub3A_20 = arith.subf %get3A_1, %sub3A_19 : vector<1280x64xf32>
    %add3A = arith.constant 9.99999997E-7 : f32
    %add3A_21 = vector.broadcast %add3A : f32 to vector<1280x1xf32>
    %add3A_22 = arith.addf %sub3A, %add3A_21 : vector<1280x1xf32>
    %rsqrt3A = math.rsqrt %add3A_22 : vector<1280x1xf32>
    %mul3A_23 = vector.broadcast %rsqrt3A : vector<1280x1xf32> to vector<1280x64xf32>
    %mul3A_24 = arith.mulf %sub3A_20, %mul3A_23 : vector<1280x64xf32>
    %mul3A_25 = vector.broadcast %get3A_5 : vector<1x64xf32> to vector<1280x64xf32>
    %mul3A_26 = arith.mulf %mul3A_24, %mul3A_25 : vector<1280x64xf32>
    %add3A_27 = vector.broadcast %get3A_8 : vector<1x64xf32> to vector<1280x64xf32>
    %add3A_28 = arith.addf %mul3A_26, %add3A_27 : vector<1280x64xf32>
    %get3A_29 = arith.constant 0 : index
    %get3A_30 = arith.constant 0 : index
    %get3A_31 = vector.load %arg2[%get3A_29, %get3A_30] : memref<64x64xf32, #tpu.memory_space<vmem>>, vector<64x64xf32>
    %dot_general3A_32 = arith.constant dense<0.000000e+00> : vector<1280x64xf32>
    %dot_general3A_33 = tpu.matmul %add3A_28, %get3A_31, %dot_general3A_32 {dimension_numbers = #tpu.dot_dimension_numbers<[1], [0], [0], [1], [0, 0, 1, 1], [], []>, transpose_lhs_hint = false} : vector<1280x64xf32>, vector<64x64xf32>, vector<1280x64xf32> -> vector<1280x64xf32>
    %get3A_34 = arith.constant 0 : index
    %get3A_35 = arith.constant 0 : index
    %get3A_36 = vector.load %arg3[%get3A_34, %get3A_35] : memref<1x64xf32, #tpu.memory_space<vmem>>, vector<1x64xf32>
    %add3A_37 = vector.broadcast %get3A_36 : vector<1x64xf32> to vector<1280x64xf32>
    %add3A_38 = arith.addf %dot_general3A_33, %add3A_37 : vector<1280x64xf32>
    %mul3A_39 = arith.constant 0.353553385 : f32
    %mul3A_40 = vector.broadcast %mul3A_39 : f32 to vector<1280x64xf32>
    %mul3A_41 = arith.mulf %add3A_38, %mul3A_40 : vector<1280x64xf32>
    %get3A_42 = arith.constant 0 : index
    %get3A_43 = arith.constant 0 : index
    %get3A_44 = vector.load %arg4[%get3A_42, %get3A_43] : memref<64x64xf32, #tpu.memory_space<vmem>>, vector<64x64xf32>
    %dot_general3A_45 = arith.constant dense<0.000000e+00> : vector<1280x64xf32>
    %dot_general3A_46 = tpu.matmul %add3A_28, %get3A_44, %dot_general3A_45 {dimension_numbers = #tpu.dot_dimension_numbers<[1], [0], [0], [1], [0, 0, 1, 1], [], []>, transpose_lhs_hint = false} : vector<1280x64xf32>, vector<64x64xf32>, vector<1280x64xf32> -> vector<1280x64xf32>
    %get3A_47 = arith.constant 0 : index
    %get3A_48 = arith.constant 0 : index
    %get3A_49 = vector.load %arg5[%get3A_47, %get3A_48] : memref<1x64xf32, #tpu.memory_space<vmem>>, vector<1x64xf32>
    %add3A_50 = vector.broadcast %get3A_49 : vector<1x64xf32> to vector<1280x64xf32>
    %add3A_51 = arith.addf %dot_general3A_46, %add3A_50 : vector<1280x64xf32>
    %get3A_52 = arith.constant 0 : index
    %get3A_53 = arith.constant 0 : index
    %get3A_54 = vector.load %arg6[%get3A_52, %get3A_53] : memref<64x64xf32, #tpu.memory_space<vmem>>, vector<64x64xf32>
    %dot_general3A_55 = arith.constant dense<0.000000e+00> : vector<1280x64xf32>
    %dot_general3A_56 = tpu.matmul %add3A_28, %get3A_54, %dot_general3A_55 {dimension_numbers = #tpu.dot_dimension_numbers<[1], [0], [0], [1], [0, 0, 1, 1], [], []>, transpose_lhs_hint = false} : vector<1280x64xf32>, vector<64x64xf32>, vector<1280x64xf32> -> vector<1280x64xf32>
    %get3A_57 = arith.constant 0 : index
    %get3A_58 = arith.constant 0 : index
    %get3A_59 = vector.load %arg7[%get3A_57, %get3A_58] : memref<1x64xf32, #tpu.memory_space<vmem>>, vector<1x64xf32>
    %add3A_60 = vector.broadcast %get3A_59 : vector<1x64xf32> to vector<1280x64xf32>
    %add3A_61 = arith.addf %dot_general3A_56, %add3A_60 : vector<1280x64xf32>
    %iota3A = tpu.iota {dimensions = array<i32: 0>} : vector<240x240xi32>
    %jit3A = arith.constant 20 : i32
    %div3A = vector.broadcast %jit3A : i32 to vector<240x240xi32>
    %div3A_62 = arith.divsi %iota3A, %div3A : vector<240x240xi32>
    %sign3A = arith.constant 0 : i32
    %sign3A_63 = vector.broadcast %sign3A : i32 to vector<240x240xi32>
    %sign3A_64 = arith.cmpi sgt, %iota3A, %sign3A_63 : vector<240x240xi32>
    %sign3A_65 = arith.extui %sign3A_64 : vector<240x240xi1> to vector<240x240xi32>
    %sign3A_66 = arith.constant 0 : i32
    %sign3A_67 = vector.broadcast %sign3A_66 : i32 to vector<240x240xi32>
    %sign3A_68 = arith.cmpi slt, %iota3A, %sign3A_67 : vector<240x240xi32>
    %sign3A_69 = arith.extui %sign3A_68 : vector<240x240xi1> to vector<240x240xi32>
    %sign3A_70 = arith.subi %sign3A_65, %sign3A_69 : vector<240x240xi32>
    %sign3A_71 = arith.constant 0 : i32
    %sign3A_72 = arith.cmpi sgt, %jit3A, %sign3A_71 : i32
    %sign3A_73 = arith.extui %sign3A_72 : i1 to i32
    %sign3A_74 = arith.constant 0 : i32
    %sign3A_75 = arith.cmpi slt, %jit3A, %sign3A_74 : i32
    %sign3A_76 = arith.extui %sign3A_75 : i1 to i32
    %sign3A_77 = arith.subi %sign3A_73, %sign3A_76 : i32
    %ne3A = vector.broadcast %sign3A_77 : i32 to vector<240x240xi32>
    %ne3A_78 = arith.cmpi ne, %sign3A_70, %ne3A : vector<240x240xi32>
    %rem3A = vector.broadcast %jit3A : i32 to vector<240x240xi32>
    %rem3A_79 = arith.remsi %iota3A, %rem3A : vector<240x240xi32>
    %ne3A_80 = arith.constant 0 : i32
    %ne3A_81 = vector.broadcast %ne3A_80 : i32 to vector<240x240xi32>
    %ne3A_82 = arith.cmpi ne, %rem3A_79, %ne3A_81 : vector<240x240xi32>
    %and3A = arith.andi %ne3A_78, %ne3A_82 : vector<240x240xi1>
    %sub3A_83 = arith.constant 1 : i32
    %sub3A_84 = vector.broadcast %sub3A_83 : i32 to vector<240x240xi32>
    %sub3A_85 = arith.subi %div3A_62, %sub3A_84 : vector<240x240xi32>
    %select_n3A = arith.select %and3A, %sub3A_85, %div3A_62 : vector<240x240xi1>, vector<240x240xi32>
    %iota3A_86 = tpu.iota {dimensions = array<i32: 1>} : vector<240x240xi32>
    %jit3A_87 = arith.constant 20 : i32
    %div3A_88 = vector.broadcast %jit3A_87 : i32 to vector<240x240xi32>
    %div3A_89 = arith.divsi %iota3A_86, %div3A_88 : vector<240x240xi32>
    %sign3A_90 = arith.constant 0 : i32
    %sign3A_91 = vector.broadcast %sign3A_90 : i32 to vector<240x240xi32>
    %sign3A_92 = arith.cmpi sgt, %iota3A_86, %sign3A_91 : vector<240x240xi32>
    %sign3A_93 = arith.extui %sign3A_92 : vector<240x240xi1> to vector<240x240xi32>
    %sign3A_94 = arith.constant 0 : i32
    %sign3A_95 = vector.broadcast %sign3A_94 : i32 to vector<240x240xi32>
    %sign3A_96 = arith.cmpi slt, %iota3A_86, %sign3A_95 : vector<240x240xi32>
    %sign3A_97 = arith.extui %sign3A_96 : vector<240x240xi1> to vector<240x240xi32>
    %sign3A_98 = arith.subi %sign3A_93, %sign3A_97 : vector<240x240xi32>
    %sign3A_99 = arith.constant 0 : i32
    %sign3A_100 = arith.cmpi sgt, %jit3A_87, %sign3A_99 : i32
    %sign3A_101 = arith.extui %sign3A_100 : i1 to i32
    %sign3A_102 = arith.constant 0 : i32
    %sign3A_103 = arith.cmpi slt, %jit3A_87, %sign3A_102 : i32
    %sign3A_104 = arith.extui %sign3A_103 : i1 to i32
    %sign3A_105 = arith.subi %sign3A_101, %sign3A_104 : i32
    %ne3A_106 = vector.broadcast %sign3A_105 : i32 to vector<240x240xi32>
    %ne3A_107 = arith.cmpi ne, %sign3A_98, %ne3A_106 : vector<240x240xi32>
    %rem3A_108 = vector.broadcast %jit3A_87 : i32 to vector<240x240xi32>
    %rem3A_109 = arith.remsi %iota3A_86, %rem3A_108 : vector<240x240xi32>
    %ne3A_110 = arith.constant 0 : i32
    %ne3A_111 = vector.broadcast %ne3A_110 : i32 to vector<240x240xi32>
    %ne3A_112 = arith.cmpi ne, %rem3A_109, %ne3A_111 : vector<240x240xi32>
    %and3A_113 = arith.andi %ne3A_107, %ne3A_112 : vector<240x240xi1>
    %sub3A_114 = arith.constant 1 : i32
    %sub3A_115 = vector.broadcast %sub3A_114 : i32 to vector<240x240xi32>
    %sub3A_116 = arith.subi %div3A_89, %sub3A_115 : vector<240x240xi32>
    %select_n3A_117 = arith.select %and3A_113, %sub3A_116, %div3A_89 : vector<240x240xi1>, vector<240x240xi32>
    %eq3A = arith.cmpi eq, %select_n3A, %select_n3A_117 : vector<240x240xi32>
    %jit3A_118 = arith.constant 0.000000e+00 : f32
    %jit3A_119 = arith.constant -1.000000e+09 : f32
    %broadcast_in_dim3A_120 = vector.broadcast %jit3A_118 : f32 to vector<240x240xf32>
    %broadcast_in_dim3A_121 = vector.broadcast %jit3A_119 : f32 to vector<240x240xf32>
    %select_n3A_122 = arith.select %eq3A, %broadcast_in_dim3A_120, %broadcast_in_dim3A_121 : vector<240x240xi1>, vector<240x240xf32>
    %iota3A_123 = tpu.iota {dimensions = array<i32: 0>} : vector<80x80xi32>
    %jit3A_124 = arith.constant 20 : i32
    %div3A_125 = vector.broadcast %jit3A_124 : i32 to vector<80x80xi32>
    %div3A_126 = arith.divsi %iota3A_123, %div3A_125 : vector<80x80xi32>
    %sign3A_127 = arith.constant 0 : i32
    %sign3A_128 = vector.broadcast %sign3A_127 : i32 to vector<80x80xi32>
    %sign3A_129 = arith.cmpi sgt, %iota3A_123, %sign3A_128 : vector<80x80xi32>
    %sign3A_130 = arith.extui %sign3A_129 : vector<80x80xi1> to vector<80x80xi32>
    %sign3A_131 = arith.constant 0 : i32
    %sign3A_132 = vector.broadcast %sign3A_131 : i32 to vector<80x80xi32>
    %sign3A_133 = arith.cmpi slt, %iota3A_123, %sign3A_132 : vector<80x80xi32>
    %sign3A_134 = arith.extui %sign3A_133 : vector<80x80xi1> to vector<80x80xi32>
    %sign3A_135 = arith.subi %sign3A_130, %sign3A_134 : vector<80x80xi32>
    %sign3A_136 = arith.constant 0 : i32
    %sign3A_137 = arith.cmpi sgt, %jit3A_124, %sign3A_136 : i32
    %sign3A_138 = arith.extui %sign3A_137 : i1 to i32
    %sign3A_139 = arith.constant 0 : i32
    %sign3A_140 = arith.cmpi slt, %jit3A_124, %sign3A_139 : i32
    %sign3A_141 = arith.extui %sign3A_140 : i1 to i32
    %sign3A_142 = arith.subi %sign3A_138, %sign3A_141 : i32
    %ne3A_143 = vector.broadcast %sign3A_142 : i32 to vector<80x80xi32>
    %ne3A_144 = arith.cmpi ne, %sign3A_135, %ne3A_143 : vector<80x80xi32>
    %rem3A_145 = vector.broadcast %jit3A_124 : i32 to vector<80x80xi32>
    %rem3A_146 = arith.remsi %iota3A_123, %rem3A_145 : vector<80x80xi32>
    %ne3A_147 = arith.constant 0 : i32
    %ne3A_148 = vector.broadcast %ne3A_147 : i32 to vector<80x80xi32>
    %ne3A_149 = arith.cmpi ne, %rem3A_146, %ne3A_148 : vector<80x80xi32>
    %and3A_150 = arith.andi %ne3A_144, %ne3A_149 : vector<80x80xi1>
    %sub3A_151 = arith.constant 1 : i32
    %sub3A_152 = vector.broadcast %sub3A_151 : i32 to vector<80x80xi32>
    %sub3A_153 = arith.subi %div3A_126, %sub3A_152 : vector<80x80xi32>
    %select_n3A_154 = arith.select %and3A_150, %sub3A_153, %div3A_126 : vector<80x80xi1>, vector<80x80xi32>
    %iota3A_155 = tpu.iota {dimensions = array<i32: 1>} : vector<80x80xi32>
    %jit3A_156 = arith.constant 20 : i32
    %div3A_157 = vector.broadcast %jit3A_156 : i32 to vector<80x80xi32>
    %div3A_158 = arith.divsi %iota3A_155, %div3A_157 : vector<80x80xi32>
    %sign3A_159 = arith.constant 0 : i32
    %sign3A_160 = vector.broadcast %sign3A_159 : i32 to vector<80x80xi32>
    %sign3A_161 = arith.cmpi sgt, %iota3A_155, %sign3A_160 : vector<80x80xi32>
    %sign3A_162 = arith.extui %sign3A_161 : vector<80x80xi1> to vector<80x80xi32>
    %sign3A_163 = arith.constant 0 : i32
    %sign3A_164 = vector.broadcast %sign3A_163 : i32 to vector<80x80xi32>
    %sign3A_165 = arith.cmpi slt, %iota3A_155, %sign3A_164 : vector<80x80xi32>
    %sign3A_166 = arith.extui %sign3A_165 : vector<80x80xi1> to vector<80x80xi32>
    %sign3A_167 = arith.subi %sign3A_162, %sign3A_166 : vector<80x80xi32>
    %sign3A_168 = arith.constant 0 : i32
    %sign3A_169 = arith.cmpi sgt, %jit3A_156, %sign3A_168 : i32
    %sign3A_170 = arith.extui %sign3A_169 : i1 to i32
    %sign3A_171 = arith.constant 0 : i32
    %sign3A_172 = arith.cmpi slt, %jit3A_156, %sign3A_171 : i32
    %sign3A_173 = arith.extui %sign3A_172 : i1 to i32
    %sign3A_174 = arith.subi %sign3A_170, %sign3A_173 : i32
    %ne3A_175 = vector.broadcast %sign3A_174 : i32 to vector<80x80xi32>
    %ne3A_176 = arith.cmpi ne, %sign3A_167, %ne3A_175 : vector<80x80xi32>
    %rem3A_177 = vector.broadcast %jit3A_156 : i32 to vector<80x80xi32>
    %rem3A_178 = arith.remsi %iota3A_155, %rem3A_177 : vector<80x80xi32>
    %ne3A_179 = arith.constant 0 : i32
    %ne3A_180 = vector.broadcast %ne3A_179 : i32 to vector<80x80xi32>
    %ne3A_181 = arith.cmpi ne, %rem3A_178, %ne3A_180 : vector<80x80xi32>
    %and3A_182 = arith.andi %ne3A_176, %ne3A_181 : vector<80x80xi1>
    %sub3A_183 = arith.constant 1 : i32
    %sub3A_184 = vector.broadcast %sub3A_183 : i32 to vector<80x80xi32>
    %sub3A_185 = arith.subi %div3A_158, %sub3A_184 : vector<80x80xi32>
    %select_n3A_186 = arith.select %and3A_182, %sub3A_185, %div3A_158 : vector<80x80xi1>, vector<80x80xi32>
    %eq3A_187 = arith.cmpi eq, %select_n3A_154, %select_n3A_186 : vector<80x80xi32>
    %jit3A_188 = arith.constant 0.000000e+00 : f32
    %jit3A_189 = arith.constant -1.000000e+09 : f32
    %broadcast_in_dim3A_190 = vector.broadcast %jit3A_188 : f32 to vector<80x80xf32>
    %broadcast_in_dim3A_191 = vector.broadcast %jit3A_189 : f32 to vector<80x80xf32>
    %select_n3A_192 = arith.select %eq3A_187, %broadcast_in_dim3A_190, %broadcast_in_dim3A_191 : vector<80x80xi1>, vector<80x80xf32>
    %broadcast_in_dim3A_193 = arith.constant 1.000000e+00 : f32
    %broadcast_in_dim3A_194 = vector.broadcast %broadcast_in_dim3A_193 : f32 to vector<1280x1xf32>
    %convert_element_type3A = arith.truncf %mul3A_41 : vector<1280x64xf32> to vector<1280x64xbf16>
    %convert_element_type3A_195 = arith.truncf %add3A_51 : vector<1280x64xf32> to vector<1280x64xbf16>
    %slice3A = vector.extract_strided_slice %convert_element_type3A {offsets = [0, 0], sizes = [1280, 8], strides = [1, 1]} : vector<1280x64xbf16> to vector<1280x8xbf16>
    %slice3A_196 = vector.extract_strided_slice %convert_element_type3A_195 {offsets = [0, 0], sizes = [1280, 8], strides = [1, 1]} : vector<1280x64xbf16> to vector<1280x8xbf16>
    %slice3A_197 = vector.extract_strided_slice %add3A_61 {offsets = [0, 0], sizes = [1280, 8], strides = [1, 1]} : vector<1280x64xf32> to vector<1280x8xf32>
    %concatenate3A = tpu.concatenate %slice3A_197, %broadcast_in_dim3A_194 in 1 : vector<1280x8xf32>, vector<1280x1xf32> -> vector<1280x9xf32>
    %slice3A_198 = vector.extract_strided_slice %slice3A {offsets = [0, 0], sizes = [240, 8], strides = [1, 1]} : vector<1280x8xbf16> to vector<240x8xbf16>
    %slice3A_199 = vector.extract_strided_slice %slice3A_196 {offsets = [0, 0], sizes = [240, 8], strides = [1, 1]} : vector<1280x8xbf16> to vector<240x8xbf16>
    %dot_general3A_200 = arith.constant dense<0.000000e+00> : vector<240x240xf32>
    %dot_general3A_201 = tpu.matmul %slice3A_198, %slice3A_199, %dot_general3A_200 {dimension_numbers = #tpu.dot_dimension_numbers<[1], [1], [0], [0], [0, 0, 1, 0], [], []>, transpose_lhs_hint = false} : vector<240x8xbf16>, vector<240x8xbf16>, vector<240x240xf32> -> vector<240x240xf32>
    %add3A_202 = arith.addf %dot_general3A_201, %select_n3A_122 : vector<240x240xf32>
    %exp3A = math.exp %add3A_202 : vector<240x240xf32>
    %slice3A_203 = vector.extract_strided_slice %concatenate3A {offsets = [0, 0], sizes = [240, 9], strides = [1, 1]} : vector<1280x9xf32> to vector<240x9xf32>
    %dot_general3A_204 = arith.constant dense<0.000000e+00> : vector<240x9xf32>
    %dot_general3A_205 = tpu.matmul %exp3A, %slice3A_203, %dot_general3A_204 {dimension_numbers = #tpu.dot_dimension_numbers<[1], [0], [0], [1], [0, 0, 1, 1], [], []>, transpose_lhs_hint = false} : vector<240x240xf32>, vector<240x9xf32>, vector<240x9xf32> -> vector<240x9xf32>
    %slice3A_206 = vector.extract_strided_slice %slice3A {offsets = [240, 0], sizes = [240, 8], strides = [1, 1]} : vector<1280x8xbf16> to vector<240x8xbf16>
    %slice3A_207 = vector.extract_strided_slice %slice3A_196 {offsets = [240, 0], sizes = [240, 8], strides = [1, 1]} : vector<1280x8xbf16> to vector<240x8xbf16>
    %dot_general3A_208 = arith.constant dense<0.000000e+00> : vector<240x240xf32>
    %dot_general3A_209 = tpu.matmul %slice3A_206, %slice3A_207, %dot_general3A_208 {dimension_numbers = #tpu.dot_dimension_numbers<[1], [1], [0], [0], [0, 0, 1, 0], [], []>, transpose_lhs_hint = false} : vector<240x8xbf16>, vector<240x8xbf16>, vector<240x240xf32> -> vector<240x240xf32>
    %add3A_210 = arith.addf %dot_general3A_209, %select_n3A_122 : vector<240x240xf32>
    %exp3A_211 = math.exp %add3A_210 : vector<240x240xf32>
    %slice3A_212 = vector.extract_strided_slice %concatenate3A {offsets = [240, 0], sizes = [240, 9], strides = [1, 1]} : vector<1280x9xf32> to vector<240x9xf32>
    %dot_general3A_213 = arith.constant dense<0.000000e+00> : vector<240x9xf32>
    %dot_general3A_214 = tpu.matmul %exp3A_211, %slice3A_212, %dot_general3A_213 {dimension_numbers = #tpu.dot_dimension_numbers<[1], [0], [0], [1], [0, 0, 1, 1], [], []>, transpose_lhs_hint = false} : vector<240x240xf32>, vector<240x9xf32>, vector<240x9xf32> -> vector<240x9xf32>
    %slice3A_215 = vector.extract_strided_slice %slice3A {offsets = [480, 0], sizes = [240, 8], strides = [1, 1]} : vector<1280x8xbf16> to vector<240x8xbf16>
    %slice3A_216 = vector.extract_strided_slice %slice3A_196 {offsets = [480, 0], sizes = [240, 8], strides = [1, 1]} : vector<1280x8xbf16> to vector<240x8xbf16>
    %dot_general3A_217 = arith.constant dense<0.000000e+00> : vector<240x240xf32>
    %dot_general3A_218 = tpu.matmul %slice3A_215, %slice3A_216, %dot_general3A_217 {dimension_numbers = #tpu.dot_dimension_numbers<[1], [1], [0], [0], [0, 0, 1, 0], [], []>, transpose_lhs_hint = false} : vector<240x8xbf16>, vector<240x8xbf16>, vector<240x240xf32> -> vector<240x240xf32>
    %add3A_219 = arith.addf %dot_general3A_218, %select_n3A_122 : vector<240x240xf32>
    %exp3A_220 = math.exp %add3A_219 : vector<240x240xf32>
    %slice3A_221 = vector.extract_strided_slice %concatenate3A {offsets = [480, 0], sizes = [240, 9], strides = [1, 1]} : vector<1280x9xf32> to vector<240x9xf32>
    %dot_general3A_222 = arith.constant dense<0.000000e+00> : vector<240x9xf32>
    %dot_general3A_223 = tpu.matmul %exp3A_220, %slice3A_221, %dot_general3A_222 {dimension_numbers = #tpu.dot_dimension_numbers<[1], [0], [0], [1], [0, 0, 1, 1], [], []>, transpose_lhs_hint = false} : vector<240x240xf32>, vector<240x9xf32>, vector<240x9xf32> -> vector<240x9xf32>
    %slice3A_224 = vector.extract_strided_slice %slice3A {offsets = [720, 0], sizes = [240, 8], strides = [1, 1]} : vector<1280x8xbf16> to vector<240x8xbf16>
    %slice3A_225 = vector.extract_strided_slice %slice3A_196 {offsets = [720, 0], sizes = [240, 8], strides = [1, 1]} : vector<1280x8xbf16> to vector<240x8xbf16>
    %dot_general3A_226 = arith.constant dense<0.000000e+00> : vector<240x240xf32>
    %dot_general3A_227 = tpu.matmul %slice3A_224, %slice3A_225, %dot_general3A_226 {dimension_numbers = #tpu.dot_dimension_numbers<[1], [1], [0], [0], [0, 0, 1, 0], [], []>, transpose_lhs_hint = false} : vector<240x8xbf16>, vector<240x8xbf16>, vector<240x240xf32> -> vector<240x240xf32>
    %add3A_228 = arith.addf %dot_general3A_227, %select_n3A_122 : vector<240x240xf32>
    %exp3A_229 = math.exp %add3A_228 : vector<240x240xf32>
    %slice3A_230 = vector.extract_strided_slice %concatenate3A {offsets = [720, 0], sizes = [240, 9], strides = [1, 1]} : vector<1280x9xf32> to vector<240x9xf32>
    %dot_general3A_231 = arith.constant dense<0.000000e+00> : vector<240x9xf32>
    %dot_general3A_232 = tpu.matmul %exp3A_229, %slice3A_230, %dot_general3A_231 {dimension_numbers = #tpu.dot_dimension_numbers<[1], [0], [0], [1], [0, 0, 1, 1], [], []>, transpose_lhs_hint = false} : vector<240x240xf32>, vector<240x9xf32>, vector<240x9xf32> -> vector<240x9xf32>
    %slice3A_233 = vector.extract_strided_slice %slice3A {offsets = [960, 0], sizes = [240, 8], strides = [1, 1]} : vector<1280x8xbf16> to vector<240x8xbf16>
    %slice3A_234 = vector.extract_strided_slice %slice3A_196 {offsets = [960, 0], sizes = [240, 8], strides = [1, 1]} : vector<1280x8xbf16> to vector<240x8xbf16>
    %dot_general3A_235 = arith.constant dense<0.000000e+00> : vector<240x240xf32>
    %dot_general3A_236 = tpu.matmul %slice3A_233, %slice3A_234, %dot_general3A_235 {dimension_numbers = #tpu.dot_dimension_numbers<[1], [1], [0], [0], [0, 0, 1, 0], [], []>, transpose_lhs_hint = false} : vector<240x8xbf16>, vector<240x8xbf16>, vector<240x240xf32> -> vector<240x240xf32>
    %add3A_237 = arith.addf %dot_general3A_236, %select_n3A_122 : vector<240x240xf32>
    %exp3A_238 = math.exp %add3A_237 : vector<240x240xf32>
    %slice3A_239 = vector.extract_strided_slice %concatenate3A {offsets = [960, 0], sizes = [240, 9], strides = [1, 1]} : vector<1280x9xf32> to vector<240x9xf32>
    %dot_general3A_240 = arith.constant dense<0.000000e+00> : vector<240x9xf32>
    %dot_general3A_241 = tpu.matmul %exp3A_238, %slice3A_239, %dot_general3A_240 {dimension_numbers = #tpu.dot_dimension_numbers<[1], [0], [0], [1], [0, 0, 1, 1], [], []>, transpose_lhs_hint = false} : vector<240x240xf32>, vector<240x9xf32>, vector<240x9xf32> -> vector<240x9xf32>
    %slice3A_242 = vector.extract_strided_slice %slice3A {offsets = [1200, 0], sizes = [80, 8], strides = [1, 1]} : vector<1280x8xbf16> to vector<80x8xbf16>
    %slice3A_243 = vector.extract_strided_slice %slice3A_196 {offsets = [1200, 0], sizes = [80, 8], strides = [1, 1]} : vector<1280x8xbf16> to vector<80x8xbf16>
    %dot_general3A_244 = arith.constant dense<0.000000e+00> : vector<80x80xf32>
    %dot_general3A_245 = tpu.matmul %slice3A_242, %slice3A_243, %dot_general3A_244 {dimension_numbers = #tpu.dot_dimension_numbers<[1], [1], [0], [0], [0, 0, 1, 0], [], []>, transpose_lhs_hint = false} : vector<80x8xbf16>, vector<80x8xbf16>, vector<80x80xf32> -> vector<80x80xf32>
    %add3A_246 = arith.addf %dot_general3A_245, %select_n3A_192 : vector<80x80xf32>
    %exp3A_247 = math.exp %add3A_246 : vector<80x80xf32>
    %slice3A_248 = vector.extract_strided_slice %concatenate3A {offsets = [1200, 0], sizes = [80, 9], strides = [1, 1]} : vector<1280x9xf32> to vector<80x9xf32>
    %dot_general3A_249 = arith.constant dense<0.000000e+00> : vector<80x9xf32>
    %dot_general3A_250 = tpu.matmul %exp3A_247, %slice3A_248, %dot_general3A_249 {dimension_numbers = #tpu.dot_dimension_numbers<[1], [0], [0], [1], [0, 0, 1, 1], [], []>, transpose_lhs_hint = false} : vector<80x80xf32>, vector<80x9xf32>, vector<80x9xf32> -> vector<80x9xf32>
    %concatenate3A_251 = tpu.concatenate %dot_general3A_205, %dot_general3A_214, %dot_general3A_223, %dot_general3A_232, %dot_general3A_241, %dot_general3A_250 in 0 : vector<240x9xf32>, vector<240x9xf32>, vector<240x9xf32>, vector<240x9xf32>, vector<240x9xf32>, vector<80x9xf32> -> vector<1280x9xf32>
    %slice3A_252 = vector.extract_strided_slice %concatenate3A_251 {offsets = [0, 0], sizes = [1280, 8], strides = [1, 1]} : vector<1280x9xf32> to vector<1280x8xf32>
    %slice3A_253 = vector.extract_strided_slice %concatenate3A_251 {offsets = [0, 8], sizes = [1280, 1], strides = [1, 1]} : vector<1280x9xf32> to vector<1280x1xf32>
    %slice3A_254 = vector.extract_strided_slice %convert_element_type3A {offsets = [0, 8], sizes = [1280, 8], strides = [1, 1]} : vector<1280x64xbf16> to vector<1280x8xbf16>
    %slice3A_255 = vector.extract_strided_slice %convert_element_type3A_195 {offsets = [0, 8], sizes = [1280, 8], strides = [1, 1]} : vector<1280x64xbf16> to vector<1280x8xbf16>
    %slice3A_256 = vector.extract_strided_slice %add3A_61 {offsets = [0, 8], sizes = [1280, 8], strides = [1, 1]} : vector<1280x64xf32> to vector<1280x8xf32>
    %concatenate3A_257 = tpu.concatenate %slice3A_256, %broadcast_in_dim3A_194 in 1 : vector<1280x8xf32>, vector<1280x1xf32> -> vector<1280x9xf32>
    %slice3A_258 = vector.extract_strided_slice %slice3A_254 {offsets = [0, 0], sizes = [240, 8], strides = [1, 1]} : vector<1280x8xbf16> to vector<240x8xbf16>
    %slice3A_259 = vector.extract_strided_slice %slice3A_255 {offsets = [0, 0], sizes = [240, 8], strides = [1, 1]} : vector<1280x8xbf16> to vector<240x8xbf16>
    %dot_general3A_260 = arith.constant dense<0.000000e+00> : vector<240x240xf32>
    %dot_general3A_261 = tpu.matmul %slice3A_258, %slice3A_259, %dot_general3A_260 {dimension_numbers = #tpu.dot_dimension_numbers<[1], [1], [0], [0], [0, 0, 1, 0], [], []>, transpose_lhs_hint = false} : vector<240x8xbf16>, vector<240x8xbf16>, vector<240x240xf32> -> vector<240x240xf32>
    %add3A_262 = arith.addf %dot_general3A_261, %select_n3A_122 : vector<240x240xf32>
    %exp3A_263 = math.exp %add3A_262 : vector<240x240xf32>
    %slice3A_264 = vector.extract_strided_slice %concatenate3A_257 {offsets = [0, 0], sizes = [240, 9], strides = [1, 1]} : vector<1280x9xf32> to vector<240x9xf32>
    %dot_general3A_265 = arith.constant dense<0.000000e+00> : vector<240x9xf32>
    %dot_general3A_266 = tpu.matmul %exp3A_263, %slice3A_264, %dot_general3A_265 {dimension_numbers = #tpu.dot_dimension_numbers<[1], [0], [0], [1], [0, 0, 1, 1], [], []>, transpose_lhs_hint = false} : vector<240x240xf32>, vector<240x9xf32>, vector<240x9xf32> -> vector<240x9xf32>
    %slice3A_267 = vector.extract_strided_slice %slice3A_254 {offsets = [240, 0], sizes = [240, 8], strides = [1, 1]} : vector<1280x8xbf16> to vector<240x8xbf16>
    %slice3A_268 = vector.extract_strided_slice %slice3A_255 {offsets = [240, 0], sizes = [240, 8], strides = [1, 1]} : vector<1280x8xbf16> to vector<240x8xbf16>
    %dot_general3A_269 = arith.constant dense<0.000000e+00> : vector<240x240xf32>
    %dot_general3A_270 = tpu.matmul %slice3A_267, %slice3A_268, %dot_general3A_269 {dimension_numbers = #tpu.dot_dimension_numbers<[1], [1], [0], [0], [0, 0, 1, 0], [], []>, transpose_lhs_hint = false} : vector<240x8xbf16>, vector<240x8xbf16>, vector<240x240xf32> -> vector<240x240xf32>
    %add3A_271 = arith.addf %dot_general3A_270, %select_n3A_122 : vector<240x240xf32>
    %exp3A_272 = math.exp %add3A_271 : vector<240x240xf32>
    %slice3A_273 = vector.extract_strided_slice %concatenate3A_257 {offsets = [240, 0], sizes = [240, 9], strides = [1, 1]} : vector<1280x9xf32> to vector<240x9xf32>
    %dot_general3A_274 = arith.constant dense<0.000000e+00> : vector<240x9xf32>
    %dot_general3A_275 = tpu.matmul %exp3A_272, %slice3A_273, %dot_general3A_274 {dimension_numbers = #tpu.dot_dimension_numbers<[1], [0], [0], [1], [0, 0, 1, 1], [], []>, transpose_lhs_hint = false} : vector<240x240xf32>, vector<240x9xf32>, vector<240x9xf32> -> vector<240x9xf32>
    %slice3A_276 = vector.extract_strided_slice %slice3A_254 {offsets = [480, 0], sizes = [240, 8], strides = [1, 1]} : vector<1280x8xbf16> to vector<240x8xbf16>
    %slice3A_277 = vector.extract_strided_slice %slice3A_255 {offsets = [480, 0], sizes = [240, 8], strides = [1, 1]} : vector<1280x8xbf16> to vector<240x8xbf16>
    %dot_general3A_278 = arith.constant dense<0.000000e+00> : vector<240x240xf32>
    %dot_general3A_279 = tpu.matmul %slice3A_276, %slice3A_277, %dot_general3A_278 {dimension_numbers = #tpu.dot_dimension_numbers<[1], [1], [0], [0], [0, 0, 1, 0], [], []>, transpose_lhs_hint = false} : vector<240x8xbf16>, vector<240x8xbf16>, vector<240x240xf32> -> vector<240x240xf32>
    %add3A_280 = arith.addf %dot_general3A_279, %select_n3A_122 : vector<240x240xf32>
    %exp3A_281 = math.exp %add3A_280 : vector<240x240xf32>
    %slice3A_282 = vector.extract_strided_slice %concatenate3A_257 {offsets = [480, 0], sizes = [240, 9], strides = [1, 1]} : vector<1280x9xf32> to vector<240x9xf32>
    %dot_general3A_283 = arith.constant dense<0.000000e+00> : vector<240x9xf32>
    %dot_general3A_284 = tpu.matmul %exp3A_281, %slice3A_282, %dot_general3A_283 {dimension_numbers = #tpu.dot_dimension_numbers<[1], [0], [0], [1], [0, 0, 1, 1], [], []>, transpose_lhs_hint = false} : vector<240x240xf32>, vector<240x9xf32>, vector<240x9xf32> -> vector<240x9xf32>
    %slice3A_285 = vector.extract_strided_slice %slice3A_254 {offsets = [720, 0], sizes = [240, 8], strides = [1, 1]} : vector<1280x8xbf16> to vector<240x8xbf16>
    %slice3A_286 = vector.extract_strided_slice %slice3A_255 {offsets = [720, 0], sizes = [240, 8], strides = [1, 1]} : vector<1280x8xbf16> to vector<240x8xbf16>
    %dot_general3A_287 = arith.constant dense<0.000000e+00> : vector<240x240xf32>
    %dot_general3A_288 = tpu.matmul %slice3A_285, %slice3A_286, %dot_general3A_287 {dimension_numbers = #tpu.dot_dimension_numbers<[1], [1], [0], [0], [0, 0, 1, 0], [], []>, transpose_lhs_hint = false} : vector<240x8xbf16>, vector<240x8xbf16>, vector<240x240xf32> -> vector<240x240xf32>
    %add3A_289 = arith.addf %dot_general3A_288, %select_n3A_122 : vector<240x240xf32>
    %exp3A_290 = math.exp %add3A_289 : vector<240x240xf32>
    %slice3A_291 = vector.extract_strided_slice %concatenate3A_257 {offsets = [720, 0], sizes = [240, 9], strides = [1, 1]} : vector<1280x9xf32> to vector<240x9xf32>
    %dot_general3A_292 = arith.constant dense<0.000000e+00> : vector<240x9xf32>
    %dot_general3A_293 = tpu.matmul %exp3A_290, %slice3A_291, %dot_general3A_292 {dimension_numbers = #tpu.dot_dimension_numbers<[1], [0], [0], [1], [0, 0, 1, 1], [], []>, transpose_lhs_hint = false} : vector<240x240xf32>, vector<240x9xf32>, vector<240x9xf32> -> vector<240x9xf32>
    %slice3A_294 = vector.extract_strided_slice %slice3A_254 {offsets = [960, 0], sizes = [240, 8], strides = [1, 1]} : vector<1280x8xbf16> to vector<240x8xbf16>
    %slice3A_295 = vector.extract_strided_slice %slice3A_255 {offsets = [960, 0], sizes = [240, 8], strides = [1, 1]} : vector<1280x8xbf16> to vector<240x8xbf16>
    %dot_general3A_296 = arith.constant dense<0.000000e+00> : vector<240x240xf32>
    %dot_general3A_297 = tpu.matmul %slice3A_294, %slice3A_295, %dot_general3A_296 {dimension_numbers = #tpu.dot_dimension_numbers<[1], [1], [0], [0], [0, 0, 1, 0], [], []>, transpose_lhs_hint = false} : vector<240x8xbf16>, vector<240x8xbf16>, vector<240x240xf32> -> vector<240x240xf32>
    %add3A_298 = arith.addf %dot_general3A_297, %select_n3A_122 : vector<240x240xf32>
    %exp3A_299 = math.exp %add3A_298 : vector<240x240xf32>
    %slice3A_300 = vector.extract_strided_slice %concatenate3A_257 {offsets = [960, 0], sizes = [240, 9], strides = [1, 1]} : vector<1280x9xf32> to vector<240x9xf32>
    %dot_general3A_301 = arith.constant dense<0.000000e+00> : vector<240x9xf32>
    %dot_general3A_302 = tpu.matmul %exp3A_299, %slice3A_300, %dot_general3A_301 {dimension_numbers = #tpu.dot_dimension_numbers<[1], [0], [0], [1], [0, 0, 1, 1], [], []>, transpose_lhs_hint = false} : vector<240x240xf32>, vector<240x9xf32>, vector<240x9xf32> -> vector<240x9xf32>
    %slice3A_303 = vector.extract_strided_slice %slice3A_254 {offsets = [1200, 0], sizes = [80, 8], strides = [1, 1]} : vector<1280x8xbf16> to vector<80x8xbf16>
    %slice3A_304 = vector.extract_strided_slice %slice3A_255 {offsets = [1200, 0], sizes = [80, 8], strides = [1, 1]} : vector<1280x8xbf16> to vector<80x8xbf16>
    %dot_general3A_305 = arith.constant dense<0.000000e+00> : vector<80x80xf32>
    %dot_general3A_306 = tpu.matmul %slice3A_303, %slice3A_304, %dot_general3A_305 {dimension_numbers = #tpu.dot_dimension_numbers<[1], [1], [0], [0], [0, 0, 1, 0], [], []>, transpose_lhs_hint = false} : vector<80x8xbf16>, vector<80x8xbf16>, vector<80x80xf32> -> vector<80x80xf32>
    %add3A_307 = arith.addf %dot_general3A_306, %select_n3A_192 : vector<80x80xf32>
    %exp3A_308 = math.exp %add3A_307 : vector<80x80xf32>
    %slice3A_309 = vector.extract_strided_slice %concatenate3A_257 {offsets = [1200, 0], sizes = [80, 9], strides = [1, 1]} : vector<1280x9xf32> to vector<80x9xf32>
    %dot_general3A_310 = arith.constant dense<0.000000e+00> : vector<80x9xf32>
    %dot_general3A_311 = tpu.matmul %exp3A_308, %slice3A_309, %dot_general3A_310 {dimension_numbers = #tpu.dot_dimension_numbers<[1], [0], [0], [1], [0, 0, 1, 1], [], []>, transpose_lhs_hint = false} : vector<80x80xf32>, vector<80x9xf32>, vector<80x9xf32> -> vector<80x9xf32>
    %concatenate3A_312 = tpu.concatenate %dot_general3A_266, %dot_general3A_275, %dot_general3A_284, %dot_general3A_293, %dot_general3A_302, %dot_general3A_311 in 0 : vector<240x9xf32>, vector<240x9xf32>, vector<240x9xf32>, vector<240x9xf32>, vector<240x9xf32>, vector<80x9xf32> -> vector<1280x9xf32>
    %slice3A_313 = vector.extract_strided_slice %concatenate3A_312 {offsets = [0, 0], sizes = [1280, 8], strides = [1, 1]} : vector<1280x9xf32> to vector<1280x8xf32>
    %slice3A_314 = vector.extract_strided_slice %concatenate3A_312 {offsets = [0, 8], sizes = [1280, 1], strides = [1, 1]} : vector<1280x9xf32> to vector<1280x1xf32>
    %slice3A_315 = vector.extract_strided_slice %convert_element_type3A {offsets = [0, 16], sizes = [1280, 8], strides = [1, 1]} : vector<1280x64xbf16> to vector<1280x8xbf16>
    %slice3A_316 = vector.extract_strided_slice %convert_element_type3A_195 {offsets = [0, 16], sizes = [1280, 8], strides = [1, 1]} : vector<1280x64xbf16> to vector<1280x8xbf16>
    %slice3A_317 = vector.extract_strided_slice %add3A_61 {offsets = [0, 16], sizes = [1280, 8], strides = [1, 1]} : vector<1280x64xf32> to vector<1280x8xf32>
    %concatenate3A_318 = tpu.concatenate %slice3A_317, %broadcast_in_dim3A_194 in 1 : vector<1280x8xf32>, vector<1280x1xf32> -> vector<1280x9xf32>
    %slice3A_319 = vector.extract_strided_slice %slice3A_315 {offsets = [0, 0], sizes = [240, 8], strides = [1, 1]} : vector<1280x8xbf16> to vector<240x8xbf16>
    %slice3A_320 = vector.extract_strided_slice %slice3A_316 {offsets = [0, 0], sizes = [240, 8], strides = [1, 1]} : vector<1280x8xbf16> to vector<240x8xbf16>
    %dot_general3A_321 = arith.constant dense<0.000000e+00> : vector<240x240xf32>
    %dot_general3A_322 = tpu.matmul %slice3A_319, %slice3A_320, %dot_general3A_321 {dimension_numbers = #tpu.dot_dimension_numbers<[1], [1], [0], [0], [0, 0, 1, 0], [], []>, transpose_lhs_hint = false} : vector<240x8xbf16>, vector<240x8xbf16>, vector<240x240xf32> -> vector<240x240xf32>
    %add3A_323 = arith.addf %dot_general3A_322, %select_n3A_122 : vector<240x240xf32>
    %exp3A_324 = math.exp %add3A_323 : vector<240x240xf32>
    %slice3A_325 = vector.extract_strided_slice %concatenate3A_318 {offsets = [0, 0], sizes = [240, 9], strides = [1, 1]} : vector<1280x9xf32> to vector<240x9xf32>
    %dot_general3A_326 = arith.constant dense<0.000000e+00> : vector<240x9xf32>
    %dot_general3A_327 = tpu.matmul %exp3A_324, %slice3A_325, %dot_general3A_326 {dimension_numbers = #tpu.dot_dimension_numbers<[1], [0], [0], [1], [0, 0, 1, 1], [], []>, transpose_lhs_hint = false} : vector<240x240xf32>, vector<240x9xf32>, vector<240x9xf32> -> vector<240x9xf32>
    %slice3A_328 = vector.extract_strided_slice %slice3A_315 {offsets = [240, 0], sizes = [240, 8], strides = [1, 1]} : vector<1280x8xbf16> to vector<240x8xbf16>
    %slice3A_329 = vector.extract_strided_slice %slice3A_316 {offsets = [240, 0], sizes = [240, 8], strides = [1, 1]} : vector<1280x8xbf16> to vector<240x8xbf16>
    %dot_general3A_330 = arith.constant dense<0.000000e+00> : vector<240x240xf32>
    %dot_general3A_331 = tpu.matmul %slice3A_328, %slice3A_329, %dot_general3A_330 {dimension_numbers = #tpu.dot_dimension_numbers<[1], [1], [0], [0], [0, 0, 1, 0], [], []>, transpose_lhs_hint = false} : vector<240x8xbf16>, vector<240x8xbf16>, vector<240x240xf32> -> vector<240x240xf32>
    %add3A_332 = arith.addf %dot_general3A_331, %select_n3A_122 : vector<240x240xf32>
    %exp3A_333 = math.exp %add3A_332 : vector<240x240xf32>
    %slice3A_334 = vector.extract_strided_slice %concatenate3A_318 {offsets = [240, 0], sizes = [240, 9], strides = [1, 1]} : vector<1280x9xf32> to vector<240x9xf32>
    %dot_general3A_335 = arith.constant dense<0.000000e+00> : vector<240x9xf32>
    %dot_general3A_336 = tpu.matmul %exp3A_333, %slice3A_334, %dot_general3A_335 {dimension_numbers = #tpu.dot_dimension_numbers<[1], [0], [0], [1], [0, 0, 1, 1], [], []>, transpose_lhs_hint = false} : vector<240x240xf32>, vector<240x9xf32>, vector<240x9xf32> -> vector<240x9xf32>
    %slice3A_337 = vector.extract_strided_slice %slice3A_315 {offsets = [480, 0], sizes = [240, 8], strides = [1, 1]} : vector<1280x8xbf16> to vector<240x8xbf16>
    %slice3A_338 = vector.extract_strided_slice %slice3A_316 {offsets = [480, 0], sizes = [240, 8], strides = [1, 1]} : vector<1280x8xbf16> to vector<240x8xbf16>
    %dot_general3A_339 = arith.constant dense<0.000000e+00> : vector<240x240xf32>
    %dot_general3A_340 = tpu.matmul %slice3A_337, %slice3A_338, %dot_general3A_339 {dimension_numbers = #tpu.dot_dimension_numbers<[1], [1], [0], [0], [0, 0, 1, 0], [], []>, transpose_lhs_hint = false} : vector<240x8xbf16>, vector<240x8xbf16>, vector<240x240xf32> -> vector<240x240xf32>
    %add3A_341 = arith.addf %dot_general3A_340, %select_n3A_122 : vector<240x240xf32>
    %exp3A_342 = math.exp %add3A_341 : vector<240x240xf32>
    %slice3A_343 = vector.extract_strided_slice %concatenate3A_318 {offsets = [480, 0], sizes = [240, 9], strides = [1, 1]} : vector<1280x9xf32> to vector<240x9xf32>
    %dot_general3A_344 = arith.constant dense<0.000000e+00> : vector<240x9xf32>
    %dot_general3A_345 = tpu.matmul %exp3A_342, %slice3A_343, %dot_general3A_344 {dimension_numbers = #tpu.dot_dimension_numbers<[1], [0], [0], [1], [0, 0, 1, 1], [], []>, transpose_lhs_hint = false} : vector<240x240xf32>, vector<240x9xf32>, vector<240x9xf32> -> vector<240x9xf32>
    %slice3A_346 = vector.extract_strided_slice %slice3A_315 {offsets = [720, 0], sizes = [240, 8], strides = [1, 1]} : vector<1280x8xbf16> to vector<240x8xbf16>
    %slice3A_347 = vector.extract_strided_slice %slice3A_316 {offsets = [720, 0], sizes = [240, 8], strides = [1, 1]} : vector<1280x8xbf16> to vector<240x8xbf16>
    %dot_general3A_348 = arith.constant dense<0.000000e+00> : vector<240x240xf32>
    %dot_general3A_349 = tpu.matmul %slice3A_346, %slice3A_347, %dot_general3A_348 {dimension_numbers = #tpu.dot_dimension_numbers<[1], [1], [0], [0], [0, 0, 1, 0], [], []>, transpose_lhs_hint = false} : vector<240x8xbf16>, vector<240x8xbf16>, vector<240x240xf32> -> vector<240x240xf32>
    %add3A_350 = arith.addf %dot_general3A_349, %select_n3A_122 : vector<240x240xf32>
    %exp3A_351 = math.exp %add3A_350 : vector<240x240xf32>
    %slice3A_352 = vector.extract_strided_slice %concatenate3A_318 {offsets = [720, 0], sizes = [240, 9], strides = [1, 1]} : vector<1280x9xf32> to vector<240x9xf32>
    %dot_general3A_353 = arith.constant dense<0.000000e+00> : vector<240x9xf32>
    %dot_general3A_354 = tpu.matmul %exp3A_351, %slice3A_352, %dot_general3A_353 {dimension_numbers = #tpu.dot_dimension_numbers<[1], [0], [0], [1], [0, 0, 1, 1], [], []>, transpose_lhs_hint = false} : vector<240x240xf32>, vector<240x9xf32>, vector<240x9xf32> -> vector<240x9xf32>
    %slice3A_355 = vector.extract_strided_slice %slice3A_315 {offsets = [960, 0], sizes = [240, 8], strides = [1, 1]} : vector<1280x8xbf16> to vector<240x8xbf16>
    %slice3A_356 = vector.extract_strided_slice %slice3A_316 {offsets = [960, 0], sizes = [240, 8], strides = [1, 1]} : vector<1280x8xbf16> to vector<240x8xbf16>
    %dot_general3A_357 = arith.constant dense<0.000000e+00> : vector<240x240xf32>
    %dot_general3A_358 = tpu.matmul %slice3A_355, %slice3A_356, %dot_general3A_357 {dimension_numbers = #tpu.dot_dimension_numbers<[1], [1], [0], [0], [0, 0, 1, 0], [], []>, transpose_lhs_hint = false} : vector<240x8xbf16>, vector<240x8xbf16>, vector<240x240xf32> -> vector<240x240xf32>
    %add3A_359 = arith.addf %dot_general3A_358, %select_n3A_122 : vector<240x240xf32>
    %exp3A_360 = math.exp %add3A_359 : vector<240x240xf32>
    %slice3A_361 = vector.extract_strided_slice %concatenate3A_318 {offsets = [960, 0], sizes = [240, 9], strides = [1, 1]} : vector<1280x9xf32> to vector<240x9xf32>
    %dot_general3A_362 = arith.constant dense<0.000000e+00> : vector<240x9xf32>
    %dot_general3A_363 = tpu.matmul %exp3A_360, %slice3A_361, %dot_general3A_362 {dimension_numbers = #tpu.dot_dimension_numbers<[1], [0], [0], [1], [0, 0, 1, 1], [], []>, transpose_lhs_hint = false} : vector<240x240xf32>, vector<240x9xf32>, vector<240x9xf32> -> vector<240x9xf32>
    %slice3A_364 = vector.extract_strided_slice %slice3A_315 {offsets = [1200, 0], sizes = [80, 8], strides = [1, 1]} : vector<1280x8xbf16> to vector<80x8xbf16>
    %slice3A_365 = vector.extract_strided_slice %slice3A_316 {offsets = [1200, 0], sizes = [80, 8], strides = [1, 1]} : vector<1280x8xbf16> to vector<80x8xbf16>
    %dot_general3A_366 = arith.constant dense<0.000000e+00> : vector<80x80xf32>
    %dot_general3A_367 = tpu.matmul %slice3A_364, %slice3A_365, %dot_general3A_366 {dimension_numbers = #tpu.dot_dimension_numbers<[1], [1], [0], [0], [0, 0, 1, 0], [], []>, transpose_lhs_hint = false} : vector<80x8xbf16>, vector<80x8xbf16>, vector<80x80xf32> -> vector<80x80xf32>
    %add3A_368 = arith.addf %dot_general3A_367, %select_n3A_192 : vector<80x80xf32>
    %exp3A_369 = math.exp %add3A_368 : vector<80x80xf32>
    %slice3A_370 = vector.extract_strided_slice %concatenate3A_318 {offsets = [1200, 0], sizes = [80, 9], strides = [1, 1]} : vector<1280x9xf32> to vector<80x9xf32>
    %dot_general3A_371 = arith.constant dense<0.000000e+00> : vector<80x9xf32>
    %dot_general3A_372 = tpu.matmul %exp3A_369, %slice3A_370, %dot_general3A_371 {dimension_numbers = #tpu.dot_dimension_numbers<[1], [0], [0], [1], [0, 0, 1, 1], [], []>, transpose_lhs_hint = false} : vector<80x80xf32>, vector<80x9xf32>, vector<80x9xf32> -> vector<80x9xf32>
    %concatenate3A_373 = tpu.concatenate %dot_general3A_327, %dot_general3A_336, %dot_general3A_345, %dot_general3A_354, %dot_general3A_363, %dot_general3A_372 in 0 : vector<240x9xf32>, vector<240x9xf32>, vector<240x9xf32>, vector<240x9xf32>, vector<240x9xf32>, vector<80x9xf32> -> vector<1280x9xf32>
    %slice3A_374 = vector.extract_strided_slice %concatenate3A_373 {offsets = [0, 0], sizes = [1280, 8], strides = [1, 1]} : vector<1280x9xf32> to vector<1280x8xf32>
    %slice3A_375 = vector.extract_strided_slice %concatenate3A_373 {offsets = [0, 8], sizes = [1280, 1], strides = [1, 1]} : vector<1280x9xf32> to vector<1280x1xf32>
    %slice3A_376 = vector.extract_strided_slice %convert_element_type3A {offsets = [0, 24], sizes = [1280, 8], strides = [1, 1]} : vector<1280x64xbf16> to vector<1280x8xbf16>
    %slice3A_377 = vector.extract_strided_slice %convert_element_type3A_195 {offsets = [0, 24], sizes = [1280, 8], strides = [1, 1]} : vector<1280x64xbf16> to vector<1280x8xbf16>
    %slice3A_378 = vector.extract_strided_slice %add3A_61 {offsets = [0, 24], sizes = [1280, 8], strides = [1, 1]} : vector<1280x64xf32> to vector<1280x8xf32>
    %concatenate3A_379 = tpu.concatenate %slice3A_378, %broadcast_in_dim3A_194 in 1 : vector<1280x8xf32>, vector<1280x1xf32> -> vector<1280x9xf32>
    %slice3A_380 = vector.extract_strided_slice %slice3A_376 {offsets = [0, 0], sizes = [240, 8], strides = [1, 1]} : vector<1280x8xbf16> to vector<240x8xbf16>
    %slice3A_381 = vector.extract_strided_slice %slice3A_377 {offsets = [0, 0], sizes = [240, 8], strides = [1, 1]} : vector<1280x8xbf16> to vector<240x8xbf16>
    %dot_general3A_382 = arith.constant dense<0.000000e+00> : vector<240x240xf32>
    %dot_general3A_383 = tpu.matmul %slice3A_380, %slice3A_381, %dot_general3A_382 {dimension_numbers = #tpu.dot_dimension_numbers<[1], [1], [0], [0], [0, 0, 1, 0], [], []>, transpose_lhs_hint = false} : vector<240x8xbf16>, vector<240x8xbf16>, vector<240x240xf32> -> vector<240x240xf32>
    %add3A_384 = arith.addf %dot_general3A_383, %select_n3A_122 : vector<240x240xf32>
    %exp3A_385 = math.exp %add3A_384 : vector<240x240xf32>
    %slice3A_386 = vector.extract_strided_slice %concatenate3A_379 {offsets = [0, 0], sizes = [240, 9], strides = [1, 1]} : vector<1280x9xf32> to vector<240x9xf32>
    %dot_general3A_387 = arith.constant dense<0.000000e+00> : vector<240x9xf32>
    %dot_general3A_388 = tpu.matmul %exp3A_385, %slice3A_386, %dot_general3A_387 {dimension_numbers = #tpu.dot_dimension_numbers<[1], [0], [0], [1], [0, 0, 1, 1], [], []>, transpose_lhs_hint = false} : vector<240x240xf32>, vector<240x9xf32>, vector<240x9xf32> -> vector<240x9xf32>
    %slice3A_389 = vector.extract_strided_slice %slice3A_376 {offsets = [240, 0], sizes = [240, 8], strides = [1, 1]} : vector<1280x8xbf16> to vector<240x8xbf16>
    %slice3A_390 = vector.extract_strided_slice %slice3A_377 {offsets = [240, 0], sizes = [240, 8], strides = [1, 1]} : vector<1280x8xbf16> to vector<240x8xbf16>
    %dot_general3A_391 = arith.constant dense<0.000000e+00> : vector<240x240xf32>
    %dot_general3A_392 = tpu.matmul %slice3A_389, %slice3A_390, %dot_general3A_391 {dimension_numbers = #tpu.dot_dimension_numbers<[1], [1], [0], [0], [0, 0, 1, 0], [], []>, transpose_lhs_hint = false} : vector<240x8xbf16>, vector<240x8xbf16>, vector<240x240xf32> -> vector<240x240xf32>
    %add3A_393 = arith.addf %dot_general3A_392, %select_n3A_122 : vector<240x240xf32>
    %exp3A_394 = math.exp %add3A_393 : vector<240x240xf32>
    %slice3A_395 = vector.extract_strided_slice %concatenate3A_379 {offsets = [240, 0], sizes = [240, 9], strides = [1, 1]} : vector<1280x9xf32> to vector<240x9xf32>
    %dot_general3A_396 = arith.constant dense<0.000000e+00> : vector<240x9xf32>
    %dot_general3A_397 = tpu.matmul %exp3A_394, %slice3A_395, %dot_general3A_396 {dimension_numbers = #tpu.dot_dimension_numbers<[1], [0], [0], [1], [0, 0, 1, 1], [], []>, transpose_lhs_hint = false} : vector<240x240xf32>, vector<240x9xf32>, vector<240x9xf32> -> vector<240x9xf32>
    %slice3A_398 = vector.extract_strided_slice %slice3A_376 {offsets = [480, 0], sizes = [240, 8], strides = [1, 1]} : vector<1280x8xbf16> to vector<240x8xbf16>
    %slice3A_399 = vector.extract_strided_slice %slice3A_377 {offsets = [480, 0], sizes = [240, 8], strides = [1, 1]} : vector<1280x8xbf16> to vector<240x8xbf16>
    %dot_general3A_400 = arith.constant dense<0.000000e+00> : vector<240x240xf32>
    %dot_general3A_401 = tpu.matmul %slice3A_398, %slice3A_399, %dot_general3A_400 {dimension_numbers = #tpu.dot_dimension_numbers<[1], [1], [0], [0], [0, 0, 1, 0], [], []>, transpose_lhs_hint = false} : vector<240x8xbf16>, vector<240x8xbf16>, vector<240x240xf32> -> vector<240x240xf32>
    %add3A_402 = arith.addf %dot_general3A_401, %select_n3A_122 : vector<240x240xf32>
    %exp3A_403 = math.exp %add3A_402 : vector<240x240xf32>
    %slice3A_404 = vector.extract_strided_slice %concatenate3A_379 {offsets = [480, 0], sizes = [240, 9], strides = [1, 1]} : vector<1280x9xf32> to vector<240x9xf32>
    %dot_general3A_405 = arith.constant dense<0.000000e+00> : vector<240x9xf32>
    %dot_general3A_406 = tpu.matmul %exp3A_403, %slice3A_404, %dot_general3A_405 {dimension_numbers = #tpu.dot_dimension_numbers<[1], [0], [0], [1], [0, 0, 1, 1], [], []>, transpose_lhs_hint = false} : vector<240x240xf32>, vector<240x9xf32>, vector<240x9xf32> -> vector<240x9xf32>
    %slice3A_407 = vector.extract_strided_slice %slice3A_376 {offsets = [720, 0], sizes = [240, 8], strides = [1, 1]} : vector<1280x8xbf16> to vector<240x8xbf16>
    %slice3A_408 = vector.extract_strided_slice %slice3A_377 {offsets = [720, 0], sizes = [240, 8], strides = [1, 1]} : vector<1280x8xbf16> to vector<240x8xbf16>
    %dot_general3A_409 = arith.constant dense<0.000000e+00> : vector<240x240xf32>
    %dot_general3A_410 = tpu.matmul %slice3A_407, %slice3A_408, %dot_general3A_409 {dimension_numbers = #tpu.dot_dimension_numbers<[1], [1], [0], [0], [0, 0, 1, 0], [], []>, transpose_lhs_hint = false} : vector<240x8xbf16>, vector<240x8xbf16>, vector<240x240xf32> -> vector<240x240xf32>
    %add3A_411 = arith.addf %dot_general3A_410, %select_n3A_122 : vector<240x240xf32>
    %exp3A_412 = math.exp %add3A_411 : vector<240x240xf32>
    %slice3A_413 = vector.extract_strided_slice %concatenate3A_379 {offsets = [720, 0], sizes = [240, 9], strides = [1, 1]} : vector<1280x9xf32> to vector<240x9xf32>
    %dot_general3A_414 = arith.constant dense<0.000000e+00> : vector<240x9xf32>
    %dot_general3A_415 = tpu.matmul %exp3A_412, %slice3A_413, %dot_general3A_414 {dimension_numbers = #tpu.dot_dimension_numbers<[1], [0], [0], [1], [0, 0, 1, 1], [], []>, transpose_lhs_hint = false} : vector<240x240xf32>, vector<240x9xf32>, vector<240x9xf32> -> vector<240x9xf32>
    %slice3A_416 = vector.extract_strided_slice %slice3A_376 {offsets = [960, 0], sizes = [240, 8], strides = [1, 1]} : vector<1280x8xbf16> to vector<240x8xbf16>
    %slice3A_417 = vector.extract_strided_slice %slice3A_377 {offsets = [960, 0], sizes = [240, 8], strides = [1, 1]} : vector<1280x8xbf16> to vector<240x8xbf16>
    %dot_general3A_418 = arith.constant dense<0.000000e+00> : vector<240x240xf32>
    %dot_general3A_419 = tpu.matmul %slice3A_416, %slice3A_417, %dot_general3A_418 {dimension_numbers = #tpu.dot_dimension_numbers<[1], [1], [0], [0], [0, 0, 1, 0], [], []>, transpose_lhs_hint = false} : vector<240x8xbf16>, vector<240x8xbf16>, vector<240x240xf32> -> vector<240x240xf32>
    %add3A_420 = arith.addf %dot_general3A_419, %select_n3A_122 : vector<240x240xf32>
    %exp3A_421 = math.exp %add3A_420 : vector<240x240xf32>
    %slice3A_422 = vector.extract_strided_slice %concatenate3A_379 {offsets = [960, 0], sizes = [240, 9], strides = [1, 1]} : vector<1280x9xf32> to vector<240x9xf32>
    %dot_general3A_423 = arith.constant dense<0.000000e+00> : vector<240x9xf32>
    %dot_general3A_424 = tpu.matmul %exp3A_421, %slice3A_422, %dot_general3A_423 {dimension_numbers = #tpu.dot_dimension_numbers<[1], [0], [0], [1], [0, 0, 1, 1], [], []>, transpose_lhs_hint = false} : vector<240x240xf32>, vector<240x9xf32>, vector<240x9xf32> -> vector<240x9xf32>
    %slice3A_425 = vector.extract_strided_slice %slice3A_376 {offsets = [1200, 0], sizes = [80, 8], strides = [1, 1]} : vector<1280x8xbf16> to vector<80x8xbf16>
    %slice3A_426 = vector.extract_strided_slice %slice3A_377 {offsets = [1200, 0], sizes = [80, 8], strides = [1, 1]} : vector<1280x8xbf16> to vector<80x8xbf16>
    %dot_general3A_427 = arith.constant dense<0.000000e+00> : vector<80x80xf32>
    %dot_general3A_428 = tpu.matmul %slice3A_425, %slice3A_426, %dot_general3A_427 {dimension_numbers = #tpu.dot_dimension_numbers<[1], [1], [0], [0], [0, 0, 1, 0], [], []>, transpose_lhs_hint = false} : vector<80x8xbf16>, vector<80x8xbf16>, vector<80x80xf32> -> vector<80x80xf32>
    %add3A_429 = arith.addf %dot_general3A_428, %select_n3A_192 : vector<80x80xf32>
    %exp3A_430 = math.exp %add3A_429 : vector<80x80xf32>
    %slice3A_431 = vector.extract_strided_slice %concatenate3A_379 {offsets = [1200, 0], sizes = [80, 9], strides = [1, 1]} : vector<1280x9xf32> to vector<80x9xf32>
    %dot_general3A_432 = arith.constant dense<0.000000e+00> : vector<80x9xf32>
    %dot_general3A_433 = tpu.matmul %exp3A_430, %slice3A_431, %dot_general3A_432 {dimension_numbers = #tpu.dot_dimension_numbers<[1], [0], [0], [1], [0, 0, 1, 1], [], []>, transpose_lhs_hint = false} : vector<80x80xf32>, vector<80x9xf32>, vector<80x9xf32> -> vector<80x9xf32>
    %concatenate3A_434 = tpu.concatenate %dot_general3A_388, %dot_general3A_397, %dot_general3A_406, %dot_general3A_415, %dot_general3A_424, %dot_general3A_433 in 0 : vector<240x9xf32>, vector<240x9xf32>, vector<240x9xf32>, vector<240x9xf32>, vector<240x9xf32>, vector<80x9xf32> -> vector<1280x9xf32>
    %slice3A_435 = vector.extract_strided_slice %concatenate3A_434 {offsets = [0, 0], sizes = [1280, 8], strides = [1, 1]} : vector<1280x9xf32> to vector<1280x8xf32>
    %slice3A_436 = vector.extract_strided_slice %concatenate3A_434 {offsets = [0, 8], sizes = [1280, 1], strides = [1, 1]} : vector<1280x9xf32> to vector<1280x1xf32>
    %slice3A_437 = vector.extract_strided_slice %convert_element_type3A {offsets = [0, 32], sizes = [1280, 8], strides = [1, 1]} : vector<1280x64xbf16> to vector<1280x8xbf16>
    %slice3A_438 = vector.extract_strided_slice %convert_element_type3A_195 {offsets = [0, 32], sizes = [1280, 8], strides = [1, 1]} : vector<1280x64xbf16> to vector<1280x8xbf16>
    %slice3A_439 = vector.extract_strided_slice %add3A_61 {offsets = [0, 32], sizes = [1280, 8], strides = [1, 1]} : vector<1280x64xf32> to vector<1280x8xf32>
    %concatenate3A_440 = tpu.concatenate %slice3A_439, %broadcast_in_dim3A_194 in 1 : vector<1280x8xf32>, vector<1280x1xf32> -> vector<1280x9xf32>
    %slice3A_441 = vector.extract_strided_slice %slice3A_437 {offsets = [0, 0], sizes = [240, 8], strides = [1, 1]} : vector<1280x8xbf16> to vector<240x8xbf16>
    %slice3A_442 = vector.extract_strided_slice %slice3A_438 {offsets = [0, 0], sizes = [240, 8], strides = [1, 1]} : vector<1280x8xbf16> to vector<240x8xbf16>
    %dot_general3A_443 = arith.constant dense<0.000000e+00> : vector<240x240xf32>
    %dot_general3A_444 = tpu.matmul %slice3A_441, %slice3A_442, %dot_general3A_443 {dimension_numbers = #tpu.dot_dimension_numbers<[1], [1], [0], [0], [0, 0, 1, 0], [], []>, transpose_lhs_hint = false} : vector<240x8xbf16>, vector<240x8xbf16>, vector<240x240xf32> -> vector<240x240xf32>
    %add3A_445 = arith.addf %dot_general3A_444, %select_n3A_122 : vector<240x240xf32>
    %exp3A_446 = math.exp %add3A_445 : vector<240x240xf32>
    %slice3A_447 = vector.extract_strided_slice %concatenate3A_440 {offsets = [0, 0], sizes = [240, 9], strides = [1, 1]} : vector<1280x9xf32> to vector<240x9xf32>
    %dot_general3A_448 = arith.constant dense<0.000000e+00> : vector<240x9xf32>
    %dot_general3A_449 = tpu.matmul %exp3A_446, %slice3A_447, %dot_general3A_448 {dimension_numbers = #tpu.dot_dimension_numbers<[1], [0], [0], [1], [0, 0, 1, 1], [], []>, transpose_lhs_hint = false} : vector<240x240xf32>, vector<240x9xf32>, vector<240x9xf32> -> vector<240x9xf32>
    %slice3A_450 = vector.extract_strided_slice %slice3A_437 {offsets = [240, 0], sizes = [240, 8], strides = [1, 1]} : vector<1280x8xbf16> to vector<240x8xbf16>
    %slice3A_451 = vector.extract_strided_slice %slice3A_438 {offsets = [240, 0], sizes = [240, 8], strides = [1, 1]} : vector<1280x8xbf16> to vector<240x8xbf16>
    %dot_general3A_452 = arith.constant dense<0.000000e+00> : vector<240x240xf32>
    %dot_general3A_453 = tpu.matmul %slice3A_450, %slice3A_451, %dot_general3A_452 {dimension_numbers = #tpu.dot_dimension_numbers<[1], [1], [0], [0], [0, 0, 1, 0], [], []>, transpose_lhs_hint = false} : vector<240x8xbf16>, vector<240x8xbf16>, vector<240x240xf32> -> vector<240x240xf32>
    %add3A_454 = arith.addf %dot_general3A_453, %select_n3A_122 : vector<240x240xf32>
    %exp3A_455 = math.exp %add3A_454 : vector<240x240xf32>
    %slice3A_456 = vector.extract_strided_slice %concatenate3A_440 {offsets = [240, 0], sizes = [240, 9], strides = [1, 1]} : vector<1280x9xf32> to vector<240x9xf32>
    %dot_general3A_457 = arith.constant dense<0.000000e+00> : vector<240x9xf32>
    %dot_general3A_458 = tpu.matmul %exp3A_455, %slice3A_456, %dot_general3A_457 {dimension_numbers = #tpu.dot_dimension_numbers<[1], [0], [0], [1], [0, 0, 1, 1], [], []>, transpose_lhs_hint = false} : vector<240x240xf32>, vector<240x9xf32>, vector<240x9xf32> -> vector<240x9xf32>
    %slice3A_459 = vector.extract_strided_slice %slice3A_437 {offsets = [480, 0], sizes = [240, 8], strides = [1, 1]} : vector<1280x8xbf16> to vector<240x8xbf16>
    %slice3A_460 = vector.extract_strided_slice %slice3A_438 {offsets = [480, 0], sizes = [240, 8], strides = [1, 1]} : vector<1280x8xbf16> to vector<240x8xbf16>
    %dot_general3A_461 = arith.constant dense<0.000000e+00> : vector<240x240xf32>
    %dot_general3A_462 = tpu.matmul %slice3A_459, %slice3A_460, %dot_general3A_461 {dimension_numbers = #tpu.dot_dimension_numbers<[1], [1], [0], [0], [0, 0, 1, 0], [], []>, transpose_lhs_hint = false} : vector<240x8xbf16>, vector<240x8xbf16>, vector<240x240xf32> -> vector<240x240xf32>
    %add3A_463 = arith.addf %dot_general3A_462, %select_n3A_122 : vector<240x240xf32>
    %exp3A_464 = math.exp %add3A_463 : vector<240x240xf32>
    %slice3A_465 = vector.extract_strided_slice %concatenate3A_440 {offsets = [480, 0], sizes = [240, 9], strides = [1, 1]} : vector<1280x9xf32> to vector<240x9xf32>
    %dot_general3A_466 = arith.constant dense<0.000000e+00> : vector<240x9xf32>
    %dot_general3A_467 = tpu.matmul %exp3A_464, %slice3A_465, %dot_general3A_466 {dimension_numbers = #tpu.dot_dimension_numbers<[1], [0], [0], [1], [0, 0, 1, 1], [], []>, transpose_lhs_hint = false} : vector<240x240xf32>, vector<240x9xf32>, vector<240x9xf32> -> vector<240x9xf32>
    %slice3A_468 = vector.extract_strided_slice %slice3A_437 {offsets = [720, 0], sizes = [240, 8], strides = [1, 1]} : vector<1280x8xbf16> to vector<240x8xbf16>
    %slice3A_469 = vector.extract_strided_slice %slice3A_438 {offsets = [720, 0], sizes = [240, 8], strides = [1, 1]} : vector<1280x8xbf16> to vector<240x8xbf16>
    %dot_general3A_470 = arith.constant dense<0.000000e+00> : vector<240x240xf32>
    %dot_general3A_471 = tpu.matmul %slice3A_468, %slice3A_469, %dot_general3A_470 {dimension_numbers = #tpu.dot_dimension_numbers<[1], [1], [0], [0], [0, 0, 1, 0], [], []>, transpose_lhs_hint = false} : vector<240x8xbf16>, vector<240x8xbf16>, vector<240x240xf32> -> vector<240x240xf32>
    %add3A_472 = arith.addf %dot_general3A_471, %select_n3A_122 : vector<240x240xf32>
    %exp3A_473 = math.exp %add3A_472 : vector<240x240xf32>
    %slice3A_474 = vector.extract_strided_slice %concatenate3A_440 {offsets = [720, 0], sizes = [240, 9], strides = [1, 1]} : vector<1280x9xf32> to vector<240x9xf32>
    %dot_general3A_475 = arith.constant dense<0.000000e+00> : vector<240x9xf32>
    %dot_general3A_476 = tpu.matmul %exp3A_473, %slice3A_474, %dot_general3A_475 {dimension_numbers = #tpu.dot_dimension_numbers<[1], [0], [0], [1], [0, 0, 1, 1], [], []>, transpose_lhs_hint = false} : vector<240x240xf32>, vector<240x9xf32>, vector<240x9xf32> -> vector<240x9xf32>
    %slice3A_477 = vector.extract_strided_slice %slice3A_437 {offsets = [960, 0], sizes = [240, 8], strides = [1, 1]} : vector<1280x8xbf16> to vector<240x8xbf16>
    %slice3A_478 = vector.extract_strided_slice %slice3A_438 {offsets = [960, 0], sizes = [240, 8], strides = [1, 1]} : vector<1280x8xbf16> to vector<240x8xbf16>
    %dot_general3A_479 = arith.constant dense<0.000000e+00> : vector<240x240xf32>
    %dot_general3A_480 = tpu.matmul %slice3A_477, %slice3A_478, %dot_general3A_479 {dimension_numbers = #tpu.dot_dimension_numbers<[1], [1], [0], [0], [0, 0, 1, 0], [], []>, transpose_lhs_hint = false} : vector<240x8xbf16>, vector<240x8xbf16>, vector<240x240xf32> -> vector<240x240xf32>
    %add3A_481 = arith.addf %dot_general3A_480, %select_n3A_122 : vector<240x240xf32>
    %exp3A_482 = math.exp %add3A_481 : vector<240x240xf32>
    %slice3A_483 = vector.extract_strided_slice %concatenate3A_440 {offsets = [960, 0], sizes = [240, 9], strides = [1, 1]} : vector<1280x9xf32> to vector<240x9xf32>
    %dot_general3A_484 = arith.constant dense<0.000000e+00> : vector<240x9xf32>
    %dot_general3A_485 = tpu.matmul %exp3A_482, %slice3A_483, %dot_general3A_484 {dimension_numbers = #tpu.dot_dimension_numbers<[1], [0], [0], [1], [0, 0, 1, 1], [], []>, transpose_lhs_hint = false} : vector<240x240xf32>, vector<240x9xf32>, vector<240x9xf32> -> vector<240x9xf32>
    %slice3A_486 = vector.extract_strided_slice %slice3A_437 {offsets = [1200, 0], sizes = [80, 8], strides = [1, 1]} : vector<1280x8xbf16> to vector<80x8xbf16>
    %slice3A_487 = vector.extract_strided_slice %slice3A_438 {offsets = [1200, 0], sizes = [80, 8], strides = [1, 1]} : vector<1280x8xbf16> to vector<80x8xbf16>
    %dot_general3A_488 = arith.constant dense<0.000000e+00> : vector<80x80xf32>
    %dot_general3A_489 = tpu.matmul %slice3A_486, %slice3A_487, %dot_general3A_488 {dimension_numbers = #tpu.dot_dimension_numbers<[1], [1], [0], [0], [0, 0, 1, 0], [], []>, transpose_lhs_hint = false} : vector<80x8xbf16>, vector<80x8xbf16>, vector<80x80xf32> -> vector<80x80xf32>
    %add3A_490 = arith.addf %dot_general3A_489, %select_n3A_192 : vector<80x80xf32>
    %exp3A_491 = math.exp %add3A_490 : vector<80x80xf32>
    %slice3A_492 = vector.extract_strided_slice %concatenate3A_440 {offsets = [1200, 0], sizes = [80, 9], strides = [1, 1]} : vector<1280x9xf32> to vector<80x9xf32>
    %dot_general3A_493 = arith.constant dense<0.000000e+00> : vector<80x9xf32>
    %dot_general3A_494 = tpu.matmul %exp3A_491, %slice3A_492, %dot_general3A_493 {dimension_numbers = #tpu.dot_dimension_numbers<[1], [0], [0], [1], [0, 0, 1, 1], [], []>, transpose_lhs_hint = false} : vector<80x80xf32>, vector<80x9xf32>, vector<80x9xf32> -> vector<80x9xf32>
    %concatenate3A_495 = tpu.concatenate %dot_general3A_449, %dot_general3A_458, %dot_general3A_467, %dot_general3A_476, %dot_general3A_485, %dot_general3A_494 in 0 : vector<240x9xf32>, vector<240x9xf32>, vector<240x9xf32>, vector<240x9xf32>, vector<240x9xf32>, vector<80x9xf32> -> vector<1280x9xf32>
    %slice3A_496 = vector.extract_strided_slice %concatenate3A_495 {offsets = [0, 0], sizes = [1280, 8], strides = [1, 1]} : vector<1280x9xf32> to vector<1280x8xf32>
    %slice3A_497 = vector.extract_strided_slice %concatenate3A_495 {offsets = [0, 8], sizes = [1280, 1], strides = [1, 1]} : vector<1280x9xf32> to vector<1280x1xf32>
    %slice3A_498 = vector.extract_strided_slice %convert_element_type3A {offsets = [0, 40], sizes = [1280, 8], strides = [1, 1]} : vector<1280x64xbf16> to vector<1280x8xbf16>
    %slice3A_499 = vector.extract_strided_slice %convert_element_type3A_195 {offsets = [0, 40], sizes = [1280, 8], strides = [1, 1]} : vector<1280x64xbf16> to vector<1280x8xbf16>
    %slice3A_500 = vector.extract_strided_slice %add3A_61 {offsets = [0, 40], sizes = [1280, 8], strides = [1, 1]} : vector<1280x64xf32> to vector<1280x8xf32>
    %concatenate3A_501 = tpu.concatenate %slice3A_500, %broadcast_in_dim3A_194 in 1 : vector<1280x8xf32>, vector<1280x1xf32> -> vector<1280x9xf32>
    %slice3A_502 = vector.extract_strided_slice %slice3A_498 {offsets = [0, 0], sizes = [240, 8], strides = [1, 1]} : vector<1280x8xbf16> to vector<240x8xbf16>
    %slice3A_503 = vector.extract_strided_slice %slice3A_499 {offsets = [0, 0], sizes = [240, 8], strides = [1, 1]} : vector<1280x8xbf16> to vector<240x8xbf16>
    %dot_general3A_504 = arith.constant dense<0.000000e+00> : vector<240x240xf32>
    %dot_general3A_505 = tpu.matmul %slice3A_502, %slice3A_503, %dot_general3A_504 {dimension_numbers = #tpu.dot_dimension_numbers<[1], [1], [0], [0], [0, 0, 1, 0], [], []>, transpose_lhs_hint = false} : vector<240x8xbf16>, vector<240x8xbf16>, vector<240x240xf32> -> vector<240x240xf32>
    %add3A_506 = arith.addf %dot_general3A_505, %select_n3A_122 : vector<240x240xf32>
    %exp3A_507 = math.exp %add3A_506 : vector<240x240xf32>
    %slice3A_508 = vector.extract_strided_slice %concatenate3A_501 {offsets = [0, 0], sizes = [240, 9], strides = [1, 1]} : vector<1280x9xf32> to vector<240x9xf32>
    %dot_general3A_509 = arith.constant dense<0.000000e+00> : vector<240x9xf32>
    %dot_general3A_510 = tpu.matmul %exp3A_507, %slice3A_508, %dot_general3A_509 {dimension_numbers = #tpu.dot_dimension_numbers<[1], [0], [0], [1], [0, 0, 1, 1], [], []>, transpose_lhs_hint = false} : vector<240x240xf32>, vector<240x9xf32>, vector<240x9xf32> -> vector<240x9xf32>
    %slice3A_511 = vector.extract_strided_slice %slice3A_498 {offsets = [240, 0], sizes = [240, 8], strides = [1, 1]} : vector<1280x8xbf16> to vector<240x8xbf16>
    %slice3A_512 = vector.extract_strided_slice %slice3A_499 {offsets = [240, 0], sizes = [240, 8], strides = [1, 1]} : vector<1280x8xbf16> to vector<240x8xbf16>
    %dot_general3A_513 = arith.constant dense<0.000000e+00> : vector<240x240xf32>
    %dot_general3A_514 = tpu.matmul %slice3A_511, %slice3A_512, %dot_general3A_513 {dimension_numbers = #tpu.dot_dimension_numbers<[1], [1], [0], [0], [0, 0, 1, 0], [], []>, transpose_lhs_hint = false} : vector<240x8xbf16>, vector<240x8xbf16>, vector<240x240xf32> -> vector<240x240xf32>
    %add3A_515 = arith.addf %dot_general3A_514, %select_n3A_122 : vector<240x240xf32>
    %exp3A_516 = math.exp %add3A_515 : vector<240x240xf32>
    %slice3A_517 = vector.extract_strided_slice %concatenate3A_501 {offsets = [240, 0], sizes = [240, 9], strides = [1, 1]} : vector<1280x9xf32> to vector<240x9xf32>
    %dot_general3A_518 = arith.constant dense<0.000000e+00> : vector<240x9xf32>
    %dot_general3A_519 = tpu.matmul %exp3A_516, %slice3A_517, %dot_general3A_518 {dimension_numbers = #tpu.dot_dimension_numbers<[1], [0], [0], [1], [0, 0, 1, 1], [], []>, transpose_lhs_hint = false} : vector<240x240xf32>, vector<240x9xf32>, vector<240x9xf32> -> vector<240x9xf32>
    %slice3A_520 = vector.extract_strided_slice %slice3A_498 {offsets = [480, 0], sizes = [240, 8], strides = [1, 1]} : vector<1280x8xbf16> to vector<240x8xbf16>
    %slice3A_521 = vector.extract_strided_slice %slice3A_499 {offsets = [480, 0], sizes = [240, 8], strides = [1, 1]} : vector<1280x8xbf16> to vector<240x8xbf16>
    %dot_general3A_522 = arith.constant dense<0.000000e+00> : vector<240x240xf32>
    %dot_general3A_523 = tpu.matmul %slice3A_520, %slice3A_521, %dot_general3A_522 {dimension_numbers = #tpu.dot_dimension_numbers<[1], [1], [0], [0], [0, 0, 1, 0], [], []>, transpose_lhs_hint = false} : vector<240x8xbf16>, vector<240x8xbf16>, vector<240x240xf32> -> vector<240x240xf32>
    %add3A_524 = arith.addf %dot_general3A_523, %select_n3A_122 : vector<240x240xf32>
    %exp3A_525 = math.exp %add3A_524 : vector<240x240xf32>
    %slice3A_526 = vector.extract_strided_slice %concatenate3A_501 {offsets = [480, 0], sizes = [240, 9], strides = [1, 1]} : vector<1280x9xf32> to vector<240x9xf32>
    %dot_general3A_527 = arith.constant dense<0.000000e+00> : vector<240x9xf32>
    %dot_general3A_528 = tpu.matmul %exp3A_525, %slice3A_526, %dot_general3A_527 {dimension_numbers = #tpu.dot_dimension_numbers<[1], [0], [0], [1], [0, 0, 1, 1], [], []>, transpose_lhs_hint = false} : vector<240x240xf32>, vector<240x9xf32>, vector<240x9xf32> -> vector<240x9xf32>
    %slice3A_529 = vector.extract_strided_slice %slice3A_498 {offsets = [720, 0], sizes = [240, 8], strides = [1, 1]} : vector<1280x8xbf16> to vector<240x8xbf16>
    %slice3A_530 = vector.extract_strided_slice %slice3A_499 {offsets = [720, 0], sizes = [240, 8], strides = [1, 1]} : vector<1280x8xbf16> to vector<240x8xbf16>
    %dot_general3A_531 = arith.constant dense<0.000000e+00> : vector<240x240xf32>
    %dot_general3A_532 = tpu.matmul %slice3A_529, %slice3A_530, %dot_general3A_531 {dimension_numbers = #tpu.dot_dimension_numbers<[1], [1], [0], [0], [0, 0, 1, 0], [], []>, transpose_lhs_hint = false} : vector<240x8xbf16>, vector<240x8xbf16>, vector<240x240xf32> -> vector<240x240xf32>
    %add3A_533 = arith.addf %dot_general3A_532, %select_n3A_122 : vector<240x240xf32>
    %exp3A_534 = math.exp %add3A_533 : vector<240x240xf32>
    %slice3A_535 = vector.extract_strided_slice %concatenate3A_501 {offsets = [720, 0], sizes = [240, 9], strides = [1, 1]} : vector<1280x9xf32> to vector<240x9xf32>
    %dot_general3A_536 = arith.constant dense<0.000000e+00> : vector<240x9xf32>
    %dot_general3A_537 = tpu.matmul %exp3A_534, %slice3A_535, %dot_general3A_536 {dimension_numbers = #tpu.dot_dimension_numbers<[1], [0], [0], [1], [0, 0, 1, 1], [], []>, transpose_lhs_hint = false} : vector<240x240xf32>, vector<240x9xf32>, vector<240x9xf32> -> vector<240x9xf32>
    %slice3A_538 = vector.extract_strided_slice %slice3A_498 {offsets = [960, 0], sizes = [240, 8], strides = [1, 1]} : vector<1280x8xbf16> to vector<240x8xbf16>
    %slice3A_539 = vector.extract_strided_slice %slice3A_499 {offsets = [960, 0], sizes = [240, 8], strides = [1, 1]} : vector<1280x8xbf16> to vector<240x8xbf16>
    %dot_general3A_540 = arith.constant dense<0.000000e+00> : vector<240x240xf32>
    %dot_general3A_541 = tpu.matmul %slice3A_538, %slice3A_539, %dot_general3A_540 {dimension_numbers = #tpu.dot_dimension_numbers<[1], [1], [0], [0], [0, 0, 1, 0], [], []>, transpose_lhs_hint = false} : vector<240x8xbf16>, vector<240x8xbf16>, vector<240x240xf32> -> vector<240x240xf32>
    %add3A_542 = arith.addf %dot_general3A_541, %select_n3A_122 : vector<240x240xf32>
    %exp3A_543 = math.exp %add3A_542 : vector<240x240xf32>
    %slice3A_544 = vector.extract_strided_slice %concatenate3A_501 {offsets = [960, 0], sizes = [240, 9], strides = [1, 1]} : vector<1280x9xf32> to vector<240x9xf32>
    %dot_general3A_545 = arith.constant dense<0.000000e+00> : vector<240x9xf32>
    %dot_general3A_546 = tpu.matmul %exp3A_543, %slice3A_544, %dot_general3A_545 {dimension_numbers = #tpu.dot_dimension_numbers<[1], [0], [0], [1], [0, 0, 1, 1], [], []>, transpose_lhs_hint = false} : vector<240x240xf32>, vector<240x9xf32>, vector<240x9xf32> -> vector<240x9xf32>
    %slice3A_547 = vector.extract_strided_slice %slice3A_498 {offsets = [1200, 0], sizes = [80, 8], strides = [1, 1]} : vector<1280x8xbf16> to vector<80x8xbf16>
    %slice3A_548 = vector.extract_strided_slice %slice3A_499 {offsets = [1200, 0], sizes = [80, 8], strides = [1, 1]} : vector<1280x8xbf16> to vector<80x8xbf16>
    %dot_general3A_549 = arith.constant dense<0.000000e+00> : vector<80x80xf32>
    %dot_general3A_550 = tpu.matmul %slice3A_547, %slice3A_548, %dot_general3A_549 {dimension_numbers = #tpu.dot_dimension_numbers<[1], [1], [0], [0], [0, 0, 1, 0], [], []>, transpose_lhs_hint = false} : vector<80x8xbf16>, vector<80x8xbf16>, vector<80x80xf32> -> vector<80x80xf32>
    %add3A_551 = arith.addf %dot_general3A_550, %select_n3A_192 : vector<80x80xf32>
    %exp3A_552 = math.exp %add3A_551 : vector<80x80xf32>
    %slice3A_553 = vector.extract_strided_slice %concatenate3A_501 {offsets = [1200, 0], sizes = [80, 9], strides = [1, 1]} : vector<1280x9xf32> to vector<80x9xf32>
    %dot_general3A_554 = arith.constant dense<0.000000e+00> : vector<80x9xf32>
    %dot_general3A_555 = tpu.matmul %exp3A_552, %slice3A_553, %dot_general3A_554 {dimension_numbers = #tpu.dot_dimension_numbers<[1], [0], [0], [1], [0, 0, 1, 1], [], []>, transpose_lhs_hint = false} : vector<80x80xf32>, vector<80x9xf32>, vector<80x9xf32> -> vector<80x9xf32>
    %concatenate3A_556 = tpu.concatenate %dot_general3A_510, %dot_general3A_519, %dot_general3A_528, %dot_general3A_537, %dot_general3A_546, %dot_general3A_555 in 0 : vector<240x9xf32>, vector<240x9xf32>, vector<240x9xf32>, vector<240x9xf32>, vector<240x9xf32>, vector<80x9xf32> -> vector<1280x9xf32>
    %slice3A_557 = vector.extract_strided_slice %concatenate3A_556 {offsets = [0, 0], sizes = [1280, 8], strides = [1, 1]} : vector<1280x9xf32> to vector<1280x8xf32>
    %slice3A_558 = vector.extract_strided_slice %concatenate3A_556 {offsets = [0, 8], sizes = [1280, 1], strides = [1, 1]} : vector<1280x9xf32> to vector<1280x1xf32>
    %slice3A_559 = vector.extract_strided_slice %convert_element_type3A {offsets = [0, 48], sizes = [1280, 8], strides = [1, 1]} : vector<1280x64xbf16> to vector<1280x8xbf16>
    %slice3A_560 = vector.extract_strided_slice %convert_element_type3A_195 {offsets = [0, 48], sizes = [1280, 8], strides = [1, 1]} : vector<1280x64xbf16> to vector<1280x8xbf16>
    %slice3A_561 = vector.extract_strided_slice %add3A_61 {offsets = [0, 48], sizes = [1280, 8], strides = [1, 1]} : vector<1280x64xf32> to vector<1280x8xf32>
    %concatenate3A_562 = tpu.concatenate %slice3A_561, %broadcast_in_dim3A_194 in 1 : vector<1280x8xf32>, vector<1280x1xf32> -> vector<1280x9xf32>
    %slice3A_563 = vector.extract_strided_slice %slice3A_559 {offsets = [0, 0], sizes = [240, 8], strides = [1, 1]} : vector<1280x8xbf16> to vector<240x8xbf16>
    %slice3A_564 = vector.extract_strided_slice %slice3A_560 {offsets = [0, 0], sizes = [240, 8], strides = [1, 1]} : vector<1280x8xbf16> to vector<240x8xbf16>
    %dot_general3A_565 = arith.constant dense<0.000000e+00> : vector<240x240xf32>
    %dot_general3A_566 = tpu.matmul %slice3A_563, %slice3A_564, %dot_general3A_565 {dimension_numbers = #tpu.dot_dimension_numbers<[1], [1], [0], [0], [0, 0, 1, 0], [], []>, transpose_lhs_hint = false} : vector<240x8xbf16>, vector<240x8xbf16>, vector<240x240xf32> -> vector<240x240xf32>
    %add3A_567 = arith.addf %dot_general3A_566, %select_n3A_122 : vector<240x240xf32>
    %exp3A_568 = math.exp %add3A_567 : vector<240x240xf32>
    %slice3A_569 = vector.extract_strided_slice %concatenate3A_562 {offsets = [0, 0], sizes = [240, 9], strides = [1, 1]} : vector<1280x9xf32> to vector<240x9xf32>
    %dot_general3A_570 = arith.constant dense<0.000000e+00> : vector<240x9xf32>
    %dot_general3A_571 = tpu.matmul %exp3A_568, %slice3A_569, %dot_general3A_570 {dimension_numbers = #tpu.dot_dimension_numbers<[1], [0], [0], [1], [0, 0, 1, 1], [], []>, transpose_lhs_hint = false} : vector<240x240xf32>, vector<240x9xf32>, vector<240x9xf32> -> vector<240x9xf32>
    %slice3A_572 = vector.extract_strided_slice %slice3A_559 {offsets = [240, 0], sizes = [240, 8], strides = [1, 1]} : vector<1280x8xbf16> to vector<240x8xbf16>
    %slice3A_573 = vector.extract_strided_slice %slice3A_560 {offsets = [240, 0], sizes = [240, 8], strides = [1, 1]} : vector<1280x8xbf16> to vector<240x8xbf16>
    %dot_general3A_574 = arith.constant dense<0.000000e+00> : vector<240x240xf32>
    %dot_general3A_575 = tpu.matmul %slice3A_572, %slice3A_573, %dot_general3A_574 {dimension_numbers = #tpu.dot_dimension_numbers<[1], [1], [0], [0], [0, 0, 1, 0], [], []>, transpose_lhs_hint = false} : vector<240x8xbf16>, vector<240x8xbf16>, vector<240x240xf32> -> vector<240x240xf32>
    %add3A_576 = arith.addf %dot_general3A_575, %select_n3A_122 : vector<240x240xf32>
    %exp3A_577 = math.exp %add3A_576 : vector<240x240xf32>
    %slice3A_578 = vector.extract_strided_slice %concatenate3A_562 {offsets = [240, 0], sizes = [240, 9], strides = [1, 1]} : vector<1280x9xf32> to vector<240x9xf32>
    %dot_general3A_579 = arith.constant dense<0.000000e+00> : vector<240x9xf32>
    %dot_general3A_580 = tpu.matmul %exp3A_577, %slice3A_578, %dot_general3A_579 {dimension_numbers = #tpu.dot_dimension_numbers<[1], [0], [0], [1], [0, 0, 1, 1], [], []>, transpose_lhs_hint = false} : vector<240x240xf32>, vector<240x9xf32>, vector<240x9xf32> -> vector<240x9xf32>
    %slice3A_581 = vector.extract_strided_slice %slice3A_559 {offsets = [480, 0], sizes = [240, 8], strides = [1, 1]} : vector<1280x8xbf16> to vector<240x8xbf16>
    %slice3A_582 = vector.extract_strided_slice %slice3A_560 {offsets = [480, 0], sizes = [240, 8], strides = [1, 1]} : vector<1280x8xbf16> to vector<240x8xbf16>
    %dot_general3A_583 = arith.constant dense<0.000000e+00> : vector<240x240xf32>
    %dot_general3A_584 = tpu.matmul %slice3A_581, %slice3A_582, %dot_general3A_583 {dimension_numbers = #tpu.dot_dimension_numbers<[1], [1], [0], [0], [0, 0, 1, 0], [], []>, transpose_lhs_hint = false} : vector<240x8xbf16>, vector<240x8xbf16>, vector<240x240xf32> -> vector<240x240xf32>
    %add3A_585 = arith.addf %dot_general3A_584, %select_n3A_122 : vector<240x240xf32>
    %exp3A_586 = math.exp %add3A_585 : vector<240x240xf32>
    %slice3A_587 = vector.extract_strided_slice %concatenate3A_562 {offsets = [480, 0], sizes = [240, 9], strides = [1, 1]} : vector<1280x9xf32> to vector<240x9xf32>
    %dot_general3A_588 = arith.constant dense<0.000000e+00> : vector<240x9xf32>
    %dot_general3A_589 = tpu.matmul %exp3A_586, %slice3A_587, %dot_general3A_588 {dimension_numbers = #tpu.dot_dimension_numbers<[1], [0], [0], [1], [0, 0, 1, 1], [], []>, transpose_lhs_hint = false} : vector<240x240xf32>, vector<240x9xf32>, vector<240x9xf32> -> vector<240x9xf32>
    %slice3A_590 = vector.extract_strided_slice %slice3A_559 {offsets = [720, 0], sizes = [240, 8], strides = [1, 1]} : vector<1280x8xbf16> to vector<240x8xbf16>
    %slice3A_591 = vector.extract_strided_slice %slice3A_560 {offsets = [720, 0], sizes = [240, 8], strides = [1, 1]} : vector<1280x8xbf16> to vector<240x8xbf16>
    %dot_general3A_592 = arith.constant dense<0.000000e+00> : vector<240x240xf32>
    %dot_general3A_593 = tpu.matmul %slice3A_590, %slice3A_591, %dot_general3A_592 {dimension_numbers = #tpu.dot_dimension_numbers<[1], [1], [0], [0], [0, 0, 1, 0], [], []>, transpose_lhs_hint = false} : vector<240x8xbf16>, vector<240x8xbf16>, vector<240x240xf32> -> vector<240x240xf32>
    %add3A_594 = arith.addf %dot_general3A_593, %select_n3A_122 : vector<240x240xf32>
    %exp3A_595 = math.exp %add3A_594 : vector<240x240xf32>
    %slice3A_596 = vector.extract_strided_slice %concatenate3A_562 {offsets = [720, 0], sizes = [240, 9], strides = [1, 1]} : vector<1280x9xf32> to vector<240x9xf32>
    %dot_general3A_597 = arith.constant dense<0.000000e+00> : vector<240x9xf32>
    %dot_general3A_598 = tpu.matmul %exp3A_595, %slice3A_596, %dot_general3A_597 {dimension_numbers = #tpu.dot_dimension_numbers<[1], [0], [0], [1], [0, 0, 1, 1], [], []>, transpose_lhs_hint = false} : vector<240x240xf32>, vector<240x9xf32>, vector<240x9xf32> -> vector<240x9xf32>
    %slice3A_599 = vector.extract_strided_slice %slice3A_559 {offsets = [960, 0], sizes = [240, 8], strides = [1, 1]} : vector<1280x8xbf16> to vector<240x8xbf16>
    %slice3A_600 = vector.extract_strided_slice %slice3A_560 {offsets = [960, 0], sizes = [240, 8], strides = [1, 1]} : vector<1280x8xbf16> to vector<240x8xbf16>
    %dot_general3A_601 = arith.constant dense<0.000000e+00> : vector<240x240xf32>
    %dot_general3A_602 = tpu.matmul %slice3A_599, %slice3A_600, %dot_general3A_601 {dimension_numbers = #tpu.dot_dimension_numbers<[1], [1], [0], [0], [0, 0, 1, 0], [], []>, transpose_lhs_hint = false} : vector<240x8xbf16>, vector<240x8xbf16>, vector<240x240xf32> -> vector<240x240xf32>
    %add3A_603 = arith.addf %dot_general3A_602, %select_n3A_122 : vector<240x240xf32>
    %exp3A_604 = math.exp %add3A_603 : vector<240x240xf32>
    %slice3A_605 = vector.extract_strided_slice %concatenate3A_562 {offsets = [960, 0], sizes = [240, 9], strides = [1, 1]} : vector<1280x9xf32> to vector<240x9xf32>
    %dot_general3A_606 = arith.constant dense<0.000000e+00> : vector<240x9xf32>
    %dot_general3A_607 = tpu.matmul %exp3A_604, %slice3A_605, %dot_general3A_606 {dimension_numbers = #tpu.dot_dimension_numbers<[1], [0], [0], [1], [0, 0, 1, 1], [], []>, transpose_lhs_hint = false} : vector<240x240xf32>, vector<240x9xf32>, vector<240x9xf32> -> vector<240x9xf32>
    %slice3A_608 = vector.extract_strided_slice %slice3A_559 {offsets = [1200, 0], sizes = [80, 8], strides = [1, 1]} : vector<1280x8xbf16> to vector<80x8xbf16>
    %slice3A_609 = vector.extract_strided_slice %slice3A_560 {offsets = [1200, 0], sizes = [80, 8], strides = [1, 1]} : vector<1280x8xbf16> to vector<80x8xbf16>
    %dot_general3A_610 = arith.constant dense<0.000000e+00> : vector<80x80xf32>
    %dot_general3A_611 = tpu.matmul %slice3A_608, %slice3A_609, %dot_general3A_610 {dimension_numbers = #tpu.dot_dimension_numbers<[1], [1], [0], [0], [0, 0, 1, 0], [], []>, transpose_lhs_hint = false} : vector<80x8xbf16>, vector<80x8xbf16>, vector<80x80xf32> -> vector<80x80xf32>
    %add3A_612 = arith.addf %dot_general3A_611, %select_n3A_192 : vector<80x80xf32>
    %exp3A_613 = math.exp %add3A_612 : vector<80x80xf32>
    %slice3A_614 = vector.extract_strided_slice %concatenate3A_562 {offsets = [1200, 0], sizes = [80, 9], strides = [1, 1]} : vector<1280x9xf32> to vector<80x9xf32>
    %dot_general3A_615 = arith.constant dense<0.000000e+00> : vector<80x9xf32>
    %dot_general3A_616 = tpu.matmul %exp3A_613, %slice3A_614, %dot_general3A_615 {dimension_numbers = #tpu.dot_dimension_numbers<[1], [0], [0], [1], [0, 0, 1, 1], [], []>, transpose_lhs_hint = false} : vector<80x80xf32>, vector<80x9xf32>, vector<80x9xf32> -> vector<80x9xf32>
    %concatenate3A_617 = tpu.concatenate %dot_general3A_571, %dot_general3A_580, %dot_general3A_589, %dot_general3A_598, %dot_general3A_607, %dot_general3A_616 in 0 : vector<240x9xf32>, vector<240x9xf32>, vector<240x9xf32>, vector<240x9xf32>, vector<240x9xf32>, vector<80x9xf32> -> vector<1280x9xf32>
    %slice3A_618 = vector.extract_strided_slice %concatenate3A_617 {offsets = [0, 0], sizes = [1280, 8], strides = [1, 1]} : vector<1280x9xf32> to vector<1280x8xf32>
    %slice3A_619 = vector.extract_strided_slice %concatenate3A_617 {offsets = [0, 8], sizes = [1280, 1], strides = [1, 1]} : vector<1280x9xf32> to vector<1280x1xf32>
    %slice3A_620 = vector.extract_strided_slice %convert_element_type3A {offsets = [0, 56], sizes = [1280, 8], strides = [1, 1]} : vector<1280x64xbf16> to vector<1280x8xbf16>
    %slice3A_621 = vector.extract_strided_slice %convert_element_type3A_195 {offsets = [0, 56], sizes = [1280, 8], strides = [1, 1]} : vector<1280x64xbf16> to vector<1280x8xbf16>
    %slice3A_622 = vector.extract_strided_slice %add3A_61 {offsets = [0, 56], sizes = [1280, 8], strides = [1, 1]} : vector<1280x64xf32> to vector<1280x8xf32>
    %concatenate3A_623 = tpu.concatenate %slice3A_622, %broadcast_in_dim3A_194 in 1 : vector<1280x8xf32>, vector<1280x1xf32> -> vector<1280x9xf32>
    %slice3A_624 = vector.extract_strided_slice %slice3A_620 {offsets = [0, 0], sizes = [240, 8], strides = [1, 1]} : vector<1280x8xbf16> to vector<240x8xbf16>
    %slice3A_625 = vector.extract_strided_slice %slice3A_621 {offsets = [0, 0], sizes = [240, 8], strides = [1, 1]} : vector<1280x8xbf16> to vector<240x8xbf16>
    %dot_general3A_626 = arith.constant dense<0.000000e+00> : vector<240x240xf32>
    %dot_general3A_627 = tpu.matmul %slice3A_624, %slice3A_625, %dot_general3A_626 {dimension_numbers = #tpu.dot_dimension_numbers<[1], [1], [0], [0], [0, 0, 1, 0], [], []>, transpose_lhs_hint = false} : vector<240x8xbf16>, vector<240x8xbf16>, vector<240x240xf32> -> vector<240x240xf32>
    %add3A_628 = arith.addf %dot_general3A_627, %select_n3A_122 : vector<240x240xf32>
    %exp3A_629 = math.exp %add3A_628 : vector<240x240xf32>
    %slice3A_630 = vector.extract_strided_slice %concatenate3A_623 {offsets = [0, 0], sizes = [240, 9], strides = [1, 1]} : vector<1280x9xf32> to vector<240x9xf32>
    %dot_general3A_631 = arith.constant dense<0.000000e+00> : vector<240x9xf32>
    %dot_general3A_632 = tpu.matmul %exp3A_629, %slice3A_630, %dot_general3A_631 {dimension_numbers = #tpu.dot_dimension_numbers<[1], [0], [0], [1], [0, 0, 1, 1], [], []>, transpose_lhs_hint = false} : vector<240x240xf32>, vector<240x9xf32>, vector<240x9xf32> -> vector<240x9xf32>
    %slice3A_633 = vector.extract_strided_slice %slice3A_620 {offsets = [240, 0], sizes = [240, 8], strides = [1, 1]} : vector<1280x8xbf16> to vector<240x8xbf16>
    %slice3A_634 = vector.extract_strided_slice %slice3A_621 {offsets = [240, 0], sizes = [240, 8], strides = [1, 1]} : vector<1280x8xbf16> to vector<240x8xbf16>
    %dot_general3A_635 = arith.constant dense<0.000000e+00> : vector<240x240xf32>
    %dot_general3A_636 = tpu.matmul %slice3A_633, %slice3A_634, %dot_general3A_635 {dimension_numbers = #tpu.dot_dimension_numbers<[1], [1], [0], [0], [0, 0, 1, 0], [], []>, transpose_lhs_hint = false} : vector<240x8xbf16>, vector<240x8xbf16>, vector<240x240xf32> -> vector<240x240xf32>
    %add3A_637 = arith.addf %dot_general3A_636, %select_n3A_122 : vector<240x240xf32>
    %exp3A_638 = math.exp %add3A_637 : vector<240x240xf32>
    %slice3A_639 = vector.extract_strided_slice %concatenate3A_623 {offsets = [240, 0], sizes = [240, 9], strides = [1, 1]} : vector<1280x9xf32> to vector<240x9xf32>
    %dot_general3A_640 = arith.constant dense<0.000000e+00> : vector<240x9xf32>
    %dot_general3A_641 = tpu.matmul %exp3A_638, %slice3A_639, %dot_general3A_640 {dimension_numbers = #tpu.dot_dimension_numbers<[1], [0], [0], [1], [0, 0, 1, 1], [], []>, transpose_lhs_hint = false} : vector<240x240xf32>, vector<240x9xf32>, vector<240x9xf32> -> vector<240x9xf32>
    %slice3A_642 = vector.extract_strided_slice %slice3A_620 {offsets = [480, 0], sizes = [240, 8], strides = [1, 1]} : vector<1280x8xbf16> to vector<240x8xbf16>
    %slice3A_643 = vector.extract_strided_slice %slice3A_621 {offsets = [480, 0], sizes = [240, 8], strides = [1, 1]} : vector<1280x8xbf16> to vector<240x8xbf16>
    %dot_general3A_644 = arith.constant dense<0.000000e+00> : vector<240x240xf32>
    %dot_general3A_645 = tpu.matmul %slice3A_642, %slice3A_643, %dot_general3A_644 {dimension_numbers = #tpu.dot_dimension_numbers<[1], [1], [0], [0], [0, 0, 1, 0], [], []>, transpose_lhs_hint = false} : vector<240x8xbf16>, vector<240x8xbf16>, vector<240x240xf32> -> vector<240x240xf32>
    %add3A_646 = arith.addf %dot_general3A_645, %select_n3A_122 : vector<240x240xf32>
    %exp3A_647 = math.exp %add3A_646 : vector<240x240xf32>
    %slice3A_648 = vector.extract_strided_slice %concatenate3A_623 {offsets = [480, 0], sizes = [240, 9], strides = [1, 1]} : vector<1280x9xf32> to vector<240x9xf32>
    %dot_general3A_649 = arith.constant dense<0.000000e+00> : vector<240x9xf32>
    %dot_general3A_650 = tpu.matmul %exp3A_647, %slice3A_648, %dot_general3A_649 {dimension_numbers = #tpu.dot_dimension_numbers<[1], [0], [0], [1], [0, 0, 1, 1], [], []>, transpose_lhs_hint = false} : vector<240x240xf32>, vector<240x9xf32>, vector<240x9xf32> -> vector<240x9xf32>
    %slice3A_651 = vector.extract_strided_slice %slice3A_620 {offsets = [720, 0], sizes = [240, 8], strides = [1, 1]} : vector<1280x8xbf16> to vector<240x8xbf16>
    %slice3A_652 = vector.extract_strided_slice %slice3A_621 {offsets = [720, 0], sizes = [240, 8], strides = [1, 1]} : vector<1280x8xbf16> to vector<240x8xbf16>
    %dot_general3A_653 = arith.constant dense<0.000000e+00> : vector<240x240xf32>
    %dot_general3A_654 = tpu.matmul %slice3A_651, %slice3A_652, %dot_general3A_653 {dimension_numbers = #tpu.dot_dimension_numbers<[1], [1], [0], [0], [0, 0, 1, 0], [], []>, transpose_lhs_hint = false} : vector<240x8xbf16>, vector<240x8xbf16>, vector<240x240xf32> -> vector<240x240xf32>
    %add3A_655 = arith.addf %dot_general3A_654, %select_n3A_122 : vector<240x240xf32>
    %exp3A_656 = math.exp %add3A_655 : vector<240x240xf32>
    %slice3A_657 = vector.extract_strided_slice %concatenate3A_623 {offsets = [720, 0], sizes = [240, 9], strides = [1, 1]} : vector<1280x9xf32> to vector<240x9xf32>
    %dot_general3A_658 = arith.constant dense<0.000000e+00> : vector<240x9xf32>
    %dot_general3A_659 = tpu.matmul %exp3A_656, %slice3A_657, %dot_general3A_658 {dimension_numbers = #tpu.dot_dimension_numbers<[1], [0], [0], [1], [0, 0, 1, 1], [], []>, transpose_lhs_hint = false} : vector<240x240xf32>, vector<240x9xf32>, vector<240x9xf32> -> vector<240x9xf32>
    %slice3A_660 = vector.extract_strided_slice %slice3A_620 {offsets = [960, 0], sizes = [240, 8], strides = [1, 1]} : vector<1280x8xbf16> to vector<240x8xbf16>
    %slice3A_661 = vector.extract_strided_slice %slice3A_621 {offsets = [960, 0], sizes = [240, 8], strides = [1, 1]} : vector<1280x8xbf16> to vector<240x8xbf16>
    %dot_general3A_662 = arith.constant dense<0.000000e+00> : vector<240x240xf32>
    %dot_general3A_663 = tpu.matmul %slice3A_660, %slice3A_661, %dot_general3A_662 {dimension_numbers = #tpu.dot_dimension_numbers<[1], [1], [0], [0], [0, 0, 1, 0], [], []>, transpose_lhs_hint = false} : vector<240x8xbf16>, vector<240x8xbf16>, vector<240x240xf32> -> vector<240x240xf32>
    %add3A_664 = arith.addf %dot_general3A_663, %select_n3A_122 : vector<240x240xf32>
    %exp3A_665 = math.exp %add3A_664 : vector<240x240xf32>
    %slice3A_666 = vector.extract_strided_slice %concatenate3A_623 {offsets = [960, 0], sizes = [240, 9], strides = [1, 1]} : vector<1280x9xf32> to vector<240x9xf32>
    %dot_general3A_667 = arith.constant dense<0.000000e+00> : vector<240x9xf32>
    %dot_general3A_668 = tpu.matmul %exp3A_665, %slice3A_666, %dot_general3A_667 {dimension_numbers = #tpu.dot_dimension_numbers<[1], [0], [0], [1], [0, 0, 1, 1], [], []>, transpose_lhs_hint = false} : vector<240x240xf32>, vector<240x9xf32>, vector<240x9xf32> -> vector<240x9xf32>
    %slice3A_669 = vector.extract_strided_slice %slice3A_620 {offsets = [1200, 0], sizes = [80, 8], strides = [1, 1]} : vector<1280x8xbf16> to vector<80x8xbf16>
    %slice3A_670 = vector.extract_strided_slice %slice3A_621 {offsets = [1200, 0], sizes = [80, 8], strides = [1, 1]} : vector<1280x8xbf16> to vector<80x8xbf16>
    %dot_general3A_671 = arith.constant dense<0.000000e+00> : vector<80x80xf32>
    %dot_general3A_672 = tpu.matmul %slice3A_669, %slice3A_670, %dot_general3A_671 {dimension_numbers = #tpu.dot_dimension_numbers<[1], [1], [0], [0], [0, 0, 1, 0], [], []>, transpose_lhs_hint = false} : vector<80x8xbf16>, vector<80x8xbf16>, vector<80x80xf32> -> vector<80x80xf32>
    %add3A_673 = arith.addf %dot_general3A_672, %select_n3A_192 : vector<80x80xf32>
    %exp3A_674 = math.exp %add3A_673 : vector<80x80xf32>
    %slice3A_675 = vector.extract_strided_slice %concatenate3A_623 {offsets = [1200, 0], sizes = [80, 9], strides = [1, 1]} : vector<1280x9xf32> to vector<80x9xf32>
    %dot_general3A_676 = arith.constant dense<0.000000e+00> : vector<80x9xf32>
    %dot_general3A_677 = tpu.matmul %exp3A_674, %slice3A_675, %dot_general3A_676 {dimension_numbers = #tpu.dot_dimension_numbers<[1], [0], [0], [1], [0, 0, 1, 1], [], []>, transpose_lhs_hint = false} : vector<80x80xf32>, vector<80x9xf32>, vector<80x9xf32> -> vector<80x9xf32>
    %concatenate3A_678 = tpu.concatenate %dot_general3A_632, %dot_general3A_641, %dot_general3A_650, %dot_general3A_659, %dot_general3A_668, %dot_general3A_677 in 0 : vector<240x9xf32>, vector<240x9xf32>, vector<240x9xf32>, vector<240x9xf32>, vector<240x9xf32>, vector<80x9xf32> -> vector<1280x9xf32>
    %slice3A_679 = vector.extract_strided_slice %concatenate3A_678 {offsets = [0, 0], sizes = [1280, 8], strides = [1, 1]} : vector<1280x9xf32> to vector<1280x8xf32>
    %slice3A_680 = vector.extract_strided_slice %concatenate3A_678 {offsets = [0, 8], sizes = [1280, 1], strides = [1, 1]} : vector<1280x9xf32> to vector<1280x1xf32>
    %concatenate3A_681 = tpu.concatenate %slice3A_252, %slice3A_313, %slice3A_374, %slice3A_435, %slice3A_496, %slice3A_557, %slice3A_618, %slice3A_679 in 1 : vector<1280x8xf32>, vector<1280x8xf32>, vector<1280x8xf32>, vector<1280x8xf32>, vector<1280x8xf32>, vector<1280x8xf32>, vector<1280x8xf32>, vector<1280x8xf32> -> vector<1280x64xf32>
    %concatenate3A_682 = tpu.concatenate %slice3A_253, %slice3A_314, %slice3A_375, %slice3A_436, %slice3A_497, %slice3A_558, %slice3A_619, %slice3A_680 in 1 : vector<1280x1xf32>, vector<1280x1xf32>, vector<1280x1xf32>, vector<1280x1xf32>, vector<1280x1xf32>, vector<1280x1xf32>, vector<1280x1xf32>, vector<1280x1xf32> -> vector<1280x8xf32>
    %iota3A_683 = tpu.iota {dimensions = array<i32: 0>} : vector<8x64xi32>
    %iota3A_684 = tpu.iota {dimensions = array<i32: 1>} : vector<8x64xi32>
    %jit3A_685 = arith.constant 8 : i32
    %div3A_686 = vector.broadcast %jit3A_685 : i32 to vector<8x64xi32>
    %div3A_687 = arith.divsi %iota3A_684, %div3A_686 : vector<8x64xi32>
    %sign3A_688 = arith.constant 0 : i32
    %sign3A_689 = vector.broadcast %sign3A_688 : i32 to vector<8x64xi32>
    %sign3A_690 = arith.cmpi sgt, %iota3A_684, %sign3A_689 : vector<8x64xi32>
    %sign3A_691 = arith.extui %sign3A_690 : vector<8x64xi1> to vector<8x64xi32>
    %sign3A_692 = arith.constant 0 : i32
    %sign3A_693 = vector.broadcast %sign3A_692 : i32 to vector<8x64xi32>
    %sign3A_694 = arith.cmpi slt, %iota3A_684, %sign3A_693 : vector<8x64xi32>
    %sign3A_695 = arith.extui %sign3A_694 : vector<8x64xi1> to vector<8x64xi32>
    %sign3A_696 = arith.subi %sign3A_691, %sign3A_695 : vector<8x64xi32>
    %sign3A_697 = arith.constant 0 : i32
    %sign3A_698 = arith.cmpi sgt, %jit3A_685, %sign3A_697 : i32
    %sign3A_699 = arith.extui %sign3A_698 : i1 to i32
    %sign3A_700 = arith.constant 0 : i32
    %sign3A_701 = arith.cmpi slt, %jit3A_685, %sign3A_700 : i32
    %sign3A_702 = arith.extui %sign3A_701 : i1 to i32
    %sign3A_703 = arith.subi %sign3A_699, %sign3A_702 : i32
    %ne3A_704 = vector.broadcast %sign3A_703 : i32 to vector<8x64xi32>
    %ne3A_705 = arith.cmpi ne, %sign3A_696, %ne3A_704 : vector<8x64xi32>
    %rem3A_706 = vector.broadcast %jit3A_685 : i32 to vector<8x64xi32>
    %rem3A_707 = arith.remsi %iota3A_684, %rem3A_706 : vector<8x64xi32>
    %ne3A_708 = arith.constant 0 : i32
    %ne3A_709 = vector.broadcast %ne3A_708 : i32 to vector<8x64xi32>
    %ne3A_710 = arith.cmpi ne, %rem3A_707, %ne3A_709 : vector<8x64xi32>
    %and3A_711 = arith.andi %ne3A_705, %ne3A_710 : vector<8x64xi1>
    %sub3A_712 = arith.constant 1 : i32
    %sub3A_713 = vector.broadcast %sub3A_712 : i32 to vector<8x64xi32>
    %sub3A_714 = arith.subi %div3A_687, %sub3A_713 : vector<8x64xi32>
    %select_n3A_715 = arith.select %and3A_711, %sub3A_714, %div3A_687 : vector<8x64xi1>, vector<8x64xi32>
    %eq3A_716 = arith.cmpi eq, %iota3A_683, %select_n3A_715 : vector<8x64xi32>
    %convert_element_type3A_717 = arith.extui %eq3A_716 : vector<8x64xi1> to vector<8x64xi32>
    %convert_element_type3A_718 = arith.sitofp %convert_element_type3A_717 : vector<8x64xi32> to vector<8x64xf32>
    %dot_general3A_719 = arith.constant dense<0.000000e+00> : vector<1280x64xf32>
    %dot_general3A_720 = tpu.matmul %concatenate3A_682, %convert_element_type3A_718, %dot_general3A_719 {dimension_numbers = #tpu.dot_dimension_numbers<[1], [0], [0], [1], [0, 0, 1, 1], [], []>, transpose_lhs_hint = false} : vector<1280x8xf32>, vector<8x64xf32>, vector<1280x64xf32> -> vector<1280x64xf32>
    %div3A_721 = arith.divf %concatenate3A_681, %dot_general3A_720 : vector<1280x64xf32>
    %get3A_722 = arith.constant 0 : index
    %get3A_723 = arith.constant 0 : index
    %get3A_724 = vector.load %arg8[%get3A_722, %get3A_723] : memref<64x64xf32, #tpu.memory_space<vmem>>, vector<64x64xf32>
    %dot_general3A_725 = arith.constant dense<0.000000e+00> : vector<1280x64xf32>
    %dot_general3A_726 = tpu.matmul %div3A_721, %get3A_724, %dot_general3A_725 {dimension_numbers = #tpu.dot_dimension_numbers<[1], [0], [0], [1], [0, 0, 1, 1], [], []>, transpose_lhs_hint = false} : vector<1280x64xf32>, vector<64x64xf32>, vector<1280x64xf32> -> vector<1280x64xf32>
    %add3A_727 = arith.addf %get3A_1, %dot_general3A_726 : vector<1280x64xf32>
    %get3A_728 = arith.constant 0 : index
    %get3A_729 = arith.constant 0 : index
    %get3A_730 = vector.load %arg9[%get3A_728, %get3A_729] : memref<1x64xf32, #tpu.memory_space<vmem>>, vector<1x64xf32>
    %add3A_731 = vector.broadcast %get3A_730 : vector<1x64xf32> to vector<1280x64xf32>
    %add3A_732 = arith.addf %add3A_727, %add3A_731 : vector<1280x64xf32>
    %swap3A = arith.constant 0 : index
    %swap3A_733 = arith.constant 0 : index
    %swap3A_734 = vector.load %arg16[%swap3A, %swap3A_733] : memref<1280x64xf32, #tpu.memory_space<vmem>>, vector<1280x64xf32>
    tpu.vector_store %arg16[%swap3A, %swap3A_733], %add3A_732 {strides = array<i32>} : memref<1280x64xf32, #tpu.memory_space<vmem>>, vector<1280x64xf32>,
    %get3A_735 = arith.constant 0 : index
    %get3A_736 = arith.constant 0 : index
    %get3A_737 = vector.load %arg12[%get3A_735, %get3A_736] : memref<1x64xf32, #tpu.memory_space<vmem>>, vector<1x64xf32>
    %get3A_738 = arith.constant 0 : index
    %get3A_739 = arith.constant 0 : index
    %get3A_740 = vector.load %arg13[%get3A_738, %get3A_739] : memref<1x64xf32, #tpu.memory_space<vmem>>, vector<1x64xf32>
    %dot_general3A_741 = arith.constant dense<0.000000e+00> : vector<1280x1xf32>
    %dot_general3A_742 = tpu.matmul %add3A_732, %broadcast_in_dim3A_2, %dot_general3A_741 {dimension_numbers = #tpu.dot_dimension_numbers<[1], [0], [0], [1], [0, 0, 1, 1], [], []>, transpose_lhs_hint = false} : vector<1280x64xf32>, vector<64x1xf32>, vector<1280x1xf32> -> vector<1280x1xf32>
    %mul3A_743 = arith.constant 1.562500e-02 : f32
    %mul3A_744 = vector.broadcast %mul3A_743 : f32 to vector<1280x1xf32>
    %mul3A_745 = arith.mulf %dot_general3A_742, %mul3A_744 : vector<1280x1xf32>
    %mul3A_746 = arith.mulf %add3A_732, %add3A_732 : vector<1280x64xf32>
    %dot_general3A_747 = arith.constant dense<0.000000e+00> : vector<1280x1xf32>
    %dot_general3A_748 = tpu.matmul %mul3A_746, %broadcast_in_dim3A_2, %dot_general3A_747 {dimension_numbers = #tpu.dot_dimension_numbers<[1], [0], [0], [1], [0, 0, 1, 1], [], []>, transpose_lhs_hint = false} : vector<1280x64xf32>, vector<64x1xf32>, vector<1280x1xf32> -> vector<1280x1xf32>
    %mul3A_749 = arith.constant 1.562500e-02 : f32
    %mul3A_750 = vector.broadcast %mul3A_749 : f32 to vector<1280x1xf32>
    %mul3A_751 = arith.mulf %dot_general3A_748, %mul3A_750 : vector<1280x1xf32>
    %mul3A_752 = arith.mulf %mul3A_745, %mul3A_745 : vector<1280x1xf32>
    %sub3A_753 = arith.subf %mul3A_751, %mul3A_752 : vector<1280x1xf32>
    %sub3A_754 = vector.broadcast %mul3A_745 : vector<1280x1xf32> to vector<1280x64xf32>
    %sub3A_755 = arith.subf %add3A_732, %sub3A_754 : vector<1280x64xf32>
    %add3A_756 = arith.constant 9.99999997E-7 : f32
    %add3A_757 = vector.broadcast %add3A_756 : f32 to vector<1280x1xf32>
    %add3A_758 = arith.addf %sub3A_753, %add3A_757 : vector<1280x1xf32>
    %rsqrt3A_759 = math.rsqrt %add3A_758 : vector<1280x1xf32>
    %mul3A_760 = vector.broadcast %rsqrt3A_759 : vector<1280x1xf32> to vector<1280x64xf32>
    %mul3A_761 = arith.mulf %sub3A_755, %mul3A_760 : vector<1280x64xf32>
    %mul3A_762 = vector.broadcast %get3A_737 : vector<1x64xf32> to vector<1280x64xf32>
    %mul3A_763 = arith.mulf %mul3A_761, %mul3A_762 : vector<1280x64xf32>
    %add3A_764 = vector.broadcast %get3A_740 : vector<1x64xf32> to vector<1280x64xf32>
    %add3A_765 = arith.addf %mul3A_763, %add3A_764 : vector<1280x64xf32>
    %swap3A_766 = arith.constant 0 : index
    %swap3A_767 = arith.constant 0 : index
    %swap3A_768 = vector.load %arg17[%swap3A_766, %swap3A_767] : memref<1280x64xf32, #tpu.memory_space<vmem>>, vector<1280x64xf32>
    tpu.vector_store %arg17[%swap3A_766, %swap3A_767], %add3A_765 {strides = array<i32>} : memref<1280x64xf32, #tpu.memory_space<vmem>>, vector<1280x64xf32>,
    %get3A_769 = arith.constant 0 : index
    %get3A_770 = arith.constant 0 : index
    %get3A_771 = vector.load %arg14[%get3A_769, %get3A_770] : memref<64x8xf32, #tpu.memory_space<vmem>>, vector<64x8xf32>
    %dot_general3A_772 = arith.constant dense<0.000000e+00> : vector<1280x8xf32>
    %dot_general3A_773 = tpu.matmul %add3A_765, %get3A_771, %dot_general3A_772 {dimension_numbers = #tpu.dot_dimension_numbers<[1], [0], [0], [1], [0, 0, 1, 1], [], []>, transpose_lhs_hint = false} : vector<1280x64xf32>, vector<64x8xf32>, vector<1280x8xf32> -> vector<1280x8xf32>
    %get3A_774 = arith.constant 0 : index
    %get3A_775 = arith.constant 0 : index
    %get3A_776 = vector.load %arg15[%get3A_774, %get3A_775] : memref<1x8xf32, #tpu.memory_space<vmem>>, vector<1x8xf32>
    %add3A_777 = vector.broadcast %get3A_776 : vector<1x8xf32> to vector<1280x8xf32>
    %add3A_778 = arith.addf %dot_general3A_773, %add3A_777 : vector<1280x8xf32>
    %reduce_max3A = arith.constant dense<0xFF800000> : vector<1280xf32>
    %reduce_max3A_779 = vector.multi_reduction <maximumf>, %add3A_778, %reduce_max3A [1] : vector<1280x8xf32> to vector<1280xf32>
    %broadcast_in_dim3A_780 = vector.shape_cast %reduce_max3A_779 : vector<1280xf32> to vector<1280x1xf32>
    %sub3A_781 = vector.broadcast %broadcast_in_dim3A_780 : vector<1280x1xf32> to vector<1280x8xf32>
    %sub3A_782 = arith.subf %add3A_778, %sub3A_781 : vector<1280x8xf32>
    %exp3A_783 = math.exp %sub3A_782 : vector<1280x8xf32>
    %reduce_sum3A = arith.constant dense<0.000000e+00> : vector<1280xf32>
    %reduce_sum3A_784 = vector.multi_reduction <add>, %exp3A_783, %reduce_sum3A [1] : vector<1280x8xf32> to vector<1280xf32>
    %broadcast_in_dim3A_785 = vector.shape_cast %reduce_sum3A_784 : vector<1280xf32> to vector<1280x1xf32>
    %div3A_786 = vector.broadcast %broadcast_in_dim3A_785 : vector<1280x1xf32> to vector<1280x8xf32>
    %div3A_787 = arith.divf %exp3A_783, %div3A_786 : vector<1280x8xf32>
    %reduce_max3A_788 = arith.constant dense<0xFF800000> : vector<1280xf32>
    %reduce_max3A_789 = vector.multi_reduction <maximumf>, %div3A_787, %reduce_max3A_788 [1] : vector<1280x8xf32> to vector<1280xf32>
    %broadcast_in_dim3A_790 = vector.shape_cast %reduce_max3A_789 : vector<1280xf32> to vector<1280x1xf32>
    %iota3A_791 = tpu.iota {dimensions = array<i32: 1>} : vector<1280x8xi32>
    %ge3A = vector.broadcast %broadcast_in_dim3A_790 : vector<1280x1xf32> to vector<1280x8xf32>
    %ge3A_792 = arith.cmpf oge, %div3A_787, %ge3A : vector<1280x8xf32>
    %jit3A_793 = arith.constant 8 : i32
    %broadcast_in_dim3A_794 = vector.broadcast %jit3A_793 : i32 to vector<1280x8xi32>
    %select_n3A_795 = arith.select %ge3A_792, %iota3A_791, %broadcast_in_dim3A_794 : vector<1280x8xi1>, vector<1280x8xi32>
    %reduce_min3A = arith.constant dense<2147483647> : vector<1280xi32>
    %reduce_min3A_796 = vector.multi_reduction <minsi>, %select_n3A_795, %reduce_min3A [1] : vector<1280x8xi32> to vector<1280xi32>
    %broadcast_in_dim3A_797 = vector.shape_cast %reduce_min3A_796 : vector<1280xi32> to vector<1280x1xi32>
    %swap3A_798 = arith.constant 0 : index
    %swap3A_799 = arith.constant 0 : index
    %swap3A_800 = vector.load %arg18[%swap3A_798, %swap3A_799] : memref<1280x1xf32, #tpu.memory_space<vmem>>, vector<1280x1xf32>
    tpu.vector_store %arg18[%swap3A_798, %swap3A_799], %broadcast_in_dim3A_790 {strides = array<i32>} : memref<1280x1xf32, #tpu.memory_space<vmem>>, vector<1280x1xf32>,
    %swap3A_801 = arith.constant 0 : index
    %swap3A_802 = arith.constant 0 : index
    %swap3A_803 = vector.load %arg19[%swap3A_801, %swap3A_802] : memref<1280x1xi32, #tpu.memory_space<vmem>>, vector<1280x1xi32>
    tpu.vector_store %arg19[%swap3A_801, %swap3A_802], %broadcast_in_dim3A_797 {strides = array<i32>} : memref<1280x1xi32, #tpu.memory_space<vmem>>, vector<1280x1xi32>,
    %eq3A_804 = vector.broadcast %broadcast_in_dim3A_797 : vector<1280x1xi32> to vector<1280x8xi32>
    %eq3A_805 = arith.cmpi eq, %iota3A_791, %eq3A_804 : vector<1280x8xi32>
    %convert_element_type3A_806 = arith.extui %eq3A_805 : vector<1280x8xi1> to vector<1280x8xi32>
    %convert_element_type3A_807 = arith.sitofp %convert_element_type3A_806 : vector<1280x8xi32> to vector<1280x8xf32>
    %reduce_sum3A_808 = arith.constant dense<0.000000e+00> : vector<8xf32>
    %reduce_sum3A_809 = vector.multi_reduction <add>, %convert_element_type3A_807, %reduce_sum3A_808 [0] : vector<1280x8xf32> to vector<8xf32>
    %broadcast_in_dim3A_810 = vector.shape_cast %reduce_sum3A_809 : vector<8xf32> to vector<1x8xf32>
    %reduce_sum3A_811 = arith.constant dense<0.000000e+00> : vector<8xf32>
    %reduce_sum3A_812 = vector.multi_reduction <add>, %div3A_787, %reduce_sum3A_811 [0] : vector<1280x8xf32> to vector<8xf32>
    %broadcast_in_dim3A_813 = vector.shape_cast %reduce_sum3A_812 : vector<8xf32> to vector<1x8xf32>
    %broadcast_in_dim3A_814 = vector.shape_cast %broadcast_in_dim3A_810 : vector<1x8xf32> to vector<1x1x8xf32>
    %broadcast_in_dim3A_815 = vector.shape_cast %broadcast_in_dim3A_813 : vector<1x8xf32> to vector<1x1x8xf32>
    %concatenate3A_816 = tpu.concatenate %broadcast_in_dim3A_814, %broadcast_in_dim3A_815 in 1 : vector<1x1x8xf32>, vector<1x1x8xf32> -> vector<1x2x8xf32>
    %jit3A_817 = arith.constant 8 : i32
    %eq3A_818 = arith.constant 0 : i32
    %eq3A_819 = arith.cmpi eq, %jit3A_817, %eq3A_818 : i32
    %jit3A_820 = arith.constant 1 : i32
    %select_n3A_821 = arith.select %eq3A_819, %jit3A_820, %jit3A_817 : i32
    %rem3A_822 = arith.remsi %arg0, %select_n3A_821 : i32
    %ne3A_823 = arith.constant 0 : i32
    %ne3A_824 = arith.cmpi ne, %rem3A_822, %ne3A_823 : i32
    %lt3A = arith.constant 0 : i32
    %lt3A_825 = arith.cmpi slt, %rem3A_822, %lt3A : i32
    %lt3A_826 = arith.constant 0 : i32
    %lt3A_827 = arith.cmpi slt, %select_n3A_821, %lt3A_826 : i32
    %ne3A_828 = arith.xori %lt3A_825, %lt3A_827 : i1
    %and3A_829 = arith.andi %ne3A_828, %ne3A_824 : i1
    %add3A_830 = arith.addi %rem3A_822, %select_n3A_821 : i32
    %select_n3A_831 = arith.select %and3A_829, %add3A_830, %rem3A_822 : i32
    %eq3A_832 = arith.constant 0 : i32
    %eq3A_833 = arith.cmpi eq, %select_n3A_831, %eq3A_832 : i32
    %convert_element_type3A_834 = arith.extui %eq3A_833 : i1 to i32
    %cond3A = arith.constant 0 : i32
    %cond3A_835 = arith.cmpi ne, %convert_element_type3A_834, %cond3A : i32
    scf.if %cond3A_835 {
      %swap3A_857 = arith.constant 0 : index
      %swap3A_858 = arith.constant 0 : index
      %swap3A_859 = arith.constant 0 : index
      %swap3A_860 = vector.load %arg20[%swap3A_857, %swap3A_858, %swap3A_859] : memref<1x2x8xf32, #tpu.memory_space<vmem>>, vector<1x2x8xf32>
      tpu.vector_store %arg20[%swap3A_857, %swap3A_858, %swap3A_859], %concatenate3A_816 {strides = array<i32>} : memref<1x2x8xf32, #tpu.memory_space<vmem>>, vector<1x2x8xf32>,
    } else {
    }
    %jit3A_836 = arith.constant 8 : i32
    %eq3A_837 = arith.constant 0 : i32
    %eq3A_838 = arith.cmpi eq, %jit3A_836, %eq3A_837 : i32
    %jit3A_839 = arith.constant 1 : i32
    %select_n3A_840 = arith.select %eq3A_838, %jit3A_839, %jit3A_836 : i32
    %rem3A_841 = arith.remsi %arg0, %select_n3A_840 : i32
    %ne3A_842 = arith.constant 0 : i32
    %ne3A_843 = arith.cmpi ne, %rem3A_841, %ne3A_842 : i32
    %lt3A_844 = arith.constant 0 : i32
    %lt3A_845 = arith.cmpi slt, %rem3A_841, %lt3A_844 : i32
    %lt3A_846 = arith.constant 0 : i32
    %lt3A_847 = arith.cmpi slt, %select_n3A_840, %lt3A_846 : i32
    %ne3A_848 = arith.xori %lt3A_845, %lt3A_847 : i1
    %and3A_849 = arith.andi %ne3A_848, %ne3A_843 : i1
    %add3A_850 = arith.addi %rem3A_841, %select_n3A_840 : i32
    %select_n3A_851 = arith.select %and3A_849, %add3A_850, %rem3A_841 : i32
    %ne3A_852 = arith.constant 0 : i32
    %ne3A_853 = arith.cmpi ne, %select_n3A_851, %ne3A_852 : i32
    %convert_element_type3A_854 = arith.extui %ne3A_853 : i1 to i32
    %cond3A_855 = arith.constant 0 : i32
    %cond3A_856 = arith.cmpi ne, %convert_element_type3A_854, %cond3A_855 : i32
    scf.if %cond3A_856 {
      %get3A_857 = arith.constant 0 : index
      %get3A_858 = arith.constant 0 : index
      %get3A_859 = arith.constant 0 : index
      %get3A_860 = vector.load %arg20[%get3A_857, %get3A_858, %get3A_859] : memref<1x2x8xf32, #tpu.memory_space<vmem>>, vector<1x2x8xf32>
      %add3A_861 = arith.addf %get3A_860, %concatenate3A_816 : vector<1x2x8xf32>
      %swap3A_862 = arith.constant 0 : index
      %swap3A_863 = arith.constant 0 : index
      %swap3A_864 = arith.constant 0 : index
      %swap3A_865 = vector.load %arg20[%swap3A_862, %swap3A_863, %swap3A_864] : memref<1x2x8xf32, #tpu.memory_space<vmem>>, vector<1x2x8xf32>
      tpu.vector_store %arg20[%swap3A_862, %swap3A_863, %swap3A_864], %add3A_861 {strides = array<i32>} : memref<1x2x8xf32, #tpu.memory_space<vmem>>, vector<1x2x8xf32>,
    } else {
    }
    return
  }
  func.func @transform_0(%arg0: i32) -> (i32, i32) {
    %c0_i32 = arith.constant 0 : i32
    %c0_i32_0 = arith.constant 0 : i32
    return %arg0, %c0_i32 : i32, i32
  }
  func.func @transform_1(%arg0: i32) -> (i32, i32) {
    %c0_i32 = arith.constant 0 : i32
    %c0_i32_0 = arith.constant 0 : i32
    %c0_i32_1 = arith.constant 0 : i32
    return %c0_i32, %c0_i32_0 : i32, i32
  }
  func.func @transform_2(%arg0: i32) -> (i32, i32) {
    %c0_i32 = arith.constant 0 : i32
    %c0_i32_0 = arith.constant 0 : i32
    %c0_i32_1 = arith.constant 0 : i32
    return %c0_i32, %c0_i32_0 : i32, i32
  }
  func.func @transform_3(%arg0: i32) -> (i32, i32) {
    %c0_i32 = arith.constant 0 : i32
    %c0_i32_0 = arith.constant 0 : i32
    %c0_i32_1 = arith.constant 0 : i32
    return %c0_i32, %c0_i32_0 : i32, i32
  }
  func.func @transform_4(%arg0: i32) -> (i32, i32) {
    %c0_i32 = arith.constant 0 : i32
    %c0_i32_0 = arith.constant 0 : i32
    %c0_i32_1 = arith.constant 0 : i32
    return %c0_i32, %c0_i32_0 : i32, i32
  }
  func.func @transform_5(%arg0: i32) -> (i32, i32) {
    %c0_i32 = arith.constant 0 : i32
    %c0_i32_0 = arith.constant 0 : i32
    %c0_i32_1 = arith.constant 0 : i32
    return %c0_i32, %c0_i32_0 : i32, i32
  }
  func.func @transform_6(%arg0: i32) -> (i32, i32) {
    %c0_i32 = arith.constant 0 : i32
    %c0_i32_0 = arith.constant 0 : i32
    %c0_i32_1 = arith.constant 0 : i32
    return %c0_i32, %c0_i32_0 : i32, i32
  }
  func.func @transform_7(%arg0: i32) -> (i32, i32) {
    %c0_i32 = arith.constant 0 : i32
    %c0_i32_0 = arith.constant 0 : i32
    %c0_i32_1 = arith.constant 0 : i32
    return %c0_i32, %c0_i32_0 : i32, i32
  }
  func.func @transform_8(%arg0: i32) -> (i32, i32) {
    %c0_i32 = arith.constant 0 : i32
    %c0_i32_0 = arith.constant 0 : i32
    %c0_i32_1 = arith.constant 0 : i32
    return %c0_i32, %c0_i32_0 : i32, i32
  }
  func.func @transform_9(%arg0: i32) -> (i32, i32) {
    %c0_i32 = arith.constant 0 : i32
    %c0_i32_0 = arith.constant 0 : i32
    %c0_i32_1 = arith.constant 0 : i32
    return %c0_i32, %c0_i32_0 : i32, i32
  }
  func.func @transform_10(%arg0: i32) -> (i32, i32) {
    %c0_i32 = arith.constant 0 : i32
    %c0_i32_0 = arith.constant 0 : i32
    %c0_i32_1 = arith.constant 0 : i32
    return %c0_i32, %c0_i32_0 : i32, i32
  }
  func.func @transform_11(%arg0: i32) -> (i32, i32) {
    %c0_i32 = arith.constant 0 : i32
    %c0_i32_0 = arith.constant 0 : i32
    %c0_i32_1 = arith.constant 0 : i32
    return %c0_i32, %c0_i32_0 : i32, i32
  }
  func.func @transform_12(%arg0: i32) -> (i32, i32) {
    %c0_i32 = arith.constant 0 : i32
    %c0_i32_0 = arith.constant 0 : i32
    %c0_i32_1 = arith.constant 0 : i32
    return %c0_i32, %c0_i32_0 : i32, i32
  }
  func.func @transform_13(%arg0: i32) -> (i32, i32) {
    %c0_i32 = arith.constant 0 : i32
    %c0_i32_0 = arith.constant 0 : i32
    %c0_i32_1 = arith.constant 0 : i32
    return %c0_i32, %c0_i32_0 : i32, i32
  }
  func.func @transform_14(%arg0: i32) -> (i32, i32) {
    %c0_i32 = arith.constant 0 : i32
    %c0_i32_0 = arith.constant 0 : i32
    %c0_i32_1 = arith.constant 0 : i32
    return %c0_i32, %c0_i32_0 : i32, i32
  }
  func.func @transform_15(%arg0: i32) -> (i32, i32) {
    %c0_i32 = arith.constant 0 : i32
    %c0_i32_0 = arith.constant 0 : i32
    return %arg0, %c0_i32 : i32, i32
  }
  func.func @transform_16(%arg0: i32) -> (i32, i32) {
    %c0_i32 = arith.constant 0 : i32
    %c0_i32_0 = arith.constant 0 : i32
    return %arg0, %c0_i32 : i32, i32
  }
  func.func @transform_17(%arg0: i32) -> (i32, i32) {
    %c0_i32 = arith.constant 0 : i32
    %c0_i32_0 = arith.constant 0 : i32
    return %arg0, %c0_i32 : i32, i32
  }
  func.func @transform_18(%arg0: i32) -> (i32, i32) {
    %c0_i32 = arith.constant 0 : i32
    %c0_i32_0 = arith.constant 0 : i32
    return %arg0, %c0_i32 : i32, i32
  }
  func.func @transform_19(%arg0: i32) -> (i32, i32, i32) {
    %jit3A = arith.constant 8 : i32
    %div3A = arith.divsi %arg0, %jit3A : i32
    %sign3A = arith.constant 0 : i32
    %sign3A_0 = arith.cmpi sgt, %arg0, %sign3A : i32
    %sign3A_1 = arith.extui %sign3A_0 : i1 to i32
    %sign3A_2 = arith.constant 0 : i32
    %sign3A_3 = arith.cmpi slt, %arg0, %sign3A_2 : i32
    %sign3A_4 = arith.extui %sign3A_3 : i1 to i32
    %sign3A_5 = arith.subi %sign3A_1, %sign3A_4 : i32
    %sign3A_6 = arith.constant 0 : i32
    %sign3A_7 = arith.cmpi sgt, %jit3A, %sign3A_6 : i32
    %sign3A_8 = arith.extui %sign3A_7 : i1 to i32
    %sign3A_9 = arith.constant 0 : i32
    %sign3A_10 = arith.cmpi slt, %jit3A, %sign3A_9 : i32
    %sign3A_11 = arith.extui %sign3A_10 : i1 to i32
    %sign3A_12 = arith.subi %sign3A_8, %sign3A_11 : i32
    %ne3A = arith.cmpi ne, %sign3A_5, %sign3A_12 : i32
    %rem3A = arith.remsi %arg0, %jit3A : i32
    %ne3A_13 = arith.constant 0 : i32
    %ne3A_14 = arith.cmpi ne, %rem3A, %ne3A_13 : i32
    %and3A = arith.andi %ne3A, %ne3A_14 : i1
    %sub3A = arith.constant 1 : i32
    %sub3A_15 = arith.subi %div3A, %sub3A : i32
    %select_n3A = arith.select %and3A, %sub3A_15, %div3A : i32
    %c0_i32 = arith.constant 0 : i32
    %c0_i32_16 = arith.constant 0 : i32
    %c0_i32_17 = arith.constant 0 : i32
    return %select_n3A, %c0_i32, %c0_i32_16 : i32, i32, i32
  }
}

module attributes {stable_mosaic.version = 14 : i64} {
  func.func @_posmaker_body(%arg0: i32, %arg1: memref<160x128xi32, #tpu.memory_space<vmem>>, %arg2: memref<160x128xi32, #tpu.memory_space<vmem>>, %arg3: memref<1x128xi32, #tpu.memory_space<vmem>>) attributes {dimension_semantics = [#tpu.dimension_semantics<arbitrary>], iteration_bounds = array<i64: 1>, scalar_prefetch = 0 : i64, scratch_operands = 0 : i64, tpu.core_type = #tpu.core_type<tc>, window_params = [{pipeline_mode = #tpu.pipeline_mode<synchronous>, transform_indices = @transform_0, window_bounds = array<i64: 160, 128>}, {pipeline_mode = #tpu.pipeline_mode<synchronous>, transform_indices = @transform_1, window_bounds = array<i64: 160, 128>}, {pipeline_mode = #tpu.pipeline_mode<synchronous>, transform_indices = @transform_2, window_bounds = array<i64: 1, 128>}]} {
    %get3A = arith.constant 0 : index
    %get3A_0 = arith.constant 0 : index
    %get3A_1 = vector.load %arg1[%get3A, %get3A_0] : memref<160x128xi32, #tpu.memory_space<vmem>>, vector<160x128xi32>
    %iota3A = tpu.iota {dimensions = array<i32: 0>} : vector<128x128xi32>
    %iota3A_2 = tpu.iota {dimensions = array<i32: 1>} : vector<128x128xi32>
    %le3A = arith.cmpi sle, %iota3A, %iota3A_2 : vector<128x128xi32>
    %convert_element_type3A = arith.extui %le3A : vector<128x128xi1> to vector<128x128xi32>
    %convert_element_type3A_3 = arith.sitofp %convert_element_type3A : vector<128x128xi32> to vector<128x128xf32>
    %iota3A_4 = tpu.iota {dimensions = array<i32: 1>} : vector<160x160xi32>
    %iota3A_5 = tpu.iota {dimensions = array<i32: 0>} : vector<160x160xi32>
    %lt3A = arith.cmpi slt, %iota3A_4, %iota3A_5 : vector<160x160xi32>
    %convert_element_type3A_6 = arith.extui %lt3A : vector<160x160xi1> to vector<160x160xi32>
    %convert_element_type3A_7 = arith.sitofp %convert_element_type3A_6 : vector<160x160xi32> to vector<160x160xf32>
    %broadcast_in_dim3A = arith.constant 0.000000e+00 : f32
    %broadcast_in_dim3A_8 = vector.broadcast %broadcast_in_dim3A : f32 to vector<160x128xf32>
    %eq3A = arith.constant 0 : i32
    %eq3A_9 = vector.broadcast %eq3A : i32 to vector<160x128xi32>
    %eq3A_10 = arith.cmpi eq, %get3A_1, %eq3A_9 : vector<160x128xi32>
    %convert_element_type3A_11 = arith.extui %eq3A_10 : vector<160x128xi1> to vector<160x128xi32>
    %convert_element_type3A_12 = arith.sitofp %convert_element_type3A_11 : vector<160x128xi32> to vector<160x128xf32>
    %dot_general3A = arith.constant dense<0.000000e+00> : vector<160x128xf32>
    %dot_general3A_13 = tpu.matmul %convert_element_type3A_12, %convert_element_type3A_3, %dot_general3A {dimension_numbers = #tpu.dot_dimension_numbers<[1], [0], [0], [1], [0, 0, 1, 1], [], []>, transpose_lhs_hint = false} : vector<160x128xf32>, vector<128x128xf32>, vector<160x128xf32> -> vector<160x128xf32>
    %slice3A = vector.extract_strided_slice %dot_general3A_13 {offsets = [0, 127], sizes = [160, 1], strides = [1, 1]} : vector<160x128xf32> to vector<160x1xf32>
    %dot_general3A_14 = arith.constant dense<0.000000e+00> : vector<160x1xf32>
    %dot_general3A_15 = tpu.matmul %convert_element_type3A_7, %slice3A, %dot_general3A_14 {dimension_numbers = #tpu.dot_dimension_numbers<[1], [0], [0], [1], [0, 0, 1, 1], [], []>, transpose_lhs_hint = false} : vector<160x160xf32>, vector<160x1xf32>, vector<160x1xf32> -> vector<160x1xf32>
    %add3A = vector.broadcast %dot_general3A_15 : vector<160x1xf32> to vector<160x128xf32>
    %add3A_16 = arith.addf %dot_general3A_13, %add3A : vector<160x128xf32>
    %gt3A = arith.constant 0.000000e+00 : f32
    %gt3A_17 = vector.broadcast %gt3A : f32 to vector<160x128xf32>
    %gt3A_18 = arith.cmpf ogt, %convert_element_type3A_12, %gt3A_17 : vector<160x128xf32>
    %add3A_19 = arith.constant 0.000000e+00 : f32
    %add3A_20 = vector.broadcast %add3A_19 : f32 to vector<160x128xf32>
    %add3A_21 = arith.addf %add3A_20, %add3A_16 : vector<160x128xf32>
    %sub3A = arith.constant 1.000000e+00 : f32
    %sub3A_22 = vector.broadcast %sub3A : f32 to vector<160x128xf32>
    %sub3A_23 = arith.subf %add3A_21, %sub3A_22 : vector<160x128xf32>
    %select_n3A = arith.select %gt3A_18, %sub3A_23, %broadcast_in_dim3A_8 : vector<160x128xi1>, vector<160x128xf32>
    %reduce_sum3A = vector.shape_cast %slice3A : vector<160x1xf32> to vector<1x160x1xf32>
    %reduce_sum3A_24 = arith.constant dense<0.000000e+00> : vector<1xf32>
    %reduce_sum3A_25 = vector.multi_reduction <add>, %reduce_sum3A, %reduce_sum3A_24 [1, 2] : vector<1x160x1xf32> to vector<1xf32>
    %reduce_sum3A_26 = vector.shape_cast %reduce_sum3A_25 : vector<1xf32> to vector<1x1x1xf32>
    %reduce_sum3A_27 = vector.extract %reduce_sum3A_26[0, 0, 0] : f32 from vector<1x1x1xf32>
    %add3A_28 = arith.constant 2.550000e+02 : f32
    %add3A_29 = arith.addf %reduce_sum3A_27, %add3A_28 : f32
    %mul3A = arith.constant 3.906250e-03 : f32
    %mul3A_30 = arith.mulf %add3A_29, %mul3A : f32
    %floor3A = math.floor %mul3A_30 : f32
    %mul3A_31 = arith.constant 2.560000e+02 : f32
    %mul3A_32 = arith.mulf %floor3A, %mul3A_31 : f32
    %add3A_33 = arith.constant 0.000000e+00 : f32
    %add3A_34 = arith.addf %add3A_33, %mul3A_32 : f32
    %eq3A_35 = arith.constant 1 : i32
    %eq3A_36 = vector.broadcast %eq3A_35 : i32 to vector<160x128xi32>
    %eq3A_37 = arith.cmpi eq, %get3A_1, %eq3A_36 : vector<160x128xi32>
    %convert_element_type3A_38 = arith.extui %eq3A_37 : vector<160x128xi1> to vector<160x128xi32>
    %convert_element_type3A_39 = arith.sitofp %convert_element_type3A_38 : vector<160x128xi32> to vector<160x128xf32>
    %dot_general3A_40 = arith.constant dense<0.000000e+00> : vector<160x128xf32>
    %dot_general3A_41 = tpu.matmul %convert_element_type3A_39, %convert_element_type3A_3, %dot_general3A_40 {dimension_numbers = #tpu.dot_dimension_numbers<[1], [0], [0], [1], [0, 0, 1, 1], [], []>, transpose_lhs_hint = false} : vector<160x128xf32>, vector<128x128xf32>, vector<160x128xf32> -> vector<160x128xf32>
    %slice3A_42 = vector.extract_strided_slice %dot_general3A_41 {offsets = [0, 127], sizes = [160, 1], strides = [1, 1]} : vector<160x128xf32> to vector<160x1xf32>
    %dot_general3A_43 = arith.constant dense<0.000000e+00> : vector<160x1xf32>
    %dot_general3A_44 = tpu.matmul %convert_element_type3A_7, %slice3A_42, %dot_general3A_43 {dimension_numbers = #tpu.dot_dimension_numbers<[1], [0], [0], [1], [0, 0, 1, 1], [], []>, transpose_lhs_hint = false} : vector<160x160xf32>, vector<160x1xf32>, vector<160x1xf32> -> vector<160x1xf32>
    %add3A_45 = vector.broadcast %dot_general3A_44 : vector<160x1xf32> to vector<160x128xf32>
    %add3A_46 = arith.addf %dot_general3A_41, %add3A_45 : vector<160x128xf32>
    %gt3A_47 = arith.constant 0.000000e+00 : f32
    %gt3A_48 = vector.broadcast %gt3A_47 : f32 to vector<160x128xf32>
    %gt3A_49 = arith.cmpf ogt, %convert_element_type3A_39, %gt3A_48 : vector<160x128xf32>
    %add3A_50 = vector.broadcast %add3A_34 : f32 to vector<160x128xf32>
    %add3A_51 = arith.addf %add3A_50, %add3A_46 : vector<160x128xf32>
    %sub3A_52 = arith.constant 1.000000e+00 : f32
    %sub3A_53 = vector.broadcast %sub3A_52 : f32 to vector<160x128xf32>
    %sub3A_54 = arith.subf %add3A_51, %sub3A_53 : vector<160x128xf32>
    %select_n3A_55 = arith.select %gt3A_49, %sub3A_54, %select_n3A : vector<160x128xi1>, vector<160x128xf32>
    %reduce_sum3A_56 = vector.shape_cast %slice3A_42 : vector<160x1xf32> to vector<1x160x1xf32>
    %reduce_sum3A_57 = arith.constant dense<0.000000e+00> : vector<1xf32>
    %reduce_sum3A_58 = vector.multi_reduction <add>, %reduce_sum3A_56, %reduce_sum3A_57 [1, 2] : vector<1x160x1xf32> to vector<1xf32>
    %reduce_sum3A_59 = vector.shape_cast %reduce_sum3A_58 : vector<1xf32> to vector<1x1x1xf32>
    %reduce_sum3A_60 = vector.extract %reduce_sum3A_59[0, 0, 0] : f32 from vector<1x1x1xf32>
    %add3A_61 = arith.constant 2.550000e+02 : f32
    %add3A_62 = arith.addf %reduce_sum3A_60, %add3A_61 : f32
    %mul3A_63 = arith.constant 3.906250e-03 : f32
    %mul3A_64 = arith.mulf %add3A_62, %mul3A_63 : f32
    %floor3A_65 = math.floor %mul3A_64 : f32
    %mul3A_66 = arith.constant 2.560000e+02 : f32
    %mul3A_67 = arith.mulf %floor3A_65, %mul3A_66 : f32
    %add3A_68 = arith.addf %add3A_34, %mul3A_67 : f32
    %eq3A_69 = arith.constant 2 : i32
    %eq3A_70 = vector.broadcast %eq3A_69 : i32 to vector<160x128xi32>
    %eq3A_71 = arith.cmpi eq, %get3A_1, %eq3A_70 : vector<160x128xi32>
    %convert_element_type3A_72 = arith.extui %eq3A_71 : vector<160x128xi1> to vector<160x128xi32>
    %convert_element_type3A_73 = arith.sitofp %convert_element_type3A_72 : vector<160x128xi32> to vector<160x128xf32>
    %dot_general3A_74 = arith.constant dense<0.000000e+00> : vector<160x128xf32>
    %dot_general3A_75 = tpu.matmul %convert_element_type3A_73, %convert_element_type3A_3, %dot_general3A_74 {dimension_numbers = #tpu.dot_dimension_numbers<[1], [0], [0], [1], [0, 0, 1, 1], [], []>, transpose_lhs_hint = false} : vector<160x128xf32>, vector<128x128xf32>, vector<160x128xf32> -> vector<160x128xf32>
    %slice3A_76 = vector.extract_strided_slice %dot_general3A_75 {offsets = [0, 127], sizes = [160, 1], strides = [1, 1]} : vector<160x128xf32> to vector<160x1xf32>
    %dot_general3A_77 = arith.constant dense<0.000000e+00> : vector<160x1xf32>
    %dot_general3A_78 = tpu.matmul %convert_element_type3A_7, %slice3A_76, %dot_general3A_77 {dimension_numbers = #tpu.dot_dimension_numbers<[1], [0], [0], [1], [0, 0, 1, 1], [], []>, transpose_lhs_hint = false} : vector<160x160xf32>, vector<160x1xf32>, vector<160x1xf32> -> vector<160x1xf32>
    %add3A_79 = vector.broadcast %dot_general3A_78 : vector<160x1xf32> to vector<160x128xf32>
    %add3A_80 = arith.addf %dot_general3A_75, %add3A_79 : vector<160x128xf32>
    %gt3A_81 = arith.constant 0.000000e+00 : f32
    %gt3A_82 = vector.broadcast %gt3A_81 : f32 to vector<160x128xf32>
    %gt3A_83 = arith.cmpf ogt, %convert_element_type3A_73, %gt3A_82 : vector<160x128xf32>
    %add3A_84 = vector.broadcast %add3A_68 : f32 to vector<160x128xf32>
    %add3A_85 = arith.addf %add3A_84, %add3A_80 : vector<160x128xf32>
    %sub3A_86 = arith.constant 1.000000e+00 : f32
    %sub3A_87 = vector.broadcast %sub3A_86 : f32 to vector<160x128xf32>
    %sub3A_88 = arith.subf %add3A_85, %sub3A_87 : vector<160x128xf32>
    %select_n3A_89 = arith.select %gt3A_83, %sub3A_88, %select_n3A_55 : vector<160x128xi1>, vector<160x128xf32>
    %reduce_sum3A_90 = vector.shape_cast %slice3A_76 : vector<160x1xf32> to vector<1x160x1xf32>
    %reduce_sum3A_91 = arith.constant dense<0.000000e+00> : vector<1xf32>
    %reduce_sum3A_92 = vector.multi_reduction <add>, %reduce_sum3A_90, %reduce_sum3A_91 [1, 2] : vector<1x160x1xf32> to vector<1xf32>
    %reduce_sum3A_93 = vector.shape_cast %reduce_sum3A_92 : vector<1xf32> to vector<1x1x1xf32>
    %reduce_sum3A_94 = vector.extract %reduce_sum3A_93[0, 0, 0] : f32 from vector<1x1x1xf32>
    %add3A_95 = arith.constant 2.550000e+02 : f32
    %add3A_96 = arith.addf %reduce_sum3A_94, %add3A_95 : f32
    %mul3A_97 = arith.constant 3.906250e-03 : f32
    %mul3A_98 = arith.mulf %add3A_96, %mul3A_97 : f32
    %floor3A_99 = math.floor %mul3A_98 : f32
    %mul3A_100 = arith.constant 2.560000e+02 : f32
    %mul3A_101 = arith.mulf %floor3A_99, %mul3A_100 : f32
    %add3A_102 = arith.addf %add3A_68, %mul3A_101 : f32
    %eq3A_103 = arith.constant 3 : i32
    %eq3A_104 = vector.broadcast %eq3A_103 : i32 to vector<160x128xi32>
    %eq3A_105 = arith.cmpi eq, %get3A_1, %eq3A_104 : vector<160x128xi32>
    %convert_element_type3A_106 = arith.extui %eq3A_105 : vector<160x128xi1> to vector<160x128xi32>
    %convert_element_type3A_107 = arith.sitofp %convert_element_type3A_106 : vector<160x128xi32> to vector<160x128xf32>
    %dot_general3A_108 = arith.constant dense<0.000000e+00> : vector<160x128xf32>
    %dot_general3A_109 = tpu.matmul %convert_element_type3A_107, %convert_element_type3A_3, %dot_general3A_108 {dimension_numbers = #tpu.dot_dimension_numbers<[1], [0], [0], [1], [0, 0, 1, 1], [], []>, transpose_lhs_hint = false} : vector<160x128xf32>, vector<128x128xf32>, vector<160x128xf32> -> vector<160x128xf32>
    %slice3A_110 = vector.extract_strided_slice %dot_general3A_109 {offsets = [0, 127], sizes = [160, 1], strides = [1, 1]} : vector<160x128xf32> to vector<160x1xf32>
    %dot_general3A_111 = arith.constant dense<0.000000e+00> : vector<160x1xf32>
    %dot_general3A_112 = tpu.matmul %convert_element_type3A_7, %slice3A_110, %dot_general3A_111 {dimension_numbers = #tpu.dot_dimension_numbers<[1], [0], [0], [1], [0, 0, 1, 1], [], []>, transpose_lhs_hint = false} : vector<160x160xf32>, vector<160x1xf32>, vector<160x1xf32> -> vector<160x1xf32>
    %add3A_113 = vector.broadcast %dot_general3A_112 : vector<160x1xf32> to vector<160x128xf32>
    %add3A_114 = arith.addf %dot_general3A_109, %add3A_113 : vector<160x128xf32>
    %gt3A_115 = arith.constant 0.000000e+00 : f32
    %gt3A_116 = vector.broadcast %gt3A_115 : f32 to vector<160x128xf32>
    %gt3A_117 = arith.cmpf ogt, %convert_element_type3A_107, %gt3A_116 : vector<160x128xf32>
    %add3A_118 = vector.broadcast %add3A_102 : f32 to vector<160x128xf32>
    %add3A_119 = arith.addf %add3A_118, %add3A_114 : vector<160x128xf32>
    %sub3A_120 = arith.constant 1.000000e+00 : f32
    %sub3A_121 = vector.broadcast %sub3A_120 : f32 to vector<160x128xf32>
    %sub3A_122 = arith.subf %add3A_119, %sub3A_121 : vector<160x128xf32>
    %select_n3A_123 = arith.select %gt3A_117, %sub3A_122, %select_n3A_89 : vector<160x128xi1>, vector<160x128xf32>
    %reduce_sum3A_124 = vector.shape_cast %slice3A_110 : vector<160x1xf32> to vector<1x160x1xf32>
    %reduce_sum3A_125 = arith.constant dense<0.000000e+00> : vector<1xf32>
    %reduce_sum3A_126 = vector.multi_reduction <add>, %reduce_sum3A_124, %reduce_sum3A_125 [1, 2] : vector<1x160x1xf32> to vector<1xf32>
    %reduce_sum3A_127 = vector.shape_cast %reduce_sum3A_126 : vector<1xf32> to vector<1x1x1xf32>
    %reduce_sum3A_128 = vector.extract %reduce_sum3A_127[0, 0, 0] : f32 from vector<1x1x1xf32>
    %add3A_129 = arith.constant 2.550000e+02 : f32
    %add3A_130 = arith.addf %reduce_sum3A_128, %add3A_129 : f32
    %mul3A_131 = arith.constant 3.906250e-03 : f32
    %mul3A_132 = arith.mulf %add3A_130, %mul3A_131 : f32
    %floor3A_133 = math.floor %mul3A_132 : f32
    %mul3A_134 = arith.constant 2.560000e+02 : f32
    %mul3A_135 = arith.mulf %floor3A_133, %mul3A_134 : f32
    %add3A_136 = arith.addf %add3A_102, %mul3A_135 : f32
    %eq3A_137 = arith.constant 4 : i32
    %eq3A_138 = vector.broadcast %eq3A_137 : i32 to vector<160x128xi32>
    %eq3A_139 = arith.cmpi eq, %get3A_1, %eq3A_138 : vector<160x128xi32>
    %convert_element_type3A_140 = arith.extui %eq3A_139 : vector<160x128xi1> to vector<160x128xi32>
    %convert_element_type3A_141 = arith.sitofp %convert_element_type3A_140 : vector<160x128xi32> to vector<160x128xf32>
    %dot_general3A_142 = arith.constant dense<0.000000e+00> : vector<160x128xf32>
    %dot_general3A_143 = tpu.matmul %convert_element_type3A_141, %convert_element_type3A_3, %dot_general3A_142 {dimension_numbers = #tpu.dot_dimension_numbers<[1], [0], [0], [1], [0, 0, 1, 1], [], []>, transpose_lhs_hint = false} : vector<160x128xf32>, vector<128x128xf32>, vector<160x128xf32> -> vector<160x128xf32>
    %slice3A_144 = vector.extract_strided_slice %dot_general3A_143 {offsets = [0, 127], sizes = [160, 1], strides = [1, 1]} : vector<160x128xf32> to vector<160x1xf32>
    %dot_general3A_145 = arith.constant dense<0.000000e+00> : vector<160x1xf32>
    %dot_general3A_146 = tpu.matmul %convert_element_type3A_7, %slice3A_144, %dot_general3A_145 {dimension_numbers = #tpu.dot_dimension_numbers<[1], [0], [0], [1], [0, 0, 1, 1], [], []>, transpose_lhs_hint = false} : vector<160x160xf32>, vector<160x1xf32>, vector<160x1xf32> -> vector<160x1xf32>
    %add3A_147 = vector.broadcast %dot_general3A_146 : vector<160x1xf32> to vector<160x128xf32>
    %add3A_148 = arith.addf %dot_general3A_143, %add3A_147 : vector<160x128xf32>
    %gt3A_149 = arith.constant 0.000000e+00 : f32
    %gt3A_150 = vector.broadcast %gt3A_149 : f32 to vector<160x128xf32>
    %gt3A_151 = arith.cmpf ogt, %convert_element_type3A_141, %gt3A_150 : vector<160x128xf32>
    %add3A_152 = vector.broadcast %add3A_136 : f32 to vector<160x128xf32>
    %add3A_153 = arith.addf %add3A_152, %add3A_148 : vector<160x128xf32>
    %sub3A_154 = arith.constant 1.000000e+00 : f32
    %sub3A_155 = vector.broadcast %sub3A_154 : f32 to vector<160x128xf32>
    %sub3A_156 = arith.subf %add3A_153, %sub3A_155 : vector<160x128xf32>
    %select_n3A_157 = arith.select %gt3A_151, %sub3A_156, %select_n3A_123 : vector<160x128xi1>, vector<160x128xf32>
    %reduce_sum3A_158 = vector.shape_cast %slice3A_144 : vector<160x1xf32> to vector<1x160x1xf32>
    %reduce_sum3A_159 = arith.constant dense<0.000000e+00> : vector<1xf32>
    %reduce_sum3A_160 = vector.multi_reduction <add>, %reduce_sum3A_158, %reduce_sum3A_159 [1, 2] : vector<1x160x1xf32> to vector<1xf32>
    %reduce_sum3A_161 = vector.shape_cast %reduce_sum3A_160 : vector<1xf32> to vector<1x1x1xf32>
    %reduce_sum3A_162 = vector.extract %reduce_sum3A_161[0, 0, 0] : f32 from vector<1x1x1xf32>
    %add3A_163 = arith.constant 2.550000e+02 : f32
    %add3A_164 = arith.addf %reduce_sum3A_162, %add3A_163 : f32
    %mul3A_165 = arith.constant 3.906250e-03 : f32
    %mul3A_166 = arith.mulf %add3A_164, %mul3A_165 : f32
    %floor3A_167 = math.floor %mul3A_166 : f32
    %mul3A_168 = arith.constant 2.560000e+02 : f32
    %mul3A_169 = arith.mulf %floor3A_167, %mul3A_168 : f32
    %add3A_170 = arith.addf %add3A_136, %mul3A_169 : f32
    %eq3A_171 = arith.constant 5 : i32
    %eq3A_172 = vector.broadcast %eq3A_171 : i32 to vector<160x128xi32>
    %eq3A_173 = arith.cmpi eq, %get3A_1, %eq3A_172 : vector<160x128xi32>
    %convert_element_type3A_174 = arith.extui %eq3A_173 : vector<160x128xi1> to vector<160x128xi32>
    %convert_element_type3A_175 = arith.sitofp %convert_element_type3A_174 : vector<160x128xi32> to vector<160x128xf32>
    %dot_general3A_176 = arith.constant dense<0.000000e+00> : vector<160x128xf32>
    %dot_general3A_177 = tpu.matmul %convert_element_type3A_175, %convert_element_type3A_3, %dot_general3A_176 {dimension_numbers = #tpu.dot_dimension_numbers<[1], [0], [0], [1], [0, 0, 1, 1], [], []>, transpose_lhs_hint = false} : vector<160x128xf32>, vector<128x128xf32>, vector<160x128xf32> -> vector<160x128xf32>
    %slice3A_178 = vector.extract_strided_slice %dot_general3A_177 {offsets = [0, 127], sizes = [160, 1], strides = [1, 1]} : vector<160x128xf32> to vector<160x1xf32>
    %dot_general3A_179 = arith.constant dense<0.000000e+00> : vector<160x1xf32>
    %dot_general3A_180 = tpu.matmul %convert_element_type3A_7, %slice3A_178, %dot_general3A_179 {dimension_numbers = #tpu.dot_dimension_numbers<[1], [0], [0], [1], [0, 0, 1, 1], [], []>, transpose_lhs_hint = false} : vector<160x160xf32>, vector<160x1xf32>, vector<160x1xf32> -> vector<160x1xf32>
    %add3A_181 = vector.broadcast %dot_general3A_180 : vector<160x1xf32> to vector<160x128xf32>
    %add3A_182 = arith.addf %dot_general3A_177, %add3A_181 : vector<160x128xf32>
    %gt3A_183 = arith.constant 0.000000e+00 : f32
    %gt3A_184 = vector.broadcast %gt3A_183 : f32 to vector<160x128xf32>
    %gt3A_185 = arith.cmpf ogt, %convert_element_type3A_175, %gt3A_184 : vector<160x128xf32>
    %add3A_186 = vector.broadcast %add3A_170 : f32 to vector<160x128xf32>
    %add3A_187 = arith.addf %add3A_186, %add3A_182 : vector<160x128xf32>
    %sub3A_188 = arith.constant 1.000000e+00 : f32
    %sub3A_189 = vector.broadcast %sub3A_188 : f32 to vector<160x128xf32>
    %sub3A_190 = arith.subf %add3A_187, %sub3A_189 : vector<160x128xf32>
    %select_n3A_191 = arith.select %gt3A_185, %sub3A_190, %select_n3A_157 : vector<160x128xi1>, vector<160x128xf32>
    %reduce_sum3A_192 = vector.shape_cast %slice3A_178 : vector<160x1xf32> to vector<1x160x1xf32>
    %reduce_sum3A_193 = arith.constant dense<0.000000e+00> : vector<1xf32>
    %reduce_sum3A_194 = vector.multi_reduction <add>, %reduce_sum3A_192, %reduce_sum3A_193 [1, 2] : vector<1x160x1xf32> to vector<1xf32>
    %reduce_sum3A_195 = vector.shape_cast %reduce_sum3A_194 : vector<1xf32> to vector<1x1x1xf32>
    %reduce_sum3A_196 = vector.extract %reduce_sum3A_195[0, 0, 0] : f32 from vector<1x1x1xf32>
    %add3A_197 = arith.constant 2.550000e+02 : f32
    %add3A_198 = arith.addf %reduce_sum3A_196, %add3A_197 : f32
    %mul3A_199 = arith.constant 3.906250e-03 : f32
    %mul3A_200 = arith.mulf %add3A_198, %mul3A_199 : f32
    %floor3A_201 = math.floor %mul3A_200 : f32
    %mul3A_202 = arith.constant 2.560000e+02 : f32
    %mul3A_203 = arith.mulf %floor3A_201, %mul3A_202 : f32
    %add3A_204 = arith.addf %add3A_170, %mul3A_203 : f32
    %eq3A_205 = arith.constant 6 : i32
    %eq3A_206 = vector.broadcast %eq3A_205 : i32 to vector<160x128xi32>
    %eq3A_207 = arith.cmpi eq, %get3A_1, %eq3A_206 : vector<160x128xi32>
    %convert_element_type3A_208 = arith.extui %eq3A_207 : vector<160x128xi1> to vector<160x128xi32>
    %convert_element_type3A_209 = arith.sitofp %convert_element_type3A_208 : vector<160x128xi32> to vector<160x128xf32>
    %dot_general3A_210 = arith.constant dense<0.000000e+00> : vector<160x128xf32>
    %dot_general3A_211 = tpu.matmul %convert_element_type3A_209, %convert_element_type3A_3, %dot_general3A_210 {dimension_numbers = #tpu.dot_dimension_numbers<[1], [0], [0], [1], [0, 0, 1, 1], [], []>, transpose_lhs_hint = false} : vector<160x128xf32>, vector<128x128xf32>, vector<160x128xf32> -> vector<160x128xf32>
    %slice3A_212 = vector.extract_strided_slice %dot_general3A_211 {offsets = [0, 127], sizes = [160, 1], strides = [1, 1]} : vector<160x128xf32> to vector<160x1xf32>
    %dot_general3A_213 = arith.constant dense<0.000000e+00> : vector<160x1xf32>
    %dot_general3A_214 = tpu.matmul %convert_element_type3A_7, %slice3A_212, %dot_general3A_213 {dimension_numbers = #tpu.dot_dimension_numbers<[1], [0], [0], [1], [0, 0, 1, 1], [], []>, transpose_lhs_hint = false} : vector<160x160xf32>, vector<160x1xf32>, vector<160x1xf32> -> vector<160x1xf32>
    %add3A_215 = vector.broadcast %dot_general3A_214 : vector<160x1xf32> to vector<160x128xf32>
    %add3A_216 = arith.addf %dot_general3A_211, %add3A_215 : vector<160x128xf32>
    %gt3A_217 = arith.constant 0.000000e+00 : f32
    %gt3A_218 = vector.broadcast %gt3A_217 : f32 to vector<160x128xf32>
    %gt3A_219 = arith.cmpf ogt, %convert_element_type3A_209, %gt3A_218 : vector<160x128xf32>
    %add3A_220 = vector.broadcast %add3A_204 : f32 to vector<160x128xf32>
    %add3A_221 = arith.addf %add3A_220, %add3A_216 : vector<160x128xf32>
    %sub3A_222 = arith.constant 1.000000e+00 : f32
    %sub3A_223 = vector.broadcast %sub3A_222 : f32 to vector<160x128xf32>
    %sub3A_224 = arith.subf %add3A_221, %sub3A_223 : vector<160x128xf32>
    %select_n3A_225 = arith.select %gt3A_219, %sub3A_224, %select_n3A_191 : vector<160x128xi1>, vector<160x128xf32>
    %reduce_sum3A_226 = vector.shape_cast %slice3A_212 : vector<160x1xf32> to vector<1x160x1xf32>
    %reduce_sum3A_227 = arith.constant dense<0.000000e+00> : vector<1xf32>
    %reduce_sum3A_228 = vector.multi_reduction <add>, %reduce_sum3A_226, %reduce_sum3A_227 [1, 2] : vector<1x160x1xf32> to vector<1xf32>
    %reduce_sum3A_229 = vector.shape_cast %reduce_sum3A_228 : vector<1xf32> to vector<1x1x1xf32>
    %reduce_sum3A_230 = vector.extract %reduce_sum3A_229[0, 0, 0] : f32 from vector<1x1x1xf32>
    %add3A_231 = arith.constant 2.550000e+02 : f32
    %add3A_232 = arith.addf %reduce_sum3A_230, %add3A_231 : f32
    %mul3A_233 = arith.constant 3.906250e-03 : f32
    %mul3A_234 = arith.mulf %add3A_232, %mul3A_233 : f32
    %floor3A_235 = math.floor %mul3A_234 : f32
    %mul3A_236 = arith.constant 2.560000e+02 : f32
    %mul3A_237 = arith.mulf %floor3A_235, %mul3A_236 : f32
    %add3A_238 = arith.addf %add3A_204, %mul3A_237 : f32
    %eq3A_239 = arith.constant 7 : i32
    %eq3A_240 = vector.broadcast %eq3A_239 : i32 to vector<160x128xi32>
    %eq3A_241 = arith.cmpi eq, %get3A_1, %eq3A_240 : vector<160x128xi32>
    %convert_element_type3A_242 = arith.extui %eq3A_241 : vector<160x128xi1> to vector<160x128xi32>
    %convert_element_type3A_243 = arith.sitofp %convert_element_type3A_242 : vector<160x128xi32> to vector<160x128xf32>
    %dot_general3A_244 = arith.constant dense<0.000000e+00> : vector<160x128xf32>
    %dot_general3A_245 = tpu.matmul %convert_element_type3A_243, %convert_element_type3A_3, %dot_general3A_244 {dimension_numbers = #tpu.dot_dimension_numbers<[1], [0], [0], [1], [0, 0, 1, 1], [], []>, transpose_lhs_hint = false} : vector<160x128xf32>, vector<128x128xf32>, vector<160x128xf32> -> vector<160x128xf32>
    %slice3A_246 = vector.extract_strided_slice %dot_general3A_245 {offsets = [0, 127], sizes = [160, 1], strides = [1, 1]} : vector<160x128xf32> to vector<160x1xf32>
    %dot_general3A_247 = arith.constant dense<0.000000e+00> : vector<160x1xf32>
    %dot_general3A_248 = tpu.matmul %convert_element_type3A_7, %slice3A_246, %dot_general3A_247 {dimension_numbers = #tpu.dot_dimension_numbers<[1], [0], [0], [1], [0, 0, 1, 1], [], []>, transpose_lhs_hint = false} : vector<160x160xf32>, vector<160x1xf32>, vector<160x1xf32> -> vector<160x1xf32>
    %add3A_249 = vector.broadcast %dot_general3A_248 : vector<160x1xf32> to vector<160x128xf32>
    %add3A_250 = arith.addf %dot_general3A_245, %add3A_249 : vector<160x128xf32>
    %gt3A_251 = arith.constant 0.000000e+00 : f32
    %gt3A_252 = vector.broadcast %gt3A_251 : f32 to vector<160x128xf32>
    %gt3A_253 = arith.cmpf ogt, %convert_element_type3A_243, %gt3A_252 : vector<160x128xf32>
    %add3A_254 = vector.broadcast %add3A_238 : f32 to vector<160x128xf32>
    %add3A_255 = arith.addf %add3A_254, %add3A_250 : vector<160x128xf32>
    %sub3A_256 = arith.constant 1.000000e+00 : f32
    %sub3A_257 = vector.broadcast %sub3A_256 : f32 to vector<160x128xf32>
    %sub3A_258 = arith.subf %add3A_255, %sub3A_257 : vector<160x128xf32>
    %select_n3A_259 = arith.select %gt3A_253, %sub3A_258, %select_n3A_225 : vector<160x128xi1>, vector<160x128xf32>
    %convert_element_type3A_260 = arith.fptosi %select_n3A_259 : vector<160x128xf32> to vector<160x128xi32>
    %swap3A = arith.constant 0 : index
    %swap3A_261 = arith.constant 0 : index
    %swap3A_262 = vector.load %arg2[%swap3A, %swap3A_261] : memref<160x128xi32, #tpu.memory_space<vmem>>, vector<160x128xi32>
    tpu.vector_store %arg2[%swap3A, %swap3A_261], %convert_element_type3A_260 {strides = array<i32>} : memref<160x128xi32, #tpu.memory_space<vmem>>, vector<160x128xi32>,
    %iota3A_263 = tpu.iota {dimensions = array<i32: 1>} : vector<1x128xi32>
    %mul3A_264 = arith.constant 256 : i32
    %mul3A_265 = vector.broadcast %mul3A_264 : i32 to vector<1x128xi32>
    %mul3A_266 = arith.muli %iota3A_263, %mul3A_265 : vector<1x128xi32>
    %convert_element_type3A_267 = arith.sitofp %mul3A_266 : vector<1x128xi32> to vector<1x128xf32>
    %broadcast_in_dim3A_268 = arith.constant 0 : i32
    %broadcast_in_dim3A_269 = vector.broadcast %broadcast_in_dim3A_268 : i32 to vector<1x128xi32>
    %ge3A = vector.broadcast %add3A_34 : f32 to vector<1x128xf32>
    %ge3A_270 = arith.cmpf oge, %convert_element_type3A_267, %ge3A : vector<1x128xf32>
    %convert_element_type3A_271 = arith.extui %ge3A_270 : vector<1x128xi1> to vector<1x128xi32>
    %add3A_272 = arith.addi %broadcast_in_dim3A_269, %convert_element_type3A_271 : vector<1x128xi32>
    %ge3A_273 = vector.broadcast %add3A_68 : f32 to vector<1x128xf32>
    %ge3A_274 = arith.cmpf oge, %convert_element_type3A_267, %ge3A_273 : vector<1x128xf32>
    %convert_element_type3A_275 = arith.extui %ge3A_274 : vector<1x128xi1> to vector<1x128xi32>
    %add3A_276 = arith.addi %add3A_272, %convert_element_type3A_275 : vector<1x128xi32>
    %ge3A_277 = vector.broadcast %add3A_102 : f32 to vector<1x128xf32>
    %ge3A_278 = arith.cmpf oge, %convert_element_type3A_267, %ge3A_277 : vector<1x128xf32>
    %convert_element_type3A_279 = arith.extui %ge3A_278 : vector<1x128xi1> to vector<1x128xi32>
    %add3A_280 = arith.addi %add3A_276, %convert_element_type3A_279 : vector<1x128xi32>
    %ge3A_281 = vector.broadcast %add3A_136 : f32 to vector<1x128xf32>
    %ge3A_282 = arith.cmpf oge, %convert_element_type3A_267, %ge3A_281 : vector<1x128xf32>
    %convert_element_type3A_283 = arith.extui %ge3A_282 : vector<1x128xi1> to vector<1x128xi32>
    %add3A_284 = arith.addi %add3A_280, %convert_element_type3A_283 : vector<1x128xi32>
    %ge3A_285 = vector.broadcast %add3A_170 : f32 to vector<1x128xf32>
    %ge3A_286 = arith.cmpf oge, %convert_element_type3A_267, %ge3A_285 : vector<1x128xf32>
    %convert_element_type3A_287 = arith.extui %ge3A_286 : vector<1x128xi1> to vector<1x128xi32>
    %add3A_288 = arith.addi %add3A_284, %convert_element_type3A_287 : vector<1x128xi32>
    %ge3A_289 = vector.broadcast %add3A_204 : f32 to vector<1x128xf32>
    %ge3A_290 = arith.cmpf oge, %convert_element_type3A_267, %ge3A_289 : vector<1x128xf32>
    %convert_element_type3A_291 = arith.extui %ge3A_290 : vector<1x128xi1> to vector<1x128xi32>
    %add3A_292 = arith.addi %add3A_288, %convert_element_type3A_291 : vector<1x128xi32>
    %ge3A_293 = vector.broadcast %add3A_238 : f32 to vector<1x128xf32>
    %ge3A_294 = arith.cmpf oge, %convert_element_type3A_267, %ge3A_293 : vector<1x128xf32>
    %convert_element_type3A_295 = arith.extui %ge3A_294 : vector<1x128xi1> to vector<1x128xi32>
    %add3A_296 = arith.addi %add3A_292, %convert_element_type3A_295 : vector<1x128xi32>
    %swap3A_297 = arith.constant 0 : index
    %swap3A_298 = arith.constant 0 : index
    %swap3A_299 = vector.load %arg3[%swap3A_297, %swap3A_298] : memref<1x128xi32, #tpu.memory_space<vmem>>, vector<1x128xi32>
    tpu.vector_store %arg3[%swap3A_297, %swap3A_298], %add3A_296 {strides = array<i32>} : memref<1x128xi32, #tpu.memory_space<vmem>>, vector<1x128xi32>,
    return
  }
  func.func @transform_0(%arg0: i32) -> (i32, i32) {
    %c0_i32 = arith.constant 0 : i32
    %c0_i32_0 = arith.constant 0 : i32
    %c0_i32_1 = arith.constant 0 : i32
    return %c0_i32, %c0_i32_0 : i32, i32
  }
  func.func @transform_1(%arg0: i32) -> (i32, i32) {
    %c0_i32 = arith.constant 0 : i32
    %c0_i32_0 = arith.constant 0 : i32
    %c0_i32_1 = arith.constant 0 : i32
    return %c0_i32, %c0_i32_0 : i32, i32
  }
  func.func @transform_2(%arg0: i32) -> (i32, i32) {
    %c0_i32 = arith.constant 0 : i32
    %c0_i32_0 = arith.constant 0 : i32
    %c0_i32_1 = arith.constant 0 : i32
    return %c0_i32, %c0_i32_0 : i32, i32
  }
}

module attributes {stable_mosaic.version = 14 : i64} {
  func.func @_gffn_body(%arg0: i32, %arg1: memref<1x128xi32, #tpu.memory_space<smem>>, %arg2: memref<256x64xf32, #tpu.memory_space<vmem>>, %arg3: memref<1x64x1024xbf16, #tpu.memory_space<vmem>>, %arg4: memref<1x1x1024xf32, #tpu.memory_space<vmem>>, %arg5: memref<1x1024x64xbf16, #tpu.memory_space<vmem>>, %arg6: memref<1x1x64xf32, #tpu.memory_space<vmem>>, %arg7: memref<256x64xf32, #tpu.memory_space<vmem>>) attributes {dimension_semantics = [#tpu.dimension_semantics<arbitrary>], iteration_bounds = array<i64: 88>, scalar_prefetch = 1 : i64, scratch_operands = 0 : i64, tpu.core_type = #tpu.core_type<tc>, window_params = [{transform_indices = @transform_0, window_bounds = array<i64: 256, 64>}, {transform_indices = @transform_1, window_bounds = array<i64: 1, 64, 1024>}, {transform_indices = @transform_2, window_bounds = array<i64: 1, 1, 1024>}, {transform_indices = @transform_3, window_bounds = array<i64: 1, 1024, 64>}, {transform_indices = @transform_4, window_bounds = array<i64: 1, 1, 64>}, {transform_indices = @transform_5, window_bounds = array<i64: 256, 64>}]} {
    %get3A = arith.constant 0 : index
    %get3A_0 = arith.constant 0 : index
    %get3A_1 = vector.load %arg2[%get3A, %get3A_0] : memref<256x64xf32, #tpu.memory_space<vmem>>, vector<256x64xf32>
    %convert_element_type3A = arith.truncf %get3A_1 : vector<256x64xf32> to vector<256x64xbf16>
    %get3A_2 = arith.constant 0 : index
    %get3A_3 = arith.constant 0 : index
    %get3A_4 = arith.constant 0 : index
    %get3A_5 = vector.load %arg3[%get3A_2, %get3A_3, %get3A_4] : memref<1x64x1024xbf16, #tpu.memory_space<vmem>>, vector<1x64x1024xbf16>
    %get3A_6 = vector.shape_cast %get3A_5 : vector<1x64x1024xbf16> to vector<64x1024xbf16>
    %dot_general3A = arith.constant dense<0.000000e+00> : vector<256x1024xf32>
    %dot_general3A_7 = tpu.matmul %convert_element_type3A, %get3A_6, %dot_general3A {dimension_numbers = #tpu.dot_dimension_numbers<[1], [0], [0], [1], [0, 0, 1, 1], [], []>, transpose_lhs_hint = false} : vector<256x64xbf16>, vector<64x1024xbf16>, vector<256x1024xf32> -> vector<256x1024xf32>
    %get3A_8 = arith.constant 0 : index
    %get3A_9 = arith.constant 0 : index
    %get3A_10 = arith.constant 0 : index
    %get3A_11 = vector.load %arg4[%get3A_8, %get3A_9, %get3A_10] : memref<1x1x1024xf32, #tpu.memory_space<vmem>>, vector<1x1x1024xf32>
    %get3A_12 = vector.shape_cast %get3A_11 : vector<1x1x1024xf32> to vector<1x1024xf32>
    %add3A = vector.broadcast %get3A_12 : vector<1x1024xf32> to vector<256x1024xf32>
    %add3A_13 = arith.addf %dot_general3A_7, %add3A : vector<256x1024xf32>
    %max3A = arith.constant 0.000000e+00 : f32
    %max3A_14 = vector.broadcast %max3A : f32 to vector<256x1024xf32>
    %max3A_15 = arith.maximumf %add3A_13, %max3A_14 : vector<256x1024xf32>
    %convert_element_type3A_16 = arith.truncf %max3A_15 : vector<256x1024xf32> to vector<256x1024xbf16>
    %get3A_17 = arith.constant 0 : index
    %get3A_18 = arith.constant 0 : index
    %get3A_19 = arith.constant 0 : index
    %get3A_20 = vector.load %arg5[%get3A_17, %get3A_18, %get3A_19] : memref<1x1024x64xbf16, #tpu.memory_space<vmem>>, vector<1x1024x64xbf16>
    %get3A_21 = vector.shape_cast %get3A_20 : vector<1x1024x64xbf16> to vector<1024x64xbf16>
    %dot_general3A_22 = arith.constant dense<0.000000e+00> : vector<256x64xf32>
    %dot_general3A_23 = tpu.matmul %convert_element_type3A_16, %get3A_21, %dot_general3A_22 {dimension_numbers = #tpu.dot_dimension_numbers<[1], [0], [0], [1], [0, 0, 1, 1], [], []>, transpose_lhs_hint = false} : vector<256x1024xbf16>, vector<1024x64xbf16>, vector<256x64xf32> -> vector<256x64xf32>
    %get3A_24 = arith.constant 0 : index
    %get3A_25 = arith.constant 0 : index
    %get3A_26 = arith.constant 0 : index
    %get3A_27 = vector.load %arg6[%get3A_24, %get3A_25, %get3A_26] : memref<1x1x64xf32, #tpu.memory_space<vmem>>, vector<1x1x64xf32>
    %get3A_28 = vector.shape_cast %get3A_27 : vector<1x1x64xf32> to vector<1x64xf32>
    %add3A_29 = vector.broadcast %get3A_28 : vector<1x64xf32> to vector<256x64xf32>
    %add3A_30 = arith.addf %dot_general3A_23, %add3A_29 : vector<256x64xf32>
    %swap3A = arith.constant 0 : index
    %swap3A_31 = arith.constant 0 : index
    %swap3A_32 = vector.load %arg7[%swap3A, %swap3A_31] : memref<256x64xf32, #tpu.memory_space<vmem>>, vector<256x64xf32>
    tpu.vector_store %arg7[%swap3A, %swap3A_31], %add3A_30 {strides = array<i32>} : memref<256x64xf32, #tpu.memory_space<vmem>>, vector<256x64xf32>,
    return
  }
  func.func @transform_0(%arg0: i32, %arg1: memref<1x128xi32, #tpu.memory_space<smem>>) -> (i32, i32) {
    %c0_i32 = arith.constant 0 : i32
    %c0_i32_0 = arith.constant 0 : i32
    return %arg0, %c0_i32 : i32, i32
  }
  func.func @transform_1(%arg0: i32, %arg1: memref<1x128xi32, #tpu.memory_space<smem>>) -> (i32, i32, i32) {
    %get3A = arith.constant 0 : index
    %get3A_0 = arith.index_cast %arg0 : i32 to index
    %get3A_1 = memref.load %arg1[%get3A, %get3A_0] : memref<1x128xi32, #tpu.memory_space<smem>>
    %c0_i32 = arith.constant 0 : i32
    %c0_i32_2 = arith.constant 0 : i32
    %c0_i32_3 = arith.constant 0 : i32
    return %get3A_1, %c0_i32, %c0_i32_2 : i32, i32, i32
  }
  func.func @transform_2(%arg0: i32, %arg1: memref<1x128xi32, #tpu.memory_space<smem>>) -> (i32, i32, i32) {
    %get3A = arith.constant 0 : index
    %get3A_0 = arith.index_cast %arg0 : i32 to index
    %get3A_1 = memref.load %arg1[%get3A, %get3A_0] : memref<1x128xi32, #tpu.memory_space<smem>>
    %c0_i32 = arith.constant 0 : i32
    %c0_i32_2 = arith.constant 0 : i32
    %c0_i32_3 = arith.constant 0 : i32
    return %get3A_1, %c0_i32, %c0_i32_2 : i32, i32, i32
  }
  func.func @transform_3(%arg0: i32, %arg1: memref<1x128xi32, #tpu.memory_space<smem>>) -> (i32, i32, i32) {
    %get3A = arith.constant 0 : index
    %get3A_0 = arith.index_cast %arg0 : i32 to index
    %get3A_1 = memref.load %arg1[%get3A, %get3A_0] : memref<1x128xi32, #tpu.memory_space<smem>>
    %c0_i32 = arith.constant 0 : i32
    %c0_i32_2 = arith.constant 0 : i32
    %c0_i32_3 = arith.constant 0 : i32
    return %get3A_1, %c0_i32, %c0_i32_2 : i32, i32, i32
  }
  func.func @transform_4(%arg0: i32, %arg1: memref<1x128xi32, #tpu.memory_space<smem>>) -> (i32, i32, i32) {
    %get3A = arith.constant 0 : index
    %get3A_0 = arith.index_cast %arg0 : i32 to index
    %get3A_1 = memref.load %arg1[%get3A, %get3A_0] : memref<1x128xi32, #tpu.memory_space<smem>>
    %c0_i32 = arith.constant 0 : i32
    %c0_i32_2 = arith.constant 0 : i32
    %c0_i32_3 = arith.constant 0 : i32
    return %get3A_1, %c0_i32, %c0_i32_2 : i32, i32, i32
  }
  func.func @transform_5(%arg0: i32, %arg1: memref<1x128xi32, #tpu.memory_space<smem>>) -> (i32, i32) {
    %c0_i32 = arith.constant 0 : i32
    %c0_i32_0 = arith.constant 0 : i32
    return %arg0, %c0_i32 : i32, i32
  }
}

module attributes {stable_mosaic.version = 14 : i64} {
  func.func @_attn_body(%arg0: i32, %arg1: memref<1280x64xf32, #tpu.memory_space<vmem>>, %arg2: memref<1280x64xf32, #tpu.memory_space<vmem>>, %arg3: memref<1280x1xf32, #tpu.memory_space<vmem>>, %arg4: memref<64x64xf32, #tpu.memory_space<vmem>>, %arg5: memref<1x64xf32, #tpu.memory_space<vmem>>, %arg6: memref<64x64xf32, #tpu.memory_space<vmem>>, %arg7: memref<1x64xf32, #tpu.memory_space<vmem>>, %arg8: memref<64x64xf32, #tpu.memory_space<vmem>>, %arg9: memref<1x64xf32, #tpu.memory_space<vmem>>, %arg10: memref<64x64xf32, #tpu.memory_space<vmem>>, %arg11: memref<1x64xf32, #tpu.memory_space<vmem>>, %arg12: memref<1x64xf32, #tpu.memory_space<vmem>>, %arg13: memref<1x64xf32, #tpu.memory_space<vmem>>, %arg14: memref<1x64xf32, #tpu.memory_space<vmem>>, %arg15: memref<1x64xf32, #tpu.memory_space<vmem>>, %arg16: memref<64x8xf32, #tpu.memory_space<vmem>>, %arg17: memref<1x8xf32, #tpu.memory_space<vmem>>, %arg18: memref<1280x64xf32, #tpu.memory_space<vmem>>, %arg19: memref<1280x64xf32, #tpu.memory_space<vmem>>, %arg20: memref<1280x1xf32, #tpu.memory_space<vmem>>, %arg21: memref<1280x1xi32, #tpu.memory_space<vmem>>, %arg22: memref<1x2x8xf32, #tpu.memory_space<vmem>>) attributes {dimension_semantics = [#tpu.dimension_semantics<arbitrary>], iteration_bounds = array<i64: 16>, scalar_prefetch = 0 : i64, scratch_operands = 0 : i64, tpu.core_type = #tpu.core_type<tc>, window_params = [{transform_indices = @transform_0, window_bounds = array<i64: 1280, 64>}, {transform_indices = @transform_1, window_bounds = array<i64: 1280, 64>}, {transform_indices = @transform_2, window_bounds = array<i64: 1280, 1>}, {pipeline_mode = #tpu.pipeline_mode<synchronous>, transform_indices = @transform_3, window_bounds = array<i64: 64, 64>}, {pipeline_mode = #tpu.pipeline_mode<synchronous>, transform_indices = @transform_4, window_bounds = array<i64: 1, 64>}, {pipeline_mode = #tpu.pipeline_mode<synchronous>, transform_indices = @transform_5, window_bounds = array<i64: 64, 64>}, {pipeline_mode = #tpu.pipeline_mode<synchronous>, transform_indices = @transform_6, window_bounds = array<i64: 1, 64>}, {pipeline_mode = #tpu.pipeline_mode<synchronous>, transform_indices = @transform_7, window_bounds = array<i64: 64, 64>}, {pipeline_mode = #tpu.pipeline_mode<synchronous>, transform_indices = @transform_8, window_bounds = array<i64: 1, 64>}, {pipeline_mode = #tpu.pipeline_mode<synchronous>, transform_indices = @transform_9, window_bounds = array<i64: 64, 64>}, {pipeline_mode = #tpu.pipeline_mode<synchronous>, transform_indices = @transform_10, window_bounds = array<i64: 1, 64>}, {pipeline_mode = #tpu.pipeline_mode<synchronous>, transform_indices = @transform_11, window_bounds = array<i64: 1, 64>}, {pipeline_mode = #tpu.pipeline_mode<synchronous>, transform_indices = @transform_12, window_bounds = array<i64: 1, 64>}, {pipeline_mode = #tpu.pipeline_mode<synchronous>, transform_indices = @transform_13, window_bounds = array<i64: 1, 64>}, {pipeline_mode = #tpu.pipeline_mode<synchronous>, transform_indices = @transform_14, window_bounds = array<i64: 1, 64>}, {pipeline_mode = #tpu.pipeline_mode<synchronous>, transform_indices = @transform_15, window_bounds = array<i64: 64, 8>}, {pipeline_mode = #tpu.pipeline_mode<synchronous>, transform_indices = @transform_16, window_bounds = array<i64: 1, 8>}, {transform_indices = @transform_17, window_bounds = array<i64: 1280, 64>}, {transform_indices = @transform_18, window_bounds = array<i64: 1280, 64>}, {transform_indices = @transform_19, window_bounds = array<i64: 1280, 1>}, {transform_indices = @transform_20, window_bounds = array<i64: 1280, 1>}, {transform_indices = @transform_21, window_bounds = array<i64: 1, 2, 8>}]} {
    %get3A = arith.constant 0 : index
    %get3A_0 = arith.constant 0 : index
    %get3A_1 = vector.load %arg1[%get3A, %get3A_0] : memref<1280x64xf32, #tpu.memory_space<vmem>>, vector<1280x64xf32>
    %get3A_2 = arith.constant 0 : index
    %get3A_3 = arith.constant 0 : index
    %get3A_4 = vector.load %arg3[%get3A_2, %get3A_3] : memref<1280x1xf32, #tpu.memory_space<vmem>>, vector<1280x1xf32>
    %get3A_5 = arith.constant 0 : index
    %get3A_6 = arith.constant 0 : index
    %get3A_7 = vector.load %arg2[%get3A_5, %get3A_6] : memref<1280x64xf32, #tpu.memory_space<vmem>>, vector<1280x64xf32>
    %mul3A = vector.broadcast %get3A_4 : vector<1280x1xf32> to vector<1280x64xf32>
    %mul3A_8 = arith.mulf %mul3A, %get3A_7 : vector<1280x64xf32>
    %add3A = arith.addf %get3A_1, %mul3A_8 : vector<1280x64xf32>
    %broadcast_in_dim3A = arith.constant 1.000000e+00 : f32
    %broadcast_in_dim3A_9 = vector.broadcast %broadcast_in_dim3A : f32 to vector<64x1xf32>
    %get3A_10 = arith.constant 0 : index
    %get3A_11 = arith.constant 0 : index
    %get3A_12 = vector.load %arg12[%get3A_10, %get3A_11] : memref<1x64xf32, #tpu.memory_space<vmem>>, vector<1x64xf32>
    %get3A_13 = arith.constant 0 : index
    %get3A_14 = arith.constant 0 : index
    %get3A_15 = vector.load %arg13[%get3A_13, %get3A_14] : memref<1x64xf32, #tpu.memory_space<vmem>>, vector<1x64xf32>
    %dot_general3A = arith.constant dense<0.000000e+00> : vector<1280x1xf32>
    %dot_general3A_16 = tpu.matmul %add3A, %broadcast_in_dim3A_9, %dot_general3A {dimension_numbers = #tpu.dot_dimension_numbers<[1], [0], [0], [1], [0, 0, 1, 1], [], []>, transpose_lhs_hint = false} : vector<1280x64xf32>, vector<64x1xf32>, vector<1280x1xf32> -> vector<1280x1xf32>
    %mul3A_17 = arith.constant 1.562500e-02 : f32
    %mul3A_18 = vector.broadcast %mul3A_17 : f32 to vector<1280x1xf32>
    %mul3A_19 = arith.mulf %dot_general3A_16, %mul3A_18 : vector<1280x1xf32>
    %mul3A_20 = arith.mulf %add3A, %add3A : vector<1280x64xf32>
    %dot_general3A_21 = arith.constant dense<0.000000e+00> : vector<1280x1xf32>
    %dot_general3A_22 = tpu.matmul %mul3A_20, %broadcast_in_dim3A_9, %dot_general3A_21 {dimension_numbers = #tpu.dot_dimension_numbers<[1], [0], [0], [1], [0, 0, 1, 1], [], []>, transpose_lhs_hint = false} : vector<1280x64xf32>, vector<64x1xf32>, vector<1280x1xf32> -> vector<1280x1xf32>
    %mul3A_23 = arith.constant 1.562500e-02 : f32
    %mul3A_24 = vector.broadcast %mul3A_23 : f32 to vector<1280x1xf32>
    %mul3A_25 = arith.mulf %dot_general3A_22, %mul3A_24 : vector<1280x1xf32>
    %mul3A_26 = arith.mulf %mul3A_19, %mul3A_19 : vector<1280x1xf32>
    %sub3A = arith.subf %mul3A_25, %mul3A_26 : vector<1280x1xf32>
    %sub3A_27 = vector.broadcast %mul3A_19 : vector<1280x1xf32> to vector<1280x64xf32>
    %sub3A_28 = arith.subf %add3A, %sub3A_27 : vector<1280x64xf32>
    %add3A_29 = arith.constant 9.99999997E-7 : f32
    %add3A_30 = vector.broadcast %add3A_29 : f32 to vector<1280x1xf32>
    %add3A_31 = arith.addf %sub3A, %add3A_30 : vector<1280x1xf32>
    %rsqrt3A = math.rsqrt %add3A_31 : vector<1280x1xf32>
    %mul3A_32 = vector.broadcast %rsqrt3A : vector<1280x1xf32> to vector<1280x64xf32>
    %mul3A_33 = arith.mulf %sub3A_28, %mul3A_32 : vector<1280x64xf32>
    %mul3A_34 = vector.broadcast %get3A_12 : vector<1x64xf32> to vector<1280x64xf32>
    %mul3A_35 = arith.mulf %mul3A_33, %mul3A_34 : vector<1280x64xf32>
    %add3A_36 = vector.broadcast %get3A_15 : vector<1x64xf32> to vector<1280x64xf32>
    %add3A_37 = arith.addf %mul3A_35, %add3A_36 : vector<1280x64xf32>
    %get3A_38 = arith.constant 0 : index
    %get3A_39 = arith.constant 0 : index
    %get3A_40 = vector.load %arg4[%get3A_38, %get3A_39] : memref<64x64xf32, #tpu.memory_space<vmem>>, vector<64x64xf32>
    %dot_general3A_41 = arith.constant dense<0.000000e+00> : vector<1280x64xf32>
    %dot_general3A_42 = tpu.matmul %add3A_37, %get3A_40, %dot_general3A_41 {dimension_numbers = #tpu.dot_dimension_numbers<[1], [0], [0], [1], [0, 0, 1, 1], [], []>, transpose_lhs_hint = false} : vector<1280x64xf32>, vector<64x64xf32>, vector<1280x64xf32> -> vector<1280x64xf32>
    %get3A_43 = arith.constant 0 : index
    %get3A_44 = arith.constant 0 : index
    %get3A_45 = vector.load %arg5[%get3A_43, %get3A_44] : memref<1x64xf32, #tpu.memory_space<vmem>>, vector<1x64xf32>
    %add3A_46 = vector.broadcast %get3A_45 : vector<1x64xf32> to vector<1280x64xf32>
    %add3A_47 = arith.addf %dot_general3A_42, %add3A_46 : vector<1280x64xf32>
    %mul3A_48 = arith.constant 0.353553385 : f32
    %mul3A_49 = vector.broadcast %mul3A_48 : f32 to vector<1280x64xf32>
    %mul3A_50 = arith.mulf %add3A_47, %mul3A_49 : vector<1280x64xf32>
    %get3A_51 = arith.constant 0 : index
    %get3A_52 = arith.constant 0 : index
    %get3A_53 = vector.load %arg6[%get3A_51, %get3A_52] : memref<64x64xf32, #tpu.memory_space<vmem>>, vector<64x64xf32>
    %dot_general3A_54 = arith.constant dense<0.000000e+00> : vector<1280x64xf32>
    %dot_general3A_55 = tpu.matmul %add3A_37, %get3A_53, %dot_general3A_54 {dimension_numbers = #tpu.dot_dimension_numbers<[1], [0], [0], [1], [0, 0, 1, 1], [], []>, transpose_lhs_hint = false} : vector<1280x64xf32>, vector<64x64xf32>, vector<1280x64xf32> -> vector<1280x64xf32>
    %get3A_56 = arith.constant 0 : index
    %get3A_57 = arith.constant 0 : index
    %get3A_58 = vector.load %arg7[%get3A_56, %get3A_57] : memref<1x64xf32, #tpu.memory_space<vmem>>, vector<1x64xf32>
    %add3A_59 = vector.broadcast %get3A_58 : vector<1x64xf32> to vector<1280x64xf32>
    %add3A_60 = arith.addf %dot_general3A_55, %add3A_59 : vector<1280x64xf32>
    %get3A_61 = arith.constant 0 : index
    %get3A_62 = arith.constant 0 : index
    %get3A_63 = vector.load %arg8[%get3A_61, %get3A_62] : memref<64x64xf32, #tpu.memory_space<vmem>>, vector<64x64xf32>
    %dot_general3A_64 = arith.constant dense<0.000000e+00> : vector<1280x64xf32>
    %dot_general3A_65 = tpu.matmul %add3A_37, %get3A_63, %dot_general3A_64 {dimension_numbers = #tpu.dot_dimension_numbers<[1], [0], [0], [1], [0, 0, 1, 1], [], []>, transpose_lhs_hint = false} : vector<1280x64xf32>, vector<64x64xf32>, vector<1280x64xf32> -> vector<1280x64xf32>
    %get3A_66 = arith.constant 0 : index
    %get3A_67 = arith.constant 0 : index
    %get3A_68 = vector.load %arg9[%get3A_66, %get3A_67] : memref<1x64xf32, #tpu.memory_space<vmem>>, vector<1x64xf32>
    %add3A_69 = vector.broadcast %get3A_68 : vector<1x64xf32> to vector<1280x64xf32>
    %add3A_70 = arith.addf %dot_general3A_65, %add3A_69 : vector<1280x64xf32>
    %iota3A = tpu.iota {dimensions = array<i32: 0>} : vector<240x240xi32>
    %jit3A = arith.constant 20 : i32
    %div3A = vector.broadcast %jit3A : i32 to vector<240x240xi32>
    %div3A_71 = arith.divsi %iota3A, %div3A : vector<240x240xi32>
    %sign3A = arith.constant 0 : i32
    %sign3A_72 = vector.broadcast %sign3A : i32 to vector<240x240xi32>
    %sign3A_73 = arith.cmpi sgt, %iota3A, %sign3A_72 : vector<240x240xi32>
    %sign3A_74 = arith.extui %sign3A_73 : vector<240x240xi1> to vector<240x240xi32>
    %sign3A_75 = arith.constant 0 : i32
    %sign3A_76 = vector.broadcast %sign3A_75 : i32 to vector<240x240xi32>
    %sign3A_77 = arith.cmpi slt, %iota3A, %sign3A_76 : vector<240x240xi32>
    %sign3A_78 = arith.extui %sign3A_77 : vector<240x240xi1> to vector<240x240xi32>
    %sign3A_79 = arith.subi %sign3A_74, %sign3A_78 : vector<240x240xi32>
    %sign3A_80 = arith.constant 0 : i32
    %sign3A_81 = arith.cmpi sgt, %jit3A, %sign3A_80 : i32
    %sign3A_82 = arith.extui %sign3A_81 : i1 to i32
    %sign3A_83 = arith.constant 0 : i32
    %sign3A_84 = arith.cmpi slt, %jit3A, %sign3A_83 : i32
    %sign3A_85 = arith.extui %sign3A_84 : i1 to i32
    %sign3A_86 = arith.subi %sign3A_82, %sign3A_85 : i32
    %ne3A = vector.broadcast %sign3A_86 : i32 to vector<240x240xi32>
    %ne3A_87 = arith.cmpi ne, %sign3A_79, %ne3A : vector<240x240xi32>
    %rem3A = vector.broadcast %jit3A : i32 to vector<240x240xi32>
    %rem3A_88 = arith.remsi %iota3A, %rem3A : vector<240x240xi32>
    %ne3A_89 = arith.constant 0 : i32
    %ne3A_90 = vector.broadcast %ne3A_89 : i32 to vector<240x240xi32>
    %ne3A_91 = arith.cmpi ne, %rem3A_88, %ne3A_90 : vector<240x240xi32>
    %and3A = arith.andi %ne3A_87, %ne3A_91 : vector<240x240xi1>
    %sub3A_92 = arith.constant 1 : i32
    %sub3A_93 = vector.broadcast %sub3A_92 : i32 to vector<240x240xi32>
    %sub3A_94 = arith.subi %div3A_71, %sub3A_93 : vector<240x240xi32>
    %select_n3A = arith.select %and3A, %sub3A_94, %div3A_71 : vector<240x240xi1>, vector<240x240xi32>
    %iota3A_95 = tpu.iota {dimensions = array<i32: 1>} : vector<240x240xi32>
    %jit3A_96 = arith.constant 20 : i32
    %div3A_97 = vector.broadcast %jit3A_96 : i32 to vector<240x240xi32>
    %div3A_98 = arith.divsi %iota3A_95, %div3A_97 : vector<240x240xi32>
    %sign3A_99 = arith.constant 0 : i32
    %sign3A_100 = vector.broadcast %sign3A_99 : i32 to vector<240x240xi32>
    %sign3A_101 = arith.cmpi sgt, %iota3A_95, %sign3A_100 : vector<240x240xi32>
    %sign3A_102 = arith.extui %sign3A_101 : vector<240x240xi1> to vector<240x240xi32>
    %sign3A_103 = arith.constant 0 : i32
    %sign3A_104 = vector.broadcast %sign3A_103 : i32 to vector<240x240xi32>
    %sign3A_105 = arith.cmpi slt, %iota3A_95, %sign3A_104 : vector<240x240xi32>
    %sign3A_106 = arith.extui %sign3A_105 : vector<240x240xi1> to vector<240x240xi32>
    %sign3A_107 = arith.subi %sign3A_102, %sign3A_106 : vector<240x240xi32>
    %sign3A_108 = arith.constant 0 : i32
    %sign3A_109 = arith.cmpi sgt, %jit3A_96, %sign3A_108 : i32
    %sign3A_110 = arith.extui %sign3A_109 : i1 to i32
    %sign3A_111 = arith.constant 0 : i32
    %sign3A_112 = arith.cmpi slt, %jit3A_96, %sign3A_111 : i32
    %sign3A_113 = arith.extui %sign3A_112 : i1 to i32
    %sign3A_114 = arith.subi %sign3A_110, %sign3A_113 : i32
    %ne3A_115 = vector.broadcast %sign3A_114 : i32 to vector<240x240xi32>
    %ne3A_116 = arith.cmpi ne, %sign3A_107, %ne3A_115 : vector<240x240xi32>
    %rem3A_117 = vector.broadcast %jit3A_96 : i32 to vector<240x240xi32>
    %rem3A_118 = arith.remsi %iota3A_95, %rem3A_117 : vector<240x240xi32>
    %ne3A_119 = arith.constant 0 : i32
    %ne3A_120 = vector.broadcast %ne3A_119 : i32 to vector<240x240xi32>
    %ne3A_121 = arith.cmpi ne, %rem3A_118, %ne3A_120 : vector<240x240xi32>
    %and3A_122 = arith.andi %ne3A_116, %ne3A_121 : vector<240x240xi1>
    %sub3A_123 = arith.constant 1 : i32
    %sub3A_124 = vector.broadcast %sub3A_123 : i32 to vector<240x240xi32>
    %sub3A_125 = arith.subi %div3A_98, %sub3A_124 : vector<240x240xi32>
    %select_n3A_126 = arith.select %and3A_122, %sub3A_125, %div3A_98 : vector<240x240xi1>, vector<240x240xi32>
    %eq3A = arith.cmpi eq, %select_n3A, %select_n3A_126 : vector<240x240xi32>
    %jit3A_127 = arith.constant 0.000000e+00 : f32
    %jit3A_128 = arith.constant -1.000000e+09 : f32
    %broadcast_in_dim3A_129 = vector.broadcast %jit3A_127 : f32 to vector<240x240xf32>
    %broadcast_in_dim3A_130 = vector.broadcast %jit3A_128 : f32 to vector<240x240xf32>
    %select_n3A_131 = arith.select %eq3A, %broadcast_in_dim3A_129, %broadcast_in_dim3A_130 : vector<240x240xi1>, vector<240x240xf32>
    %iota3A_132 = tpu.iota {dimensions = array<i32: 0>} : vector<80x80xi32>
    %jit3A_133 = arith.constant 20 : i32
    %div3A_134 = vector.broadcast %jit3A_133 : i32 to vector<80x80xi32>
    %div3A_135 = arith.divsi %iota3A_132, %div3A_134 : vector<80x80xi32>
    %sign3A_136 = arith.constant 0 : i32
    %sign3A_137 = vector.broadcast %sign3A_136 : i32 to vector<80x80xi32>
    %sign3A_138 = arith.cmpi sgt, %iota3A_132, %sign3A_137 : vector<80x80xi32>
    %sign3A_139 = arith.extui %sign3A_138 : vector<80x80xi1> to vector<80x80xi32>
    %sign3A_140 = arith.constant 0 : i32
    %sign3A_141 = vector.broadcast %sign3A_140 : i32 to vector<80x80xi32>
    %sign3A_142 = arith.cmpi slt, %iota3A_132, %sign3A_141 : vector<80x80xi32>
    %sign3A_143 = arith.extui %sign3A_142 : vector<80x80xi1> to vector<80x80xi32>
    %sign3A_144 = arith.subi %sign3A_139, %sign3A_143 : vector<80x80xi32>
    %sign3A_145 = arith.constant 0 : i32
    %sign3A_146 = arith.cmpi sgt, %jit3A_133, %sign3A_145 : i32
    %sign3A_147 = arith.extui %sign3A_146 : i1 to i32
    %sign3A_148 = arith.constant 0 : i32
    %sign3A_149 = arith.cmpi slt, %jit3A_133, %sign3A_148 : i32
    %sign3A_150 = arith.extui %sign3A_149 : i1 to i32
    %sign3A_151 = arith.subi %sign3A_147, %sign3A_150 : i32
    %ne3A_152 = vector.broadcast %sign3A_151 : i32 to vector<80x80xi32>
    %ne3A_153 = arith.cmpi ne, %sign3A_144, %ne3A_152 : vector<80x80xi32>
    %rem3A_154 = vector.broadcast %jit3A_133 : i32 to vector<80x80xi32>
    %rem3A_155 = arith.remsi %iota3A_132, %rem3A_154 : vector<80x80xi32>
    %ne3A_156 = arith.constant 0 : i32
    %ne3A_157 = vector.broadcast %ne3A_156 : i32 to vector<80x80xi32>
    %ne3A_158 = arith.cmpi ne, %rem3A_155, %ne3A_157 : vector<80x80xi32>
    %and3A_159 = arith.andi %ne3A_153, %ne3A_158 : vector<80x80xi1>
    %sub3A_160 = arith.constant 1 : i32
    %sub3A_161 = vector.broadcast %sub3A_160 : i32 to vector<80x80xi32>
    %sub3A_162 = arith.subi %div3A_135, %sub3A_161 : vector<80x80xi32>
    %select_n3A_163 = arith.select %and3A_159, %sub3A_162, %div3A_135 : vector<80x80xi1>, vector<80x80xi32>
    %iota3A_164 = tpu.iota {dimensions = array<i32: 1>} : vector<80x80xi32>
    %jit3A_165 = arith.constant 20 : i32
    %div3A_166 = vector.broadcast %jit3A_165 : i32 to vector<80x80xi32>
    %div3A_167 = arith.divsi %iota3A_164, %div3A_166 : vector<80x80xi32>
    %sign3A_168 = arith.constant 0 : i32
    %sign3A_169 = vector.broadcast %sign3A_168 : i32 to vector<80x80xi32>
    %sign3A_170 = arith.cmpi sgt, %iota3A_164, %sign3A_169 : vector<80x80xi32>
    %sign3A_171 = arith.extui %sign3A_170 : vector<80x80xi1> to vector<80x80xi32>
    %sign3A_172 = arith.constant 0 : i32
    %sign3A_173 = vector.broadcast %sign3A_172 : i32 to vector<80x80xi32>
    %sign3A_174 = arith.cmpi slt, %iota3A_164, %sign3A_173 : vector<80x80xi32>
    %sign3A_175 = arith.extui %sign3A_174 : vector<80x80xi1> to vector<80x80xi32>
    %sign3A_176 = arith.subi %sign3A_171, %sign3A_175 : vector<80x80xi32>
    %sign3A_177 = arith.constant 0 : i32
    %sign3A_178 = arith.cmpi sgt, %jit3A_165, %sign3A_177 : i32
    %sign3A_179 = arith.extui %sign3A_178 : i1 to i32
    %sign3A_180 = arith.constant 0 : i32
    %sign3A_181 = arith.cmpi slt, %jit3A_165, %sign3A_180 : i32
    %sign3A_182 = arith.extui %sign3A_181 : i1 to i32
    %sign3A_183 = arith.subi %sign3A_179, %sign3A_182 : i32
    %ne3A_184 = vector.broadcast %sign3A_183 : i32 to vector<80x80xi32>
    %ne3A_185 = arith.cmpi ne, %sign3A_176, %ne3A_184 : vector<80x80xi32>
    %rem3A_186 = vector.broadcast %jit3A_165 : i32 to vector<80x80xi32>
    %rem3A_187 = arith.remsi %iota3A_164, %rem3A_186 : vector<80x80xi32>
    %ne3A_188 = arith.constant 0 : i32
    %ne3A_189 = vector.broadcast %ne3A_188 : i32 to vector<80x80xi32>
    %ne3A_190 = arith.cmpi ne, %rem3A_187, %ne3A_189 : vector<80x80xi32>
    %and3A_191 = arith.andi %ne3A_185, %ne3A_190 : vector<80x80xi1>
    %sub3A_192 = arith.constant 1 : i32
    %sub3A_193 = vector.broadcast %sub3A_192 : i32 to vector<80x80xi32>
    %sub3A_194 = arith.subi %div3A_167, %sub3A_193 : vector<80x80xi32>
    %select_n3A_195 = arith.select %and3A_191, %sub3A_194, %div3A_167 : vector<80x80xi1>, vector<80x80xi32>
    %eq3A_196 = arith.cmpi eq, %select_n3A_163, %select_n3A_195 : vector<80x80xi32>
    %jit3A_197 = arith.constant 0.000000e+00 : f32
    %jit3A_198 = arith.constant -1.000000e+09 : f32
    %broadcast_in_dim3A_199 = vector.broadcast %jit3A_197 : f32 to vector<80x80xf32>
    %broadcast_in_dim3A_200 = vector.broadcast %jit3A_198 : f32 to vector<80x80xf32>
    %select_n3A_201 = arith.select %eq3A_196, %broadcast_in_dim3A_199, %broadcast_in_dim3A_200 : vector<80x80xi1>, vector<80x80xf32>
    %broadcast_in_dim3A_202 = arith.constant 1.000000e+00 : f32
    %broadcast_in_dim3A_203 = vector.broadcast %broadcast_in_dim3A_202 : f32 to vector<1280x1xf32>
    %convert_element_type3A = arith.truncf %mul3A_50 : vector<1280x64xf32> to vector<1280x64xbf16>
    %convert_element_type3A_204 = arith.truncf %add3A_60 : vector<1280x64xf32> to vector<1280x64xbf16>
    %slice3A = vector.extract_strided_slice %convert_element_type3A {offsets = [0, 0], sizes = [1280, 8], strides = [1, 1]} : vector<1280x64xbf16> to vector<1280x8xbf16>
    %slice3A_205 = vector.extract_strided_slice %convert_element_type3A_204 {offsets = [0, 0], sizes = [1280, 8], strides = [1, 1]} : vector<1280x64xbf16> to vector<1280x8xbf16>
    %slice3A_206 = vector.extract_strided_slice %add3A_70 {offsets = [0, 0], sizes = [1280, 8], strides = [1, 1]} : vector<1280x64xf32> to vector<1280x8xf32>
    %concatenate3A = tpu.concatenate %slice3A_206, %broadcast_in_dim3A_203 in 1 : vector<1280x8xf32>, vector<1280x1xf32> -> vector<1280x9xf32>
    %slice3A_207 = vector.extract_strided_slice %slice3A {offsets = [0, 0], sizes = [240, 8], strides = [1, 1]} : vector<1280x8xbf16> to vector<240x8xbf16>
    %slice3A_208 = vector.extract_strided_slice %slice3A_205 {offsets = [0, 0], sizes = [240, 8], strides = [1, 1]} : vector<1280x8xbf16> to vector<240x8xbf16>
    %dot_general3A_209 = arith.constant dense<0.000000e+00> : vector<240x240xf32>
    %dot_general3A_210 = tpu.matmul %slice3A_207, %slice3A_208, %dot_general3A_209 {dimension_numbers = #tpu.dot_dimension_numbers<[1], [1], [0], [0], [0, 0, 1, 0], [], []>, transpose_lhs_hint = false} : vector<240x8xbf16>, vector<240x8xbf16>, vector<240x240xf32> -> vector<240x240xf32>
    %add3A_211 = arith.addf %dot_general3A_210, %select_n3A_131 : vector<240x240xf32>
    %exp3A = math.exp %add3A_211 : vector<240x240xf32>
    %slice3A_212 = vector.extract_strided_slice %concatenate3A {offsets = [0, 0], sizes = [240, 9], strides = [1, 1]} : vector<1280x9xf32> to vector<240x9xf32>
    %dot_general3A_213 = arith.constant dense<0.000000e+00> : vector<240x9xf32>
    %dot_general3A_214 = tpu.matmul %exp3A, %slice3A_212, %dot_general3A_213 {dimension_numbers = #tpu.dot_dimension_numbers<[1], [0], [0], [1], [0, 0, 1, 1], [], []>, transpose_lhs_hint = false} : vector<240x240xf32>, vector<240x9xf32>, vector<240x9xf32> -> vector<240x9xf32>
    %slice3A_215 = vector.extract_strided_slice %slice3A {offsets = [240, 0], sizes = [240, 8], strides = [1, 1]} : vector<1280x8xbf16> to vector<240x8xbf16>
    %slice3A_216 = vector.extract_strided_slice %slice3A_205 {offsets = [240, 0], sizes = [240, 8], strides = [1, 1]} : vector<1280x8xbf16> to vector<240x8xbf16>
    %dot_general3A_217 = arith.constant dense<0.000000e+00> : vector<240x240xf32>
    %dot_general3A_218 = tpu.matmul %slice3A_215, %slice3A_216, %dot_general3A_217 {dimension_numbers = #tpu.dot_dimension_numbers<[1], [1], [0], [0], [0, 0, 1, 0], [], []>, transpose_lhs_hint = false} : vector<240x8xbf16>, vector<240x8xbf16>, vector<240x240xf32> -> vector<240x240xf32>
    %add3A_219 = arith.addf %dot_general3A_218, %select_n3A_131 : vector<240x240xf32>
    %exp3A_220 = math.exp %add3A_219 : vector<240x240xf32>
    %slice3A_221 = vector.extract_strided_slice %concatenate3A {offsets = [240, 0], sizes = [240, 9], strides = [1, 1]} : vector<1280x9xf32> to vector<240x9xf32>
    %dot_general3A_222 = arith.constant dense<0.000000e+00> : vector<240x9xf32>
    %dot_general3A_223 = tpu.matmul %exp3A_220, %slice3A_221, %dot_general3A_222 {dimension_numbers = #tpu.dot_dimension_numbers<[1], [0], [0], [1], [0, 0, 1, 1], [], []>, transpose_lhs_hint = false} : vector<240x240xf32>, vector<240x9xf32>, vector<240x9xf32> -> vector<240x9xf32>
    %slice3A_224 = vector.extract_strided_slice %slice3A {offsets = [480, 0], sizes = [240, 8], strides = [1, 1]} : vector<1280x8xbf16> to vector<240x8xbf16>
    %slice3A_225 = vector.extract_strided_slice %slice3A_205 {offsets = [480, 0], sizes = [240, 8], strides = [1, 1]} : vector<1280x8xbf16> to vector<240x8xbf16>
    %dot_general3A_226 = arith.constant dense<0.000000e+00> : vector<240x240xf32>
    %dot_general3A_227 = tpu.matmul %slice3A_224, %slice3A_225, %dot_general3A_226 {dimension_numbers = #tpu.dot_dimension_numbers<[1], [1], [0], [0], [0, 0, 1, 0], [], []>, transpose_lhs_hint = false} : vector<240x8xbf16>, vector<240x8xbf16>, vector<240x240xf32> -> vector<240x240xf32>
    %add3A_228 = arith.addf %dot_general3A_227, %select_n3A_131 : vector<240x240xf32>
    %exp3A_229 = math.exp %add3A_228 : vector<240x240xf32>
    %slice3A_230 = vector.extract_strided_slice %concatenate3A {offsets = [480, 0], sizes = [240, 9], strides = [1, 1]} : vector<1280x9xf32> to vector<240x9xf32>
    %dot_general3A_231 = arith.constant dense<0.000000e+00> : vector<240x9xf32>
    %dot_general3A_232 = tpu.matmul %exp3A_229, %slice3A_230, %dot_general3A_231 {dimension_numbers = #tpu.dot_dimension_numbers<[1], [0], [0], [1], [0, 0, 1, 1], [], []>, transpose_lhs_hint = false} : vector<240x240xf32>, vector<240x9xf32>, vector<240x9xf32> -> vector<240x9xf32>
    %slice3A_233 = vector.extract_strided_slice %slice3A {offsets = [720, 0], sizes = [240, 8], strides = [1, 1]} : vector<1280x8xbf16> to vector<240x8xbf16>
    %slice3A_234 = vector.extract_strided_slice %slice3A_205 {offsets = [720, 0], sizes = [240, 8], strides = [1, 1]} : vector<1280x8xbf16> to vector<240x8xbf16>
    %dot_general3A_235 = arith.constant dense<0.000000e+00> : vector<240x240xf32>
    %dot_general3A_236 = tpu.matmul %slice3A_233, %slice3A_234, %dot_general3A_235 {dimension_numbers = #tpu.dot_dimension_numbers<[1], [1], [0], [0], [0, 0, 1, 0], [], []>, transpose_lhs_hint = false} : vector<240x8xbf16>, vector<240x8xbf16>, vector<240x240xf32> -> vector<240x240xf32>
    %add3A_237 = arith.addf %dot_general3A_236, %select_n3A_131 : vector<240x240xf32>
    %exp3A_238 = math.exp %add3A_237 : vector<240x240xf32>
    %slice3A_239 = vector.extract_strided_slice %concatenate3A {offsets = [720, 0], sizes = [240, 9], strides = [1, 1]} : vector<1280x9xf32> to vector<240x9xf32>
    %dot_general3A_240 = arith.constant dense<0.000000e+00> : vector<240x9xf32>
    %dot_general3A_241 = tpu.matmul %exp3A_238, %slice3A_239, %dot_general3A_240 {dimension_numbers = #tpu.dot_dimension_numbers<[1], [0], [0], [1], [0, 0, 1, 1], [], []>, transpose_lhs_hint = false} : vector<240x240xf32>, vector<240x9xf32>, vector<240x9xf32> -> vector<240x9xf32>
    %slice3A_242 = vector.extract_strided_slice %slice3A {offsets = [960, 0], sizes = [240, 8], strides = [1, 1]} : vector<1280x8xbf16> to vector<240x8xbf16>
    %slice3A_243 = vector.extract_strided_slice %slice3A_205 {offsets = [960, 0], sizes = [240, 8], strides = [1, 1]} : vector<1280x8xbf16> to vector<240x8xbf16>
    %dot_general3A_244 = arith.constant dense<0.000000e+00> : vector<240x240xf32>
    %dot_general3A_245 = tpu.matmul %slice3A_242, %slice3A_243, %dot_general3A_244 {dimension_numbers = #tpu.dot_dimension_numbers<[1], [1], [0], [0], [0, 0, 1, 0], [], []>, transpose_lhs_hint = false} : vector<240x8xbf16>, vector<240x8xbf16>, vector<240x240xf32> -> vector<240x240xf32>
    %add3A_246 = arith.addf %dot_general3A_245, %select_n3A_131 : vector<240x240xf32>
    %exp3A_247 = math.exp %add3A_246 : vector<240x240xf32>
    %slice3A_248 = vector.extract_strided_slice %concatenate3A {offsets = [960, 0], sizes = [240, 9], strides = [1, 1]} : vector<1280x9xf32> to vector<240x9xf32>
    %dot_general3A_249 = arith.constant dense<0.000000e+00> : vector<240x9xf32>
    %dot_general3A_250 = tpu.matmul %exp3A_247, %slice3A_248, %dot_general3A_249 {dimension_numbers = #tpu.dot_dimension_numbers<[1], [0], [0], [1], [0, 0, 1, 1], [], []>, transpose_lhs_hint = false} : vector<240x240xf32>, vector<240x9xf32>, vector<240x9xf32> -> vector<240x9xf32>
    %slice3A_251 = vector.extract_strided_slice %slice3A {offsets = [1200, 0], sizes = [80, 8], strides = [1, 1]} : vector<1280x8xbf16> to vector<80x8xbf16>
    %slice3A_252 = vector.extract_strided_slice %slice3A_205 {offsets = [1200, 0], sizes = [80, 8], strides = [1, 1]} : vector<1280x8xbf16> to vector<80x8xbf16>
    %dot_general3A_253 = arith.constant dense<0.000000e+00> : vector<80x80xf32>
    %dot_general3A_254 = tpu.matmul %slice3A_251, %slice3A_252, %dot_general3A_253 {dimension_numbers = #tpu.dot_dimension_numbers<[1], [1], [0], [0], [0, 0, 1, 0], [], []>, transpose_lhs_hint = false} : vector<80x8xbf16>, vector<80x8xbf16>, vector<80x80xf32> -> vector<80x80xf32>
    %add3A_255 = arith.addf %dot_general3A_254, %select_n3A_201 : vector<80x80xf32>
    %exp3A_256 = math.exp %add3A_255 : vector<80x80xf32>
    %slice3A_257 = vector.extract_strided_slice %concatenate3A {offsets = [1200, 0], sizes = [80, 9], strides = [1, 1]} : vector<1280x9xf32> to vector<80x9xf32>
    %dot_general3A_258 = arith.constant dense<0.000000e+00> : vector<80x9xf32>
    %dot_general3A_259 = tpu.matmul %exp3A_256, %slice3A_257, %dot_general3A_258 {dimension_numbers = #tpu.dot_dimension_numbers<[1], [0], [0], [1], [0, 0, 1, 1], [], []>, transpose_lhs_hint = false} : vector<80x80xf32>, vector<80x9xf32>, vector<80x9xf32> -> vector<80x9xf32>
    %concatenate3A_260 = tpu.concatenate %dot_general3A_214, %dot_general3A_223, %dot_general3A_232, %dot_general3A_241, %dot_general3A_250, %dot_general3A_259 in 0 : vector<240x9xf32>, vector<240x9xf32>, vector<240x9xf32>, vector<240x9xf32>, vector<240x9xf32>, vector<80x9xf32> -> vector<1280x9xf32>
    %slice3A_261 = vector.extract_strided_slice %concatenate3A_260 {offsets = [0, 0], sizes = [1280, 8], strides = [1, 1]} : vector<1280x9xf32> to vector<1280x8xf32>
    %slice3A_262 = vector.extract_strided_slice %concatenate3A_260 {offsets = [0, 8], sizes = [1280, 1], strides = [1, 1]} : vector<1280x9xf32> to vector<1280x1xf32>
    %slice3A_263 = vector.extract_strided_slice %convert_element_type3A {offsets = [0, 8], sizes = [1280, 8], strides = [1, 1]} : vector<1280x64xbf16> to vector<1280x8xbf16>
    %slice3A_264 = vector.extract_strided_slice %convert_element_type3A_204 {offsets = [0, 8], sizes = [1280, 8], strides = [1, 1]} : vector<1280x64xbf16> to vector<1280x8xbf16>
    %slice3A_265 = vector.extract_strided_slice %add3A_70 {offsets = [0, 8], sizes = [1280, 8], strides = [1, 1]} : vector<1280x64xf32> to vector<1280x8xf32>
    %concatenate3A_266 = tpu.concatenate %slice3A_265, %broadcast_in_dim3A_203 in 1 : vector<1280x8xf32>, vector<1280x1xf32> -> vector<1280x9xf32>
    %slice3A_267 = vector.extract_strided_slice %slice3A_263 {offsets = [0, 0], sizes = [240, 8], strides = [1, 1]} : vector<1280x8xbf16> to vector<240x8xbf16>
    %slice3A_268 = vector.extract_strided_slice %slice3A_264 {offsets = [0, 0], sizes = [240, 8], strides = [1, 1]} : vector<1280x8xbf16> to vector<240x8xbf16>
    %dot_general3A_269 = arith.constant dense<0.000000e+00> : vector<240x240xf32>
    %dot_general3A_270 = tpu.matmul %slice3A_267, %slice3A_268, %dot_general3A_269 {dimension_numbers = #tpu.dot_dimension_numbers<[1], [1], [0], [0], [0, 0, 1, 0], [], []>, transpose_lhs_hint = false} : vector<240x8xbf16>, vector<240x8xbf16>, vector<240x240xf32> -> vector<240x240xf32>
    %add3A_271 = arith.addf %dot_general3A_270, %select_n3A_131 : vector<240x240xf32>
    %exp3A_272 = math.exp %add3A_271 : vector<240x240xf32>
    %slice3A_273 = vector.extract_strided_slice %concatenate3A_266 {offsets = [0, 0], sizes = [240, 9], strides = [1, 1]} : vector<1280x9xf32> to vector<240x9xf32>
    %dot_general3A_274 = arith.constant dense<0.000000e+00> : vector<240x9xf32>
    %dot_general3A_275 = tpu.matmul %exp3A_272, %slice3A_273, %dot_general3A_274 {dimension_numbers = #tpu.dot_dimension_numbers<[1], [0], [0], [1], [0, 0, 1, 1], [], []>, transpose_lhs_hint = false} : vector<240x240xf32>, vector<240x9xf32>, vector<240x9xf32> -> vector<240x9xf32>
    %slice3A_276 = vector.extract_strided_slice %slice3A_263 {offsets = [240, 0], sizes = [240, 8], strides = [1, 1]} : vector<1280x8xbf16> to vector<240x8xbf16>
    %slice3A_277 = vector.extract_strided_slice %slice3A_264 {offsets = [240, 0], sizes = [240, 8], strides = [1, 1]} : vector<1280x8xbf16> to vector<240x8xbf16>
    %dot_general3A_278 = arith.constant dense<0.000000e+00> : vector<240x240xf32>
    %dot_general3A_279 = tpu.matmul %slice3A_276, %slice3A_277, %dot_general3A_278 {dimension_numbers = #tpu.dot_dimension_numbers<[1], [1], [0], [0], [0, 0, 1, 0], [], []>, transpose_lhs_hint = false} : vector<240x8xbf16>, vector<240x8xbf16>, vector<240x240xf32> -> vector<240x240xf32>
    %add3A_280 = arith.addf %dot_general3A_279, %select_n3A_131 : vector<240x240xf32>
    %exp3A_281 = math.exp %add3A_280 : vector<240x240xf32>
    %slice3A_282 = vector.extract_strided_slice %concatenate3A_266 {offsets = [240, 0], sizes = [240, 9], strides = [1, 1]} : vector<1280x9xf32> to vector<240x9xf32>
    %dot_general3A_283 = arith.constant dense<0.000000e+00> : vector<240x9xf32>
    %dot_general3A_284 = tpu.matmul %exp3A_281, %slice3A_282, %dot_general3A_283 {dimension_numbers = #tpu.dot_dimension_numbers<[1], [0], [0], [1], [0, 0, 1, 1], [], []>, transpose_lhs_hint = false} : vector<240x240xf32>, vector<240x9xf32>, vector<240x9xf32> -> vector<240x9xf32>
    %slice3A_285 = vector.extract_strided_slice %slice3A_263 {offsets = [480, 0], sizes = [240, 8], strides = [1, 1]} : vector<1280x8xbf16> to vector<240x8xbf16>
    %slice3A_286 = vector.extract_strided_slice %slice3A_264 {offsets = [480, 0], sizes = [240, 8], strides = [1, 1]} : vector<1280x8xbf16> to vector<240x8xbf16>
    %dot_general3A_287 = arith.constant dense<0.000000e+00> : vector<240x240xf32>
    %dot_general3A_288 = tpu.matmul %slice3A_285, %slice3A_286, %dot_general3A_287 {dimension_numbers = #tpu.dot_dimension_numbers<[1], [1], [0], [0], [0, 0, 1, 0], [], []>, transpose_lhs_hint = false} : vector<240x8xbf16>, vector<240x8xbf16>, vector<240x240xf32> -> vector<240x240xf32>
    %add3A_289 = arith.addf %dot_general3A_288, %select_n3A_131 : vector<240x240xf32>
    %exp3A_290 = math.exp %add3A_289 : vector<240x240xf32>
    %slice3A_291 = vector.extract_strided_slice %concatenate3A_266 {offsets = [480, 0], sizes = [240, 9], strides = [1, 1]} : vector<1280x9xf32> to vector<240x9xf32>
    %dot_general3A_292 = arith.constant dense<0.000000e+00> : vector<240x9xf32>
    %dot_general3A_293 = tpu.matmul %exp3A_290, %slice3A_291, %dot_general3A_292 {dimension_numbers = #tpu.dot_dimension_numbers<[1], [0], [0], [1], [0, 0, 1, 1], [], []>, transpose_lhs_hint = false} : vector<240x240xf32>, vector<240x9xf32>, vector<240x9xf32> -> vector<240x9xf32>
    %slice3A_294 = vector.extract_strided_slice %slice3A_263 {offsets = [720, 0], sizes = [240, 8], strides = [1, 1]} : vector<1280x8xbf16> to vector<240x8xbf16>
    %slice3A_295 = vector.extract_strided_slice %slice3A_264 {offsets = [720, 0], sizes = [240, 8], strides = [1, 1]} : vector<1280x8xbf16> to vector<240x8xbf16>
    %dot_general3A_296 = arith.constant dense<0.000000e+00> : vector<240x240xf32>
    %dot_general3A_297 = tpu.matmul %slice3A_294, %slice3A_295, %dot_general3A_296 {dimension_numbers = #tpu.dot_dimension_numbers<[1], [1], [0], [0], [0, 0, 1, 0], [], []>, transpose_lhs_hint = false} : vector<240x8xbf16>, vector<240x8xbf16>, vector<240x240xf32> -> vector<240x240xf32>
    %add3A_298 = arith.addf %dot_general3A_297, %select_n3A_131 : vector<240x240xf32>
    %exp3A_299 = math.exp %add3A_298 : vector<240x240xf32>
    %slice3A_300 = vector.extract_strided_slice %concatenate3A_266 {offsets = [720, 0], sizes = [240, 9], strides = [1, 1]} : vector<1280x9xf32> to vector<240x9xf32>
    %dot_general3A_301 = arith.constant dense<0.000000e+00> : vector<240x9xf32>
    %dot_general3A_302 = tpu.matmul %exp3A_299, %slice3A_300, %dot_general3A_301 {dimension_numbers = #tpu.dot_dimension_numbers<[1], [0], [0], [1], [0, 0, 1, 1], [], []>, transpose_lhs_hint = false} : vector<240x240xf32>, vector<240x9xf32>, vector<240x9xf32> -> vector<240x9xf32>
    %slice3A_303 = vector.extract_strided_slice %slice3A_263 {offsets = [960, 0], sizes = [240, 8], strides = [1, 1]} : vector<1280x8xbf16> to vector<240x8xbf16>
    %slice3A_304 = vector.extract_strided_slice %slice3A_264 {offsets = [960, 0], sizes = [240, 8], strides = [1, 1]} : vector<1280x8xbf16> to vector<240x8xbf16>
    %dot_general3A_305 = arith.constant dense<0.000000e+00> : vector<240x240xf32>
    %dot_general3A_306 = tpu.matmul %slice3A_303, %slice3A_304, %dot_general3A_305 {dimension_numbers = #tpu.dot_dimension_numbers<[1], [1], [0], [0], [0, 0, 1, 0], [], []>, transpose_lhs_hint = false} : vector<240x8xbf16>, vector<240x8xbf16>, vector<240x240xf32> -> vector<240x240xf32>
    %add3A_307 = arith.addf %dot_general3A_306, %select_n3A_131 : vector<240x240xf32>
    %exp3A_308 = math.exp %add3A_307 : vector<240x240xf32>
    %slice3A_309 = vector.extract_strided_slice %concatenate3A_266 {offsets = [960, 0], sizes = [240, 9], strides = [1, 1]} : vector<1280x9xf32> to vector<240x9xf32>
    %dot_general3A_310 = arith.constant dense<0.000000e+00> : vector<240x9xf32>
    %dot_general3A_311 = tpu.matmul %exp3A_308, %slice3A_309, %dot_general3A_310 {dimension_numbers = #tpu.dot_dimension_numbers<[1], [0], [0], [1], [0, 0, 1, 1], [], []>, transpose_lhs_hint = false} : vector<240x240xf32>, vector<240x9xf32>, vector<240x9xf32> -> vector<240x9xf32>
    %slice3A_312 = vector.extract_strided_slice %slice3A_263 {offsets = [1200, 0], sizes = [80, 8], strides = [1, 1]} : vector<1280x8xbf16> to vector<80x8xbf16>
    %slice3A_313 = vector.extract_strided_slice %slice3A_264 {offsets = [1200, 0], sizes = [80, 8], strides = [1, 1]} : vector<1280x8xbf16> to vector<80x8xbf16>
    %dot_general3A_314 = arith.constant dense<0.000000e+00> : vector<80x80xf32>
    %dot_general3A_315 = tpu.matmul %slice3A_312, %slice3A_313, %dot_general3A_314 {dimension_numbers = #tpu.dot_dimension_numbers<[1], [1], [0], [0], [0, 0, 1, 0], [], []>, transpose_lhs_hint = false} : vector<80x8xbf16>, vector<80x8xbf16>, vector<80x80xf32> -> vector<80x80xf32>
    %add3A_316 = arith.addf %dot_general3A_315, %select_n3A_201 : vector<80x80xf32>
    %exp3A_317 = math.exp %add3A_316 : vector<80x80xf32>
    %slice3A_318 = vector.extract_strided_slice %concatenate3A_266 {offsets = [1200, 0], sizes = [80, 9], strides = [1, 1]} : vector<1280x9xf32> to vector<80x9xf32>
    %dot_general3A_319 = arith.constant dense<0.000000e+00> : vector<80x9xf32>
    %dot_general3A_320 = tpu.matmul %exp3A_317, %slice3A_318, %dot_general3A_319 {dimension_numbers = #tpu.dot_dimension_numbers<[1], [0], [0], [1], [0, 0, 1, 1], [], []>, transpose_lhs_hint = false} : vector<80x80xf32>, vector<80x9xf32>, vector<80x9xf32> -> vector<80x9xf32>
    %concatenate3A_321 = tpu.concatenate %dot_general3A_275, %dot_general3A_284, %dot_general3A_293, %dot_general3A_302, %dot_general3A_311, %dot_general3A_320 in 0 : vector<240x9xf32>, vector<240x9xf32>, vector<240x9xf32>, vector<240x9xf32>, vector<240x9xf32>, vector<80x9xf32> -> vector<1280x9xf32>
    %slice3A_322 = vector.extract_strided_slice %concatenate3A_321 {offsets = [0, 0], sizes = [1280, 8], strides = [1, 1]} : vector<1280x9xf32> to vector<1280x8xf32>
    %slice3A_323 = vector.extract_strided_slice %concatenate3A_321 {offsets = [0, 8], sizes = [1280, 1], strides = [1, 1]} : vector<1280x9xf32> to vector<1280x1xf32>
    %slice3A_324 = vector.extract_strided_slice %convert_element_type3A {offsets = [0, 16], sizes = [1280, 8], strides = [1, 1]} : vector<1280x64xbf16> to vector<1280x8xbf16>
    %slice3A_325 = vector.extract_strided_slice %convert_element_type3A_204 {offsets = [0, 16], sizes = [1280, 8], strides = [1, 1]} : vector<1280x64xbf16> to vector<1280x8xbf16>
    %slice3A_326 = vector.extract_strided_slice %add3A_70 {offsets = [0, 16], sizes = [1280, 8], strides = [1, 1]} : vector<1280x64xf32> to vector<1280x8xf32>
    %concatenate3A_327 = tpu.concatenate %slice3A_326, %broadcast_in_dim3A_203 in 1 : vector<1280x8xf32>, vector<1280x1xf32> -> vector<1280x9xf32>
    %slice3A_328 = vector.extract_strided_slice %slice3A_324 {offsets = [0, 0], sizes = [240, 8], strides = [1, 1]} : vector<1280x8xbf16> to vector<240x8xbf16>
    %slice3A_329 = vector.extract_strided_slice %slice3A_325 {offsets = [0, 0], sizes = [240, 8], strides = [1, 1]} : vector<1280x8xbf16> to vector<240x8xbf16>
    %dot_general3A_330 = arith.constant dense<0.000000e+00> : vector<240x240xf32>
    %dot_general3A_331 = tpu.matmul %slice3A_328, %slice3A_329, %dot_general3A_330 {dimension_numbers = #tpu.dot_dimension_numbers<[1], [1], [0], [0], [0, 0, 1, 0], [], []>, transpose_lhs_hint = false} : vector<240x8xbf16>, vector<240x8xbf16>, vector<240x240xf32> -> vector<240x240xf32>
    %add3A_332 = arith.addf %dot_general3A_331, %select_n3A_131 : vector<240x240xf32>
    %exp3A_333 = math.exp %add3A_332 : vector<240x240xf32>
    %slice3A_334 = vector.extract_strided_slice %concatenate3A_327 {offsets = [0, 0], sizes = [240, 9], strides = [1, 1]} : vector<1280x9xf32> to vector<240x9xf32>
    %dot_general3A_335 = arith.constant dense<0.000000e+00> : vector<240x9xf32>
    %dot_general3A_336 = tpu.matmul %exp3A_333, %slice3A_334, %dot_general3A_335 {dimension_numbers = #tpu.dot_dimension_numbers<[1], [0], [0], [1], [0, 0, 1, 1], [], []>, transpose_lhs_hint = false} : vector<240x240xf32>, vector<240x9xf32>, vector<240x9xf32> -> vector<240x9xf32>
    %slice3A_337 = vector.extract_strided_slice %slice3A_324 {offsets = [240, 0], sizes = [240, 8], strides = [1, 1]} : vector<1280x8xbf16> to vector<240x8xbf16>
    %slice3A_338 = vector.extract_strided_slice %slice3A_325 {offsets = [240, 0], sizes = [240, 8], strides = [1, 1]} : vector<1280x8xbf16> to vector<240x8xbf16>
    %dot_general3A_339 = arith.constant dense<0.000000e+00> : vector<240x240xf32>
    %dot_general3A_340 = tpu.matmul %slice3A_337, %slice3A_338, %dot_general3A_339 {dimension_numbers = #tpu.dot_dimension_numbers<[1], [1], [0], [0], [0, 0, 1, 0], [], []>, transpose_lhs_hint = false} : vector<240x8xbf16>, vector<240x8xbf16>, vector<240x240xf32> -> vector<240x240xf32>
    %add3A_341 = arith.addf %dot_general3A_340, %select_n3A_131 : vector<240x240xf32>
    %exp3A_342 = math.exp %add3A_341 : vector<240x240xf32>
    %slice3A_343 = vector.extract_strided_slice %concatenate3A_327 {offsets = [240, 0], sizes = [240, 9], strides = [1, 1]} : vector<1280x9xf32> to vector<240x9xf32>
    %dot_general3A_344 = arith.constant dense<0.000000e+00> : vector<240x9xf32>
    %dot_general3A_345 = tpu.matmul %exp3A_342, %slice3A_343, %dot_general3A_344 {dimension_numbers = #tpu.dot_dimension_numbers<[1], [0], [0], [1], [0, 0, 1, 1], [], []>, transpose_lhs_hint = false} : vector<240x240xf32>, vector<240x9xf32>, vector<240x9xf32> -> vector<240x9xf32>
    %slice3A_346 = vector.extract_strided_slice %slice3A_324 {offsets = [480, 0], sizes = [240, 8], strides = [1, 1]} : vector<1280x8xbf16> to vector<240x8xbf16>
    %slice3A_347 = vector.extract_strided_slice %slice3A_325 {offsets = [480, 0], sizes = [240, 8], strides = [1, 1]} : vector<1280x8xbf16> to vector<240x8xbf16>
    %dot_general3A_348 = arith.constant dense<0.000000e+00> : vector<240x240xf32>
    %dot_general3A_349 = tpu.matmul %slice3A_346, %slice3A_347, %dot_general3A_348 {dimension_numbers = #tpu.dot_dimension_numbers<[1], [1], [0], [0], [0, 0, 1, 0], [], []>, transpose_lhs_hint = false} : vector<240x8xbf16>, vector<240x8xbf16>, vector<240x240xf32> -> vector<240x240xf32>
    %add3A_350 = arith.addf %dot_general3A_349, %select_n3A_131 : vector<240x240xf32>
    %exp3A_351 = math.exp %add3A_350 : vector<240x240xf32>
    %slice3A_352 = vector.extract_strided_slice %concatenate3A_327 {offsets = [480, 0], sizes = [240, 9], strides = [1, 1]} : vector<1280x9xf32> to vector<240x9xf32>
    %dot_general3A_353 = arith.constant dense<0.000000e+00> : vector<240x9xf32>
    %dot_general3A_354 = tpu.matmul %exp3A_351, %slice3A_352, %dot_general3A_353 {dimension_numbers = #tpu.dot_dimension_numbers<[1], [0], [0], [1], [0, 0, 1, 1], [], []>, transpose_lhs_hint = false} : vector<240x240xf32>, vector<240x9xf32>, vector<240x9xf32> -> vector<240x9xf32>
    %slice3A_355 = vector.extract_strided_slice %slice3A_324 {offsets = [720, 0], sizes = [240, 8], strides = [1, 1]} : vector<1280x8xbf16> to vector<240x8xbf16>
    %slice3A_356 = vector.extract_strided_slice %slice3A_325 {offsets = [720, 0], sizes = [240, 8], strides = [1, 1]} : vector<1280x8xbf16> to vector<240x8xbf16>
    %dot_general3A_357 = arith.constant dense<0.000000e+00> : vector<240x240xf32>
    %dot_general3A_358 = tpu.matmul %slice3A_355, %slice3A_356, %dot_general3A_357 {dimension_numbers = #tpu.dot_dimension_numbers<[1], [1], [0], [0], [0, 0, 1, 0], [], []>, transpose_lhs_hint = false} : vector<240x8xbf16>, vector<240x8xbf16>, vector<240x240xf32> -> vector<240x240xf32>
    %add3A_359 = arith.addf %dot_general3A_358, %select_n3A_131 : vector<240x240xf32>
    %exp3A_360 = math.exp %add3A_359 : vector<240x240xf32>
    %slice3A_361 = vector.extract_strided_slice %concatenate3A_327 {offsets = [720, 0], sizes = [240, 9], strides = [1, 1]} : vector<1280x9xf32> to vector<240x9xf32>
    %dot_general3A_362 = arith.constant dense<0.000000e+00> : vector<240x9xf32>
    %dot_general3A_363 = tpu.matmul %exp3A_360, %slice3A_361, %dot_general3A_362 {dimension_numbers = #tpu.dot_dimension_numbers<[1], [0], [0], [1], [0, 0, 1, 1], [], []>, transpose_lhs_hint = false} : vector<240x240xf32>, vector<240x9xf32>, vector<240x9xf32> -> vector<240x9xf32>
    %slice3A_364 = vector.extract_strided_slice %slice3A_324 {offsets = [960, 0], sizes = [240, 8], strides = [1, 1]} : vector<1280x8xbf16> to vector<240x8xbf16>
    %slice3A_365 = vector.extract_strided_slice %slice3A_325 {offsets = [960, 0], sizes = [240, 8], strides = [1, 1]} : vector<1280x8xbf16> to vector<240x8xbf16>
    %dot_general3A_366 = arith.constant dense<0.000000e+00> : vector<240x240xf32>
    %dot_general3A_367 = tpu.matmul %slice3A_364, %slice3A_365, %dot_general3A_366 {dimension_numbers = #tpu.dot_dimension_numbers<[1], [1], [0], [0], [0, 0, 1, 0], [], []>, transpose_lhs_hint = false} : vector<240x8xbf16>, vector<240x8xbf16>, vector<240x240xf32> -> vector<240x240xf32>
    %add3A_368 = arith.addf %dot_general3A_367, %select_n3A_131 : vector<240x240xf32>
    %exp3A_369 = math.exp %add3A_368 : vector<240x240xf32>
    %slice3A_370 = vector.extract_strided_slice %concatenate3A_327 {offsets = [960, 0], sizes = [240, 9], strides = [1, 1]} : vector<1280x9xf32> to vector<240x9xf32>
    %dot_general3A_371 = arith.constant dense<0.000000e+00> : vector<240x9xf32>
    %dot_general3A_372 = tpu.matmul %exp3A_369, %slice3A_370, %dot_general3A_371 {dimension_numbers = #tpu.dot_dimension_numbers<[1], [0], [0], [1], [0, 0, 1, 1], [], []>, transpose_lhs_hint = false} : vector<240x240xf32>, vector<240x9xf32>, vector<240x9xf32> -> vector<240x9xf32>
    %slice3A_373 = vector.extract_strided_slice %slice3A_324 {offsets = [1200, 0], sizes = [80, 8], strides = [1, 1]} : vector<1280x8xbf16> to vector<80x8xbf16>
    %slice3A_374 = vector.extract_strided_slice %slice3A_325 {offsets = [1200, 0], sizes = [80, 8], strides = [1, 1]} : vector<1280x8xbf16> to vector<80x8xbf16>
    %dot_general3A_375 = arith.constant dense<0.000000e+00> : vector<80x80xf32>
    %dot_general3A_376 = tpu.matmul %slice3A_373, %slice3A_374, %dot_general3A_375 {dimension_numbers = #tpu.dot_dimension_numbers<[1], [1], [0], [0], [0, 0, 1, 0], [], []>, transpose_lhs_hint = false} : vector<80x8xbf16>, vector<80x8xbf16>, vector<80x80xf32> -> vector<80x80xf32>
    %add3A_377 = arith.addf %dot_general3A_376, %select_n3A_201 : vector<80x80xf32>
    %exp3A_378 = math.exp %add3A_377 : vector<80x80xf32>
    %slice3A_379 = vector.extract_strided_slice %concatenate3A_327 {offsets = [1200, 0], sizes = [80, 9], strides = [1, 1]} : vector<1280x9xf32> to vector<80x9xf32>
    %dot_general3A_380 = arith.constant dense<0.000000e+00> : vector<80x9xf32>
    %dot_general3A_381 = tpu.matmul %exp3A_378, %slice3A_379, %dot_general3A_380 {dimension_numbers = #tpu.dot_dimension_numbers<[1], [0], [0], [1], [0, 0, 1, 1], [], []>, transpose_lhs_hint = false} : vector<80x80xf32>, vector<80x9xf32>, vector<80x9xf32> -> vector<80x9xf32>
    %concatenate3A_382 = tpu.concatenate %dot_general3A_336, %dot_general3A_345, %dot_general3A_354, %dot_general3A_363, %dot_general3A_372, %dot_general3A_381 in 0 : vector<240x9xf32>, vector<240x9xf32>, vector<240x9xf32>, vector<240x9xf32>, vector<240x9xf32>, vector<80x9xf32> -> vector<1280x9xf32>
    %slice3A_383 = vector.extract_strided_slice %concatenate3A_382 {offsets = [0, 0], sizes = [1280, 8], strides = [1, 1]} : vector<1280x9xf32> to vector<1280x8xf32>
    %slice3A_384 = vector.extract_strided_slice %concatenate3A_382 {offsets = [0, 8], sizes = [1280, 1], strides = [1, 1]} : vector<1280x9xf32> to vector<1280x1xf32>
    %slice3A_385 = vector.extract_strided_slice %convert_element_type3A {offsets = [0, 24], sizes = [1280, 8], strides = [1, 1]} : vector<1280x64xbf16> to vector<1280x8xbf16>
    %slice3A_386 = vector.extract_strided_slice %convert_element_type3A_204 {offsets = [0, 24], sizes = [1280, 8], strides = [1, 1]} : vector<1280x64xbf16> to vector<1280x8xbf16>
    %slice3A_387 = vector.extract_strided_slice %add3A_70 {offsets = [0, 24], sizes = [1280, 8], strides = [1, 1]} : vector<1280x64xf32> to vector<1280x8xf32>
    %concatenate3A_388 = tpu.concatenate %slice3A_387, %broadcast_in_dim3A_203 in 1 : vector<1280x8xf32>, vector<1280x1xf32> -> vector<1280x9xf32>
    %slice3A_389 = vector.extract_strided_slice %slice3A_385 {offsets = [0, 0], sizes = [240, 8], strides = [1, 1]} : vector<1280x8xbf16> to vector<240x8xbf16>
    %slice3A_390 = vector.extract_strided_slice %slice3A_386 {offsets = [0, 0], sizes = [240, 8], strides = [1, 1]} : vector<1280x8xbf16> to vector<240x8xbf16>
    %dot_general3A_391 = arith.constant dense<0.000000e+00> : vector<240x240xf32>
    %dot_general3A_392 = tpu.matmul %slice3A_389, %slice3A_390, %dot_general3A_391 {dimension_numbers = #tpu.dot_dimension_numbers<[1], [1], [0], [0], [0, 0, 1, 0], [], []>, transpose_lhs_hint = false} : vector<240x8xbf16>, vector<240x8xbf16>, vector<240x240xf32> -> vector<240x240xf32>
    %add3A_393 = arith.addf %dot_general3A_392, %select_n3A_131 : vector<240x240xf32>
    %exp3A_394 = math.exp %add3A_393 : vector<240x240xf32>
    %slice3A_395 = vector.extract_strided_slice %concatenate3A_388 {offsets = [0, 0], sizes = [240, 9], strides = [1, 1]} : vector<1280x9xf32> to vector<240x9xf32>
    %dot_general3A_396 = arith.constant dense<0.000000e+00> : vector<240x9xf32>
    %dot_general3A_397 = tpu.matmul %exp3A_394, %slice3A_395, %dot_general3A_396 {dimension_numbers = #tpu.dot_dimension_numbers<[1], [0], [0], [1], [0, 0, 1, 1], [], []>, transpose_lhs_hint = false} : vector<240x240xf32>, vector<240x9xf32>, vector<240x9xf32> -> vector<240x9xf32>
    %slice3A_398 = vector.extract_strided_slice %slice3A_385 {offsets = [240, 0], sizes = [240, 8], strides = [1, 1]} : vector<1280x8xbf16> to vector<240x8xbf16>
    %slice3A_399 = vector.extract_strided_slice %slice3A_386 {offsets = [240, 0], sizes = [240, 8], strides = [1, 1]} : vector<1280x8xbf16> to vector<240x8xbf16>
    %dot_general3A_400 = arith.constant dense<0.000000e+00> : vector<240x240xf32>
    %dot_general3A_401 = tpu.matmul %slice3A_398, %slice3A_399, %dot_general3A_400 {dimension_numbers = #tpu.dot_dimension_numbers<[1], [1], [0], [0], [0, 0, 1, 0], [], []>, transpose_lhs_hint = false} : vector<240x8xbf16>, vector<240x8xbf16>, vector<240x240xf32> -> vector<240x240xf32>
    %add3A_402 = arith.addf %dot_general3A_401, %select_n3A_131 : vector<240x240xf32>
    %exp3A_403 = math.exp %add3A_402 : vector<240x240xf32>
    %slice3A_404 = vector.extract_strided_slice %concatenate3A_388 {offsets = [240, 0], sizes = [240, 9], strides = [1, 1]} : vector<1280x9xf32> to vector<240x9xf32>
    %dot_general3A_405 = arith.constant dense<0.000000e+00> : vector<240x9xf32>
    %dot_general3A_406 = tpu.matmul %exp3A_403, %slice3A_404, %dot_general3A_405 {dimension_numbers = #tpu.dot_dimension_numbers<[1], [0], [0], [1], [0, 0, 1, 1], [], []>, transpose_lhs_hint = false} : vector<240x240xf32>, vector<240x9xf32>, vector<240x9xf32> -> vector<240x9xf32>
    %slice3A_407 = vector.extract_strided_slice %slice3A_385 {offsets = [480, 0], sizes = [240, 8], strides = [1, 1]} : vector<1280x8xbf16> to vector<240x8xbf16>
    %slice3A_408 = vector.extract_strided_slice %slice3A_386 {offsets = [480, 0], sizes = [240, 8], strides = [1, 1]} : vector<1280x8xbf16> to vector<240x8xbf16>
    %dot_general3A_409 = arith.constant dense<0.000000e+00> : vector<240x240xf32>
    %dot_general3A_410 = tpu.matmul %slice3A_407, %slice3A_408, %dot_general3A_409 {dimension_numbers = #tpu.dot_dimension_numbers<[1], [1], [0], [0], [0, 0, 1, 0], [], []>, transpose_lhs_hint = false} : vector<240x8xbf16>, vector<240x8xbf16>, vector<240x240xf32> -> vector<240x240xf32>
    %add3A_411 = arith.addf %dot_general3A_410, %select_n3A_131 : vector<240x240xf32>
    %exp3A_412 = math.exp %add3A_411 : vector<240x240xf32>
    %slice3A_413 = vector.extract_strided_slice %concatenate3A_388 {offsets = [480, 0], sizes = [240, 9], strides = [1, 1]} : vector<1280x9xf32> to vector<240x9xf32>
    %dot_general3A_414 = arith.constant dense<0.000000e+00> : vector<240x9xf32>
    %dot_general3A_415 = tpu.matmul %exp3A_412, %slice3A_413, %dot_general3A_414 {dimension_numbers = #tpu.dot_dimension_numbers<[1], [0], [0], [1], [0, 0, 1, 1], [], []>, transpose_lhs_hint = false} : vector<240x240xf32>, vector<240x9xf32>, vector<240x9xf32> -> vector<240x9xf32>
    %slice3A_416 = vector.extract_strided_slice %slice3A_385 {offsets = [720, 0], sizes = [240, 8], strides = [1, 1]} : vector<1280x8xbf16> to vector<240x8xbf16>
    %slice3A_417 = vector.extract_strided_slice %slice3A_386 {offsets = [720, 0], sizes = [240, 8], strides = [1, 1]} : vector<1280x8xbf16> to vector<240x8xbf16>
    %dot_general3A_418 = arith.constant dense<0.000000e+00> : vector<240x240xf32>
    %dot_general3A_419 = tpu.matmul %slice3A_416, %slice3A_417, %dot_general3A_418 {dimension_numbers = #tpu.dot_dimension_numbers<[1], [1], [0], [0], [0, 0, 1, 0], [], []>, transpose_lhs_hint = false} : vector<240x8xbf16>, vector<240x8xbf16>, vector<240x240xf32> -> vector<240x240xf32>
    %add3A_420 = arith.addf %dot_general3A_419, %select_n3A_131 : vector<240x240xf32>
    %exp3A_421 = math.exp %add3A_420 : vector<240x240xf32>
    %slice3A_422 = vector.extract_strided_slice %concatenate3A_388 {offsets = [720, 0], sizes = [240, 9], strides = [1, 1]} : vector<1280x9xf32> to vector<240x9xf32>
    %dot_general3A_423 = arith.constant dense<0.000000e+00> : vector<240x9xf32>
    %dot_general3A_424 = tpu.matmul %exp3A_421, %slice3A_422, %dot_general3A_423 {dimension_numbers = #tpu.dot_dimension_numbers<[1], [0], [0], [1], [0, 0, 1, 1], [], []>, transpose_lhs_hint = false} : vector<240x240xf32>, vector<240x9xf32>, vector<240x9xf32> -> vector<240x9xf32>
    %slice3A_425 = vector.extract_strided_slice %slice3A_385 {offsets = [960, 0], sizes = [240, 8], strides = [1, 1]} : vector<1280x8xbf16> to vector<240x8xbf16>
    %slice3A_426 = vector.extract_strided_slice %slice3A_386 {offsets = [960, 0], sizes = [240, 8], strides = [1, 1]} : vector<1280x8xbf16> to vector<240x8xbf16>
    %dot_general3A_427 = arith.constant dense<0.000000e+00> : vector<240x240xf32>
    %dot_general3A_428 = tpu.matmul %slice3A_425, %slice3A_426, %dot_general3A_427 {dimension_numbers = #tpu.dot_dimension_numbers<[1], [1], [0], [0], [0, 0, 1, 0], [], []>, transpose_lhs_hint = false} : vector<240x8xbf16>, vector<240x8xbf16>, vector<240x240xf32> -> vector<240x240xf32>
    %add3A_429 = arith.addf %dot_general3A_428, %select_n3A_131 : vector<240x240xf32>
    %exp3A_430 = math.exp %add3A_429 : vector<240x240xf32>
    %slice3A_431 = vector.extract_strided_slice %concatenate3A_388 {offsets = [960, 0], sizes = [240, 9], strides = [1, 1]} : vector<1280x9xf32> to vector<240x9xf32>
    %dot_general3A_432 = arith.constant dense<0.000000e+00> : vector<240x9xf32>
    %dot_general3A_433 = tpu.matmul %exp3A_430, %slice3A_431, %dot_general3A_432 {dimension_numbers = #tpu.dot_dimension_numbers<[1], [0], [0], [1], [0, 0, 1, 1], [], []>, transpose_lhs_hint = false} : vector<240x240xf32>, vector<240x9xf32>, vector<240x9xf32> -> vector<240x9xf32>
    %slice3A_434 = vector.extract_strided_slice %slice3A_385 {offsets = [1200, 0], sizes = [80, 8], strides = [1, 1]} : vector<1280x8xbf16> to vector<80x8xbf16>
    %slice3A_435 = vector.extract_strided_slice %slice3A_386 {offsets = [1200, 0], sizes = [80, 8], strides = [1, 1]} : vector<1280x8xbf16> to vector<80x8xbf16>
    %dot_general3A_436 = arith.constant dense<0.000000e+00> : vector<80x80xf32>
    %dot_general3A_437 = tpu.matmul %slice3A_434, %slice3A_435, %dot_general3A_436 {dimension_numbers = #tpu.dot_dimension_numbers<[1], [1], [0], [0], [0, 0, 1, 0], [], []>, transpose_lhs_hint = false} : vector<80x8xbf16>, vector<80x8xbf16>, vector<80x80xf32> -> vector<80x80xf32>
    %add3A_438 = arith.addf %dot_general3A_437, %select_n3A_201 : vector<80x80xf32>
    %exp3A_439 = math.exp %add3A_438 : vector<80x80xf32>
    %slice3A_440 = vector.extract_strided_slice %concatenate3A_388 {offsets = [1200, 0], sizes = [80, 9], strides = [1, 1]} : vector<1280x9xf32> to vector<80x9xf32>
    %dot_general3A_441 = arith.constant dense<0.000000e+00> : vector<80x9xf32>
    %dot_general3A_442 = tpu.matmul %exp3A_439, %slice3A_440, %dot_general3A_441 {dimension_numbers = #tpu.dot_dimension_numbers<[1], [0], [0], [1], [0, 0, 1, 1], [], []>, transpose_lhs_hint = false} : vector<80x80xf32>, vector<80x9xf32>, vector<80x9xf32> -> vector<80x9xf32>
    %concatenate3A_443 = tpu.concatenate %dot_general3A_397, %dot_general3A_406, %dot_general3A_415, %dot_general3A_424, %dot_general3A_433, %dot_general3A_442 in 0 : vector<240x9xf32>, vector<240x9xf32>, vector<240x9xf32>, vector<240x9xf32>, vector<240x9xf32>, vector<80x9xf32> -> vector<1280x9xf32>
    %slice3A_444 = vector.extract_strided_slice %concatenate3A_443 {offsets = [0, 0], sizes = [1280, 8], strides = [1, 1]} : vector<1280x9xf32> to vector<1280x8xf32>
    %slice3A_445 = vector.extract_strided_slice %concatenate3A_443 {offsets = [0, 8], sizes = [1280, 1], strides = [1, 1]} : vector<1280x9xf32> to vector<1280x1xf32>
    %slice3A_446 = vector.extract_strided_slice %convert_element_type3A {offsets = [0, 32], sizes = [1280, 8], strides = [1, 1]} : vector<1280x64xbf16> to vector<1280x8xbf16>
    %slice3A_447 = vector.extract_strided_slice %convert_element_type3A_204 {offsets = [0, 32], sizes = [1280, 8], strides = [1, 1]} : vector<1280x64xbf16> to vector<1280x8xbf16>
    %slice3A_448 = vector.extract_strided_slice %add3A_70 {offsets = [0, 32], sizes = [1280, 8], strides = [1, 1]} : vector<1280x64xf32> to vector<1280x8xf32>
    %concatenate3A_449 = tpu.concatenate %slice3A_448, %broadcast_in_dim3A_203 in 1 : vector<1280x8xf32>, vector<1280x1xf32> -> vector<1280x9xf32>
    %slice3A_450 = vector.extract_strided_slice %slice3A_446 {offsets = [0, 0], sizes = [240, 8], strides = [1, 1]} : vector<1280x8xbf16> to vector<240x8xbf16>
    %slice3A_451 = vector.extract_strided_slice %slice3A_447 {offsets = [0, 0], sizes = [240, 8], strides = [1, 1]} : vector<1280x8xbf16> to vector<240x8xbf16>
    %dot_general3A_452 = arith.constant dense<0.000000e+00> : vector<240x240xf32>
    %dot_general3A_453 = tpu.matmul %slice3A_450, %slice3A_451, %dot_general3A_452 {dimension_numbers = #tpu.dot_dimension_numbers<[1], [1], [0], [0], [0, 0, 1, 0], [], []>, transpose_lhs_hint = false} : vector<240x8xbf16>, vector<240x8xbf16>, vector<240x240xf32> -> vector<240x240xf32>
    %add3A_454 = arith.addf %dot_general3A_453, %select_n3A_131 : vector<240x240xf32>
    %exp3A_455 = math.exp %add3A_454 : vector<240x240xf32>
    %slice3A_456 = vector.extract_strided_slice %concatenate3A_449 {offsets = [0, 0], sizes = [240, 9], strides = [1, 1]} : vector<1280x9xf32> to vector<240x9xf32>
    %dot_general3A_457 = arith.constant dense<0.000000e+00> : vector<240x9xf32>
    %dot_general3A_458 = tpu.matmul %exp3A_455, %slice3A_456, %dot_general3A_457 {dimension_numbers = #tpu.dot_dimension_numbers<[1], [0], [0], [1], [0, 0, 1, 1], [], []>, transpose_lhs_hint = false} : vector<240x240xf32>, vector<240x9xf32>, vector<240x9xf32> -> vector<240x9xf32>
    %slice3A_459 = vector.extract_strided_slice %slice3A_446 {offsets = [240, 0], sizes = [240, 8], strides = [1, 1]} : vector<1280x8xbf16> to vector<240x8xbf16>
    %slice3A_460 = vector.extract_strided_slice %slice3A_447 {offsets = [240, 0], sizes = [240, 8], strides = [1, 1]} : vector<1280x8xbf16> to vector<240x8xbf16>
    %dot_general3A_461 = arith.constant dense<0.000000e+00> : vector<240x240xf32>
    %dot_general3A_462 = tpu.matmul %slice3A_459, %slice3A_460, %dot_general3A_461 {dimension_numbers = #tpu.dot_dimension_numbers<[1], [1], [0], [0], [0, 0, 1, 0], [], []>, transpose_lhs_hint = false} : vector<240x8xbf16>, vector<240x8xbf16>, vector<240x240xf32> -> vector<240x240xf32>
    %add3A_463 = arith.addf %dot_general3A_462, %select_n3A_131 : vector<240x240xf32>
    %exp3A_464 = math.exp %add3A_463 : vector<240x240xf32>
    %slice3A_465 = vector.extract_strided_slice %concatenate3A_449 {offsets = [240, 0], sizes = [240, 9], strides = [1, 1]} : vector<1280x9xf32> to vector<240x9xf32>
    %dot_general3A_466 = arith.constant dense<0.000000e+00> : vector<240x9xf32>
    %dot_general3A_467 = tpu.matmul %exp3A_464, %slice3A_465, %dot_general3A_466 {dimension_numbers = #tpu.dot_dimension_numbers<[1], [0], [0], [1], [0, 0, 1, 1], [], []>, transpose_lhs_hint = false} : vector<240x240xf32>, vector<240x9xf32>, vector<240x9xf32> -> vector<240x9xf32>
    %slice3A_468 = vector.extract_strided_slice %slice3A_446 {offsets = [480, 0], sizes = [240, 8], strides = [1, 1]} : vector<1280x8xbf16> to vector<240x8xbf16>
    %slice3A_469 = vector.extract_strided_slice %slice3A_447 {offsets = [480, 0], sizes = [240, 8], strides = [1, 1]} : vector<1280x8xbf16> to vector<240x8xbf16>
    %dot_general3A_470 = arith.constant dense<0.000000e+00> : vector<240x240xf32>
    %dot_general3A_471 = tpu.matmul %slice3A_468, %slice3A_469, %dot_general3A_470 {dimension_numbers = #tpu.dot_dimension_numbers<[1], [1], [0], [0], [0, 0, 1, 0], [], []>, transpose_lhs_hint = false} : vector<240x8xbf16>, vector<240x8xbf16>, vector<240x240xf32> -> vector<240x240xf32>
    %add3A_472 = arith.addf %dot_general3A_471, %select_n3A_131 : vector<240x240xf32>
    %exp3A_473 = math.exp %add3A_472 : vector<240x240xf32>
    %slice3A_474 = vector.extract_strided_slice %concatenate3A_449 {offsets = [480, 0], sizes = [240, 9], strides = [1, 1]} : vector<1280x9xf32> to vector<240x9xf32>
    %dot_general3A_475 = arith.constant dense<0.000000e+00> : vector<240x9xf32>
    %dot_general3A_476 = tpu.matmul %exp3A_473, %slice3A_474, %dot_general3A_475 {dimension_numbers = #tpu.dot_dimension_numbers<[1], [0], [0], [1], [0, 0, 1, 1], [], []>, transpose_lhs_hint = false} : vector<240x240xf32>, vector<240x9xf32>, vector<240x9xf32> -> vector<240x9xf32>
    %slice3A_477 = vector.extract_strided_slice %slice3A_446 {offsets = [720, 0], sizes = [240, 8], strides = [1, 1]} : vector<1280x8xbf16> to vector<240x8xbf16>
    %slice3A_478 = vector.extract_strided_slice %slice3A_447 {offsets = [720, 0], sizes = [240, 8], strides = [1, 1]} : vector<1280x8xbf16> to vector<240x8xbf16>
    %dot_general3A_479 = arith.constant dense<0.000000e+00> : vector<240x240xf32>
    %dot_general3A_480 = tpu.matmul %slice3A_477, %slice3A_478, %dot_general3A_479 {dimension_numbers = #tpu.dot_dimension_numbers<[1], [1], [0], [0], [0, 0, 1, 0], [], []>, transpose_lhs_hint = false} : vector<240x8xbf16>, vector<240x8xbf16>, vector<240x240xf32> -> vector<240x240xf32>
    %add3A_481 = arith.addf %dot_general3A_480, %select_n3A_131 : vector<240x240xf32>
    %exp3A_482 = math.exp %add3A_481 : vector<240x240xf32>
    %slice3A_483 = vector.extract_strided_slice %concatenate3A_449 {offsets = [720, 0], sizes = [240, 9], strides = [1, 1]} : vector<1280x9xf32> to vector<240x9xf32>
    %dot_general3A_484 = arith.constant dense<0.000000e+00> : vector<240x9xf32>
    %dot_general3A_485 = tpu.matmul %exp3A_482, %slice3A_483, %dot_general3A_484 {dimension_numbers = #tpu.dot_dimension_numbers<[1], [0], [0], [1], [0, 0, 1, 1], [], []>, transpose_lhs_hint = false} : vector<240x240xf32>, vector<240x9xf32>, vector<240x9xf32> -> vector<240x9xf32>
    %slice3A_486 = vector.extract_strided_slice %slice3A_446 {offsets = [960, 0], sizes = [240, 8], strides = [1, 1]} : vector<1280x8xbf16> to vector<240x8xbf16>
    %slice3A_487 = vector.extract_strided_slice %slice3A_447 {offsets = [960, 0], sizes = [240, 8], strides = [1, 1]} : vector<1280x8xbf16> to vector<240x8xbf16>
    %dot_general3A_488 = arith.constant dense<0.000000e+00> : vector<240x240xf32>
    %dot_general3A_489 = tpu.matmul %slice3A_486, %slice3A_487, %dot_general3A_488 {dimension_numbers = #tpu.dot_dimension_numbers<[1], [1], [0], [0], [0, 0, 1, 0], [], []>, transpose_lhs_hint = false} : vector<240x8xbf16>, vector<240x8xbf16>, vector<240x240xf32> -> vector<240x240xf32>
    %add3A_490 = arith.addf %dot_general3A_489, %select_n3A_131 : vector<240x240xf32>
    %exp3A_491 = math.exp %add3A_490 : vector<240x240xf32>
    %slice3A_492 = vector.extract_strided_slice %concatenate3A_449 {offsets = [960, 0], sizes = [240, 9], strides = [1, 1]} : vector<1280x9xf32> to vector<240x9xf32>
    %dot_general3A_493 = arith.constant dense<0.000000e+00> : vector<240x9xf32>
    %dot_general3A_494 = tpu.matmul %exp3A_491, %slice3A_492, %dot_general3A_493 {dimension_numbers = #tpu.dot_dimension_numbers<[1], [0], [0], [1], [0, 0, 1, 1], [], []>, transpose_lhs_hint = false} : vector<240x240xf32>, vector<240x9xf32>, vector<240x9xf32> -> vector<240x9xf32>
    %slice3A_495 = vector.extract_strided_slice %slice3A_446 {offsets = [1200, 0], sizes = [80, 8], strides = [1, 1]} : vector<1280x8xbf16> to vector<80x8xbf16>
    %slice3A_496 = vector.extract_strided_slice %slice3A_447 {offsets = [1200, 0], sizes = [80, 8], strides = [1, 1]} : vector<1280x8xbf16> to vector<80x8xbf16>
    %dot_general3A_497 = arith.constant dense<0.000000e+00> : vector<80x80xf32>
    %dot_general3A_498 = tpu.matmul %slice3A_495, %slice3A_496, %dot_general3A_497 {dimension_numbers = #tpu.dot_dimension_numbers<[1], [1], [0], [0], [0, 0, 1, 0], [], []>, transpose_lhs_hint = false} : vector<80x8xbf16>, vector<80x8xbf16>, vector<80x80xf32> -> vector<80x80xf32>
    %add3A_499 = arith.addf %dot_general3A_498, %select_n3A_201 : vector<80x80xf32>
    %exp3A_500 = math.exp %add3A_499 : vector<80x80xf32>
    %slice3A_501 = vector.extract_strided_slice %concatenate3A_449 {offsets = [1200, 0], sizes = [80, 9], strides = [1, 1]} : vector<1280x9xf32> to vector<80x9xf32>
    %dot_general3A_502 = arith.constant dense<0.000000e+00> : vector<80x9xf32>
    %dot_general3A_503 = tpu.matmul %exp3A_500, %slice3A_501, %dot_general3A_502 {dimension_numbers = #tpu.dot_dimension_numbers<[1], [0], [0], [1], [0, 0, 1, 1], [], []>, transpose_lhs_hint = false} : vector<80x80xf32>, vector<80x9xf32>, vector<80x9xf32> -> vector<80x9xf32>
    %concatenate3A_504 = tpu.concatenate %dot_general3A_458, %dot_general3A_467, %dot_general3A_476, %dot_general3A_485, %dot_general3A_494, %dot_general3A_503 in 0 : vector<240x9xf32>, vector<240x9xf32>, vector<240x9xf32>, vector<240x9xf32>, vector<240x9xf32>, vector<80x9xf32> -> vector<1280x9xf32>
    %slice3A_505 = vector.extract_strided_slice %concatenate3A_504 {offsets = [0, 0], sizes = [1280, 8], strides = [1, 1]} : vector<1280x9xf32> to vector<1280x8xf32>
    %slice3A_506 = vector.extract_strided_slice %concatenate3A_504 {offsets = [0, 8], sizes = [1280, 1], strides = [1, 1]} : vector<1280x9xf32> to vector<1280x1xf32>
    %slice3A_507 = vector.extract_strided_slice %convert_element_type3A {offsets = [0, 40], sizes = [1280, 8], strides = [1, 1]} : vector<1280x64xbf16> to vector<1280x8xbf16>
    %slice3A_508 = vector.extract_strided_slice %convert_element_type3A_204 {offsets = [0, 40], sizes = [1280, 8], strides = [1, 1]} : vector<1280x64xbf16> to vector<1280x8xbf16>
    %slice3A_509 = vector.extract_strided_slice %add3A_70 {offsets = [0, 40], sizes = [1280, 8], strides = [1, 1]} : vector<1280x64xf32> to vector<1280x8xf32>
    %concatenate3A_510 = tpu.concatenate %slice3A_509, %broadcast_in_dim3A_203 in 1 : vector<1280x8xf32>, vector<1280x1xf32> -> vector<1280x9xf32>
    %slice3A_511 = vector.extract_strided_slice %slice3A_507 {offsets = [0, 0], sizes = [240, 8], strides = [1, 1]} : vector<1280x8xbf16> to vector<240x8xbf16>
    %slice3A_512 = vector.extract_strided_slice %slice3A_508 {offsets = [0, 0], sizes = [240, 8], strides = [1, 1]} : vector<1280x8xbf16> to vector<240x8xbf16>
    %dot_general3A_513 = arith.constant dense<0.000000e+00> : vector<240x240xf32>
    %dot_general3A_514 = tpu.matmul %slice3A_511, %slice3A_512, %dot_general3A_513 {dimension_numbers = #tpu.dot_dimension_numbers<[1], [1], [0], [0], [0, 0, 1, 0], [], []>, transpose_lhs_hint = false} : vector<240x8xbf16>, vector<240x8xbf16>, vector<240x240xf32> -> vector<240x240xf32>
    %add3A_515 = arith.addf %dot_general3A_514, %select_n3A_131 : vector<240x240xf32>
    %exp3A_516 = math.exp %add3A_515 : vector<240x240xf32>
    %slice3A_517 = vector.extract_strided_slice %concatenate3A_510 {offsets = [0, 0], sizes = [240, 9], strides = [1, 1]} : vector<1280x9xf32> to vector<240x9xf32>
    %dot_general3A_518 = arith.constant dense<0.000000e+00> : vector<240x9xf32>
    %dot_general3A_519 = tpu.matmul %exp3A_516, %slice3A_517, %dot_general3A_518 {dimension_numbers = #tpu.dot_dimension_numbers<[1], [0], [0], [1], [0, 0, 1, 1], [], []>, transpose_lhs_hint = false} : vector<240x240xf32>, vector<240x9xf32>, vector<240x9xf32> -> vector<240x9xf32>
    %slice3A_520 = vector.extract_strided_slice %slice3A_507 {offsets = [240, 0], sizes = [240, 8], strides = [1, 1]} : vector<1280x8xbf16> to vector<240x8xbf16>
    %slice3A_521 = vector.extract_strided_slice %slice3A_508 {offsets = [240, 0], sizes = [240, 8], strides = [1, 1]} : vector<1280x8xbf16> to vector<240x8xbf16>
    %dot_general3A_522 = arith.constant dense<0.000000e+00> : vector<240x240xf32>
    %dot_general3A_523 = tpu.matmul %slice3A_520, %slice3A_521, %dot_general3A_522 {dimension_numbers = #tpu.dot_dimension_numbers<[1], [1], [0], [0], [0, 0, 1, 0], [], []>, transpose_lhs_hint = false} : vector<240x8xbf16>, vector<240x8xbf16>, vector<240x240xf32> -> vector<240x240xf32>
    %add3A_524 = arith.addf %dot_general3A_523, %select_n3A_131 : vector<240x240xf32>
    %exp3A_525 = math.exp %add3A_524 : vector<240x240xf32>
    %slice3A_526 = vector.extract_strided_slice %concatenate3A_510 {offsets = [240, 0], sizes = [240, 9], strides = [1, 1]} : vector<1280x9xf32> to vector<240x9xf32>
    %dot_general3A_527 = arith.constant dense<0.000000e+00> : vector<240x9xf32>
    %dot_general3A_528 = tpu.matmul %exp3A_525, %slice3A_526, %dot_general3A_527 {dimension_numbers = #tpu.dot_dimension_numbers<[1], [0], [0], [1], [0, 0, 1, 1], [], []>, transpose_lhs_hint = false} : vector<240x240xf32>, vector<240x9xf32>, vector<240x9xf32> -> vector<240x9xf32>
    %slice3A_529 = vector.extract_strided_slice %slice3A_507 {offsets = [480, 0], sizes = [240, 8], strides = [1, 1]} : vector<1280x8xbf16> to vector<240x8xbf16>
    %slice3A_530 = vector.extract_strided_slice %slice3A_508 {offsets = [480, 0], sizes = [240, 8], strides = [1, 1]} : vector<1280x8xbf16> to vector<240x8xbf16>
    %dot_general3A_531 = arith.constant dense<0.000000e+00> : vector<240x240xf32>
    %dot_general3A_532 = tpu.matmul %slice3A_529, %slice3A_530, %dot_general3A_531 {dimension_numbers = #tpu.dot_dimension_numbers<[1], [1], [0], [0], [0, 0, 1, 0], [], []>, transpose_lhs_hint = false} : vector<240x8xbf16>, vector<240x8xbf16>, vector<240x240xf32> -> vector<240x240xf32>
    %add3A_533 = arith.addf %dot_general3A_532, %select_n3A_131 : vector<240x240xf32>
    %exp3A_534 = math.exp %add3A_533 : vector<240x240xf32>
    %slice3A_535 = vector.extract_strided_slice %concatenate3A_510 {offsets = [480, 0], sizes = [240, 9], strides = [1, 1]} : vector<1280x9xf32> to vector<240x9xf32>
    %dot_general3A_536 = arith.constant dense<0.000000e+00> : vector<240x9xf32>
    %dot_general3A_537 = tpu.matmul %exp3A_534, %slice3A_535, %dot_general3A_536 {dimension_numbers = #tpu.dot_dimension_numbers<[1], [0], [0], [1], [0, 0, 1, 1], [], []>, transpose_lhs_hint = false} : vector<240x240xf32>, vector<240x9xf32>, vector<240x9xf32> -> vector<240x9xf32>
    %slice3A_538 = vector.extract_strided_slice %slice3A_507 {offsets = [720, 0], sizes = [240, 8], strides = [1, 1]} : vector<1280x8xbf16> to vector<240x8xbf16>
    %slice3A_539 = vector.extract_strided_slice %slice3A_508 {offsets = [720, 0], sizes = [240, 8], strides = [1, 1]} : vector<1280x8xbf16> to vector<240x8xbf16>
    %dot_general3A_540 = arith.constant dense<0.000000e+00> : vector<240x240xf32>
    %dot_general3A_541 = tpu.matmul %slice3A_538, %slice3A_539, %dot_general3A_540 {dimension_numbers = #tpu.dot_dimension_numbers<[1], [1], [0], [0], [0, 0, 1, 0], [], []>, transpose_lhs_hint = false} : vector<240x8xbf16>, vector<240x8xbf16>, vector<240x240xf32> -> vector<240x240xf32>
    %add3A_542 = arith.addf %dot_general3A_541, %select_n3A_131 : vector<240x240xf32>
    %exp3A_543 = math.exp %add3A_542 : vector<240x240xf32>
    %slice3A_544 = vector.extract_strided_slice %concatenate3A_510 {offsets = [720, 0], sizes = [240, 9], strides = [1, 1]} : vector<1280x9xf32> to vector<240x9xf32>
    %dot_general3A_545 = arith.constant dense<0.000000e+00> : vector<240x9xf32>
    %dot_general3A_546 = tpu.matmul %exp3A_543, %slice3A_544, %dot_general3A_545 {dimension_numbers = #tpu.dot_dimension_numbers<[1], [0], [0], [1], [0, 0, 1, 1], [], []>, transpose_lhs_hint = false} : vector<240x240xf32>, vector<240x9xf32>, vector<240x9xf32> -> vector<240x9xf32>
    %slice3A_547 = vector.extract_strided_slice %slice3A_507 {offsets = [960, 0], sizes = [240, 8], strides = [1, 1]} : vector<1280x8xbf16> to vector<240x8xbf16>
    %slice3A_548 = vector.extract_strided_slice %slice3A_508 {offsets = [960, 0], sizes = [240, 8], strides = [1, 1]} : vector<1280x8xbf16> to vector<240x8xbf16>
    %dot_general3A_549 = arith.constant dense<0.000000e+00> : vector<240x240xf32>
    %dot_general3A_550 = tpu.matmul %slice3A_547, %slice3A_548, %dot_general3A_549 {dimension_numbers = #tpu.dot_dimension_numbers<[1], [1], [0], [0], [0, 0, 1, 0], [], []>, transpose_lhs_hint = false} : vector<240x8xbf16>, vector<240x8xbf16>, vector<240x240xf32> -> vector<240x240xf32>
    %add3A_551 = arith.addf %dot_general3A_550, %select_n3A_131 : vector<240x240xf32>
    %exp3A_552 = math.exp %add3A_551 : vector<240x240xf32>
    %slice3A_553 = vector.extract_strided_slice %concatenate3A_510 {offsets = [960, 0], sizes = [240, 9], strides = [1, 1]} : vector<1280x9xf32> to vector<240x9xf32>
    %dot_general3A_554 = arith.constant dense<0.000000e+00> : vector<240x9xf32>
    %dot_general3A_555 = tpu.matmul %exp3A_552, %slice3A_553, %dot_general3A_554 {dimension_numbers = #tpu.dot_dimension_numbers<[1], [0], [0], [1], [0, 0, 1, 1], [], []>, transpose_lhs_hint = false} : vector<240x240xf32>, vector<240x9xf32>, vector<240x9xf32> -> vector<240x9xf32>
    %slice3A_556 = vector.extract_strided_slice %slice3A_507 {offsets = [1200, 0], sizes = [80, 8], strides = [1, 1]} : vector<1280x8xbf16> to vector<80x8xbf16>
    %slice3A_557 = vector.extract_strided_slice %slice3A_508 {offsets = [1200, 0], sizes = [80, 8], strides = [1, 1]} : vector<1280x8xbf16> to vector<80x8xbf16>
    %dot_general3A_558 = arith.constant dense<0.000000e+00> : vector<80x80xf32>
    %dot_general3A_559 = tpu.matmul %slice3A_556, %slice3A_557, %dot_general3A_558 {dimension_numbers = #tpu.dot_dimension_numbers<[1], [1], [0], [0], [0, 0, 1, 0], [], []>, transpose_lhs_hint = false} : vector<80x8xbf16>, vector<80x8xbf16>, vector<80x80xf32> -> vector<80x80xf32>
    %add3A_560 = arith.addf %dot_general3A_559, %select_n3A_201 : vector<80x80xf32>
    %exp3A_561 = math.exp %add3A_560 : vector<80x80xf32>
    %slice3A_562 = vector.extract_strided_slice %concatenate3A_510 {offsets = [1200, 0], sizes = [80, 9], strides = [1, 1]} : vector<1280x9xf32> to vector<80x9xf32>
    %dot_general3A_563 = arith.constant dense<0.000000e+00> : vector<80x9xf32>
    %dot_general3A_564 = tpu.matmul %exp3A_561, %slice3A_562, %dot_general3A_563 {dimension_numbers = #tpu.dot_dimension_numbers<[1], [0], [0], [1], [0, 0, 1, 1], [], []>, transpose_lhs_hint = false} : vector<80x80xf32>, vector<80x9xf32>, vector<80x9xf32> -> vector<80x9xf32>
    %concatenate3A_565 = tpu.concatenate %dot_general3A_519, %dot_general3A_528, %dot_general3A_537, %dot_general3A_546, %dot_general3A_555, %dot_general3A_564 in 0 : vector<240x9xf32>, vector<240x9xf32>, vector<240x9xf32>, vector<240x9xf32>, vector<240x9xf32>, vector<80x9xf32> -> vector<1280x9xf32>
    %slice3A_566 = vector.extract_strided_slice %concatenate3A_565 {offsets = [0, 0], sizes = [1280, 8], strides = [1, 1]} : vector<1280x9xf32> to vector<1280x8xf32>
    %slice3A_567 = vector.extract_strided_slice %concatenate3A_565 {offsets = [0, 8], sizes = [1280, 1], strides = [1, 1]} : vector<1280x9xf32> to vector<1280x1xf32>
    %slice3A_568 = vector.extract_strided_slice %convert_element_type3A {offsets = [0, 48], sizes = [1280, 8], strides = [1, 1]} : vector<1280x64xbf16> to vector<1280x8xbf16>
    %slice3A_569 = vector.extract_strided_slice %convert_element_type3A_204 {offsets = [0, 48], sizes = [1280, 8], strides = [1, 1]} : vector<1280x64xbf16> to vector<1280x8xbf16>
    %slice3A_570 = vector.extract_strided_slice %add3A_70 {offsets = [0, 48], sizes = [1280, 8], strides = [1, 1]} : vector<1280x64xf32> to vector<1280x8xf32>
    %concatenate3A_571 = tpu.concatenate %slice3A_570, %broadcast_in_dim3A_203 in 1 : vector<1280x8xf32>, vector<1280x1xf32> -> vector<1280x9xf32>
    %slice3A_572 = vector.extract_strided_slice %slice3A_568 {offsets = [0, 0], sizes = [240, 8], strides = [1, 1]} : vector<1280x8xbf16> to vector<240x8xbf16>
    %slice3A_573 = vector.extract_strided_slice %slice3A_569 {offsets = [0, 0], sizes = [240, 8], strides = [1, 1]} : vector<1280x8xbf16> to vector<240x8xbf16>
    %dot_general3A_574 = arith.constant dense<0.000000e+00> : vector<240x240xf32>
    %dot_general3A_575 = tpu.matmul %slice3A_572, %slice3A_573, %dot_general3A_574 {dimension_numbers = #tpu.dot_dimension_numbers<[1], [1], [0], [0], [0, 0, 1, 0], [], []>, transpose_lhs_hint = false} : vector<240x8xbf16>, vector<240x8xbf16>, vector<240x240xf32> -> vector<240x240xf32>
    %add3A_576 = arith.addf %dot_general3A_575, %select_n3A_131 : vector<240x240xf32>
    %exp3A_577 = math.exp %add3A_576 : vector<240x240xf32>
    %slice3A_578 = vector.extract_strided_slice %concatenate3A_571 {offsets = [0, 0], sizes = [240, 9], strides = [1, 1]} : vector<1280x9xf32> to vector<240x9xf32>
    %dot_general3A_579 = arith.constant dense<0.000000e+00> : vector<240x9xf32>
    %dot_general3A_580 = tpu.matmul %exp3A_577, %slice3A_578, %dot_general3A_579 {dimension_numbers = #tpu.dot_dimension_numbers<[1], [0], [0], [1], [0, 0, 1, 1], [], []>, transpose_lhs_hint = false} : vector<240x240xf32>, vector<240x9xf32>, vector<240x9xf32> -> vector<240x9xf32>
    %slice3A_581 = vector.extract_strided_slice %slice3A_568 {offsets = [240, 0], sizes = [240, 8], strides = [1, 1]} : vector<1280x8xbf16> to vector<240x8xbf16>
    %slice3A_582 = vector.extract_strided_slice %slice3A_569 {offsets = [240, 0], sizes = [240, 8], strides = [1, 1]} : vector<1280x8xbf16> to vector<240x8xbf16>
    %dot_general3A_583 = arith.constant dense<0.000000e+00> : vector<240x240xf32>
    %dot_general3A_584 = tpu.matmul %slice3A_581, %slice3A_582, %dot_general3A_583 {dimension_numbers = #tpu.dot_dimension_numbers<[1], [1], [0], [0], [0, 0, 1, 0], [], []>, transpose_lhs_hint = false} : vector<240x8xbf16>, vector<240x8xbf16>, vector<240x240xf32> -> vector<240x240xf32>
    %add3A_585 = arith.addf %dot_general3A_584, %select_n3A_131 : vector<240x240xf32>
    %exp3A_586 = math.exp %add3A_585 : vector<240x240xf32>
    %slice3A_587 = vector.extract_strided_slice %concatenate3A_571 {offsets = [240, 0], sizes = [240, 9], strides = [1, 1]} : vector<1280x9xf32> to vector<240x9xf32>
    %dot_general3A_588 = arith.constant dense<0.000000e+00> : vector<240x9xf32>
    %dot_general3A_589 = tpu.matmul %exp3A_586, %slice3A_587, %dot_general3A_588 {dimension_numbers = #tpu.dot_dimension_numbers<[1], [0], [0], [1], [0, 0, 1, 1], [], []>, transpose_lhs_hint = false} : vector<240x240xf32>, vector<240x9xf32>, vector<240x9xf32> -> vector<240x9xf32>
    %slice3A_590 = vector.extract_strided_slice %slice3A_568 {offsets = [480, 0], sizes = [240, 8], strides = [1, 1]} : vector<1280x8xbf16> to vector<240x8xbf16>
    %slice3A_591 = vector.extract_strided_slice %slice3A_569 {offsets = [480, 0], sizes = [240, 8], strides = [1, 1]} : vector<1280x8xbf16> to vector<240x8xbf16>
    %dot_general3A_592 = arith.constant dense<0.000000e+00> : vector<240x240xf32>
    %dot_general3A_593 = tpu.matmul %slice3A_590, %slice3A_591, %dot_general3A_592 {dimension_numbers = #tpu.dot_dimension_numbers<[1], [1], [0], [0], [0, 0, 1, 0], [], []>, transpose_lhs_hint = false} : vector<240x8xbf16>, vector<240x8xbf16>, vector<240x240xf32> -> vector<240x240xf32>
    %add3A_594 = arith.addf %dot_general3A_593, %select_n3A_131 : vector<240x240xf32>
    %exp3A_595 = math.exp %add3A_594 : vector<240x240xf32>
    %slice3A_596 = vector.extract_strided_slice %concatenate3A_571 {offsets = [480, 0], sizes = [240, 9], strides = [1, 1]} : vector<1280x9xf32> to vector<240x9xf32>
    %dot_general3A_597 = arith.constant dense<0.000000e+00> : vector<240x9xf32>
    %dot_general3A_598 = tpu.matmul %exp3A_595, %slice3A_596, %dot_general3A_597 {dimension_numbers = #tpu.dot_dimension_numbers<[1], [0], [0], [1], [0, 0, 1, 1], [], []>, transpose_lhs_hint = false} : vector<240x240xf32>, vector<240x9xf32>, vector<240x9xf32> -> vector<240x9xf32>
    %slice3A_599 = vector.extract_strided_slice %slice3A_568 {offsets = [720, 0], sizes = [240, 8], strides = [1, 1]} : vector<1280x8xbf16> to vector<240x8xbf16>
    %slice3A_600 = vector.extract_strided_slice %slice3A_569 {offsets = [720, 0], sizes = [240, 8], strides = [1, 1]} : vector<1280x8xbf16> to vector<240x8xbf16>
    %dot_general3A_601 = arith.constant dense<0.000000e+00> : vector<240x240xf32>
    %dot_general3A_602 = tpu.matmul %slice3A_599, %slice3A_600, %dot_general3A_601 {dimension_numbers = #tpu.dot_dimension_numbers<[1], [1], [0], [0], [0, 0, 1, 0], [], []>, transpose_lhs_hint = false} : vector<240x8xbf16>, vector<240x8xbf16>, vector<240x240xf32> -> vector<240x240xf32>
    %add3A_603 = arith.addf %dot_general3A_602, %select_n3A_131 : vector<240x240xf32>
    %exp3A_604 = math.exp %add3A_603 : vector<240x240xf32>
    %slice3A_605 = vector.extract_strided_slice %concatenate3A_571 {offsets = [720, 0], sizes = [240, 9], strides = [1, 1]} : vector<1280x9xf32> to vector<240x9xf32>
    %dot_general3A_606 = arith.constant dense<0.000000e+00> : vector<240x9xf32>
    %dot_general3A_607 = tpu.matmul %exp3A_604, %slice3A_605, %dot_general3A_606 {dimension_numbers = #tpu.dot_dimension_numbers<[1], [0], [0], [1], [0, 0, 1, 1], [], []>, transpose_lhs_hint = false} : vector<240x240xf32>, vector<240x9xf32>, vector<240x9xf32> -> vector<240x9xf32>
    %slice3A_608 = vector.extract_strided_slice %slice3A_568 {offsets = [960, 0], sizes = [240, 8], strides = [1, 1]} : vector<1280x8xbf16> to vector<240x8xbf16>
    %slice3A_609 = vector.extract_strided_slice %slice3A_569 {offsets = [960, 0], sizes = [240, 8], strides = [1, 1]} : vector<1280x8xbf16> to vector<240x8xbf16>
    %dot_general3A_610 = arith.constant dense<0.000000e+00> : vector<240x240xf32>
    %dot_general3A_611 = tpu.matmul %slice3A_608, %slice3A_609, %dot_general3A_610 {dimension_numbers = #tpu.dot_dimension_numbers<[1], [1], [0], [0], [0, 0, 1, 0], [], []>, transpose_lhs_hint = false} : vector<240x8xbf16>, vector<240x8xbf16>, vector<240x240xf32> -> vector<240x240xf32>
    %add3A_612 = arith.addf %dot_general3A_611, %select_n3A_131 : vector<240x240xf32>
    %exp3A_613 = math.exp %add3A_612 : vector<240x240xf32>
    %slice3A_614 = vector.extract_strided_slice %concatenate3A_571 {offsets = [960, 0], sizes = [240, 9], strides = [1, 1]} : vector<1280x9xf32> to vector<240x9xf32>
    %dot_general3A_615 = arith.constant dense<0.000000e+00> : vector<240x9xf32>
    %dot_general3A_616 = tpu.matmul %exp3A_613, %slice3A_614, %dot_general3A_615 {dimension_numbers = #tpu.dot_dimension_numbers<[1], [0], [0], [1], [0, 0, 1, 1], [], []>, transpose_lhs_hint = false} : vector<240x240xf32>, vector<240x9xf32>, vector<240x9xf32> -> vector<240x9xf32>
    %slice3A_617 = vector.extract_strided_slice %slice3A_568 {offsets = [1200, 0], sizes = [80, 8], strides = [1, 1]} : vector<1280x8xbf16> to vector<80x8xbf16>
    %slice3A_618 = vector.extract_strided_slice %slice3A_569 {offsets = [1200, 0], sizes = [80, 8], strides = [1, 1]} : vector<1280x8xbf16> to vector<80x8xbf16>
    %dot_general3A_619 = arith.constant dense<0.000000e+00> : vector<80x80xf32>
    %dot_general3A_620 = tpu.matmul %slice3A_617, %slice3A_618, %dot_general3A_619 {dimension_numbers = #tpu.dot_dimension_numbers<[1], [1], [0], [0], [0, 0, 1, 0], [], []>, transpose_lhs_hint = false} : vector<80x8xbf16>, vector<80x8xbf16>, vector<80x80xf32> -> vector<80x80xf32>
    %add3A_621 = arith.addf %dot_general3A_620, %select_n3A_201 : vector<80x80xf32>
    %exp3A_622 = math.exp %add3A_621 : vector<80x80xf32>
    %slice3A_623 = vector.extract_strided_slice %concatenate3A_571 {offsets = [1200, 0], sizes = [80, 9], strides = [1, 1]} : vector<1280x9xf32> to vector<80x9xf32>
    %dot_general3A_624 = arith.constant dense<0.000000e+00> : vector<80x9xf32>
    %dot_general3A_625 = tpu.matmul %exp3A_622, %slice3A_623, %dot_general3A_624 {dimension_numbers = #tpu.dot_dimension_numbers<[1], [0], [0], [1], [0, 0, 1, 1], [], []>, transpose_lhs_hint = false} : vector<80x80xf32>, vector<80x9xf32>, vector<80x9xf32> -> vector<80x9xf32>
    %concatenate3A_626 = tpu.concatenate %dot_general3A_580, %dot_general3A_589, %dot_general3A_598, %dot_general3A_607, %dot_general3A_616, %dot_general3A_625 in 0 : vector<240x9xf32>, vector<240x9xf32>, vector<240x9xf32>, vector<240x9xf32>, vector<240x9xf32>, vector<80x9xf32> -> vector<1280x9xf32>
    %slice3A_627 = vector.extract_strided_slice %concatenate3A_626 {offsets = [0, 0], sizes = [1280, 8], strides = [1, 1]} : vector<1280x9xf32> to vector<1280x8xf32>
    %slice3A_628 = vector.extract_strided_slice %concatenate3A_626 {offsets = [0, 8], sizes = [1280, 1], strides = [1, 1]} : vector<1280x9xf32> to vector<1280x1xf32>
    %slice3A_629 = vector.extract_strided_slice %convert_element_type3A {offsets = [0, 56], sizes = [1280, 8], strides = [1, 1]} : vector<1280x64xbf16> to vector<1280x8xbf16>
    %slice3A_630 = vector.extract_strided_slice %convert_element_type3A_204 {offsets = [0, 56], sizes = [1280, 8], strides = [1, 1]} : vector<1280x64xbf16> to vector<1280x8xbf16>
    %slice3A_631 = vector.extract_strided_slice %add3A_70 {offsets = [0, 56], sizes = [1280, 8], strides = [1, 1]} : vector<1280x64xf32> to vector<1280x8xf32>
    %concatenate3A_632 = tpu.concatenate %slice3A_631, %broadcast_in_dim3A_203 in 1 : vector<1280x8xf32>, vector<1280x1xf32> -> vector<1280x9xf32>
    %slice3A_633 = vector.extract_strided_slice %slice3A_629 {offsets = [0, 0], sizes = [240, 8], strides = [1, 1]} : vector<1280x8xbf16> to vector<240x8xbf16>
    %slice3A_634 = vector.extract_strided_slice %slice3A_630 {offsets = [0, 0], sizes = [240, 8], strides = [1, 1]} : vector<1280x8xbf16> to vector<240x8xbf16>
    %dot_general3A_635 = arith.constant dense<0.000000e+00> : vector<240x240xf32>
    %dot_general3A_636 = tpu.matmul %slice3A_633, %slice3A_634, %dot_general3A_635 {dimension_numbers = #tpu.dot_dimension_numbers<[1], [1], [0], [0], [0, 0, 1, 0], [], []>, transpose_lhs_hint = false} : vector<240x8xbf16>, vector<240x8xbf16>, vector<240x240xf32> -> vector<240x240xf32>
    %add3A_637 = arith.addf %dot_general3A_636, %select_n3A_131 : vector<240x240xf32>
    %exp3A_638 = math.exp %add3A_637 : vector<240x240xf32>
    %slice3A_639 = vector.extract_strided_slice %concatenate3A_632 {offsets = [0, 0], sizes = [240, 9], strides = [1, 1]} : vector<1280x9xf32> to vector<240x9xf32>
    %dot_general3A_640 = arith.constant dense<0.000000e+00> : vector<240x9xf32>
    %dot_general3A_641 = tpu.matmul %exp3A_638, %slice3A_639, %dot_general3A_640 {dimension_numbers = #tpu.dot_dimension_numbers<[1], [0], [0], [1], [0, 0, 1, 1], [], []>, transpose_lhs_hint = false} : vector<240x240xf32>, vector<240x9xf32>, vector<240x9xf32> -> vector<240x9xf32>
    %slice3A_642 = vector.extract_strided_slice %slice3A_629 {offsets = [240, 0], sizes = [240, 8], strides = [1, 1]} : vector<1280x8xbf16> to vector<240x8xbf16>
    %slice3A_643 = vector.extract_strided_slice %slice3A_630 {offsets = [240, 0], sizes = [240, 8], strides = [1, 1]} : vector<1280x8xbf16> to vector<240x8xbf16>
    %dot_general3A_644 = arith.constant dense<0.000000e+00> : vector<240x240xf32>
    %dot_general3A_645 = tpu.matmul %slice3A_642, %slice3A_643, %dot_general3A_644 {dimension_numbers = #tpu.dot_dimension_numbers<[1], [1], [0], [0], [0, 0, 1, 0], [], []>, transpose_lhs_hint = false} : vector<240x8xbf16>, vector<240x8xbf16>, vector<240x240xf32> -> vector<240x240xf32>
    %add3A_646 = arith.addf %dot_general3A_645, %select_n3A_131 : vector<240x240xf32>
    %exp3A_647 = math.exp %add3A_646 : vector<240x240xf32>
    %slice3A_648 = vector.extract_strided_slice %concatenate3A_632 {offsets = [240, 0], sizes = [240, 9], strides = [1, 1]} : vector<1280x9xf32> to vector<240x9xf32>
    %dot_general3A_649 = arith.constant dense<0.000000e+00> : vector<240x9xf32>
    %dot_general3A_650 = tpu.matmul %exp3A_647, %slice3A_648, %dot_general3A_649 {dimension_numbers = #tpu.dot_dimension_numbers<[1], [0], [0], [1], [0, 0, 1, 1], [], []>, transpose_lhs_hint = false} : vector<240x240xf32>, vector<240x9xf32>, vector<240x9xf32> -> vector<240x9xf32>
    %slice3A_651 = vector.extract_strided_slice %slice3A_629 {offsets = [480, 0], sizes = [240, 8], strides = [1, 1]} : vector<1280x8xbf16> to vector<240x8xbf16>
    %slice3A_652 = vector.extract_strided_slice %slice3A_630 {offsets = [480, 0], sizes = [240, 8], strides = [1, 1]} : vector<1280x8xbf16> to vector<240x8xbf16>
    %dot_general3A_653 = arith.constant dense<0.000000e+00> : vector<240x240xf32>
    %dot_general3A_654 = tpu.matmul %slice3A_651, %slice3A_652, %dot_general3A_653 {dimension_numbers = #tpu.dot_dimension_numbers<[1], [1], [0], [0], [0, 0, 1, 0], [], []>, transpose_lhs_hint = false} : vector<240x8xbf16>, vector<240x8xbf16>, vector<240x240xf32> -> vector<240x240xf32>
    %add3A_655 = arith.addf %dot_general3A_654, %select_n3A_131 : vector<240x240xf32>
    %exp3A_656 = math.exp %add3A_655 : vector<240x240xf32>
    %slice3A_657 = vector.extract_strided_slice %concatenate3A_632 {offsets = [480, 0], sizes = [240, 9], strides = [1, 1]} : vector<1280x9xf32> to vector<240x9xf32>
    %dot_general3A_658 = arith.constant dense<0.000000e+00> : vector<240x9xf32>
    %dot_general3A_659 = tpu.matmul %exp3A_656, %slice3A_657, %dot_general3A_658 {dimension_numbers = #tpu.dot_dimension_numbers<[1], [0], [0], [1], [0, 0, 1, 1], [], []>, transpose_lhs_hint = false} : vector<240x240xf32>, vector<240x9xf32>, vector<240x9xf32> -> vector<240x9xf32>
    %slice3A_660 = vector.extract_strided_slice %slice3A_629 {offsets = [720, 0], sizes = [240, 8], strides = [1, 1]} : vector<1280x8xbf16> to vector<240x8xbf16>
    %slice3A_661 = vector.extract_strided_slice %slice3A_630 {offsets = [720, 0], sizes = [240, 8], strides = [1, 1]} : vector<1280x8xbf16> to vector<240x8xbf16>
    %dot_general3A_662 = arith.constant dense<0.000000e+00> : vector<240x240xf32>
    %dot_general3A_663 = tpu.matmul %slice3A_660, %slice3A_661, %dot_general3A_662 {dimension_numbers = #tpu.dot_dimension_numbers<[1], [1], [0], [0], [0, 0, 1, 0], [], []>, transpose_lhs_hint = false} : vector<240x8xbf16>, vector<240x8xbf16>, vector<240x240xf32> -> vector<240x240xf32>
    %add3A_664 = arith.addf %dot_general3A_663, %select_n3A_131 : vector<240x240xf32>
    %exp3A_665 = math.exp %add3A_664 : vector<240x240xf32>
    %slice3A_666 = vector.extract_strided_slice %concatenate3A_632 {offsets = [720, 0], sizes = [240, 9], strides = [1, 1]} : vector<1280x9xf32> to vector<240x9xf32>
    %dot_general3A_667 = arith.constant dense<0.000000e+00> : vector<240x9xf32>
    %dot_general3A_668 = tpu.matmul %exp3A_665, %slice3A_666, %dot_general3A_667 {dimension_numbers = #tpu.dot_dimension_numbers<[1], [0], [0], [1], [0, 0, 1, 1], [], []>, transpose_lhs_hint = false} : vector<240x240xf32>, vector<240x9xf32>, vector<240x9xf32> -> vector<240x9xf32>
    %slice3A_669 = vector.extract_strided_slice %slice3A_629 {offsets = [960, 0], sizes = [240, 8], strides = [1, 1]} : vector<1280x8xbf16> to vector<240x8xbf16>
    %slice3A_670 = vector.extract_strided_slice %slice3A_630 {offsets = [960, 0], sizes = [240, 8], strides = [1, 1]} : vector<1280x8xbf16> to vector<240x8xbf16>
    %dot_general3A_671 = arith.constant dense<0.000000e+00> : vector<240x240xf32>
    %dot_general3A_672 = tpu.matmul %slice3A_669, %slice3A_670, %dot_general3A_671 {dimension_numbers = #tpu.dot_dimension_numbers<[1], [1], [0], [0], [0, 0, 1, 0], [], []>, transpose_lhs_hint = false} : vector<240x8xbf16>, vector<240x8xbf16>, vector<240x240xf32> -> vector<240x240xf32>
    %add3A_673 = arith.addf %dot_general3A_672, %select_n3A_131 : vector<240x240xf32>
    %exp3A_674 = math.exp %add3A_673 : vector<240x240xf32>
    %slice3A_675 = vector.extract_strided_slice %concatenate3A_632 {offsets = [960, 0], sizes = [240, 9], strides = [1, 1]} : vector<1280x9xf32> to vector<240x9xf32>
    %dot_general3A_676 = arith.constant dense<0.000000e+00> : vector<240x9xf32>
    %dot_general3A_677 = tpu.matmul %exp3A_674, %slice3A_675, %dot_general3A_676 {dimension_numbers = #tpu.dot_dimension_numbers<[1], [0], [0], [1], [0, 0, 1, 1], [], []>, transpose_lhs_hint = false} : vector<240x240xf32>, vector<240x9xf32>, vector<240x9xf32> -> vector<240x9xf32>
    %slice3A_678 = vector.extract_strided_slice %slice3A_629 {offsets = [1200, 0], sizes = [80, 8], strides = [1, 1]} : vector<1280x8xbf16> to vector<80x8xbf16>
    %slice3A_679 = vector.extract_strided_slice %slice3A_630 {offsets = [1200, 0], sizes = [80, 8], strides = [1, 1]} : vector<1280x8xbf16> to vector<80x8xbf16>
    %dot_general3A_680 = arith.constant dense<0.000000e+00> : vector<80x80xf32>
    %dot_general3A_681 = tpu.matmul %slice3A_678, %slice3A_679, %dot_general3A_680 {dimension_numbers = #tpu.dot_dimension_numbers<[1], [1], [0], [0], [0, 0, 1, 0], [], []>, transpose_lhs_hint = false} : vector<80x8xbf16>, vector<80x8xbf16>, vector<80x80xf32> -> vector<80x80xf32>
    %add3A_682 = arith.addf %dot_general3A_681, %select_n3A_201 : vector<80x80xf32>
    %exp3A_683 = math.exp %add3A_682 : vector<80x80xf32>
    %slice3A_684 = vector.extract_strided_slice %concatenate3A_632 {offsets = [1200, 0], sizes = [80, 9], strides = [1, 1]} : vector<1280x9xf32> to vector<80x9xf32>
    %dot_general3A_685 = arith.constant dense<0.000000e+00> : vector<80x9xf32>
    %dot_general3A_686 = tpu.matmul %exp3A_683, %slice3A_684, %dot_general3A_685 {dimension_numbers = #tpu.dot_dimension_numbers<[1], [0], [0], [1], [0, 0, 1, 1], [], []>, transpose_lhs_hint = false} : vector<80x80xf32>, vector<80x9xf32>, vector<80x9xf32> -> vector<80x9xf32>
    %concatenate3A_687 = tpu.concatenate %dot_general3A_641, %dot_general3A_650, %dot_general3A_659, %dot_general3A_668, %dot_general3A_677, %dot_general3A_686 in 0 : vector<240x9xf32>, vector<240x9xf32>, vector<240x9xf32>, vector<240x9xf32>, vector<240x9xf32>, vector<80x9xf32> -> vector<1280x9xf32>
    %slice3A_688 = vector.extract_strided_slice %concatenate3A_687 {offsets = [0, 0], sizes = [1280, 8], strides = [1, 1]} : vector<1280x9xf32> to vector<1280x8xf32>
    %slice3A_689 = vector.extract_strided_slice %concatenate3A_687 {offsets = [0, 8], sizes = [1280, 1], strides = [1, 1]} : vector<1280x9xf32> to vector<1280x1xf32>
    %concatenate3A_690 = tpu.concatenate %slice3A_261, %slice3A_322, %slice3A_383, %slice3A_444, %slice3A_505, %slice3A_566, %slice3A_627, %slice3A_688 in 1 : vector<1280x8xf32>, vector<1280x8xf32>, vector<1280x8xf32>, vector<1280x8xf32>, vector<1280x8xf32>, vector<1280x8xf32>, vector<1280x8xf32>, vector<1280x8xf32> -> vector<1280x64xf32>
    %concatenate3A_691 = tpu.concatenate %slice3A_262, %slice3A_323, %slice3A_384, %slice3A_445, %slice3A_506, %slice3A_567, %slice3A_628, %slice3A_689 in 1 : vector<1280x1xf32>, vector<1280x1xf32>, vector<1280x1xf32>, vector<1280x1xf32>, vector<1280x1xf32>, vector<1280x1xf32>, vector<1280x1xf32>, vector<1280x1xf32> -> vector<1280x8xf32>
    %iota3A_692 = tpu.iota {dimensions = array<i32: 0>} : vector<8x64xi32>
    %iota3A_693 = tpu.iota {dimensions = array<i32: 1>} : vector<8x64xi32>
    %jit3A_694 = arith.constant 8 : i32
    %div3A_695 = vector.broadcast %jit3A_694 : i32 to vector<8x64xi32>
    %div3A_696 = arith.divsi %iota3A_693, %div3A_695 : vector<8x64xi32>
    %sign3A_697 = arith.constant 0 : i32
    %sign3A_698 = vector.broadcast %sign3A_697 : i32 to vector<8x64xi32>
    %sign3A_699 = arith.cmpi sgt, %iota3A_693, %sign3A_698 : vector<8x64xi32>
    %sign3A_700 = arith.extui %sign3A_699 : vector<8x64xi1> to vector<8x64xi32>
    %sign3A_701 = arith.constant 0 : i32
    %sign3A_702 = vector.broadcast %sign3A_701 : i32 to vector<8x64xi32>
    %sign3A_703 = arith.cmpi slt, %iota3A_693, %sign3A_702 : vector<8x64xi32>
    %sign3A_704 = arith.extui %sign3A_703 : vector<8x64xi1> to vector<8x64xi32>
    %sign3A_705 = arith.subi %sign3A_700, %sign3A_704 : vector<8x64xi32>
    %sign3A_706 = arith.constant 0 : i32
    %sign3A_707 = arith.cmpi sgt, %jit3A_694, %sign3A_706 : i32
    %sign3A_708 = arith.extui %sign3A_707 : i1 to i32
    %sign3A_709 = arith.constant 0 : i32
    %sign3A_710 = arith.cmpi slt, %jit3A_694, %sign3A_709 : i32
    %sign3A_711 = arith.extui %sign3A_710 : i1 to i32
    %sign3A_712 = arith.subi %sign3A_708, %sign3A_711 : i32
    %ne3A_713 = vector.broadcast %sign3A_712 : i32 to vector<8x64xi32>
    %ne3A_714 = arith.cmpi ne, %sign3A_705, %ne3A_713 : vector<8x64xi32>
    %rem3A_715 = vector.broadcast %jit3A_694 : i32 to vector<8x64xi32>
    %rem3A_716 = arith.remsi %iota3A_693, %rem3A_715 : vector<8x64xi32>
    %ne3A_717 = arith.constant 0 : i32
    %ne3A_718 = vector.broadcast %ne3A_717 : i32 to vector<8x64xi32>
    %ne3A_719 = arith.cmpi ne, %rem3A_716, %ne3A_718 : vector<8x64xi32>
    %and3A_720 = arith.andi %ne3A_714, %ne3A_719 : vector<8x64xi1>
    %sub3A_721 = arith.constant 1 : i32
    %sub3A_722 = vector.broadcast %sub3A_721 : i32 to vector<8x64xi32>
    %sub3A_723 = arith.subi %div3A_696, %sub3A_722 : vector<8x64xi32>
    %select_n3A_724 = arith.select %and3A_720, %sub3A_723, %div3A_696 : vector<8x64xi1>, vector<8x64xi32>
    %eq3A_725 = arith.cmpi eq, %iota3A_692, %select_n3A_724 : vector<8x64xi32>
    %convert_element_type3A_726 = arith.extui %eq3A_725 : vector<8x64xi1> to vector<8x64xi32>
    %convert_element_type3A_727 = arith.sitofp %convert_element_type3A_726 : vector<8x64xi32> to vector<8x64xf32>
    %dot_general3A_728 = arith.constant dense<0.000000e+00> : vector<1280x64xf32>
    %dot_general3A_729 = tpu.matmul %concatenate3A_691, %convert_element_type3A_727, %dot_general3A_728 {dimension_numbers = #tpu.dot_dimension_numbers<[1], [0], [0], [1], [0, 0, 1, 1], [], []>, transpose_lhs_hint = false} : vector<1280x8xf32>, vector<8x64xf32>, vector<1280x64xf32> -> vector<1280x64xf32>
    %div3A_730 = arith.divf %concatenate3A_690, %dot_general3A_729 : vector<1280x64xf32>
    %get3A_731 = arith.constant 0 : index
    %get3A_732 = arith.constant 0 : index
    %get3A_733 = vector.load %arg10[%get3A_731, %get3A_732] : memref<64x64xf32, #tpu.memory_space<vmem>>, vector<64x64xf32>
    %dot_general3A_734 = arith.constant dense<0.000000e+00> : vector<1280x64xf32>
    %dot_general3A_735 = tpu.matmul %div3A_730, %get3A_733, %dot_general3A_734 {dimension_numbers = #tpu.dot_dimension_numbers<[1], [0], [0], [1], [0, 0, 1, 1], [], []>, transpose_lhs_hint = false} : vector<1280x64xf32>, vector<64x64xf32>, vector<1280x64xf32> -> vector<1280x64xf32>
    %add3A_736 = arith.addf %add3A, %dot_general3A_735 : vector<1280x64xf32>
    %get3A_737 = arith.constant 0 : index
    %get3A_738 = arith.constant 0 : index
    %get3A_739 = vector.load %arg11[%get3A_737, %get3A_738] : memref<1x64xf32, #tpu.memory_space<vmem>>, vector<1x64xf32>
    %add3A_740 = vector.broadcast %get3A_739 : vector<1x64xf32> to vector<1280x64xf32>
    %add3A_741 = arith.addf %add3A_736, %add3A_740 : vector<1280x64xf32>
    %swap3A = arith.constant 0 : index
    %swap3A_742 = arith.constant 0 : index
    %swap3A_743 = vector.load %arg18[%swap3A, %swap3A_742] : memref<1280x64xf32, #tpu.memory_space<vmem>>, vector<1280x64xf32>
    tpu.vector_store %arg18[%swap3A, %swap3A_742], %add3A_741 {strides = array<i32>} : memref<1280x64xf32, #tpu.memory_space<vmem>>, vector<1280x64xf32>,
    %get3A_744 = arith.constant 0 : index
    %get3A_745 = arith.constant 0 : index
    %get3A_746 = vector.load %arg14[%get3A_744, %get3A_745] : memref<1x64xf32, #tpu.memory_space<vmem>>, vector<1x64xf32>
    %get3A_747 = arith.constant 0 : index
    %get3A_748 = arith.constant 0 : index
    %get3A_749 = vector.load %arg15[%get3A_747, %get3A_748] : memref<1x64xf32, #tpu.memory_space<vmem>>, vector<1x64xf32>
    %dot_general3A_750 = arith.constant dense<0.000000e+00> : vector<1280x1xf32>
    %dot_general3A_751 = tpu.matmul %add3A_741, %broadcast_in_dim3A_9, %dot_general3A_750 {dimension_numbers = #tpu.dot_dimension_numbers<[1], [0], [0], [1], [0, 0, 1, 1], [], []>, transpose_lhs_hint = false} : vector<1280x64xf32>, vector<64x1xf32>, vector<1280x1xf32> -> vector<1280x1xf32>
    %mul3A_752 = arith.constant 1.562500e-02 : f32
    %mul3A_753 = vector.broadcast %mul3A_752 : f32 to vector<1280x1xf32>
    %mul3A_754 = arith.mulf %dot_general3A_751, %mul3A_753 : vector<1280x1xf32>
    %mul3A_755 = arith.mulf %add3A_741, %add3A_741 : vector<1280x64xf32>
    %dot_general3A_756 = arith.constant dense<0.000000e+00> : vector<1280x1xf32>
    %dot_general3A_757 = tpu.matmul %mul3A_755, %broadcast_in_dim3A_9, %dot_general3A_756 {dimension_numbers = #tpu.dot_dimension_numbers<[1], [0], [0], [1], [0, 0, 1, 1], [], []>, transpose_lhs_hint = false} : vector<1280x64xf32>, vector<64x1xf32>, vector<1280x1xf32> -> vector<1280x1xf32>
    %mul3A_758 = arith.constant 1.562500e-02 : f32
    %mul3A_759 = vector.broadcast %mul3A_758 : f32 to vector<1280x1xf32>
    %mul3A_760 = arith.mulf %dot_general3A_757, %mul3A_759 : vector<1280x1xf32>
    %mul3A_761 = arith.mulf %mul3A_754, %mul3A_754 : vector<1280x1xf32>
    %sub3A_762 = arith.subf %mul3A_760, %mul3A_761 : vector<1280x1xf32>
    %sub3A_763 = vector.broadcast %mul3A_754 : vector<1280x1xf32> to vector<1280x64xf32>
    %sub3A_764 = arith.subf %add3A_741, %sub3A_763 : vector<1280x64xf32>
    %add3A_765 = arith.constant 9.99999997E-7 : f32
    %add3A_766 = vector.broadcast %add3A_765 : f32 to vector<1280x1xf32>
    %add3A_767 = arith.addf %sub3A_762, %add3A_766 : vector<1280x1xf32>
    %rsqrt3A_768 = math.rsqrt %add3A_767 : vector<1280x1xf32>
    %mul3A_769 = vector.broadcast %rsqrt3A_768 : vector<1280x1xf32> to vector<1280x64xf32>
    %mul3A_770 = arith.mulf %sub3A_764, %mul3A_769 : vector<1280x64xf32>
    %mul3A_771 = vector.broadcast %get3A_746 : vector<1x64xf32> to vector<1280x64xf32>
    %mul3A_772 = arith.mulf %mul3A_770, %mul3A_771 : vector<1280x64xf32>
    %add3A_773 = vector.broadcast %get3A_749 : vector<1x64xf32> to vector<1280x64xf32>
    %add3A_774 = arith.addf %mul3A_772, %add3A_773 : vector<1280x64xf32>
    %swap3A_775 = arith.constant 0 : index
    %swap3A_776 = arith.constant 0 : index
    %swap3A_777 = vector.load %arg19[%swap3A_775, %swap3A_776] : memref<1280x64xf32, #tpu.memory_space<vmem>>, vector<1280x64xf32>
    tpu.vector_store %arg19[%swap3A_775, %swap3A_776], %add3A_774 {strides = array<i32>} : memref<1280x64xf32, #tpu.memory_space<vmem>>, vector<1280x64xf32>,
    %get3A_778 = arith.constant 0 : index
    %get3A_779 = arith.constant 0 : index
    %get3A_780 = vector.load %arg16[%get3A_778, %get3A_779] : memref<64x8xf32, #tpu.memory_space<vmem>>, vector<64x8xf32>
    %dot_general3A_781 = arith.constant dense<0.000000e+00> : vector<1280x8xf32>
    %dot_general3A_782 = tpu.matmul %add3A_774, %get3A_780, %dot_general3A_781 {dimension_numbers = #tpu.dot_dimension_numbers<[1], [0], [0], [1], [0, 0, 1, 1], [], []>, transpose_lhs_hint = false} : vector<1280x64xf32>, vector<64x8xf32>, vector<1280x8xf32> -> vector<1280x8xf32>
    %get3A_783 = arith.constant 0 : index
    %get3A_784 = arith.constant 0 : index
    %get3A_785 = vector.load %arg17[%get3A_783, %get3A_784] : memref<1x8xf32, #tpu.memory_space<vmem>>, vector<1x8xf32>
    %add3A_786 = vector.broadcast %get3A_785 : vector<1x8xf32> to vector<1280x8xf32>
    %add3A_787 = arith.addf %dot_general3A_782, %add3A_786 : vector<1280x8xf32>
    %reduce_max3A = arith.constant dense<0xFF800000> : vector<1280xf32>
    %reduce_max3A_788 = vector.multi_reduction <maximumf>, %add3A_787, %reduce_max3A [1] : vector<1280x8xf32> to vector<1280xf32>
    %broadcast_in_dim3A_789 = vector.shape_cast %reduce_max3A_788 : vector<1280xf32> to vector<1280x1xf32>
    %sub3A_790 = vector.broadcast %broadcast_in_dim3A_789 : vector<1280x1xf32> to vector<1280x8xf32>
    %sub3A_791 = arith.subf %add3A_787, %sub3A_790 : vector<1280x8xf32>
    %exp3A_792 = math.exp %sub3A_791 : vector<1280x8xf32>
    %reduce_sum3A = arith.constant dense<0.000000e+00> : vector<1280xf32>
    %reduce_sum3A_793 = vector.multi_reduction <add>, %exp3A_792, %reduce_sum3A [1] : vector<1280x8xf32> to vector<1280xf32>
    %broadcast_in_dim3A_794 = vector.shape_cast %reduce_sum3A_793 : vector<1280xf32> to vector<1280x1xf32>
    %div3A_795 = vector.broadcast %broadcast_in_dim3A_794 : vector<1280x1xf32> to vector<1280x8xf32>
    %div3A_796 = arith.divf %exp3A_792, %div3A_795 : vector<1280x8xf32>
    %reduce_max3A_797 = arith.constant dense<0xFF800000> : vector<1280xf32>
    %reduce_max3A_798 = vector.multi_reduction <maximumf>, %div3A_796, %reduce_max3A_797 [1] : vector<1280x8xf32> to vector<1280xf32>
    %broadcast_in_dim3A_799 = vector.shape_cast %reduce_max3A_798 : vector<1280xf32> to vector<1280x1xf32>
    %iota3A_800 = tpu.iota {dimensions = array<i32: 1>} : vector<1280x8xi32>
    %ge3A = vector.broadcast %broadcast_in_dim3A_799 : vector<1280x1xf32> to vector<1280x8xf32>
    %ge3A_801 = arith.cmpf oge, %div3A_796, %ge3A : vector<1280x8xf32>
    %jit3A_802 = arith.constant 8 : i32
    %broadcast_in_dim3A_803 = vector.broadcast %jit3A_802 : i32 to vector<1280x8xi32>
    %select_n3A_804 = arith.select %ge3A_801, %iota3A_800, %broadcast_in_dim3A_803 : vector<1280x8xi1>, vector<1280x8xi32>
    %reduce_min3A = arith.constant dense<2147483647> : vector<1280xi32>
    %reduce_min3A_805 = vector.multi_reduction <minsi>, %select_n3A_804, %reduce_min3A [1] : vector<1280x8xi32> to vector<1280xi32>
    %broadcast_in_dim3A_806 = vector.shape_cast %reduce_min3A_805 : vector<1280xi32> to vector<1280x1xi32>
    %swap3A_807 = arith.constant 0 : index
    %swap3A_808 = arith.constant 0 : index
    %swap3A_809 = vector.load %arg20[%swap3A_807, %swap3A_808] : memref<1280x1xf32, #tpu.memory_space<vmem>>, vector<1280x1xf32>
    tpu.vector_store %arg20[%swap3A_807, %swap3A_808], %broadcast_in_dim3A_799 {strides = array<i32>} : memref<1280x1xf32, #tpu.memory_space<vmem>>, vector<1280x1xf32>,
    %swap3A_810 = arith.constant 0 : index
    %swap3A_811 = arith.constant 0 : index
    %swap3A_812 = vector.load %arg21[%swap3A_810, %swap3A_811] : memref<1280x1xi32, #tpu.memory_space<vmem>>, vector<1280x1xi32>
    tpu.vector_store %arg21[%swap3A_810, %swap3A_811], %broadcast_in_dim3A_806 {strides = array<i32>} : memref<1280x1xi32, #tpu.memory_space<vmem>>, vector<1280x1xi32>,
    %eq3A_813 = vector.broadcast %broadcast_in_dim3A_806 : vector<1280x1xi32> to vector<1280x8xi32>
    %eq3A_814 = arith.cmpi eq, %iota3A_800, %eq3A_813 : vector<1280x8xi32>
    %convert_element_type3A_815 = arith.extui %eq3A_814 : vector<1280x8xi1> to vector<1280x8xi32>
    %convert_element_type3A_816 = arith.sitofp %convert_element_type3A_815 : vector<1280x8xi32> to vector<1280x8xf32>
    %reduce_sum3A_817 = arith.constant dense<0.000000e+00> : vector<8xf32>
    %reduce_sum3A_818 = vector.multi_reduction <add>, %convert_element_type3A_816, %reduce_sum3A_817 [0] : vector<1280x8xf32> to vector<8xf32>
    %broadcast_in_dim3A_819 = vector.shape_cast %reduce_sum3A_818 : vector<8xf32> to vector<1x8xf32>
    %reduce_sum3A_820 = arith.constant dense<0.000000e+00> : vector<8xf32>
    %reduce_sum3A_821 = vector.multi_reduction <add>, %div3A_796, %reduce_sum3A_820 [0] : vector<1280x8xf32> to vector<8xf32>
    %broadcast_in_dim3A_822 = vector.shape_cast %reduce_sum3A_821 : vector<8xf32> to vector<1x8xf32>
    %broadcast_in_dim3A_823 = vector.shape_cast %broadcast_in_dim3A_819 : vector<1x8xf32> to vector<1x1x8xf32>
    %broadcast_in_dim3A_824 = vector.shape_cast %broadcast_in_dim3A_822 : vector<1x8xf32> to vector<1x1x8xf32>
    %concatenate3A_825 = tpu.concatenate %broadcast_in_dim3A_823, %broadcast_in_dim3A_824 in 1 : vector<1x1x8xf32>, vector<1x1x8xf32> -> vector<1x2x8xf32>
    %jit3A_826 = arith.constant 8 : i32
    %eq3A_827 = arith.constant 0 : i32
    %eq3A_828 = arith.cmpi eq, %jit3A_826, %eq3A_827 : i32
    %jit3A_829 = arith.constant 1 : i32
    %select_n3A_830 = arith.select %eq3A_828, %jit3A_829, %jit3A_826 : i32
    %rem3A_831 = arith.remsi %arg0, %select_n3A_830 : i32
    %ne3A_832 = arith.constant 0 : i32
    %ne3A_833 = arith.cmpi ne, %rem3A_831, %ne3A_832 : i32
    %lt3A = arith.constant 0 : i32
    %lt3A_834 = arith.cmpi slt, %rem3A_831, %lt3A : i32
    %lt3A_835 = arith.constant 0 : i32
    %lt3A_836 = arith.cmpi slt, %select_n3A_830, %lt3A_835 : i32
    %ne3A_837 = arith.xori %lt3A_834, %lt3A_836 : i1
    %and3A_838 = arith.andi %ne3A_837, %ne3A_833 : i1
    %add3A_839 = arith.addi %rem3A_831, %select_n3A_830 : i32
    %select_n3A_840 = arith.select %and3A_838, %add3A_839, %rem3A_831 : i32
    %eq3A_841 = arith.constant 0 : i32
    %eq3A_842 = arith.cmpi eq, %select_n3A_840, %eq3A_841 : i32
    %convert_element_type3A_843 = arith.extui %eq3A_842 : i1 to i32
    %cond3A = arith.constant 0 : i32
    %cond3A_844 = arith.cmpi ne, %convert_element_type3A_843, %cond3A : i32
    scf.if %cond3A_844 {
      %swap3A_866 = arith.constant 0 : index
      %swap3A_867 = arith.constant 0 : index
      %swap3A_868 = arith.constant 0 : index
      %swap3A_869 = vector.load %arg22[%swap3A_866, %swap3A_867, %swap3A_868] : memref<1x2x8xf32, #tpu.memory_space<vmem>>, vector<1x2x8xf32>
      tpu.vector_store %arg22[%swap3A_866, %swap3A_867, %swap3A_868], %concatenate3A_825 {strides = array<i32>} : memref<1x2x8xf32, #tpu.memory_space<vmem>>, vector<1x2x8xf32>,
    } else {
    }
    %jit3A_845 = arith.constant 8 : i32
    %eq3A_846 = arith.constant 0 : i32
    %eq3A_847 = arith.cmpi eq, %jit3A_845, %eq3A_846 : i32
    %jit3A_848 = arith.constant 1 : i32
    %select_n3A_849 = arith.select %eq3A_847, %jit3A_848, %jit3A_845 : i32
    %rem3A_850 = arith.remsi %arg0, %select_n3A_849 : i32
    %ne3A_851 = arith.constant 0 : i32
    %ne3A_852 = arith.cmpi ne, %rem3A_850, %ne3A_851 : i32
    %lt3A_853 = arith.constant 0 : i32
    %lt3A_854 = arith.cmpi slt, %rem3A_850, %lt3A_853 : i32
    %lt3A_855 = arith.constant 0 : i32
    %lt3A_856 = arith.cmpi slt, %select_n3A_849, %lt3A_855 : i32
    %ne3A_857 = arith.xori %lt3A_854, %lt3A_856 : i1
    %and3A_858 = arith.andi %ne3A_857, %ne3A_852 : i1
    %add3A_859 = arith.addi %rem3A_850, %select_n3A_849 : i32
    %select_n3A_860 = arith.select %and3A_858, %add3A_859, %rem3A_850 : i32
    %ne3A_861 = arith.constant 0 : i32
    %ne3A_862 = arith.cmpi ne, %select_n3A_860, %ne3A_861 : i32
    %convert_element_type3A_863 = arith.extui %ne3A_862 : i1 to i32
    %cond3A_864 = arith.constant 0 : i32
    %cond3A_865 = arith.cmpi ne, %convert_element_type3A_863, %cond3A_864 : i32
    scf.if %cond3A_865 {
      %get3A_866 = arith.constant 0 : index
      %get3A_867 = arith.constant 0 : index
      %get3A_868 = arith.constant 0 : index
      %get3A_869 = vector.load %arg22[%get3A_866, %get3A_867, %get3A_868] : memref<1x2x8xf32, #tpu.memory_space<vmem>>, vector<1x2x8xf32>
      %add3A_870 = arith.addf %get3A_869, %concatenate3A_825 : vector<1x2x8xf32>
      %swap3A_871 = arith.constant 0 : index
      %swap3A_872 = arith.constant 0 : index
      %swap3A_873 = arith.constant 0 : index
      %swap3A_874 = vector.load %arg22[%swap3A_871, %swap3A_872, %swap3A_873] : memref<1x2x8xf32, #tpu.memory_space<vmem>>, vector<1x2x8xf32>
      tpu.vector_store %arg22[%swap3A_871, %swap3A_872, %swap3A_873], %add3A_870 {strides = array<i32>} : memref<1x2x8xf32, #tpu.memory_space<vmem>>, vector<1x2x8xf32>,
    } else {
    }
    return
  }
  func.func @transform_0(%arg0: i32) -> (i32, i32) {
    %c0_i32 = arith.constant 0 : i32
    %c0_i32_0 = arith.constant 0 : i32
    return %arg0, %c0_i32 : i32, i32
  }
  func.func @transform_1(%arg0: i32) -> (i32, i32) {
    %c0_i32 = arith.constant 0 : i32
    %c0_i32_0 = arith.constant 0 : i32
    return %arg0, %c0_i32 : i32, i32
  }
  func.func @transform_2(%arg0: i32) -> (i32, i32) {
    %c0_i32 = arith.constant 0 : i32
    %c0_i32_0 = arith.constant 0 : i32
    return %arg0, %c0_i32 : i32, i32
  }
  func.func @transform_3(%arg0: i32) -> (i32, i32) {
    %c0_i32 = arith.constant 0 : i32
    %c0_i32_0 = arith.constant 0 : i32
    %c0_i32_1 = arith.constant 0 : i32
    return %c0_i32, %c0_i32_0 : i32, i32
  }
  func.func @transform_4(%arg0: i32) -> (i32, i32) {
    %c0_i32 = arith.constant 0 : i32
    %c0_i32_0 = arith.constant 0 : i32
    %c0_i32_1 = arith.constant 0 : i32
    return %c0_i32, %c0_i32_0 : i32, i32
  }
  func.func @transform_5(%arg0: i32) -> (i32, i32) {
    %c0_i32 = arith.constant 0 : i32
    %c0_i32_0 = arith.constant 0 : i32
    %c0_i32_1 = arith.constant 0 : i32
    return %c0_i32, %c0_i32_0 : i32, i32
  }
  func.func @transform_6(%arg0: i32) -> (i32, i32) {
    %c0_i32 = arith.constant 0 : i32
    %c0_i32_0 = arith.constant 0 : i32
    %c0_i32_1 = arith.constant 0 : i32
    return %c0_i32, %c0_i32_0 : i32, i32
  }
  func.func @transform_7(%arg0: i32) -> (i32, i32) {
    %c0_i32 = arith.constant 0 : i32
    %c0_i32_0 = arith.constant 0 : i32
    %c0_i32_1 = arith.constant 0 : i32
    return %c0_i32, %c0_i32_0 : i32, i32
  }
  func.func @transform_8(%arg0: i32) -> (i32, i32) {
    %c0_i32 = arith.constant 0 : i32
    %c0_i32_0 = arith.constant 0 : i32
    %c0_i32_1 = arith.constant 0 : i32
    return %c0_i32, %c0_i32_0 : i32, i32
  }
  func.func @transform_9(%arg0: i32) -> (i32, i32) {
    %c0_i32 = arith.constant 0 : i32
    %c0_i32_0 = arith.constant 0 : i32
    %c0_i32_1 = arith.constant 0 : i32
    return %c0_i32, %c0_i32_0 : i32, i32
  }
  func.func @transform_10(%arg0: i32) -> (i32, i32) {
    %c0_i32 = arith.constant 0 : i32
    %c0_i32_0 = arith.constant 0 : i32
    %c0_i32_1 = arith.constant 0 : i32
    return %c0_i32, %c0_i32_0 : i32, i32
  }
  func.func @transform_11(%arg0: i32) -> (i32, i32) {
    %c0_i32 = arith.constant 0 : i32
    %c0_i32_0 = arith.constant 0 : i32
    %c0_i32_1 = arith.constant 0 : i32
    return %c0_i32, %c0_i32_0 : i32, i32
  }
  func.func @transform_12(%arg0: i32) -> (i32, i32) {
    %c0_i32 = arith.constant 0 : i32
    %c0_i32_0 = arith.constant 0 : i32
    %c0_i32_1 = arith.constant 0 : i32
    return %c0_i32, %c0_i32_0 : i32, i32
  }
  func.func @transform_13(%arg0: i32) -> (i32, i32) {
    %c0_i32 = arith.constant 0 : i32
    %c0_i32_0 = arith.constant 0 : i32
    %c0_i32_1 = arith.constant 0 : i32
    return %c0_i32, %c0_i32_0 : i32, i32
  }
  func.func @transform_14(%arg0: i32) -> (i32, i32) {
    %c0_i32 = arith.constant 0 : i32
    %c0_i32_0 = arith.constant 0 : i32
    %c0_i32_1 = arith.constant 0 : i32
    return %c0_i32, %c0_i32_0 : i32, i32
  }
  func.func @transform_15(%arg0: i32) -> (i32, i32) {
    %c0_i32 = arith.constant 0 : i32
    %c0_i32_0 = arith.constant 0 : i32
    %c0_i32_1 = arith.constant 0 : i32
    return %c0_i32, %c0_i32_0 : i32, i32
  }
  func.func @transform_16(%arg0: i32) -> (i32, i32) {
    %c0_i32 = arith.constant 0 : i32
    %c0_i32_0 = arith.constant 0 : i32
    %c0_i32_1 = arith.constant 0 : i32
    return %c0_i32, %c0_i32_0 : i32, i32
  }
  func.func @transform_17(%arg0: i32) -> (i32, i32) {
    %c0_i32 = arith.constant 0 : i32
    %c0_i32_0 = arith.constant 0 : i32
    return %arg0, %c0_i32 : i32, i32
  }
  func.func @transform_18(%arg0: i32) -> (i32, i32) {
    %c0_i32 = arith.constant 0 : i32
    %c0_i32_0 = arith.constant 0 : i32
    return %arg0, %c0_i32 : i32, i32
  }
  func.func @transform_19(%arg0: i32) -> (i32, i32) {
    %c0_i32 = arith.constant 0 : i32
    %c0_i32_0 = arith.constant 0 : i32
    return %arg0, %c0_i32 : i32, i32
  }
  func.func @transform_20(%arg0: i32) -> (i32, i32) {
    %c0_i32 = arith.constant 0 : i32
    %c0_i32_0 = arith.constant 0 : i32
    return %arg0, %c0_i32 : i32, i32
  }
  func.func @transform_21(%arg0: i32) -> (i32, i32, i32) {
    %jit3A = arith.constant 8 : i32
    %div3A = arith.divsi %arg0, %jit3A : i32
    %sign3A = arith.constant 0 : i32
    %sign3A_0 = arith.cmpi sgt, %arg0, %sign3A : i32
    %sign3A_1 = arith.extui %sign3A_0 : i1 to i32
    %sign3A_2 = arith.constant 0 : i32
    %sign3A_3 = arith.cmpi slt, %arg0, %sign3A_2 : i32
    %sign3A_4 = arith.extui %sign3A_3 : i1 to i32
    %sign3A_5 = arith.subi %sign3A_1, %sign3A_4 : i32
    %sign3A_6 = arith.constant 0 : i32
    %sign3A_7 = arith.cmpi sgt, %jit3A, %sign3A_6 : i32
    %sign3A_8 = arith.extui %sign3A_7 : i1 to i32
    %sign3A_9 = arith.constant 0 : i32
    %sign3A_10 = arith.cmpi slt, %jit3A, %sign3A_9 : i32
    %sign3A_11 = arith.extui %sign3A_10 : i1 to i32
    %sign3A_12 = arith.subi %sign3A_8, %sign3A_11 : i32
    %ne3A = arith.cmpi ne, %sign3A_5, %sign3A_12 : i32
    %rem3A = arith.remsi %arg0, %jit3A : i32
    %ne3A_13 = arith.constant 0 : i32
    %ne3A_14 = arith.cmpi ne, %rem3A, %ne3A_13 : i32
    %and3A = arith.andi %ne3A, %ne3A_14 : i1
    %sub3A = arith.constant 1 : i32
    %sub3A_15 = arith.subi %div3A, %sub3A : i32
    %select_n3A = arith.select %and3A, %sub3A_15, %div3A : i32
    %c0_i32 = arith.constant 0 : i32
    %c0_i32_16 = arith.constant 0 : i32
    %c0_i32_17 = arith.constant 0 : i32
    return %select_n3A, %c0_i32, %c0_i32_16 : i32, i32, i32
  }
}

module attributes {stable_mosaic.version = 14 : i64} {
  func.func @_final_body(%arg0: i32, %arg1: memref<64x20x64xf32, #tpu.memory_space<vmem>>, %arg2: memref<64x20x64xf32, #tpu.memory_space<vmem>>, %arg3: memref<64x20x1xf32, #tpu.memory_space<vmem>>, %arg4: memref<64x20x64xf32, #tpu.memory_space<vmem>>, %arg5: memref<64x20x64xf32, #tpu.memory_space<vmem>>, %arg6: memref<64x20x1xf32, #tpu.memory_space<vmem>>, %arg7: memref<1x64xf32, #tpu.memory_space<vmem>>, %arg8: memref<1x64xf32, #tpu.memory_space<vmem>>, %arg9: memref<64x1xf32, #tpu.memory_space<vmem>>, %arg10: memref<1x1xf32, #tpu.memory_space<vmem>>, %arg11: memref<2x2x8xf32, #tpu.memory_space<vmem>>, %arg12: memref<2x2x8xf32, #tpu.memory_space<vmem>>, %arg13: memref<64x1xf32, #tpu.memory_space<vmem>>, %arg14: memref<1x1xf32, #tpu.memory_space<vmem>>) attributes {dimension_semantics = [#tpu.dimension_semantics<arbitrary>], iteration_bounds = array<i64: 8>, scalar_prefetch = 0 : i64, scratch_operands = 0 : i64, tpu.core_type = #tpu.core_type<tc>, window_params = [{transform_indices = @transform_0, window_bounds = array<i64: 64, 20, 64>}, {transform_indices = @transform_1, window_bounds = array<i64: 64, 20, 64>}, {transform_indices = @transform_2, window_bounds = array<i64: 64, 20, 1>}, {transform_indices = @transform_3, window_bounds = array<i64: 64, 20, 64>}, {transform_indices = @transform_4, window_bounds = array<i64: 64, 20, 64>}, {transform_indices = @transform_5, window_bounds = array<i64: 64, 20, 1>}, {pipeline_mode = #tpu.pipeline_mode<synchronous>, transform_indices = @transform_6, window_bounds = array<i64: 1, 64>}, {pipeline_mode = #tpu.pipeline_mode<synchronous>, transform_indices = @transform_7, window_bounds = array<i64: 1, 64>}, {pipeline_mode = #tpu.pipeline_mode<synchronous>, transform_indices = @transform_8, window_bounds = array<i64: 64, 1>}, {pipeline_mode = #tpu.pipeline_mode<synchronous>, transform_indices = @transform_9, window_bounds = array<i64: 1, 1>}, {pipeline_mode = #tpu.pipeline_mode<synchronous>, transform_indices = @transform_10, window_bounds = array<i64: 2, 2, 8>}, {pipeline_mode = #tpu.pipeline_mode<synchronous>, transform_indices = @transform_11, window_bounds = array<i64: 2, 2, 8>}, {transform_indices = @transform_12, window_bounds = array<i64: 64, 1>}, {pipeline_mode = #tpu.pipeline_mode<synchronous>, transform_indices = @transform_13, window_bounds = array<i64: 1, 1>}]} {
    %get3A = arith.constant 0 : index
    %get3A_0 = arith.constant 0 : index
    %get3A_1 = arith.constant 0 : index
    %get3A_2 = vector.load %arg1[%get3A, %get3A_0, %get3A_1] : memref<64x20x64xf32, #tpu.memory_space<vmem>>, vector<64x20x64xf32>
    %get3A_3 = arith.constant 0 : index
    %get3A_4 = arith.constant 0 : index
    %get3A_5 = arith.constant 0 : index
    %get3A_6 = vector.load %arg3[%get3A_3, %get3A_4, %get3A_5] : memref<64x20x1xf32, #tpu.memory_space<vmem>>, vector<64x20x1xf32>
    %get3A_7 = arith.constant 0 : index
    %get3A_8 = arith.constant 0 : index
    %get3A_9 = arith.constant 0 : index
    %get3A_10 = vector.load %arg2[%get3A_7, %get3A_8, %get3A_9] : memref<64x20x64xf32, #tpu.memory_space<vmem>>, vector<64x20x64xf32>
    %mul3A = vector.broadcast %get3A_6 : vector<64x20x1xf32> to vector<64x20x64xf32>
    %mul3A_11 = arith.mulf %mul3A, %get3A_10 : vector<64x20x64xf32>
    %add3A = arith.addf %get3A_2, %mul3A_11 : vector<64x20x64xf32>
    %reduce_sum3A = arith.constant dense<0.000000e+00> : vector<64x20xf32>
    %reduce_sum3A_12 = vector.multi_reduction <add>, %add3A, %reduce_sum3A [2] : vector<64x20x64xf32> to vector<64x20xf32>
    %broadcast_in_dim3A = vector.shape_cast %reduce_sum3A_12 : vector<64x20xf32> to vector<64x20x1xf32>
    %div3A = arith.constant 6.400000e+01 : f32
    %div3A_13 = vector.broadcast %div3A : f32 to vector<64x20x1xf32>
    %div3A_14 = arith.divf %broadcast_in_dim3A, %div3A_13 : vector<64x20x1xf32>
    %sub3A = vector.broadcast %div3A_14 : vector<64x20x1xf32> to vector<64x20x64xf32>
    %sub3A_15 = arith.subf %add3A, %sub3A : vector<64x20x64xf32>
    %integer_pow3A = arith.mulf %sub3A_15, %sub3A_15 : vector<64x20x64xf32>
    %reduce_sum3A_16 = arith.constant dense<0.000000e+00> : vector<64x20xf32>
    %reduce_sum3A_17 = vector.multi_reduction <add>, %integer_pow3A, %reduce_sum3A_16 [2] : vector<64x20x64xf32> to vector<64x20xf32>
    %broadcast_in_dim3A_18 = vector.shape_cast %reduce_sum3A_17 : vector<64x20xf32> to vector<64x20x1xf32>
    %div3A_19 = arith.constant 6.400000e+01 : f32
    %div3A_20 = vector.broadcast %div3A_19 : f32 to vector<64x20x1xf32>
    %div3A_21 = arith.divf %broadcast_in_dim3A_18, %div3A_20 : vector<64x20x1xf32>
    %get3A_22 = arith.constant 0 : index
    %get3A_23 = arith.constant 0 : index
    %get3A_24 = vector.load %arg7[%get3A_22, %get3A_23] : memref<1x64xf32, #tpu.memory_space<vmem>>, vector<1x64xf32>
    %sub3A_25 = vector.broadcast %div3A_14 : vector<64x20x1xf32> to vector<64x20x64xf32>
    %sub3A_26 = arith.subf %add3A, %sub3A_25 : vector<64x20x64xf32>
    %broadcast_in_dim3A_27 = vector.shape_cast %get3A_24 : vector<1x64xf32> to vector<1x1x64xf32>
    %mul3A_28 = vector.broadcast %broadcast_in_dim3A_27 : vector<1x1x64xf32> to vector<64x20x64xf32>
    %mul3A_29 = arith.mulf %mul3A_28, %sub3A_26 : vector<64x20x64xf32>
    %add3A_30 = arith.constant 9.99999997E-7 : f32
    %add3A_31 = vector.broadcast %add3A_30 : f32 to vector<64x20x1xf32>
    %add3A_32 = arith.addf %div3A_21, %add3A_31 : vector<64x20x1xf32>
    %sqrt3A = math.sqrt %add3A_32 : vector<64x20x1xf32>
    %div3A_33 = vector.broadcast %sqrt3A : vector<64x20x1xf32> to vector<64x20x64xf32>
    %div3A_34 = arith.divf %mul3A_29, %div3A_33 : vector<64x20x64xf32>
    %get3A_35 = arith.constant 0 : index
    %get3A_36 = arith.constant 0 : index
    %get3A_37 = vector.load %arg8[%get3A_35, %get3A_36] : memref<1x64xf32, #tpu.memory_space<vmem>>, vector<1x64xf32>
    %broadcast_in_dim3A_38 = vector.shape_cast %get3A_37 : vector<1x64xf32> to vector<1x1x64xf32>
    %add3A_39 = vector.broadcast %broadcast_in_dim3A_38 : vector<1x1x64xf32> to vector<64x20x64xf32>
    %add3A_40 = arith.addf %div3A_34, %add3A_39 : vector<64x20x64xf32>
    %get3A_41 = arith.constant 0 : index
    %get3A_42 = arith.constant 0 : index
    %get3A_43 = arith.constant 0 : index
    %get3A_44 = vector.load %arg4[%get3A_41, %get3A_42, %get3A_43] : memref<64x20x64xf32, #tpu.memory_space<vmem>>, vector<64x20x64xf32>
    %get3A_45 = arith.constant 0 : index
    %get3A_46 = arith.constant 0 : index
    %get3A_47 = arith.constant 0 : index
    %get3A_48 = vector.load %arg6[%get3A_45, %get3A_46, %get3A_47] : memref<64x20x1xf32, #tpu.memory_space<vmem>>, vector<64x20x1xf32>
    %get3A_49 = arith.constant 0 : index
    %get3A_50 = arith.constant 0 : index
    %get3A_51 = arith.constant 0 : index
    %get3A_52 = vector.load %arg5[%get3A_49, %get3A_50, %get3A_51] : memref<64x20x64xf32, #tpu.memory_space<vmem>>, vector<64x20x64xf32>
    %mul3A_53 = vector.broadcast %get3A_48 : vector<64x20x1xf32> to vector<64x20x64xf32>
    %mul3A_54 = arith.mulf %mul3A_53, %get3A_52 : vector<64x20x64xf32>
    %add3A_55 = arith.addf %get3A_44, %mul3A_54 : vector<64x20x64xf32>
    %reduce_sum3A_56 = arith.constant dense<0.000000e+00> : vector<64x20xf32>
    %reduce_sum3A_57 = vector.multi_reduction <add>, %add3A_55, %reduce_sum3A_56 [2] : vector<64x20x64xf32> to vector<64x20xf32>
    %broadcast_in_dim3A_58 = vector.shape_cast %reduce_sum3A_57 : vector<64x20xf32> to vector<64x20x1xf32>
    %div3A_59 = arith.constant 6.400000e+01 : f32
    %div3A_60 = vector.broadcast %div3A_59 : f32 to vector<64x20x1xf32>
    %div3A_61 = arith.divf %broadcast_in_dim3A_58, %div3A_60 : vector<64x20x1xf32>
    %sub3A_62 = vector.broadcast %div3A_61 : vector<64x20x1xf32> to vector<64x20x64xf32>
    %sub3A_63 = arith.subf %add3A_55, %sub3A_62 : vector<64x20x64xf32>
    %integer_pow3A_64 = arith.mulf %sub3A_63, %sub3A_63 : vector<64x20x64xf32>
    %reduce_sum3A_65 = arith.constant dense<0.000000e+00> : vector<64x20xf32>
    %reduce_sum3A_66 = vector.multi_reduction <add>, %integer_pow3A_64, %reduce_sum3A_65 [2] : vector<64x20x64xf32> to vector<64x20xf32>
    %broadcast_in_dim3A_67 = vector.shape_cast %reduce_sum3A_66 : vector<64x20xf32> to vector<64x20x1xf32>
    %div3A_68 = arith.constant 6.400000e+01 : f32
    %div3A_69 = vector.broadcast %div3A_68 : f32 to vector<64x20x1xf32>
    %div3A_70 = arith.divf %broadcast_in_dim3A_67, %div3A_69 : vector<64x20x1xf32>
    %get3A_71 = arith.constant 0 : index
    %get3A_72 = arith.constant 0 : index
    %get3A_73 = vector.load %arg7[%get3A_71, %get3A_72] : memref<1x64xf32, #tpu.memory_space<vmem>>, vector<1x64xf32>
    %sub3A_74 = vector.broadcast %div3A_61 : vector<64x20x1xf32> to vector<64x20x64xf32>
    %sub3A_75 = arith.subf %add3A_55, %sub3A_74 : vector<64x20x64xf32>
    %broadcast_in_dim3A_76 = vector.shape_cast %get3A_73 : vector<1x64xf32> to vector<1x1x64xf32>
    %mul3A_77 = vector.broadcast %broadcast_in_dim3A_76 : vector<1x1x64xf32> to vector<64x20x64xf32>
    %mul3A_78 = arith.mulf %mul3A_77, %sub3A_75 : vector<64x20x64xf32>
    %add3A_79 = arith.constant 9.99999997E-7 : f32
    %add3A_80 = vector.broadcast %add3A_79 : f32 to vector<64x20x1xf32>
    %add3A_81 = arith.addf %div3A_70, %add3A_80 : vector<64x20x1xf32>
    %sqrt3A_82 = math.sqrt %add3A_81 : vector<64x20x1xf32>
    %div3A_83 = vector.broadcast %sqrt3A_82 : vector<64x20x1xf32> to vector<64x20x64xf32>
    %div3A_84 = arith.divf %mul3A_78, %div3A_83 : vector<64x20x64xf32>
    %get3A_85 = arith.constant 0 : index
    %get3A_86 = arith.constant 0 : index
    %get3A_87 = vector.load %arg8[%get3A_85, %get3A_86] : memref<1x64xf32, #tpu.memory_space<vmem>>, vector<1x64xf32>
    %broadcast_in_dim3A_88 = vector.shape_cast %get3A_87 : vector<1x64xf32> to vector<1x1x64xf32>
    %add3A_89 = vector.broadcast %broadcast_in_dim3A_88 : vector<1x1x64xf32> to vector<64x20x64xf32>
    %add3A_90 = arith.addf %div3A_84, %add3A_89 : vector<64x20x64xf32>
    %mul3A_91 = arith.mulf %add3A_40, %add3A_90 : vector<64x20x64xf32>
    %mul3A_92 = arith.mulf %mul3A_91, %mul3A_91 : vector<64x20x64xf32>
    %reduce_sum3A_93 = arith.constant dense<0.000000e+00> : vector<64x20xf32>
    %reduce_sum3A_94 = vector.multi_reduction <add>, %mul3A_92, %reduce_sum3A_93 [2] : vector<64x20x64xf32> to vector<64x20xf32>
    %broadcast_in_dim3A_95 = vector.shape_cast %reduce_sum3A_94 : vector<64x20xf32> to vector<64x20x1xf32>
    %sqrt3A_96 = math.sqrt %broadcast_in_dim3A_95 : vector<64x20x1xf32>
    %reduce_max3A = arith.constant dense<0xFF800000> : vector<64x1xf32>
    %reduce_max3A_97 = vector.multi_reduction <maximumf>, %sqrt3A_96, %reduce_max3A [1] : vector<64x20x1xf32> to vector<64x1xf32>
    %broadcast_in_dim3A_98 = vector.shape_cast %reduce_max3A_97 : vector<64x1xf32> to vector<64x1x1xf32>
    %sub3A_99 = vector.broadcast %broadcast_in_dim3A_98 : vector<64x1x1xf32> to vector<64x20x1xf32>
    %sub3A_100 = arith.subf %sqrt3A_96, %sub3A_99 : vector<64x20x1xf32>
    %exp3A = math.exp %sub3A_100 : vector<64x20x1xf32>
    %reduce_sum3A_101 = arith.constant dense<0.000000e+00> : vector<64x1xf32>
    %reduce_sum3A_102 = vector.multi_reduction <add>, %exp3A, %reduce_sum3A_101 [1] : vector<64x20x1xf32> to vector<64x1xf32>
    %broadcast_in_dim3A_103 = vector.shape_cast %reduce_sum3A_102 : vector<64x1xf32> to vector<64x1x1xf32>
    %div3A_104 = vector.broadcast %broadcast_in_dim3A_103 : vector<64x1x1xf32> to vector<64x20x1xf32>
    %div3A_105 = arith.divf %exp3A, %div3A_104 : vector<64x20x1xf32>
    %mul3A_106 = vector.broadcast %div3A_105 : vector<64x20x1xf32> to vector<64x20x64xf32>
    %mul3A_107 = arith.mulf %mul3A_106, %mul3A_91 : vector<64x20x64xf32>
    %reduce_sum3A_108 = arith.constant dense<0.000000e+00> : vector<64x64xf32>
    %reduce_sum3A_109 = vector.multi_reduction <add>, %mul3A_107, %reduce_sum3A_108 [1] : vector<64x20x64xf32> to vector<64x64xf32>
    %get3A_110 = arith.constant 0 : index
    %get3A_111 = arith.constant 0 : index
    %get3A_112 = vector.load %arg9[%get3A_110, %get3A_111] : memref<64x1xf32, #tpu.memory_space<vmem>>, vector<64x1xf32>
    %dot_general3A = arith.constant dense<0.000000e+00> : vector<64x1xf32>
    %dot_general3A_113 = tpu.matmul %reduce_sum3A_109, %get3A_112, %dot_general3A {dimension_numbers = #tpu.dot_dimension_numbers<[1], [0], [0], [1], [0, 0, 1, 1], [], []>, transpose_lhs_hint = false} : vector<64x64xf32>, vector<64x1xf32>, vector<64x1xf32> -> vector<64x1xf32>
    %get3A_114 = arith.constant 0 : index
    %get3A_115 = arith.constant 0 : index
    %get3A_116 = vector.load %arg10[%get3A_114, %get3A_115] : memref<1x1xf32, #tpu.memory_space<vmem>>, vector<1x1xf32>
    %add3A_117 = vector.broadcast %get3A_116 : vector<1x1xf32> to vector<64x1xf32>
    %add3A_118 = arith.addf %dot_general3A_113, %add3A_117 : vector<64x1xf32>
    %swap3A = arith.constant 0 : index
    %swap3A_119 = arith.constant 0 : index
    %swap3A_120 = vector.load %arg13[%swap3A, %swap3A_119] : memref<64x1xf32, #tpu.memory_space<vmem>>, vector<64x1xf32>
    tpu.vector_store %arg13[%swap3A, %swap3A_119], %add3A_118 {strides = array<i32>} : memref<64x1xf32, #tpu.memory_space<vmem>>, vector<64x1xf32>,
    %eq3A = arith.constant 0 : i32
    %eq3A_121 = arith.cmpi eq, %arg0, %eq3A : i32
    %convert_element_type3A = arith.extui %eq3A_121 : i1 to i32
    %cond3A = arith.constant 0 : i32
    %cond3A_122 = arith.cmpi ne, %convert_element_type3A, %cond3A : i32
    scf.if %cond3A_122 {
      %get3A_123 = arith.constant 0 : index
      %get3A_124 = arith.constant 0 : index
      %get3A_125 = arith.constant 0 : index
      %get3A_126 = vector.load %arg11[%get3A_123, %get3A_124, %get3A_125] : memref<2x2x8xf32, #tpu.memory_space<vmem>>, vector<2x2x8xf32>
      %get3A_127 = arith.constant 0 : index
      %get3A_128 = arith.constant 0 : index
      %get3A_129 = arith.constant 0 : index
      %get3A_130 = vector.load %arg12[%get3A_127, %get3A_128, %get3A_129] : memref<2x2x8xf32, #tpu.memory_space<vmem>>, vector<2x2x8xf32>
      %slice3A = vector.extract_strided_slice %get3A_126 {offsets = [0, 0, 0], sizes = [2, 1, 8], strides = [1, 1, 1]} : vector<2x2x8xf32> to vector<2x1x8xf32>
      %squeeze3A = vector.shape_cast %slice3A : vector<2x1x8xf32> to vector<2x8xf32>
      %slice3A_131 = vector.extract_strided_slice %get3A_126 {offsets = [0, 1, 0], sizes = [2, 1, 8], strides = [1, 1, 1]} : vector<2x2x8xf32> to vector<2x1x8xf32>
      %squeeze3A_132 = vector.shape_cast %slice3A_131 : vector<2x1x8xf32> to vector<2x8xf32>
      %mul3A_133 = arith.mulf %squeeze3A, %squeeze3A_132 : vector<2x8xf32>
      %reduce_sum3A_134 = vector.shape_cast %mul3A_133 : vector<2x8xf32> to vector<1x2x8xf32>
      %reduce_sum3A_135 = arith.constant dense<0.000000e+00> : vector<1xf32>
      %reduce_sum3A_136 = vector.multi_reduction <add>, %reduce_sum3A_134, %reduce_sum3A_135 [1, 2] : vector<1x2x8xf32> to vector<1xf32>
      %reduce_sum3A_137 = vector.shape_cast %reduce_sum3A_136 : vector<1xf32> to vector<1x1x1xf32>
      %reduce_sum3A_138 = vector.extract %reduce_sum3A_137[0, 0, 0] : f32 from vector<1x1x1xf32>
      %slice3A_139 = vector.extract_strided_slice %get3A_130 {offsets = [0, 0, 0], sizes = [2, 1, 8], strides = [1, 1, 1]} : vector<2x2x8xf32> to vector<2x1x8xf32>
      %squeeze3A_140 = vector.shape_cast %slice3A_139 : vector<2x1x8xf32> to vector<2x8xf32>
      %slice3A_141 = vector.extract_strided_slice %get3A_130 {offsets = [0, 1, 0], sizes = [2, 1, 8], strides = [1, 1, 1]} : vector<2x2x8xf32> to vector<2x1x8xf32>
      %squeeze3A_142 = vector.shape_cast %slice3A_141 : vector<2x1x8xf32> to vector<2x8xf32>
      %mul3A_143 = arith.mulf %squeeze3A_140, %squeeze3A_142 : vector<2x8xf32>
      %reduce_sum3A_144 = vector.shape_cast %mul3A_143 : vector<2x8xf32> to vector<1x2x8xf32>
      %reduce_sum3A_145 = arith.constant dense<0.000000e+00> : vector<1xf32>
      %reduce_sum3A_146 = vector.multi_reduction <add>, %reduce_sum3A_144, %reduce_sum3A_145 [1, 2] : vector<1x2x8xf32> to vector<1xf32>
      %reduce_sum3A_147 = vector.shape_cast %reduce_sum3A_146 : vector<1xf32> to vector<1x1x1xf32>
      %reduce_sum3A_148 = vector.extract %reduce_sum3A_147[0, 0, 0] : f32 from vector<1x1x1xf32>
      %add3A_149 = arith.addf %reduce_sum3A_138, %reduce_sum3A_148 : f32
      %mul3A_150 = arith.constant 8.000000e+00 : f32
      %mul3A_151 = arith.mulf %add3A_149, %mul3A_150 : f32
      %div3A_152 = arith.constant 1.024000e+04 : f32
      %div3A_153 = arith.divf %mul3A_151, %div3A_152 : f32
      %div3A_154 = arith.constant 1.024000e+04 : f32
      %div3A_155 = arith.divf %div3A_153, %div3A_154 : f32
      %reshape3A = vector.broadcast %div3A_155 : f32 to vector<1x1xf32>
      %swap3A_156 = arith.constant 0 : index
      %swap3A_157 = arith.constant 0 : index
      %swap3A_158 = vector.load %arg14[%swap3A_156, %swap3A_157] : memref<1x1xf32, #tpu.memory_space<vmem>>, vector<1x1xf32>
      tpu.vector_store %arg14[%swap3A_156, %swap3A_157], %reshape3A {strides = array<i32>} : memref<1x1xf32, #tpu.memory_space<vmem>>, vector<1x1xf32>,
    } else {
    }
    return
  }
  func.func @transform_0(%arg0: i32) -> (i32, i32, i32) {
    %c0_i32 = arith.constant 0 : i32
    %c0_i32_0 = arith.constant 0 : i32
    %c0_i32_1 = arith.constant 0 : i32
    return %arg0, %c0_i32, %c0_i32_0 : i32, i32, i32
  }
  func.func @transform_1(%arg0: i32) -> (i32, i32, i32) {
    %c0_i32 = arith.constant 0 : i32
    %c0_i32_0 = arith.constant 0 : i32
    %c0_i32_1 = arith.constant 0 : i32
    return %arg0, %c0_i32, %c0_i32_0 : i32, i32, i32
  }
  func.func @transform_2(%arg0: i32) -> (i32, i32, i32) {
    %c0_i32 = arith.constant 0 : i32
    %c0_i32_0 = arith.constant 0 : i32
    %c0_i32_1 = arith.constant 0 : i32
    return %arg0, %c0_i32, %c0_i32_0 : i32, i32, i32
  }
  func.func @transform_3(%arg0: i32) -> (i32, i32, i32) {
    %add3A = arith.constant 8 : i32
    %add3A_0 = arith.addi %arg0, %add3A : i32
    %c0_i32 = arith.constant 0 : i32
    %c0_i32_1 = arith.constant 0 : i32
    %c0_i32_2 = arith.constant 0 : i32
    return %add3A_0, %c0_i32, %c0_i32_1 : i32, i32, i32
  }
  func.func @transform_4(%arg0: i32) -> (i32, i32, i32) {
    %add3A = arith.constant 8 : i32
    %add3A_0 = arith.addi %arg0, %add3A : i32
    %c0_i32 = arith.constant 0 : i32
    %c0_i32_1 = arith.constant 0 : i32
    %c0_i32_2 = arith.constant 0 : i32
    return %add3A_0, %c0_i32, %c0_i32_1 : i32, i32, i32
  }
  func.func @transform_5(%arg0: i32) -> (i32, i32, i32) {
    %add3A = arith.constant 8 : i32
    %add3A_0 = arith.addi %arg0, %add3A : i32
    %c0_i32 = arith.constant 0 : i32
    %c0_i32_1 = arith.constant 0 : i32
    %c0_i32_2 = arith.constant 0 : i32
    return %add3A_0, %c0_i32, %c0_i32_1 : i32, i32, i32
  }
  func.func @transform_6(%arg0: i32) -> (i32, i32) {
    %c0_i32 = arith.constant 0 : i32
    %c0_i32_0 = arith.constant 0 : i32
    %c0_i32_1 = arith.constant 0 : i32
    return %c0_i32, %c0_i32_0 : i32, i32
  }
  func.func @transform_7(%arg0: i32) -> (i32, i32) {
    %c0_i32 = arith.constant 0 : i32
    %c0_i32_0 = arith.constant 0 : i32
    %c0_i32_1 = arith.constant 0 : i32
    return %c0_i32, %c0_i32_0 : i32, i32
  }
  func.func @transform_8(%arg0: i32) -> (i32, i32) {
    %c0_i32 = arith.constant 0 : i32
    %c0_i32_0 = arith.constant 0 : i32
    %c0_i32_1 = arith.constant 0 : i32
    return %c0_i32, %c0_i32_0 : i32, i32
  }
  func.func @transform_9(%arg0: i32) -> (i32, i32) {
    %c0_i32 = arith.constant 0 : i32
    %c0_i32_0 = arith.constant 0 : i32
    %c0_i32_1 = arith.constant 0 : i32
    return %c0_i32, %c0_i32_0 : i32, i32
  }
  func.func @transform_10(%arg0: i32) -> (i32, i32, i32) {
    %c0_i32 = arith.constant 0 : i32
    %c0_i32_0 = arith.constant 0 : i32
    %c0_i32_1 = arith.constant 0 : i32
    %c0_i32_2 = arith.constant 0 : i32
    return %c0_i32, %c0_i32_0, %c0_i32_1 : i32, i32, i32
  }
  func.func @transform_11(%arg0: i32) -> (i32, i32, i32) {
    %c0_i32 = arith.constant 0 : i32
    %c0_i32_0 = arith.constant 0 : i32
    %c0_i32_1 = arith.constant 0 : i32
    %c0_i32_2 = arith.constant 0 : i32
    return %c0_i32, %c0_i32_0, %c0_i32_1 : i32, i32, i32
  }
  func.func @transform_12(%arg0: i32) -> (i32, i32) {
    %c0_i32 = arith.constant 0 : i32
    %c0_i32_0 = arith.constant 0 : i32
    return %arg0, %c0_i32 : i32, i32
  }
  func.func @transform_13(%arg0: i32) -> (i32, i32) {
    %c0_i32 = arith.constant 0 : i32
    %c0_i32_0 = arith.constant 0 : i32
    %c0_i32_1 = arith.constant 0 : i32
    return %c0_i32, %c0_i32_0 : i32, i32
  }
}

</mosaic_0001>

<sc_bundles>
// kernel: kernel.14.cloned.1.call-start
scs
__scs_entry_jumppad:
0x0: {  	(pc) =	sbr.rel $0x88, $3  }
0x1: {  	(tag) =	ssettag $0x0;
	lr =	simm.s32 $0x1  }
0x2: {  	[smem:$0x3F87] =	sst lr;
	_ =	strace $0xD0000000  }
0x3: {  	_ = 	snop  }
0x4: {  	_ = 	snop  }
0x5: {  	_ = 	snop  }
0x6: {  	_ = 	snop  }
0x7: {  	_ = 	snop  }
__scs_overlays_trampoline_lowered:
0x8: {  	[smem:$0x3F96] =	sst s0  }
0x9: {  	[smem:$0x3F97] =	sst s1  }
0xa: {  	[smem:$0x3F98] =	sst s2  }
0xb: {  	[smem:$0x3F99] =	sst s3  }
0xc: {  	[smem:$0x3F9A] =	sst s4  }
0xd: {  	[smem:$0x3F9B] =	sst s5  }
0xe: {  	[smem:$0x3F9C] =	sst s6  }
0xf: {  	[smem:$0x3F9D] =	sst s7  }
0x10: {  	[smem:$0x3F9E] =	sst s8  }
0x11: {  	[smem:$0x3F9F] =	sst s9;
	s0 =	simm.s32 @!p0 $0x0  }
0x12: {  	s1 =	sld [smem:$0x3F85];
	s0 =	simm.s32 @p0 $0x1  }
0x13: {  	[smem:$0x3FA0] =	sst s0;
	s0 =	simm.s32 @!p1 $0x0  }
0x14: {  	s2 =	sld [smem:$0x3F84];
	s0 =	simm.s32 @p1 $0x1  }
0x15: {  	[smem:$0x3FA1] =	sst s0;
	s0 =	simm.s32 @!p2 $0x0  }
0x16: {  	s3 =	sld [smem:$0x3FDB];
	s0 =	simm.s32 @p2 $0x1  }
0x17: {  	s4 =	simm.s32 $0x1BF5;
	[smem:$0x3FA3] =	sst s0  }
0x18: {  	s0 =	sld [smem:$0x3F86];
	_ =	swait.ge [sflag:s4], $0x0  }
0x19: {  	s7 =	sld [smem:$0x3F87]  }
0x1a: {  	s8 =	sadd.s32 $0xFFFFE003, lr  }
0x1b: {  	s9 =	sadd.s32 $0xFFFFFEF7, lr;
	s5 =	simm.s32 $0xFFFFFFFF;
	p2 =	slt.u32 s8, $0xFFFFF086  }
0x1c: {  	p1 =	slt.u32 s9, $0xF7A;
	s5 =	simm.s32 @!p2 $0x0  }
0x1d: {  	s5 =	simm.s32 @p1 $0x1;
	p0 =	seq.s32 s7, s2  }
0x1e: {  	s7 =	smul.u32 @!p0 $0xF7A, s2;
	p2 =	seq.s32 @!p0 s5, $0x0  }
0x1f: {  	s9 =	smul.u32 $0xF7A, s1;
	s8 =	simm.s32 @!p0 $0x1BF5;
	p2 =	por !p2, p0  }
0x20: {  	[sflag:s8] =	ssyncset.s32 @!p0 $0xFFFFF086;
	s6 =	sadd.s32 @!p0 s3, s7;
	s7 =	simm.s32 @!p0 $0x108  }
0x21: {  	s3 =	sadd.s32 s3, s9;
	s6 =	sadd.s32 @!p0 $0x88, s6;
	s7 =	simm.s32 @p2 $0x1082  }
0x22: {  	[simem:s7], [sflag:s8] =	dma.local @!p0 [hbm:s6], $0xF7A  }
0x23: {  	s9 =	sor.u32 $0xD0000000, s2;
	s6 =	simm.s32 $0x108;
	_ =	swait.ge @!p0 [sflag:s8], $0x0  }
0x24: {  	s3 =	sadd.s32 $0x88, s3;
	s6 =	simm.s32 @!p1 $0x1082;
	[sflag:s4] =	ssyncset.s32 $0xFFFFF086  }
0x25: {  	[simem:s6], [sflag:s4] =	dma.local [hbm:s3], $0xF7A  }
0x26: {  	[smem:$0x3F87] =	sst s1;
	(tag) =	ssettag s2;
	_ =	strace s9  }
0x27: {  	s1 =	sld [smem:$0x3F97]  }
0x28: {  	s2 =	sld [smem:$0x3F98]  }
0x29: {  	s4 =	sld [smem:$0x3F9A]  }
0x2a: {  	p0 =	seq.s32 s5, $0x0;
	s5 =	sld [smem:$0x3F9B]  }
0x2b: {  	s6 =	sld [smem:$0x3F9C]  }
0x2c: {  	s7 =	sld [smem:$0x3F9D]  }
0x2d: {  	s3 =	simm.s32 $0x108;
	s8 =	sld [smem:$0x3F9E]  }
0x2e: {  	s3 =	simm.s32 @!p0 $0x1082;
	s9 =	sld [smem:$0x3F9F]  }
0x2f: {  	lr =	sadd.s32 s0, s3;
	s0 =	sld [smem:$0x3F96]  }
0x30: {  	s3 =	sld [smem:$0x3F99]  }
0x31: {  	[smem:$0x3FA2] =	sst s10  }
0x32: {  	s10 =	sld [smem:$0x3FA0];
	_ =	sdelay $0x3  }
0x33: {  	p0 =	seq.s32 s10, $0x1;
	s10 =	sld [smem:$0x3FA2];
	_ =	sdelay $0x3  }
0x34: {  	[smem:$0x3FA2] =	sst s10  }
0x35: {  	s10 =	sld [smem:$0x3FA1];
	_ =	sdelay $0x3  }
0x36: {  	p1 =	seq.s32 s10, $0x1;
	s10 =	sld [smem:$0x3FA2];
	_ =	sdelay $0x3  }
0x37: {  	[smem:$0x3FA2] =	sst s10  }
0x38: {  	s10 =	sld [smem:$0x3FA3]  }
0x39: {  	_ = 	snop;
	(pc) =	sbr.ind lr, $3  }
0x3a: {  	_ = 	snop  }
0x3b: {  	_ = 	snop  }
0x3c: {  	p2 =	seq.s32 s10, $0x1;
	s10 =	sld [smem:$0x3FA2]  }
0x3d: {  	_ =	shalt  }
0x3e: {  	_ =	shalt  }
0x3f: {  	_ =	shalt  }
0x40: {  	_ =	shalt  }
0x41: {  	_ =	shalt  }
0x42: {  	_ =	shalt  }
0x43: {  	_ =	shalt  }
0x44: {  	_ =	shalt  }
0x45: {  	_ =	shalt  }
0x46: {  	_ =	shalt  }
0x47: {  	_ =	shalt  }
0x48: {  	_ =	shalt  }
0x49: {  	_ =	shalt  }
0x4a: {  	_ =	shalt  }
0x4b: {  	_ =	shalt  }
0x4c: {  	_ =	shalt  }
0x4d: {  	_ =	shalt  }
0x4e: {  	_ =	shalt  }
0x4f: {  	_ =	shalt  }
0x50: {  	_ =	shalt  }
0x51: {  	_ =	shalt  }
0x52: {  	_ =	shalt  }
0x53: {  	_ =	shalt  }
0x54: {  	_ =	shalt  }
0x55: {  	_ =	shalt  }
0x56: {  	_ =	shalt  }
0x57: {  	_ =	shalt  }
0x58: {  	_ =	shalt  }
0x59: {  	_ =	shalt  }
0x5a: {  	_ =	shalt  }
0x5b: {  	_ =	shalt  }
0x5c: {  	_ =	shalt  }
0x5d: {  	_ =	shalt  }
0x5e: {  	_ =	shalt  }
0x5f: {  	_ =	shalt  }
0x60: {  	_ =	shalt  }
0x61: {  	_ =	shalt  }
0x62: {  	_ =	shalt  }
0x63: {  	_ =	shalt  }
0x64: {  	_ =	shalt  }
0x65: {  	_ =	shalt  }
0x66: {  	_ =	shalt  }
0x67: {  	_ =	shalt  }
0x68: {  	_ =	shalt  }
0x69: {  	_ =	shalt  }
0x6a: {  	_ =	shalt  }
0x6b: {  	_ =	shalt  }
0x6c: {  	_ =	shalt  }
0x6d: {  	_ =	shalt  }
0x6e: {  	_ =	shalt  }
0x6f: {  	_ =	shalt  }
0x70: {  	_ =	shalt  }
0x71: {  	_ =	shalt  }
0x72: {  	_ =	shalt  }
0x73: {  	_ =	shalt  }
0x74: {  	_ =	shalt  }
0x75: {  	_ =	shalt  }
0x76: {  	_ =	shalt  }
0x77: {  	_ =	shalt  }
0x78: {  	_ =	shalt  }
0x79: {  	_ =	shalt  }
0x7a: {  	_ =	shalt  }
0x7b: {  	_ =	shalt  }
0x7c: {  	_ =	shalt  }
0x7d: {  	_ =	shalt  }
0x7e: {  	_ =	shalt  }
0x7f: {  	_ =	shalt  }
0x80: {  	_ =	shalt  }
0x81: {  	_ =	shalt  }
0x82: {  	_ =	shalt  }
0x83: {  	_ =	shalt  }
0x84: {  	_ =	shalt  }
0x85: {  	_ =	shalt  }
0x86: {  	_ =	shalt  }
0x87: {  	_ =	shalt  }
.Lfunc_end0:
.L_simem_size_0:
called_computation_lowered:
.L_overlay_start_0:
0x88: {  	s2 =	sld [smem:$0x3FD9]  }
0x89: {  	s3 =	sld [smem:$0x3FFE];
	_ =	sdelay $0x1  }
0x8a: {  	s1 =	srdreg.scid  }
0x8b: {  	s0 =	sand.u32 $0x1, s1  }
0x8c: {  	s16 =	sshll.u32 s0, $0xA;
	s2 =	sadd.s32 s3, s2  }
0x8d: {  	s2 =	sadd.s32 s2, s16  }
0x8e: {  	[smem:$0x3FAE] =	sst s2  }
0x8f: {  	_ = 	snop  }
0x90: {  	(tm) =	ssettm $0x1  }
0x91: {  	s17 =	sld [smem:$0x3FFB];
	_ =	sdelay $0x3  }
0x92: {  	_ =	strace s17  }
0x93: {  	s2 =	sld [smem:$0x3FFC];
	_ =	sdelay $0x3  }
0x94: {  	_ =	strace s2  }
0x95: {  	s2 =	sld [smem:$0x3FFD];
	_ =	sdelay $0x3  }
0x96: {  	_ =	strace s2  }
0x97: {  	_ =	strace $0x8FFFFFFF  }
0x98: {  	s18 =	sld [smem:$0x3FDB];
	_ =	sdelay $0x1  }
0x99: {  	s19 =	simm.s32 $_scs_section_size  }
0x9a: {  	s4 =	simm.s32 $_size__tile_overlayer_lowered;
	s5 =	simm.s32 $_tile_overlayer_lowered  }
0x9b: {  	s22 =	simm.s32 $0x1BFF;
	s21 =	sshll.u32 s5, $0x1;
	s2 =	sadd.s32 s19, s18  }
0x9c: {  	s6 =	simm.s32 $0x0;
	s20 =	sshll.u32 s4, $0x1;
	s4 =	sadd.s32 s21, s2  }
0x9d: {  	[timem:s6], [sflag:s22] =	dma.local [hbm:s4], s20  }
0x9e: {  	_ =	swait.ge [sflag:s22], s20  }
0x9f: {  	s3 =	ssub.s32 $0x0, s20;
	[sflag:s22] =	ssyncset.done $0x0  }
0xa0: {  	[sflag:s22] =	ssyncadd.s32 s3;
	_ =	sdelay $0x1  }
0xa1: {  	s23 =	simm.s32 $0x1B8B  }
0xa2: {  	_ =	swait.ge [sflag:s23], $0x1  }
0xa3: {  	[sflag:s23] =	ssyncset.done $0x0  }
0xa4: {  	s25 =	simm.s32 $0x1B8E;
	s24 =	sld [smem:$0x3FFE];
	[sflag:s23] =	ssyncadd.s32 $0xFFFFFFFF  }
0xa5: {  	s26 =	simm.s32 $execute0_lowered;
	[smem:$0x3FD2] =	sst s25  }
0xa6: {  	s4 =	sshll.u32 s26, $0x1;
	_ =	strace $0x80000046;
	[dreg:$0x1] =	wrdreg $0xFFFFFFFF  }
0xa7: {  	s28 =	simm.s32 $_size_execute0_lowered;
	s2 =	sadd.s32 s2, s4;
	[dreg:$0x0] =	wrdreg $0x0  }
0xa8: {  	s4 =	sshll.u32 s28, $0x1;
	[dreg:$0x2] =	wrdreg s2  }
0xa9: {  	[dreg:$0x3] =	wrdreg s4  }
0xaa: {  	[dreg:$0x4] =	wrdreg $0xC0  }
0xab: {  	_ =	task [dreg:s6], $0x5FFFF  }
0xac: {  	[dreg:$0x1] =	wrdreg $0xFFFFFFFF  }
0xad: {  	[dreg:$0x0] =	wrdreg $0x60  }
0xae: {  	[dreg:$0x2] =	wrdreg s24  }
0xaf: {  	[dreg:$0x3] =	wrdreg $0x9  }
0xb0: {  	_ =	task.clear_ibuf [dreg:s6], $0x4FFFF;
	_ =	strace $0x90000046  }
0xb1: {  	s29 =	simm.s32 $0x9;
	_ =	strace $0x80000048  }
0xb2: {  	_ =	swait.ge [sflag:s29], $0x1  }
0xb3: {  	[sflag:s29] =	ssyncadd.s32 $0xFFFFFFFF  }
0xb4: {  	_ =	strace $0x90000048  }
0xb5: {  	_ =	sfence  }
0xb6: {  	s30 =	sld [smem:$0x0];
	_ =	sdelay $0x2  }
0xb7: {  	s31 =	sshll.u32 s1, $0xD;
	s1 =	sshrl.u32 s1, $0x2  }
0xb8: {  	s3 =	sand.u32 $0x4000, s31;
	s1 =	sadd.s32 s1, s30  }
0xb9: {  	s0 =	sor.u32 s3, s0;
	s1 =	sshll.u32 s1, $0x11  }
0xba: {  	s0 =	sor.u32 s1, s0  }
0xbb: {  	s0 =	sadd.s32 $0x8F2B, s0  }
0xbc: {  	[sflag:s0] =	ssyncadd.remote.s32 $0x1  }
0xbd: {  	_ =	sfence.sel $0xFFFF  }
0xbe: {  	[dreg:$0x0] =	wrdreg $0xFFFFFFFF;
	(pc) =	sbr.abs _section_cstart, $3  }
0xbf: {  	[dreg:$0x1] =	wrdreg $0xFFFFFFFF  }
0xc0: {  	_ =	task.clear_ibuf [dreg:s6], $0x2FFFF;
	_ =	strace $0x9FFFFFFF  }
0xc1: {  	(tm) =	ssettm $0x7FFFFFFF  }
tec
execute0_lowered:
.L_overlay_start_1:
0x0: {  	(tag) =	ssettag $0x1  }
0x1: {  	s1 =	srdreg.scid;
	s0 =	stileid.u32  }
0x2: {  	s17 =	sand.u32 $0x1, s1;
	s31 =	sshll.u32 s0, $0x1  }
0x3: {  	s3 =	sor.u32 s17, s31  }
0x4: {  	s7 =	rddreg [dreg:$0x0];
	s2 =	simm.s32 $0x0;
	s4 =	smul.u32 $0x50, s3  }
0x5: {  	[smem:$0x7FF] =	sst s2  }
0x6: {  	s1 =	rddreg [dreg:$0x1];
	_ =	strace $0x80000047;
	s4 =	sadd.s32 s4, s7  }
0x7: {  	s5 =	smul.u32 $0x1400, s3;
	s3 =	sadd.s32 $0x55800, s4;
	s4 =	simm.s32 $0x2  }
0x8: {  	[tilespmem:s2], [sflag:$0x2] =	stream.linear.gather [hbm4b:s3+s2], $0x280, $0x38;
	[tilespmem:$0xA280] =	vst v63  }
0x9: {  	_ =	swait.ge [sflag:s4], $0x280  }
0xa: {  	s5 =	sadd.s32 s5, s7;
	[sflag:s4] =	ssyncset.done $0x0  }
0xb: {  	s6 =	simm.s32 $0x280;
	s5 =	sadd.s32 $0x56200, s5;
	[sflag:s4] =	ssyncadd.s32 $0xFFFFFD80  }
0xc: {  	[tilespmem:s6], [sflag:$0x2] =	stream.linear.gather [hbm4b:s5+s2], $0xA000, $0x38;
	[tilespmem:$0xA280] =	vst v63  }
0xd: {  	_ =	swait.ge [sflag:s4], $0xA000  }
0xe: {  	[sflag:s4] =	ssyncset.done $0x0  }
0xf: {  	s8 =	simm.s32 $0x80;
	s7 =	sadd.s32 $0xF5800, s7;
	[sflag:s4] =	ssyncadd.s32 $0xFFFF6000  }
0x10: {  	[hbm4b:s7+s8] =	stream.indirect.scatter [tilespmem:s6], [sflag:$0x1], $0x40, s2, s8, $0xb8;
	[tilespmem:$0xA280] =	vst v63  }
0x11: {  	s9 =	simm.s32 $0x2280  }
0x12: {  	[hbm4b:s7+s8] =	stream.indirect.scatter [tilespmem:s9], [sflag:$0x1], $0x40, s8, s8, $0xb8;
	[tilespmem:$0xA280] =	vst v63  }
0x13: {  	s10 =	simm.s32 $0x100;
	s11 =	simm.s32 $0x4280  }
0x14: {  	[hbm4b:s7+s8] =	stream.indirect.scatter [tilespmem:s11], [sflag:$0x1], $0x40, s10, s8, $0xb8;
	[tilespmem:$0xA280] =	vst v63  }
0x15: {  	s12 =	simm.s32 $0x180;
	s13 =	simm.s32 $0x6280  }
0x16: {  	[hbm4b:s7+s8] =	stream.indirect.scatter [tilespmem:s13], [sflag:$0x1], $0x40, s12, s8, $0xb8;
	[tilespmem:$0xA280] =	vst v63  }
0x17: {  	s14 =	simm.s32 $0x200;
	s16 =	simm.s32 $0x8280;
	s15 =	simm.s32 $0x1  }
0x18: {  	[hbm4b:s7+s8] =	stream.indirect.scatter [tilespmem:s16], [sflag:$0x1], $0x40, s14, s8, $0xb8;
	[tilespmem:$0xA280] =	vst v63  }
0x19: {  	_ =	swait.ge [sflag:s15], $0x2000  }
0x1a: {  	[sflag:s15] =	ssyncset.done $0x0  }
0x1b: {  	[sflag:s15] =	ssyncadd.s32 $0xFFFFE000  }
0x1c: {  	_ =	swait.ge [sflag:s15], $0x2000  }
0x1d: {  	s17 =	ssub.s32 $0x2, s17;
	[sflag:s15] =	ssyncset.done $0x0  }
0x1e: {  	s18 =	sshrl.u32 s17, $0x1;
	[sflag:s15] =	ssyncadd.s32 $0xFFFFE000  }
0x1f: {  	s17 =	ssub.s32 s17, s18;
	_ =	swait.ge [sflag:s15], $0x2000  }
0x20: {  	s17 =	smax.u32 s17, $0x1;
	[sflag:s15] =	ssyncset.done $0x0  }
0x21: {  	p0 =	sne.s32 s17, $0x1;
	[sflag:s15] =	ssyncadd.s32 $0xFFFFE000  }
.Ltmp0:
0x22: {  	_ =	swait.ge [sflag:s15], $0x2000;
	(pc) =	sbr.rel @!p0 .LBB2_2-.Ltmp0, $4  }
0x23: {  	[sflag:s15] =	ssyncset.done $0x0  }
0x24: {  	[sflag:s15] =	ssyncadd.s32 $0xFFFFE000  }
0x25: {  	_ =	swait.ge [sflag:s15], $0x2000  }
0x26: {  	s17 =	sadd.s32 $0xFFFFFFFF, s17;
	[sflag:s15] =	ssyncset.done $0x0  }
.LBB2_1:
0x27: {  	p0 =	sne.s32 s17, $0x1;
	s17 =	sadd.s32 $0xFFFFFFFF, s17;
	[sflag:s15] =	ssyncadd.s32 $0xFFFFE000  }
0x28: {  	[tilespmem:s2], [sflag:$0x2] =	stream.linear.gather [hbm4b:s3+s2], $0x280, $0x38;
	[tilespmem:$0xA280] =	vst v63  }
0x29: {  	_ =	swait.ge [sflag:s4], $0x280  }
0x2a: {  	[sflag:s4] =	ssyncset.done $0x0  }
0x2b: {  	[sflag:s4] =	ssyncadd.s32 $0xFFFFFD80  }
0x2c: {  	[tilespmem:s6], [sflag:$0x2] =	stream.linear.gather [hbm4b:s5+s2], $0xA000, $0x38;
	[tilespmem:$0xA280] =	vst v63  }
0x2d: {  	_ =	swait.ge [sflag:s4], $0xA000  }
0x2e: {  	[sflag:s4] =	ssyncset.done $0x0  }
0x2f: {  	[sflag:s4] =	ssyncadd.s32 $0xFFFF6000  }
0x30: {  	[hbm4b:s7+s8] =	stream.indirect.scatter [tilespmem:s6], [sflag:$0x1], $0x40, s2, s8, $0xb8;
	[tilespmem:$0xA280] =	vst v63  }
0x31: {  	_ = 	snop  }
0x32: {  	[hbm4b:s7+s8] =	stream.indirect.scatter [tilespmem:s9], [sflag:$0x1], $0x40, s8, s8, $0xb8;
	[tilespmem:$0xA280] =	vst v63  }
0x33: {  	_ = 	snop  }
0x34: {  	[hbm4b:s7+s8] =	stream.indirect.scatter [tilespmem:s11], [sflag:$0x1], $0x40, s10, s8, $0xb8;
	[tilespmem:$0xA280] =	vst v63  }
0x35: {  	_ = 	snop  }
0x36: {  	[hbm4b:s7+s8] =	stream.indirect.scatter [tilespmem:s13], [sflag:$0x1], $0x40, s12, s8, $0xb8;
	[tilespmem:$0xA280] =	vst v63  }
0x37: {  	_ = 	snop  }
0x38: {  	[hbm4b:s7+s8] =	stream.indirect.scatter [tilespmem:s16], [sflag:$0x1], $0x40, s14, s8, $0xb8;
	[tilespmem:$0xA280] =	vst v63  }
0x39: {  	_ =	swait.ge [sflag:s15], $0x2000  }
0x3a: {  	[sflag:s15] =	ssyncset.done $0x0  }
0x3b: {  	[sflag:s15] =	ssyncadd.s32 $0xFFFFE000  }
0x3c: {  	_ =	swait.ge [sflag:s15], $0x2000  }
0x3d: {  	[sflag:s15] =	ssyncset.done $0x0  }
0x3e: {  	[sflag:s15] =	ssyncadd.s32 $0xFFFFE000  }
0x3f: {  	_ =	swait.ge [sflag:s15], $0x2000  }
0x40: {  	[sflag:s15] =	ssyncset.done $0x0  }
0x41: {  	[sflag:s15] =	ssyncadd.s32 $0xFFFFE000  }
.Ltmp1:
0x42: {  	_ =	swait.ge [sflag:s15], $0x2000;
	(pc) =	sbr.rel @p0 .LBB2_1-.Ltmp1, $4  }
0x43: {  	[sflag:s15] =	ssyncset.done $0x0  }
0x44: {  	[sflag:s15] =	ssyncadd.s32 $0xFFFFE000  }
0x45: {  	_ =	swait.ge [sflag:s15], $0x2000  }
0x46: {  	[sflag:s15] =	ssyncset.done $0x0  }
.LBB2_2:
0x47: {  	[sflag:s15] =	ssyncadd.s32 $0xFFFFE000  }
0x48: {  	_ =	sfence.sel $0x180000  }
0x49: {  	[bflag:$0x0] =	sbarrier.arrive $0xFFFF  }
0x4a: {  	p0 =	sne.s32 s0, $0x0;
	_ =	strace $0x90000047  }
0x4b: {  	s0 =	sadd.s32 @!p0 $0x100000, s1;
	[bflag:$0x2] =	sbarrier.arrive $0xFFFF  }
0x4c: {  	[sflag:s0] =	ssyncadd.tile.s32 @!p0 $0x1;
	_ =	shalt  }
.Lfunc_end2:
_tile_overlayer_lowered:
.L_overlay_start_2:
0x4d: {  	(tag) =	ssettag $0x2  }
0x4e: {  	s0 =	rddreg [dreg:$0x0];
	s2 =	stileid.u32  }
0x4f: {  	s1 =	rddreg [dreg:$0x1];
	p0 =	sne.s32 s2, $0x0  }
0x50: {  	s3 =	rddreg [dreg:$0x2];
	[bflag:$0x3] =	sbarrier.arrive $0xFFFF;
	s2 =	simm.s32 @!p0 $0x1C02  }
0x51: {  	[timem:s3], [sflag:s2] =	dma.local @!p0 [hbm:s0], s1  }
0x52: {  	s0 =	simm.s32 @!p0 $0x2  }
0x53: {  	_ =	swait.ge @!p0 [sflag:s0], s1  }
0x54: {  	s1 =	ssub.s32 @!p0 $0x0, s1;
	[sflag:s0] =	ssyncset.done @!p0 $0x0  }
0x55: {  	[sflag:s0] =	ssyncadd.s32 @!p0 s1  }
0x56: {  	[bflag:$0x3] =	sbarrier.arrive $0xFFFF  }
0x57: {  	_ =	shalt  }

// kernel: kernel.17.cloned.1.call-start
scs
__scs_entry_jumppad:
0x0: {  	(pc) =	sbr.rel $0x88, $3  }
0x1: {  	(tag) =	ssettag $0x0;
	lr =	simm.s32 $0x1  }
0x2: {  	[smem:$0x3F87] =	sst lr;
	_ =	strace $0xD0000000  }
0x3: {  	_ = 	snop  }
0x4: {  	_ = 	snop  }
0x5: {  	_ = 	snop  }
0x6: {  	_ = 	snop  }
0x7: {  	_ = 	snop  }
__scs_overlays_trampoline_lowered:
0x8: {  	[smem:$0x3F96] =	sst s0  }
0x9: {  	[smem:$0x3F97] =	sst s1  }
0xa: {  	[smem:$0x3F98] =	sst s2  }
0xb: {  	[smem:$0x3F99] =	sst s3  }
0xc: {  	[smem:$0x3F9A] =	sst s4  }
0xd: {  	[smem:$0x3F9B] =	sst s5  }
0xe: {  	[smem:$0x3F9C] =	sst s6  }
0xf: {  	[smem:$0x3F9D] =	sst s7  }
0x10: {  	[smem:$0x3F9E] =	sst s8  }
0x11: {  	[smem:$0x3F9F] =	sst s9;
	s0 =	simm.s32 @!p0 $0x0  }
0x12: {  	s1 =	sld [smem:$0x3F85];
	s0 =	simm.s32 @p0 $0x1  }
0x13: {  	[smem:$0x3FA0] =	sst s0;
	s0 =	simm.s32 @!p1 $0x0  }
0x14: {  	s2 =	sld [smem:$0x3F84];
	s0 =	simm.s32 @p1 $0x1  }
0x15: {  	[smem:$0x3FA1] =	sst s0;
	s0 =	simm.s32 @!p2 $0x0  }
0x16: {  	s3 =	sld [smem:$0x3FDB];
	s0 =	simm.s32 @p2 $0x1  }
0x17: {  	s4 =	simm.s32 $0x1BF5;
	[smem:$0x3FA3] =	sst s0  }
0x18: {  	s0 =	sld [smem:$0x3F86];
	_ =	swait.ge [sflag:s4], $0x0  }
0x19: {  	s7 =	sld [smem:$0x3F87]  }
0x1a: {  	s8 =	sadd.s32 $0xFFFFE003, lr  }
0x1b: {  	s9 =	sadd.s32 $0xFFFFFEF7, lr;
	s5 =	simm.s32 $0xFFFFFFFF;
	p2 =	slt.u32 s8, $0xFFFFF086  }
0x1c: {  	p1 =	slt.u32 s9, $0xF7A;
	s5 =	simm.s32 @!p2 $0x0  }
0x1d: {  	s5 =	simm.s32 @p1 $0x1;
	p0 =	seq.s32 s7, s2  }
0x1e: {  	s7 =	smul.u32 @!p0 $0xF7A, s2;
	p2 =	seq.s32 @!p0 s5, $0x0  }
0x1f: {  	s9 =	smul.u32 $0xF7A, s1;
	s8 =	simm.s32 @!p0 $0x1BF5;
	p2 =	por !p2, p0  }
0x20: {  	[sflag:s8] =	ssyncset.s32 @!p0 $0xFFFFF086;
	s6 =	sadd.s32 @!p0 s3, s7;
	s7 =	simm.s32 @!p0 $0x108  }
0x21: {  	s3 =	sadd.s32 s3, s9;
	s6 =	sadd.s32 @!p0 $0x88, s6;
	s7 =	simm.s32 @p2 $0x1082  }
0x22: {  	[simem:s7], [sflag:s8] =	dma.local @!p0 [hbm:s6], $0xF7A  }
0x23: {  	s9 =	sor.u32 $0xD0000000, s2;
	s6 =	simm.s32 $0x108;
	_ =	swait.ge @!p0 [sflag:s8], $0x0  }
0x24: {  	s3 =	sadd.s32 $0x88, s3;
	s6 =	simm.s32 @!p1 $0x1082;
	[sflag:s4] =	ssyncset.s32 $0xFFFFF086  }
0x25: {  	[simem:s6], [sflag:s4] =	dma.local [hbm:s3], $0xF7A  }
0x26: {  	[smem:$0x3F87] =	sst s1;
	(tag) =	ssettag s2;
	_ =	strace s9  }
0x27: {  	s1 =	sld [smem:$0x3F97]  }
0x28: {  	s2 =	sld [smem:$0x3F98]  }
0x29: {  	s4 =	sld [smem:$0x3F9A]  }
0x2a: {  	p0 =	seq.s32 s5, $0x0;
	s5 =	sld [smem:$0x3F9B]  }
0x2b: {  	s6 =	sld [smem:$0x3F9C]  }
0x2c: {  	s7 =	sld [smem:$0x3F9D]  }
0x2d: {  	s3 =	simm.s32 $0x108;
	s8 =	sld [smem:$0x3F9E]  }
0x2e: {  	s3 =	simm.s32 @!p0 $0x1082;
	s9 =	sld [smem:$0x3F9F]  }
0x2f: {  	lr =	sadd.s32 s0, s3;
	s0 =	sld [smem:$0x3F96]  }
0x30: {  	s3 =	sld [smem:$0x3F99]  }
0x31: {  	[smem:$0x3FA2] =	sst s10  }
0x32: {  	s10 =	sld [smem:$0x3FA0];
	_ =	sdelay $0x3  }
0x33: {  	p0 =	seq.s32 s10, $0x1;
	s10 =	sld [smem:$0x3FA2];
	_ =	sdelay $0x3  }
0x34: {  	[smem:$0x3FA2] =	sst s10  }
0x35: {  	s10 =	sld [smem:$0x3FA1];
	_ =	sdelay $0x3  }
0x36: {  	p1 =	seq.s32 s10, $0x1;
	s10 =	sld [smem:$0x3FA2];
	_ =	sdelay $0x3  }
0x37: {  	[smem:$0x3FA2] =	sst s10  }
0x38: {  	s10 =	sld [smem:$0x3FA3]  }
0x39: {  	_ = 	snop;
	(pc) =	sbr.ind lr, $3  }
0x3a: {  	_ = 	snop  }
0x3b: {  	_ = 	snop  }
0x3c: {  	p2 =	seq.s32 s10, $0x1;
	s10 =	sld [smem:$0x3FA2]  }
0x3d: {  	_ =	shalt  }
0x3e: {  	_ =	shalt  }
0x3f: {  	_ =	shalt  }
0x40: {  	_ =	shalt  }
0x41: {  	_ =	shalt  }
0x42: {  	_ =	shalt  }
0x43: {  	_ =	shalt  }
0x44: {  	_ =	shalt  }
0x45: {  	_ =	shalt  }
0x46: {  	_ =	shalt  }
0x47: {  	_ =	shalt  }
0x48: {  	_ =	shalt  }
0x49: {  	_ =	shalt  }
0x4a: {  	_ =	shalt  }
0x4b: {  	_ =	shalt  }
0x4c: {  	_ =	shalt  }
0x4d: {  	_ =	shalt  }
0x4e: {  	_ =	shalt  }
0x4f: {  	_ =	shalt  }
0x50: {  	_ =	shalt  }
0x51: {  	_ =	shalt  }
0x52: {  	_ =	shalt  }
0x53: {  	_ =	shalt  }
0x54: {  	_ =	shalt  }
0x55: {  	_ =	shalt  }
0x56: {  	_ =	shalt  }
0x57: {  	_ =	shalt  }
0x58: {  	_ =	shalt  }
0x59: {  	_ =	shalt  }
0x5a: {  	_ =	shalt  }
0x5b: {  	_ =	shalt  }
0x5c: {  	_ =	shalt  }
0x5d: {  	_ =	shalt  }
0x5e: {  	_ =	shalt  }
0x5f: {  	_ =	shalt  }
0x60: {  	_ =	shalt  }
0x61: {  	_ =	shalt  }
0x62: {  	_ =	shalt  }
0x63: {  	_ =	shalt  }
0x64: {  	_ =	shalt  }
0x65: {  	_ =	shalt  }
0x66: {  	_ =	shalt  }
0x67: {  	_ =	shalt  }
0x68: {  	_ =	shalt  }
0x69: {  	_ =	shalt  }
0x6a: {  	_ =	shalt  }
0x6b: {  	_ =	shalt  }
0x6c: {  	_ =	shalt  }
0x6d: {  	_ =	shalt  }
0x6e: {  	_ =	shalt  }
0x6f: {  	_ =	shalt  }
0x70: {  	_ =	shalt  }
0x71: {  	_ =	shalt  }
0x72: {  	_ =	shalt  }
0x73: {  	_ =	shalt  }
0x74: {  	_ =	shalt  }
0x75: {  	_ =	shalt  }
0x76: {  	_ =	shalt  }
0x77: {  	_ =	shalt  }
0x78: {  	_ =	shalt  }
0x79: {  	_ =	shalt  }
0x7a: {  	_ =	shalt  }
0x7b: {  	_ =	shalt  }
0x7c: {  	_ =	shalt  }
0x7d: {  	_ =	shalt  }
0x7e: {  	_ =	shalt  }
0x7f: {  	_ =	shalt  }
0x80: {  	_ =	shalt  }
0x81: {  	_ =	shalt  }
0x82: {  	_ =	shalt  }
0x83: {  	_ =	shalt  }
0x84: {  	_ =	shalt  }
0x85: {  	_ =	shalt  }
0x86: {  	_ =	shalt  }
0x87: {  	_ =	shalt  }
.Lfunc_end0:
.L_simem_size_0:
called_computation.1_lowered:
.L_overlay_start_0:
0x88: {  	s2 =	sld [smem:$0x3FD9]  }
0x89: {  	s3 =	sld [smem:$0x3FFE];
	_ =	sdelay $0x1  }
0x8a: {  	s1 =	srdreg.scid  }
0x8b: {  	s0 =	sand.u32 $0x1, s1  }
0x8c: {  	s16 =	sshll.u32 s0, $0xA;
	s2 =	sadd.s32 s3, s2  }
0x8d: {  	s2 =	sadd.s32 s2, s16  }
0x8e: {  	[smem:$0x3FAE] =	sst s2  }
0x8f: {  	_ = 	snop  }
0x90: {  	(tm) =	ssettm $0x1  }
0x91: {  	s17 =	sld [smem:$0x3FFB];
	_ =	sdelay $0x3  }
0x92: {  	_ =	strace s17  }
0x93: {  	s2 =	sld [smem:$0x3FFC];
	_ =	sdelay $0x3  }
0x94: {  	_ =	strace s2  }
0x95: {  	s2 =	sld [smem:$0x3FFD];
	_ =	sdelay $0x3  }
0x96: {  	_ =	strace s2  }
0x97: {  	_ =	strace $0x8FFFFFFF  }
0x98: {  	s18 =	sld [smem:$0x3FDB];
	_ =	sdelay $0x1  }
0x99: {  	s19 =	simm.s32 $_scs_section_size  }
0x9a: {  	s4 =	simm.s32 $_size__tile_overlayer_lowered;
	s5 =	simm.s32 $_tile_overlayer_lowered  }
0x9b: {  	s22 =	simm.s32 $0x1BFF;
	s21 =	sshll.u32 s5, $0x1;
	s2 =	sadd.s32 s19, s18  }
0x9c: {  	s6 =	simm.s32 $0x0;
	s20 =	sshll.u32 s4, $0x1;
	s4 =	sadd.s32 s21, s2  }
0x9d: {  	[timem:s6], [sflag:s22] =	dma.local [hbm:s4], s20  }
0x9e: {  	_ =	swait.ge [sflag:s22], s20  }
0x9f: {  	s3 =	ssub.s32 $0x0, s20;
	[sflag:s22] =	ssyncset.done $0x0  }
0xa0: {  	[sflag:s22] =	ssyncadd.s32 s3;
	_ =	sdelay $0x1  }
0xa1: {  	s23 =	simm.s32 $0x1B8B  }
0xa2: {  	_ =	swait.ge [sflag:s23], $0x1  }
0xa3: {  	[sflag:s23] =	ssyncset.done $0x0  }
0xa4: {  	s25 =	simm.s32 $0x1B8E;
	s24 =	sld [smem:$0x3FFE];
	[sflag:s23] =	ssyncadd.s32 $0xFFFFFFFF  }
0xa5: {  	s26 =	simm.s32 $execute0_lowered;
	[smem:$0x3FD2] =	sst s25  }
0xa6: {  	s4 =	sshll.u32 s26, $0x1;
	_ =	strace $0x80000049;
	[dreg:$0x1] =	wrdreg $0xFFFFFFFF  }
0xa7: {  	s28 =	simm.s32 $_size_execute0_lowered;
	s2 =	sadd.s32 s2, s4;
	[dreg:$0x0] =	wrdreg $0x0  }
0xa8: {  	s4 =	sshll.u32 s28, $0x1;
	[dreg:$0x2] =	wrdreg s2  }
0xa9: {  	[dreg:$0x3] =	wrdreg s4  }
0xaa: {  	[dreg:$0x4] =	wrdreg $0xC0  }
0xab: {  	_ =	task [dreg:s6], $0x5FFFF  }
0xac: {  	[dreg:$0x1] =	wrdreg $0xFFFFFFFF  }
0xad: {  	[dreg:$0x0] =	wrdreg $0x60  }
0xae: {  	[dreg:$0x2] =	wrdreg s24  }
0xaf: {  	[dreg:$0x3] =	wrdreg $0x9  }
0xb0: {  	_ =	task.clear_ibuf [dreg:s6], $0x4FFFF;
	_ =	strace $0x90000049  }
0xb1: {  	s29 =	simm.s32 $0x9;
	_ =	strace $0x8000004B  }
0xb2: {  	_ =	swait.ge [sflag:s29], $0x1  }
0xb3: {  	[sflag:s29] =	ssyncadd.s32 $0xFFFFFFFF  }
0xb4: {  	_ =	strace $0x9000004B  }
0xb5: {  	_ =	sfence  }
0xb6: {  	s30 =	sld [smem:$0x0];
	_ =	sdelay $0x2  }
0xb7: {  	s31 =	sshll.u32 s1, $0xD;
	s1 =	sshrl.u32 s1, $0x2  }
0xb8: {  	s3 =	sand.u32 $0x4000, s31;
	s1 =	sadd.s32 s1, s30  }
0xb9: {  	s0 =	sor.u32 s3, s0;
	s1 =	sshll.u32 s1, $0x11  }
0xba: {  	s0 =	sor.u32 s1, s0  }
0xbb: {  	s0 =	sadd.s32 $0x8F2B, s0  }
0xbc: {  	[sflag:s0] =	ssyncadd.remote.s32 $0x1  }
0xbd: {  	_ =	sfence.sel $0xFFFF  }
0xbe: {  	[dreg:$0x0] =	wrdreg $0xFFFFFFFF;
	(pc) =	sbr.abs _section_cstart, $3  }
0xbf: {  	[dreg:$0x1] =	wrdreg $0xFFFFFFFF  }
0xc0: {  	_ =	task.clear_ibuf [dreg:s6], $0x2FFFF;
	_ =	strace $0x9FFFFFFF  }
0xc1: {  	(tm) =	ssettm $0x7FFFFFFF  }
tec
execute0_lowered:
.L_overlay_start_1:
0x0: {  	(tag) =	ssettag $0x1  }
0x1: {  	s1 =	srdreg.scid;
	s0 =	stileid.u32  }
0x2: {  	s16 =	sand.u32 $0x1, s1;
	s29 =	sshll.u32 s0, $0x1  }
0x3: {  	s17 =	sor.u32 s16, s29  }
0x4: {  	s18 =	rddreg [dreg:$0x0];
	s3 =	smul.u32 $0x50, s17  }
0x5: {  	s2 =	simm.s32 $0x0;
	s1 =	rddreg [dreg:$0x1]  }
0x6: {  	[smem:$0x7FF] =	sst s2;
	s3 =	sadd.s32 s3, s18  }
0x7: {  	_ =	strace $0x8000004A;
	s4 =	sadd.s32 $0x55800, s3;
	s3 =	simm.s32 $0x2  }
0x8: {  	[tilespmem:s2], [sflag:$0x2] =	stream.linear.gather [hbm4b:s4+s2], $0x280, $0x38;
	[tilespmem:$0xA280] =	vst v63  }
0x9: {  	_ =	swait.ge [sflag:s3], $0x280  }
0xa: {  	s6 =	simm.s32 $0x80;
	[sflag:s3] =	ssyncset.done $0x0  }
0xb: {  	s7 =	simm.s32 $0x280;
	s5 =	sadd.s32 $0x56200, s18;
	[sflag:s3] =	ssyncadd.s32 $0xFFFFFD80  }
0xc: {  	[tilespmem:s7], [sflag:$0x1] =	stream.indirect.gather [hbm4b:s5+s6], $0x40, s2, s6, $0xb8;
	[tilespmem:$0xA280] =	vst v63  }
0xd: {  	s8 =	simm.s32 $0x2280  }
0xe: {  	[tilespmem:s8], [sflag:$0x1] =	stream.indirect.gather [hbm4b:s5+s6], $0x40, s6, s6, $0xb8;
	[tilespmem:$0xA280] =	vst v63  }
0xf: {  	s9 =	simm.s32 $0x100;
	s10 =	simm.s32 $0x4280  }
0x10: {  	[tilespmem:s10], [sflag:$0x1] =	stream.indirect.gather [hbm4b:s5+s6], $0x40, s9, s6, $0xb8;
	[tilespmem:$0xA280] =	vst v63  }
0x11: {  	s11 =	simm.s32 $0x180;
	s12 =	simm.s32 $0x6280  }
0x12: {  	[tilespmem:s12], [sflag:$0x1] =	stream.indirect.gather [hbm4b:s5+s6], $0x40, s11, s6, $0xb8;
	[tilespmem:$0xA280] =	vst v63  }
0x13: {  	s13 =	simm.s32 $0x200;
	s14 =	simm.s32 $0x8280;
	s15 =	simm.s32 $0x1  }
0x14: {  	[tilespmem:s14], [sflag:$0x1] =	stream.indirect.gather [hbm4b:s5+s6], $0x40, s13, s6, $0xb8;
	[tilespmem:$0xA280] =	vst v63  }
0x15: {  	_ =	swait.ge [sflag:s15], $0x2000  }
0x16: {  	[sflag:s15] =	ssyncset.done $0x0  }
0x17: {  	[sflag:s15] =	ssyncadd.s32 $0xFFFFE000  }
0x18: {  	_ =	swait.ge [sflag:s15], $0x2000  }
0x19: {  	[sflag:s15] =	ssyncset.done $0x0  }
0x1a: {  	[sflag:s15] =	ssyncadd.s32 $0xFFFFE000  }
0x1b: {  	_ =	swait.ge [sflag:s15], $0x2000  }
0x1c: {  	[sflag:s15] =	ssyncset.done $0x0  }
0x1d: {  	s16 =	ssub.s32 $0x2, s16;
	[sflag:s15] =	ssyncadd.s32 $0xFFFFE000  }
0x1e: {  	s19 =	sshrl.u32 s16, $0x1;
	_ =	swait.ge [sflag:s15], $0x2000  }
0x1f: {  	s30 =	ssub.s32 s16, s19;
	[sflag:s15] =	ssyncset.done $0x0  }
0x20: {  	s17 =	smul.u32 $0x1400, s17;
	s31 =	smax.u32 s30, $0x1;
	[sflag:s15] =	ssyncadd.s32 $0xFFFFE000  }
0x21: {  	p0 =	sne.s32 s31, $0x1;
	_ =	swait.ge [sflag:s15], $0x2000  }
.Ltmp0:
0x22: {  	s17 =	sadd.s32 s17, s18;
	[sflag:s15] =	ssyncset.done $0x0;
	(pc) =	sbr.rel @!p0 .LBB2_2-.Ltmp0, $4  }
0x23: {  	s16 =	sadd.s32 $0xF5800, s17;
	[sflag:s15] =	ssyncadd.s32 $0xFFFFE000  }
0x24: {  	[hbm4b:s16+s2] =	stream.linear.scatter [tilespmem:s7], [sflag:$0x2], $0xA000, $0x38;
	[tilespmem:$0xA280] =	vst v63  }
0x25: {  	_ =	swait.ge [sflag:s3], $0xA000  }
0x26: {  	s17 =	sadd.s32 $0xFFFFFFFF, s31;
	[sflag:s3] =	ssyncset.done $0x0  }
.LBB2_1:
0x27: {  	p0 =	sne.s32 s17, $0x1;
	s17 =	sadd.s32 $0xFFFFFFFF, s17;
	[sflag:s3] =	ssyncadd.s32 $0xFFFF6000  }
0x28: {  	[tilespmem:s2], [sflag:$0x2] =	stream.linear.gather [hbm4b:s4+s2], $0x280, $0x38;
	[tilespmem:$0xA280] =	vst v63  }
0x29: {  	_ =	swait.ge [sflag:s3], $0x280  }
0x2a: {  	[sflag:s3] =	ssyncset.done $0x0  }
0x2b: {  	[sflag:s3] =	ssyncadd.s32 $0xFFFFFD80  }
0x2c: {  	[tilespmem:s7], [sflag:$0x1] =	stream.indirect.gather [hbm4b:s5+s6], $0x40, s2, s6, $0xb8;
	[tilespmem:$0xA280] =	vst v63  }
0x2d: {  	_ = 	snop  }
0x2e: {  	[tilespmem:s8], [sflag:$0x1] =	stream.indirect.gather [hbm4b:s5+s6], $0x40, s6, s6, $0xb8;
	[tilespmem:$0xA280] =	vst v63  }
0x2f: {  	_ = 	snop  }
0x30: {  	[tilespmem:s10], [sflag:$0x1] =	stream.indirect.gather [hbm4b:s5+s6], $0x40, s9, s6, $0xb8;
	[tilespmem:$0xA280] =	vst v63  }
0x31: {  	_ = 	snop  }
0x32: {  	[tilespmem:s12], [sflag:$0x1] =	stream.indirect.gather [hbm4b:s5+s6], $0x40, s11, s6, $0xb8;
	[tilespmem:$0xA280] =	vst v63  }
0x33: {  	_ = 	snop  }
0x34: {  	[tilespmem:s14], [sflag:$0x1] =	stream.indirect.gather [hbm4b:s5+s6], $0x40, s13, s6, $0xb8;
	[tilespmem:$0xA280] =	vst v63  }
0x35: {  	_ =	swait.ge [sflag:s15], $0x2000  }
0x36: {  	[sflag:s15] =	ssyncset.done $0x0  }
0x37: {  	[sflag:s15] =	ssyncadd.s32 $0xFFFFE000  }
0x38: {  	_ =	swait.ge [sflag:s15], $0x2000  }
0x39: {  	[sflag:s15] =	ssyncset.done $0x0  }
0x3a: {  	[sflag:s15] =	ssyncadd.s32 $0xFFFFE000  }
0x3b: {  	_ =	swait.ge [sflag:s15], $0x2000  }
0x3c: {  	[sflag:s15] =	ssyncset.done $0x0  }
0x3d: {  	[sflag:s15] =	ssyncadd.s32 $0xFFFFE000  }
0x3e: {  	_ =	swait.ge [sflag:s15], $0x2000  }
0x3f: {  	[sflag:s15] =	ssyncset.done $0x0  }
0x40: {  	[sflag:s15] =	ssyncadd.s32 $0xFFFFE000  }
0x41: {  	_ =	swait.ge [sflag:s15], $0x2000  }
.Ltmp1:
0x42: {  	[sflag:s15] =	ssyncset.done $0x0;
	(pc) =	sbr.rel @p0 .LBB2_1-.Ltmp1, $4  }
0x43: {  	[sflag:s15] =	ssyncadd.s32 $0xFFFFE000  }
0x44: {  	[hbm4b:s16+s2] =	stream.linear.scatter [tilespmem:s7], [sflag:$0x2], $0xA000, $0x38;
	[tilespmem:$0xA280] =	vst v63  }
0x45: {  	_ =	swait.ge [sflag:s3], $0xA000  }
0x46: {  	[sflag:s3] =	ssyncset.done $0x0  }
.LBB2_2:
0x47: {  	[sflag:s3] =	ssyncadd.s32 $0xFFFF6000  }
0x48: {  	_ =	sfence.sel $0x180000  }
0x49: {  	[bflag:$0x0] =	sbarrier.arrive $0xFFFF  }
0x4a: {  	p0 =	sne.s32 s0, $0x0;
	_ =	strace $0x9000004A  }
0x4b: {  	s0 =	sadd.s32 @!p0 $0x100000, s1;
	[bflag:$0x2] =	sbarrier.arrive $0xFFFF  }
0x4c: {  	[sflag:s0] =	ssyncadd.tile.s32 @!p0 $0x1;
	_ =	shalt  }
.Lfunc_end2:
_tile_overlayer_lowered:
.L_overlay_start_2:
0x4d: {  	(tag) =	ssettag $0x2  }
0x4e: {  	s0 =	rddreg [dreg:$0x0];
	s2 =	stileid.u32  }
0x4f: {  	s1 =	rddreg [dreg:$0x1];
	p0 =	sne.s32 s2, $0x0  }
0x50: {  	s3 =	rddreg [dreg:$0x2];
	[bflag:$0x3] =	sbarrier.arrive $0xFFFF;
	s2 =	simm.s32 @!p0 $0x1C02  }
0x51: {  	[timem:s3], [sflag:s2] =	dma.local @!p0 [hbm:s0], s1  }
0x52: {  	s0 =	simm.s32 @!p0 $0x2  }
0x53: {  	_ =	swait.ge @!p0 [sflag:s0], s1  }
0x54: {  	s1 =	ssub.s32 @!p0 $0x0, s1;
	[sflag:s0] =	ssyncset.done @!p0 $0x0  }
0x55: {  	[sflag:s0] =	ssyncadd.s32 @!p0 s1  }
0x56: {  	[bflag:$0x3] =	sbarrier.arrive $0xFFFF  }
0x57: {  	_ =	shalt  }

// kernel: kernel.20.cloned.1.call-start
scs
__scs_entry_jumppad:
0x0: {  	(pc) =	sbr.rel $0x88, $3  }
0x1: {  	(tag) =	ssettag $0x0;
	lr =	simm.s32 $0x1  }
0x2: {  	[smem:$0x3F87] =	sst lr;
	_ =	strace $0xD0000000  }
0x3: {  	_ = 	snop  }
0x4: {  	_ = 	snop  }
0x5: {  	_ = 	snop  }
0x6: {  	_ = 	snop  }
0x7: {  	_ = 	snop  }
__scs_overlays_trampoline_lowered:
0x8: {  	[smem:$0x3F96] =	sst s0  }
0x9: {  	[smem:$0x3F97] =	sst s1  }
0xa: {  	[smem:$0x3F98] =	sst s2  }
0xb: {  	[smem:$0x3F99] =	sst s3  }
0xc: {  	[smem:$0x3F9A] =	sst s4  }
0xd: {  	[smem:$0x3F9B] =	sst s5  }
0xe: {  	[smem:$0x3F9C] =	sst s6  }
0xf: {  	[smem:$0x3F9D] =	sst s7  }
0x10: {  	[smem:$0x3F9E] =	sst s8  }
0x11: {  	[smem:$0x3F9F] =	sst s9;
	s0 =	simm.s32 @!p0 $0x0  }
0x12: {  	s1 =	sld [smem:$0x3F85];
	s0 =	simm.s32 @p0 $0x1  }
0x13: {  	[smem:$0x3FA0] =	sst s0;
	s0 =	simm.s32 @!p1 $0x0  }
0x14: {  	s2 =	sld [smem:$0x3F84];
	s0 =	simm.s32 @p1 $0x1  }
0x15: {  	[smem:$0x3FA1] =	sst s0;
	s0 =	simm.s32 @!p2 $0x0  }
0x16: {  	s3 =	sld [smem:$0x3FDB];
	s0 =	simm.s32 @p2 $0x1  }
0x17: {  	s4 =	simm.s32 $0x1BF5;
	[smem:$0x3FA3] =	sst s0  }
0x18: {  	s0 =	sld [smem:$0x3F86];
	_ =	swait.ge [sflag:s4], $0x0  }
0x19: {  	s7 =	sld [smem:$0x3F87]  }
0x1a: {  	s8 =	sadd.s32 $0xFFFFE003, lr  }
0x1b: {  	s9 =	sadd.s32 $0xFFFFFEF7, lr;
	s5 =	simm.s32 $0xFFFFFFFF;
	p2 =	slt.u32 s8, $0xFFFFF086  }
0x1c: {  	p1 =	slt.u32 s9, $0xF7A;
	s5 =	simm.s32 @!p2 $0x0  }
0x1d: {  	s5 =	simm.s32 @p1 $0x1;
	p0 =	seq.s32 s7, s2  }
0x1e: {  	s7 =	smul.u32 @!p0 $0xF7A, s2;
	p2 =	seq.s32 @!p0 s5, $0x0  }
0x1f: {  	s9 =	smul.u32 $0xF7A, s1;
	s8 =	simm.s32 @!p0 $0x1BF5;
	p2 =	por !p2, p0  }
0x20: {  	[sflag:s8] =	ssyncset.s32 @!p0 $0xFFFFF086;
	s6 =	sadd.s32 @!p0 s3, s7;
	s7 =	simm.s32 @!p0 $0x108  }
0x21: {  	s3 =	sadd.s32 s3, s9;
	s6 =	sadd.s32 @!p0 $0x88, s6;
	s7 =	simm.s32 @p2 $0x1082  }
0x22: {  	[simem:s7], [sflag:s8] =	dma.local @!p0 [hbm:s6], $0xF7A  }
0x23: {  	s9 =	sor.u32 $0xD0000000, s2;
	s6 =	simm.s32 $0x108;
	_ =	swait.ge @!p0 [sflag:s8], $0x0  }
0x24: {  	s3 =	sadd.s32 $0x88, s3;
	s6 =	simm.s32 @!p1 $0x1082;
	[sflag:s4] =	ssyncset.s32 $0xFFFFF086  }
0x25: {  	[simem:s6], [sflag:s4] =	dma.local [hbm:s3], $0xF7A  }
0x26: {  	[smem:$0x3F87] =	sst s1;
	(tag) =	ssettag s2;
	_ =	strace s9  }
0x27: {  	s1 =	sld [smem:$0x3F97]  }
0x28: {  	s2 =	sld [smem:$0x3F98]  }
0x29: {  	s4 =	sld [smem:$0x3F9A]  }
0x2a: {  	p0 =	seq.s32 s5, $0x0;
	s5 =	sld [smem:$0x3F9B]  }
0x2b: {  	s6 =	sld [smem:$0x3F9C]  }
0x2c: {  	s7 =	sld [smem:$0x3F9D]  }
0x2d: {  	s3 =	simm.s32 $0x108;
	s8 =	sld [smem:$0x3F9E]  }
0x2e: {  	s3 =	simm.s32 @!p0 $0x1082;
	s9 =	sld [smem:$0x3F9F]  }
0x2f: {  	lr =	sadd.s32 s0, s3;
	s0 =	sld [smem:$0x3F96]  }
0x30: {  	s3 =	sld [smem:$0x3F99]  }
0x31: {  	[smem:$0x3FA2] =	sst s10  }
0x32: {  	s10 =	sld [smem:$0x3FA0];
	_ =	sdelay $0x3  }
0x33: {  	p0 =	seq.s32 s10, $0x1;
	s10 =	sld [smem:$0x3FA2];
	_ =	sdelay $0x3  }
0x34: {  	[smem:$0x3FA2] =	sst s10  }
0x35: {  	s10 =	sld [smem:$0x3FA1];
	_ =	sdelay $0x3  }
0x36: {  	p1 =	seq.s32 s10, $0x1;
	s10 =	sld [smem:$0x3FA2];
	_ =	sdelay $0x3  }
0x37: {  	[smem:$0x3FA2] =	sst s10  }
0x38: {  	s10 =	sld [smem:$0x3FA3]  }
0x39: {  	_ = 	snop;
	(pc) =	sbr.ind lr, $3  }
0x3a: {  	_ = 	snop  }
0x3b: {  	_ = 	snop  }
0x3c: {  	p2 =	seq.s32 s10, $0x1;
	s10 =	sld [smem:$0x3FA2]  }
0x3d: {  	_ =	shalt  }
0x3e: {  	_ =	shalt  }
0x3f: {  	_ =	shalt  }
0x40: {  	_ =	shalt  }
0x41: {  	_ =	shalt  }
0x42: {  	_ =	shalt  }
0x43: {  	_ =	shalt  }
0x44: {  	_ =	shalt  }
0x45: {  	_ =	shalt  }
0x46: {  	_ =	shalt  }
0x47: {  	_ =	shalt  }
0x48: {  	_ =	shalt  }
0x49: {  	_ =	shalt  }
0x4a: {  	_ =	shalt  }
0x4b: {  	_ =	shalt  }
0x4c: {  	_ =	shalt  }
0x4d: {  	_ =	shalt  }
0x4e: {  	_ =	shalt  }
0x4f: {  	_ =	shalt  }
0x50: {  	_ =	shalt  }
0x51: {  	_ =	shalt  }
0x52: {  	_ =	shalt  }
0x53: {  	_ =	shalt  }
0x54: {  	_ =	shalt  }
0x55: {  	_ =	shalt  }
0x56: {  	_ =	shalt  }
0x57: {  	_ =	shalt  }
0x58: {  	_ =	shalt  }
0x59: {  	_ =	shalt  }
0x5a: {  	_ =	shalt  }
0x5b: {  	_ =	shalt  }
0x5c: {  	_ =	shalt  }
0x5d: {  	_ =	shalt  }
0x5e: {  	_ =	shalt  }
0x5f: {  	_ =	shalt  }
0x60: {  	_ =	shalt  }
0x61: {  	_ =	shalt  }
0x62: {  	_ =	shalt  }
0x63: {  	_ =	shalt  }
0x64: {  	_ =	shalt  }
0x65: {  	_ =	shalt  }
0x66: {  	_ =	shalt  }
0x67: {  	_ =	shalt  }
0x68: {  	_ =	shalt  }
0x69: {  	_ =	shalt  }
0x6a: {  	_ =	shalt  }
0x6b: {  	_ =	shalt  }
0x6c: {  	_ =	shalt  }
0x6d: {  	_ =	shalt  }
0x6e: {  	_ =	shalt  }
0x6f: {  	_ =	shalt  }
0x70: {  	_ =	shalt  }
0x71: {  	_ =	shalt  }
0x72: {  	_ =	shalt  }
0x73: {  	_ =	shalt  }
0x74: {  	_ =	shalt  }
0x75: {  	_ =	shalt  }
0x76: {  	_ =	shalt  }
0x77: {  	_ =	shalt  }
0x78: {  	_ =	shalt  }
0x79: {  	_ =	shalt  }
0x7a: {  	_ =	shalt  }
0x7b: {  	_ =	shalt  }
0x7c: {  	_ =	shalt  }
0x7d: {  	_ =	shalt  }
0x7e: {  	_ =	shalt  }
0x7f: {  	_ =	shalt  }
0x80: {  	_ =	shalt  }
0x81: {  	_ =	shalt  }
0x82: {  	_ =	shalt  }
0x83: {  	_ =	shalt  }
0x84: {  	_ =	shalt  }
0x85: {  	_ =	shalt  }
0x86: {  	_ =	shalt  }
0x87: {  	_ =	shalt  }
.Lfunc_end0:
.L_simem_size_0:
called_computation.2_lowered:
.L_overlay_start_0:
0x88: {  	s2 =	sld [smem:$0x3FD9]  }
0x89: {  	s3 =	sld [smem:$0x3FFE];
	_ =	sdelay $0x1  }
0x8a: {  	s1 =	srdreg.scid  }
0x8b: {  	s0 =	sand.u32 $0x1, s1  }
0x8c: {  	s16 =	sshll.u32 s0, $0xA;
	s2 =	sadd.s32 s3, s2  }
0x8d: {  	s2 =	sadd.s32 s2, s16  }
0x8e: {  	[smem:$0x3FAE] =	sst s2  }
0x8f: {  	_ = 	snop  }
0x90: {  	(tm) =	ssettm $0x1  }
0x91: {  	s17 =	sld [smem:$0x3FFB];
	_ =	sdelay $0x3  }
0x92: {  	_ =	strace s17  }
0x93: {  	s2 =	sld [smem:$0x3FFC];
	_ =	sdelay $0x3  }
0x94: {  	_ =	strace s2  }
0x95: {  	s2 =	sld [smem:$0x3FFD];
	_ =	sdelay $0x3  }
0x96: {  	_ =	strace s2  }
0x97: {  	_ =	strace $0x8FFFFFFF  }
0x98: {  	s18 =	sld [smem:$0x3FDB];
	_ =	sdelay $0x1  }
0x99: {  	s19 =	simm.s32 $_scs_section_size  }
0x9a: {  	s4 =	simm.s32 $_size__tile_overlayer_lowered;
	s5 =	simm.s32 $_tile_overlayer_lowered  }
0x9b: {  	s22 =	simm.s32 $0x1BFF;
	s21 =	sshll.u32 s5, $0x1;
	s2 =	sadd.s32 s19, s18  }
0x9c: {  	s6 =	simm.s32 $0x0;
	s20 =	sshll.u32 s4, $0x1;
	s4 =	sadd.s32 s21, s2  }
0x9d: {  	[timem:s6], [sflag:s22] =	dma.local [hbm:s4], s20  }
0x9e: {  	_ =	swait.ge [sflag:s22], s20  }
0x9f: {  	s3 =	ssub.s32 $0x0, s20;
	[sflag:s22] =	ssyncset.done $0x0  }
0xa0: {  	[sflag:s22] =	ssyncadd.s32 s3;
	_ =	sdelay $0x1  }
0xa1: {  	s23 =	simm.s32 $0x1B8B  }
0xa2: {  	_ =	swait.ge [sflag:s23], $0x1  }
0xa3: {  	[sflag:s23] =	ssyncset.done $0x0  }
0xa4: {  	s25 =	simm.s32 $0x1B8E;
	s24 =	sld [smem:$0x3FFE];
	[sflag:s23] =	ssyncadd.s32 $0xFFFFFFFF  }
0xa5: {  	s26 =	simm.s32 $execute0_lowered;
	[smem:$0x3FD2] =	sst s25  }
0xa6: {  	s4 =	sshll.u32 s26, $0x1;
	_ =	strace $0x8000004C;
	[dreg:$0x1] =	wrdreg $0xFFFFFFFF  }
0xa7: {  	s28 =	simm.s32 $_size_execute0_lowered;
	s2 =	sadd.s32 s2, s4;
	[dreg:$0x0] =	wrdreg $0x0  }
0xa8: {  	s4 =	sshll.u32 s28, $0x1;
	[dreg:$0x2] =	wrdreg s2  }
0xa9: {  	[dreg:$0x3] =	wrdreg s4  }
0xaa: {  	[dreg:$0x4] =	wrdreg $0xC0  }
0xab: {  	_ =	task [dreg:s6], $0x5FFFF  }
0xac: {  	[dreg:$0x1] =	wrdreg $0xFFFFFFFF  }
0xad: {  	[dreg:$0x0] =	wrdreg $0x60  }
0xae: {  	[dreg:$0x2] =	wrdreg s24  }
0xaf: {  	[dreg:$0x3] =	wrdreg $0x9  }
0xb0: {  	_ =	task.clear_ibuf [dreg:s6], $0x4FFFF;
	_ =	strace $0x9000004C  }
0xb1: {  	s29 =	simm.s32 $0x9;
	_ =	strace $0x8000004E  }
0xb2: {  	_ =	swait.ge [sflag:s29], $0x1  }
0xb3: {  	[sflag:s29] =	ssyncadd.s32 $0xFFFFFFFF  }
0xb4: {  	_ =	strace $0x9000004E  }
0xb5: {  	_ =	sfence  }
0xb6: {  	s30 =	sld [smem:$0x0];
	_ =	sdelay $0x2  }
0xb7: {  	s31 =	sshll.u32 s1, $0xD;
	s1 =	sshrl.u32 s1, $0x2  }
0xb8: {  	s3 =	sand.u32 $0x4000, s31;
	s1 =	sadd.s32 s1, s30  }
0xb9: {  	s0 =	sor.u32 s3, s0;
	s1 =	sshll.u32 s1, $0x11  }
0xba: {  	s0 =	sor.u32 s1, s0  }
0xbb: {  	s0 =	sadd.s32 $0x8F2B, s0  }
0xbc: {  	[sflag:s0] =	ssyncadd.remote.s32 $0x1  }
0xbd: {  	_ =	sfence.sel $0xFFFF  }
0xbe: {  	[dreg:$0x0] =	wrdreg $0xFFFFFFFF;
	(pc) =	sbr.abs _section_cstart, $3  }
0xbf: {  	[dreg:$0x1] =	wrdreg $0xFFFFFFFF  }
0xc0: {  	_ =	task.clear_ibuf [dreg:s6], $0x2FFFF;
	_ =	strace $0x9FFFFFFF  }
0xc1: {  	(tm) =	ssettm $0x7FFFFFFF  }
tec
execute0_lowered:
.L_overlay_start_1:
0x0: {  	(tag) =	ssettag $0x1  }
0x1: {  	s1 =	srdreg.scid;
	s0 =	stileid.u32  }
0x2: {  	s17 =	sand.u32 $0x1, s1;
	s31 =	sshll.u32 s0, $0x1  }
0x3: {  	s3 =	sor.u32 s17, s31  }
0x4: {  	s7 =	rddreg [dreg:$0x0];
	s2 =	simm.s32 $0x0;
	s4 =	smul.u32 $0x50, s3  }
0x5: {  	[smem:$0x7FF] =	sst s2  }
0x6: {  	s1 =	rddreg [dreg:$0x1];
	_ =	strace $0x8000004D;
	s4 =	sadd.s32 s4, s7  }
0x7: {  	s5 =	smul.u32 $0x1400, s3;
	s3 =	sadd.s32 $0x2D800, s4;
	s4 =	simm.s32 $0x2  }
0x8: {  	[tilespmem:s2], [sflag:$0x2] =	stream.linear.gather [hbm4b:s3+s2], $0x280, $0x38;
	[tilespmem:$0xA280] =	vst v63  }
0x9: {  	_ =	swait.ge [sflag:s4], $0x280  }
0xa: {  	s5 =	sadd.s32 s5, s7;
	[sflag:s4] =	ssyncset.done $0x0  }
0xb: {  	s6 =	simm.s32 $0x280;
	s5 =	sadd.s32 $0x5800, s5;
	[sflag:s4] =	ssyncadd.s32 $0xFFFFFD80  }
0xc: {  	[tilespmem:s6], [sflag:$0x2] =	stream.linear.gather [hbm4b:s5+s2], $0xA000, $0x38;
	[tilespmem:$0xA280] =	vst v63  }
0xd: {  	_ =	swait.ge [sflag:s4], $0xA000  }
0xe: {  	[sflag:s4] =	ssyncset.done $0x0  }
0xf: {  	s8 =	simm.s32 $0x80;
	s7 =	sadd.s32 $0x2E200, s7;
	[sflag:s4] =	ssyncadd.s32 $0xFFFF6000  }
0x10: {  	[hbm4b:s7+s8] =	stream.indirect.scatter [tilespmem:s6], [sflag:$0x1], $0x40, s2, s8, $0xb8;
	[tilespmem:$0xA280] =	vst v63  }
0x11: {  	s9 =	simm.s32 $0x2280  }
0x12: {  	[hbm4b:s7+s8] =	stream.indirect.scatter [tilespmem:s9], [sflag:$0x1], $0x40, s8, s8, $0xb8;
	[tilespmem:$0xA280] =	vst v63  }
0x13: {  	s10 =	simm.s32 $0x100;
	s11 =	simm.s32 $0x4280  }
0x14: {  	[hbm4b:s7+s8] =	stream.indirect.scatter [tilespmem:s11], [sflag:$0x1], $0x40, s10, s8, $0xb8;
	[tilespmem:$0xA280] =	vst v63  }
0x15: {  	s12 =	simm.s32 $0x180;
	s13 =	simm.s32 $0x6280  }
0x16: {  	[hbm4b:s7+s8] =	stream.indirect.scatter [tilespmem:s13], [sflag:$0x1], $0x40, s12, s8, $0xb8;
	[tilespmem:$0xA280] =	vst v63  }
0x17: {  	s14 =	simm.s32 $0x200;
	s16 =	simm.s32 $0x8280;
	s15 =	simm.s32 $0x1  }
0x18: {  	[hbm4b:s7+s8] =	stream.indirect.scatter [tilespmem:s16], [sflag:$0x1], $0x40, s14, s8, $0xb8;
	[tilespmem:$0xA280] =	vst v63  }
0x19: {  	_ =	swait.ge [sflag:s15], $0x2000  }
0x1a: {  	[sflag:s15] =	ssyncset.done $0x0  }
0x1b: {  	[sflag:s15] =	ssyncadd.s32 $0xFFFFE000  }
0x1c: {  	_ =	swait.ge [sflag:s15], $0x2000  }
0x1d: {  	s17 =	ssub.s32 $0x2, s17;
	[sflag:s15] =	ssyncset.done $0x0  }
0x1e: {  	s18 =	sshrl.u32 s17, $0x1;
	[sflag:s15] =	ssyncadd.s32 $0xFFFFE000  }
0x1f: {  	s17 =	ssub.s32 s17, s18;
	_ =	swait.ge [sflag:s15], $0x2000  }
0x20: {  	s17 =	smax.u32 s17, $0x1;
	[sflag:s15] =	ssyncset.done $0x0  }
0x21: {  	p0 =	sne.s32 s17, $0x1;
	[sflag:s15] =	ssyncadd.s32 $0xFFFFE000  }
.Ltmp0:
0x22: {  	_ =	swait.ge [sflag:s15], $0x2000;
	(pc) =	sbr.rel @!p0 .LBB2_2-.Ltmp0, $4  }
0x23: {  	[sflag:s15] =	ssyncset.done $0x0  }
0x24: {  	[sflag:s15] =	ssyncadd.s32 $0xFFFFE000  }
0x25: {  	_ =	swait.ge [sflag:s15], $0x2000  }
0x26: {  	s17 =	sadd.s32 $0xFFFFFFFF, s17;
	[sflag:s15] =	ssyncset.done $0x0  }
.LBB2_1:
0x27: {  	p0 =	sne.s32 s17, $0x1;
	s17 =	sadd.s32 $0xFFFFFFFF, s17;
	[sflag:s15] =	ssyncadd.s32 $0xFFFFE000  }
0x28: {  	[tilespmem:s2], [sflag:$0x2] =	stream.linear.gather [hbm4b:s3+s2], $0x280, $0x38;
	[tilespmem:$0xA280] =	vst v63  }
0x29: {  	_ =	swait.ge [sflag:s4], $0x280  }
0x2a: {  	[sflag:s4] =	ssyncset.done $0x0  }
0x2b: {  	[sflag:s4] =	ssyncadd.s32 $0xFFFFFD80  }
0x2c: {  	[tilespmem:s6], [sflag:$0x2] =	stream.linear.gather [hbm4b:s5+s2], $0xA000, $0x38;
	[tilespmem:$0xA280] =	vst v63  }
0x2d: {  	_ =	swait.ge [sflag:s4], $0xA000  }
0x2e: {  	[sflag:s4] =	ssyncset.done $0x0  }
0x2f: {  	[sflag:s4] =	ssyncadd.s32 $0xFFFF6000  }
0x30: {  	[hbm4b:s7+s8] =	stream.indirect.scatter [tilespmem:s6], [sflag:$0x1], $0x40, s2, s8, $0xb8;
	[tilespmem:$0xA280] =	vst v63  }
0x31: {  	_ = 	snop  }
0x32: {  	[hbm4b:s7+s8] =	stream.indirect.scatter [tilespmem:s9], [sflag:$0x1], $0x40, s8, s8, $0xb8;
	[tilespmem:$0xA280] =	vst v63  }
0x33: {  	_ = 	snop  }
0x34: {  	[hbm4b:s7+s8] =	stream.indirect.scatter [tilespmem:s11], [sflag:$0x1], $0x40, s10, s8, $0xb8;
	[tilespmem:$0xA280] =	vst v63  }
0x35: {  	_ = 	snop  }
0x36: {  	[hbm4b:s7+s8] =	stream.indirect.scatter [tilespmem:s13], [sflag:$0x1], $0x40, s12, s8, $0xb8;
	[tilespmem:$0xA280] =	vst v63  }
0x37: {  	_ = 	snop  }
0x38: {  	[hbm4b:s7+s8] =	stream.indirect.scatter [tilespmem:s16], [sflag:$0x1], $0x40, s14, s8, $0xb8;
	[tilespmem:$0xA280] =	vst v63  }
0x39: {  	_ =	swait.ge [sflag:s15], $0x2000  }
0x3a: {  	[sflag:s15] =	ssyncset.done $0x0  }
0x3b: {  	[sflag:s15] =	ssyncadd.s32 $0xFFFFE000  }
0x3c: {  	_ =	swait.ge [sflag:s15], $0x2000  }
0x3d: {  	[sflag:s15] =	ssyncset.done $0x0  }
0x3e: {  	[sflag:s15] =	ssyncadd.s32 $0xFFFFE000  }
0x3f: {  	_ =	swait.ge [sflag:s15], $0x2000  }
0x40: {  	[sflag:s15] =	ssyncset.done $0x0  }
0x41: {  	[sflag:s15] =	ssyncadd.s32 $0xFFFFE000  }
.Ltmp1:
0x42: {  	_ =	swait.ge [sflag:s15], $0x2000;
	(pc) =	sbr.rel @p0 .LBB2_1-.Ltmp1, $4  }
0x43: {  	[sflag:s15] =	ssyncset.done $0x0  }
0x44: {  	[sflag:s15] =	ssyncadd.s32 $0xFFFFE000  }
0x45: {  	_ =	swait.ge [sflag:s15], $0x2000  }
0x46: {  	[sflag:s15] =	ssyncset.done $0x0  }
.LBB2_2:
0x47: {  	[sflag:s15] =	ssyncadd.s32 $0xFFFFE000  }
0x48: {  	_ =	sfence.sel $0x180000  }
0x49: {  	[bflag:$0x0] =	sbarrier.arrive $0xFFFF  }
0x4a: {  	p0 =	sne.s32 s0, $0x0;
	_ =	strace $0x9000004D  }
0x4b: {  	s0 =	sadd.s32 @!p0 $0x100000, s1;
	[bflag:$0x2] =	sbarrier.arrive $0xFFFF  }
0x4c: {  	[sflag:s0] =	ssyncadd.tile.s32 @!p0 $0x1;
	_ =	shalt  }
.Lfunc_end2:
_tile_overlayer_lowered:
.L_overlay_start_2:
0x4d: {  	(tag) =	ssettag $0x2  }
0x4e: {  	s0 =	rddreg [dreg:$0x0];
	s2 =	stileid.u32  }
0x4f: {  	s1 =	rddreg [dreg:$0x1];
	p0 =	sne.s32 s2, $0x0  }
0x50: {  	s3 =	rddreg [dreg:$0x2];
	[bflag:$0x3] =	sbarrier.arrive $0xFFFF;
	s2 =	simm.s32 @!p0 $0x1C02  }
0x51: {  	[timem:s3], [sflag:s2] =	dma.local @!p0 [hbm:s0], s1  }
0x52: {  	s0 =	simm.s32 @!p0 $0x2  }
0x53: {  	_ =	swait.ge @!p0 [sflag:s0], s1  }
0x54: {  	s1 =	ssub.s32 @!p0 $0x0, s1;
	[sflag:s0] =	ssyncset.done @!p0 $0x0  }
0x55: {  	[sflag:s0] =	ssyncadd.s32 @!p0 s1  }
0x56: {  	[bflag:$0x3] =	sbarrier.arrive $0xFFFF  }
0x57: {  	_ =	shalt  }

// kernel: kernel.23.cloned.1.call-start
scs
__scs_entry_jumppad:
0x0: {  	(pc) =	sbr.rel $0x88, $3  }
0x1: {  	(tag) =	ssettag $0x0;
	lr =	simm.s32 $0x1  }
0x2: {  	[smem:$0x3F87] =	sst lr;
	_ =	strace $0xD0000000  }
0x3: {  	_ = 	snop  }
0x4: {  	_ = 	snop  }
0x5: {  	_ = 	snop  }
0x6: {  	_ = 	snop  }
0x7: {  	_ = 	snop  }
__scs_overlays_trampoline_lowered:
0x8: {  	[smem:$0x3F96] =	sst s0  }
0x9: {  	[smem:$0x3F97] =	sst s1  }
0xa: {  	[smem:$0x3F98] =	sst s2  }
0xb: {  	[smem:$0x3F99] =	sst s3  }
0xc: {  	[smem:$0x3F9A] =	sst s4  }
0xd: {  	[smem:$0x3F9B] =	sst s5  }
0xe: {  	[smem:$0x3F9C] =	sst s6  }
0xf: {  	[smem:$0x3F9D] =	sst s7  }
0x10: {  	[smem:$0x3F9E] =	sst s8  }
0x11: {  	[smem:$0x3F9F] =	sst s9;
	s0 =	simm.s32 @!p0 $0x0  }
0x12: {  	s1 =	sld [smem:$0x3F85];
	s0 =	simm.s32 @p0 $0x1  }
0x13: {  	[smem:$0x3FA0] =	sst s0;
	s0 =	simm.s32 @!p1 $0x0  }
0x14: {  	s2 =	sld [smem:$0x3F84];
	s0 =	simm.s32 @p1 $0x1  }
0x15: {  	[smem:$0x3FA1] =	sst s0;
	s0 =	simm.s32 @!p2 $0x0  }
0x16: {  	s3 =	sld [smem:$0x3FDB];
	s0 =	simm.s32 @p2 $0x1  }
0x17: {  	s4 =	simm.s32 $0x1BF5;
	[smem:$0x3FA3] =	sst s0  }
0x18: {  	s0 =	sld [smem:$0x3F86];
	_ =	swait.ge [sflag:s4], $0x0  }
0x19: {  	s7 =	sld [smem:$0x3F87]  }
0x1a: {  	s8 =	sadd.s32 $0xFFFFE003, lr  }
0x1b: {  	s9 =	sadd.s32 $0xFFFFFEF7, lr;
	s5 =	simm.s32 $0xFFFFFFFF;
	p2 =	slt.u32 s8, $0xFFFFF086  }
0x1c: {  	p1 =	slt.u32 s9, $0xF7A;
	s5 =	simm.s32 @!p2 $0x0  }
0x1d: {  	s5 =	simm.s32 @p1 $0x1;
	p0 =	seq.s32 s7, s2  }
0x1e: {  	s7 =	smul.u32 @!p0 $0xF7A, s2;
	p2 =	seq.s32 @!p0 s5, $0x0  }
0x1f: {  	s9 =	smul.u32 $0xF7A, s1;
	s8 =	simm.s32 @!p0 $0x1BF5;
	p2 =	por !p2, p0  }
0x20: {  	[sflag:s8] =	ssyncset.s32 @!p0 $0xFFFFF086;
	s6 =	sadd.s32 @!p0 s3, s7;
	s7 =	simm.s32 @!p0 $0x108  }
0x21: {  	s3 =	sadd.s32 s3, s9;
	s6 =	sadd.s32 @!p0 $0x88, s6;
	s7 =	simm.s32 @p2 $0x1082  }
0x22: {  	[simem:s7], [sflag:s8] =	dma.local @!p0 [hbm:s6], $0xF7A  }
0x23: {  	s9 =	sor.u32 $0xD0000000, s2;
	s6 =	simm.s32 $0x108;
	_ =	swait.ge @!p0 [sflag:s8], $0x0  }
0x24: {  	s3 =	sadd.s32 $0x88, s3;
	s6 =	simm.s32 @!p1 $0x1082;
	[sflag:s4] =	ssyncset.s32 $0xFFFFF086  }
0x25: {  	[simem:s6], [sflag:s4] =	dma.local [hbm:s3], $0xF7A  }
0x26: {  	[smem:$0x3F87] =	sst s1;
	(tag) =	ssettag s2;
	_ =	strace s9  }
0x27: {  	s1 =	sld [smem:$0x3F97]  }
0x28: {  	s2 =	sld [smem:$0x3F98]  }
0x29: {  	s4 =	sld [smem:$0x3F9A]  }
0x2a: {  	p0 =	seq.s32 s5, $0x0;
	s5 =	sld [smem:$0x3F9B]  }
0x2b: {  	s6 =	sld [smem:$0x3F9C]  }
0x2c: {  	s7 =	sld [smem:$0x3F9D]  }
0x2d: {  	s3 =	simm.s32 $0x108;
	s8 =	sld [smem:$0x3F9E]  }
0x2e: {  	s3 =	simm.s32 @!p0 $0x1082;
	s9 =	sld [smem:$0x3F9F]  }
0x2f: {  	lr =	sadd.s32 s0, s3;
	s0 =	sld [smem:$0x3F96]  }
0x30: {  	s3 =	sld [smem:$0x3F99]  }
0x31: {  	[smem:$0x3FA2] =	sst s10  }
0x32: {  	s10 =	sld [smem:$0x3FA0];
	_ =	sdelay $0x3  }
0x33: {  	p0 =	seq.s32 s10, $0x1;
	s10 =	sld [smem:$0x3FA2];
	_ =	sdelay $0x3  }
0x34: {  	[smem:$0x3FA2] =	sst s10  }
0x35: {  	s10 =	sld [smem:$0x3FA1];
	_ =	sdelay $0x3  }
0x36: {  	p1 =	seq.s32 s10, $0x1;
	s10 =	sld [smem:$0x3FA2];
	_ =	sdelay $0x3  }
0x37: {  	[smem:$0x3FA2] =	sst s10  }
0x38: {  	s10 =	sld [smem:$0x3FA3]  }
0x39: {  	_ = 	snop;
	(pc) =	sbr.ind lr, $3  }
0x3a: {  	_ = 	snop  }
0x3b: {  	_ = 	snop  }
0x3c: {  	p2 =	seq.s32 s10, $0x1;
	s10 =	sld [smem:$0x3FA2]  }
0x3d: {  	_ =	shalt  }
0x3e: {  	_ =	shalt  }
0x3f: {  	_ =	shalt  }
0x40: {  	_ =	shalt  }
0x41: {  	_ =	shalt  }
0x42: {  	_ =	shalt  }
0x43: {  	_ =	shalt  }
0x44: {  	_ =	shalt  }
0x45: {  	_ =	shalt  }
0x46: {  	_ =	shalt  }
0x47: {  	_ =	shalt  }
0x48: {  	_ =	shalt  }
0x49: {  	_ =	shalt  }
0x4a: {  	_ =	shalt  }
0x4b: {  	_ =	shalt  }
0x4c: {  	_ =	shalt  }
0x4d: {  	_ =	shalt  }
0x4e: {  	_ =	shalt  }
0x4f: {  	_ =	shalt  }
0x50: {  	_ =	shalt  }
0x51: {  	_ =	shalt  }
0x52: {  	_ =	shalt  }
0x53: {  	_ =	shalt  }
0x54: {  	_ =	shalt  }
0x55: {  	_ =	shalt  }
0x56: {  	_ =	shalt  }
0x57: {  	_ =	shalt  }
0x58: {  	_ =	shalt  }
0x59: {  	_ =	shalt  }
0x5a: {  	_ =	shalt  }
0x5b: {  	_ =	shalt  }
0x5c: {  	_ =	shalt  }
0x5d: {  	_ =	shalt  }
0x5e: {  	_ =	shalt  }
0x5f: {  	_ =	shalt  }
0x60: {  	_ =	shalt  }
0x61: {  	_ =	shalt  }
0x62: {  	_ =	shalt  }
0x63: {  	_ =	shalt  }
0x64: {  	_ =	shalt  }
0x65: {  	_ =	shalt  }
0x66: {  	_ =	shalt  }
0x67: {  	_ =	shalt  }
0x68: {  	_ =	shalt  }
0x69: {  	_ =	shalt  }
0x6a: {  	_ =	shalt  }
0x6b: {  	_ =	shalt  }
0x6c: {  	_ =	shalt  }
0x6d: {  	_ =	shalt  }
0x6e: {  	_ =	shalt  }
0x6f: {  	_ =	shalt  }
0x70: {  	_ =	shalt  }
0x71: {  	_ =	shalt  }
0x72: {  	_ =	shalt  }
0x73: {  	_ =	shalt  }
0x74: {  	_ =	shalt  }
0x75: {  	_ =	shalt  }
0x76: {  	_ =	shalt  }
0x77: {  	_ =	shalt  }
0x78: {  	_ =	shalt  }
0x79: {  	_ =	shalt  }
0x7a: {  	_ =	shalt  }
0x7b: {  	_ =	shalt  }
0x7c: {  	_ =	shalt  }
0x7d: {  	_ =	shalt  }
0x7e: {  	_ =	shalt  }
0x7f: {  	_ =	shalt  }
0x80: {  	_ =	shalt  }
0x81: {  	_ =	shalt  }
0x82: {  	_ =	shalt  }
0x83: {  	_ =	shalt  }
0x84: {  	_ =	shalt  }
0x85: {  	_ =	shalt  }
0x86: {  	_ =	shalt  }
0x87: {  	_ =	shalt  }
.Lfunc_end0:
.L_simem_size_0:
called_computation.3_lowered:
.L_overlay_start_0:
0x88: {  	s2 =	sld [smem:$0x3FD9]  }
0x89: {  	s3 =	sld [smem:$0x3FFE];
	_ =	sdelay $0x1  }
0x8a: {  	s1 =	srdreg.scid  }
0x8b: {  	s0 =	sand.u32 $0x1, s1  }
0x8c: {  	s16 =	sshll.u32 s0, $0xA;
	s2 =	sadd.s32 s3, s2  }
0x8d: {  	s2 =	sadd.s32 s2, s16  }
0x8e: {  	[smem:$0x3FAE] =	sst s2  }
0x8f: {  	_ = 	snop  }
0x90: {  	(tm) =	ssettm $0x1  }
0x91: {  	s17 =	sld [smem:$0x3FFB];
	_ =	sdelay $0x3  }
0x92: {  	_ =	strace s17  }
0x93: {  	s2 =	sld [smem:$0x3FFC];
	_ =	sdelay $0x3  }
0x94: {  	_ =	strace s2  }
0x95: {  	s2 =	sld [smem:$0x3FFD];
	_ =	sdelay $0x3  }
0x96: {  	_ =	strace s2  }
0x97: {  	_ =	strace $0x8FFFFFFF  }
0x98: {  	s18 =	sld [smem:$0x3FDB];
	_ =	sdelay $0x1  }
0x99: {  	s19 =	simm.s32 $_scs_section_size  }
0x9a: {  	s4 =	simm.s32 $_size__tile_overlayer_lowered;
	s5 =	simm.s32 $_tile_overlayer_lowered  }
0x9b: {  	s22 =	simm.s32 $0x1BFF;
	s21 =	sshll.u32 s5, $0x1;
	s2 =	sadd.s32 s19, s18  }
0x9c: {  	s6 =	simm.s32 $0x0;
	s20 =	sshll.u32 s4, $0x1;
	s4 =	sadd.s32 s21, s2  }
0x9d: {  	[timem:s6], [sflag:s22] =	dma.local [hbm:s4], s20  }
0x9e: {  	_ =	swait.ge [sflag:s22], s20  }
0x9f: {  	s3 =	ssub.s32 $0x0, s20;
	[sflag:s22] =	ssyncset.done $0x0  }
0xa0: {  	[sflag:s22] =	ssyncadd.s32 s3;
	_ =	sdelay $0x1  }
0xa1: {  	s23 =	simm.s32 $0x1B8B  }
0xa2: {  	_ =	swait.ge [sflag:s23], $0x1  }
0xa3: {  	[sflag:s23] =	ssyncset.done $0x0  }
0xa4: {  	s25 =	simm.s32 $0x1B8E;
	s24 =	sld [smem:$0x3FFE];
	[sflag:s23] =	ssyncadd.s32 $0xFFFFFFFF  }
0xa5: {  	s26 =	simm.s32 $execute0_lowered;
	[smem:$0x3FD2] =	sst s25  }
0xa6: {  	s4 =	sshll.u32 s26, $0x1;
	_ =	strace $0x8000004F;
	[dreg:$0x1] =	wrdreg $0xFFFFFFFF  }
0xa7: {  	s28 =	simm.s32 $_size_execute0_lowered;
	s2 =	sadd.s32 s2, s4;
	[dreg:$0x0] =	wrdreg $0x0  }
0xa8: {  	s4 =	sshll.u32 s28, $0x1;
	[dreg:$0x2] =	wrdreg s2  }
0xa9: {  	[dreg:$0x3] =	wrdreg s4  }
0xaa: {  	[dreg:$0x4] =	wrdreg $0xC0  }
0xab: {  	_ =	task [dreg:s6], $0x5FFFF  }
0xac: {  	[dreg:$0x1] =	wrdreg $0xFFFFFFFF  }
0xad: {  	[dreg:$0x0] =	wrdreg $0x60  }
0xae: {  	[dreg:$0x2] =	wrdreg s24  }
0xaf: {  	[dreg:$0x3] =	wrdreg $0x9  }
0xb0: {  	_ =	task.clear_ibuf [dreg:s6], $0x4FFFF;
	_ =	strace $0x9000004F  }
0xb1: {  	s29 =	simm.s32 $0x9;
	_ =	strace $0x80000051  }
0xb2: {  	_ =	swait.ge [sflag:s29], $0x1  }
0xb3: {  	[sflag:s29] =	ssyncadd.s32 $0xFFFFFFFF  }
0xb4: {  	_ =	strace $0x90000051  }
0xb5: {  	_ =	sfence  }
0xb6: {  	s30 =	sld [smem:$0x0];
	_ =	sdelay $0x2  }
0xb7: {  	s31 =	sshll.u32 s1, $0xD;
	s1 =	sshrl.u32 s1, $0x2  }
0xb8: {  	s3 =	sand.u32 $0x4000, s31;
	s1 =	sadd.s32 s1, s30  }
0xb9: {  	s0 =	sor.u32 s3, s0;
	s1 =	sshll.u32 s1, $0x11  }
0xba: {  	s0 =	sor.u32 s1, s0  }
0xbb: {  	s0 =	sadd.s32 $0x8F2B, s0  }
0xbc: {  	[sflag:s0] =	ssyncadd.remote.s32 $0x1  }
0xbd: {  	_ =	sfence.sel $0xFFFF  }
0xbe: {  	[dreg:$0x0] =	wrdreg $0xFFFFFFFF;
	(pc) =	sbr.abs _section_cstart, $3  }
0xbf: {  	[dreg:$0x1] =	wrdreg $0xFFFFFFFF  }
0xc0: {  	_ =	task.clear_ibuf [dreg:s6], $0x2FFFF;
	_ =	strace $0x9FFFFFFF  }
0xc1: {  	(tm) =	ssettm $0x7FFFFFFF  }
tec
execute0_lowered:
.L_overlay_start_1:
0x0: {  	(tag) =	ssettag $0x1  }
0x1: {  	s1 =	srdreg.scid;
	s0 =	stileid.u32  }
0x2: {  	s16 =	sand.u32 $0x1, s1;
	s29 =	sshll.u32 s0, $0x1  }
0x3: {  	s17 =	sor.u32 s16, s29  }
0x4: {  	s18 =	rddreg [dreg:$0x0];
	s3 =	smul.u32 $0x50, s17  }
0x5: {  	s2 =	simm.s32 $0x0;
	s1 =	rddreg [dreg:$0x1]  }
0x6: {  	[smem:$0x7FF] =	sst s2;
	s3 =	sadd.s32 s3, s18  }
0x7: {  	_ =	strace $0x80000050;
	s4 =	sadd.s32 $0x2D800, s3;
	s3 =	simm.s32 $0x2  }
0x8: {  	[tilespmem:s2], [sflag:$0x2] =	stream.linear.gather [hbm4b:s4+s2], $0x280, $0x38;
	[tilespmem:$0xA280] =	vst v63  }
0x9: {  	_ =	swait.ge [sflag:s3], $0x280  }
0xa: {  	s6 =	simm.s32 $0x80;
	[sflag:s3] =	ssyncset.done $0x0  }
0xb: {  	s7 =	simm.s32 $0x280;
	s5 =	sadd.s32 $0x2E200, s18;
	[sflag:s3] =	ssyncadd.s32 $0xFFFFFD80  }
0xc: {  	[tilespmem:s7], [sflag:$0x1] =	stream.indirect.gather [hbm4b:s5+s6], $0x40, s2, s6, $0xb8;
	[tilespmem:$0xA280] =	vst v63  }
0xd: {  	s8 =	simm.s32 $0x2280  }
0xe: {  	[tilespmem:s8], [sflag:$0x1] =	stream.indirect.gather [hbm4b:s5+s6], $0x40, s6, s6, $0xb8;
	[tilespmem:$0xA280] =	vst v63  }
0xf: {  	s9 =	simm.s32 $0x100;
	s10 =	simm.s32 $0x4280  }
0x10: {  	[tilespmem:s10], [sflag:$0x1] =	stream.indirect.gather [hbm4b:s5+s6], $0x40, s9, s6, $0xb8;
	[tilespmem:$0xA280] =	vst v63  }
0x11: {  	s11 =	simm.s32 $0x180;
	s12 =	simm.s32 $0x6280  }
0x12: {  	[tilespmem:s12], [sflag:$0x1] =	stream.indirect.gather [hbm4b:s5+s6], $0x40, s11, s6, $0xb8;
	[tilespmem:$0xA280] =	vst v63  }
0x13: {  	s13 =	simm.s32 $0x200;
	s14 =	simm.s32 $0x8280;
	s15 =	simm.s32 $0x1  }
0x14: {  	[tilespmem:s14], [sflag:$0x1] =	stream.indirect.gather [hbm4b:s5+s6], $0x40, s13, s6, $0xb8;
	[tilespmem:$0xA280] =	vst v63  }
0x15: {  	_ =	swait.ge [sflag:s15], $0x2000  }
0x16: {  	[sflag:s15] =	ssyncset.done $0x0  }
0x17: {  	[sflag:s15] =	ssyncadd.s32 $0xFFFFE000  }
0x18: {  	_ =	swait.ge [sflag:s15], $0x2000  }
0x19: {  	[sflag:s15] =	ssyncset.done $0x0  }
0x1a: {  	[sflag:s15] =	ssyncadd.s32 $0xFFFFE000  }
0x1b: {  	_ =	swait.ge [sflag:s15], $0x2000  }
0x1c: {  	[sflag:s15] =	ssyncset.done $0x0  }
0x1d: {  	s16 =	ssub.s32 $0x2, s16;
	[sflag:s15] =	ssyncadd.s32 $0xFFFFE000  }
0x1e: {  	s19 =	sshrl.u32 s16, $0x1;
	_ =	swait.ge [sflag:s15], $0x2000  }
0x1f: {  	s30 =	ssub.s32 s16, s19;
	[sflag:s15] =	ssyncset.done $0x0  }
0x20: {  	s17 =	smul.u32 $0x1400, s17;
	s31 =	smax.u32 s30, $0x1;
	[sflag:s15] =	ssyncadd.s32 $0xFFFFE000  }
0x21: {  	p0 =	sne.s32 s31, $0x1;
	_ =	swait.ge [sflag:s15], $0x2000  }
.Ltmp0:
0x22: {  	s17 =	sadd.s32 s17, s18;
	[sflag:s15] =	ssyncset.done $0x0;
	(pc) =	sbr.rel @!p0 .LBB2_2-.Ltmp0, $4  }
0x23: {  	s16 =	sadd.s32 $0x5800, s17;
	[sflag:s15] =	ssyncadd.s32 $0xFFFFE000  }
0x24: {  	[hbm4b:s16+s2] =	stream.linear.scatter [tilespmem:s7], [sflag:$0x2], $0xA000, $0x38;
	[tilespmem:$0xA280] =	vst v63  }
0x25: {  	_ =	swait.ge [sflag:s3], $0xA000  }
0x26: {  	s17 =	sadd.s32 $0xFFFFFFFF, s31;
	[sflag:s3] =	ssyncset.done $0x0  }
.LBB2_1:
0x27: {  	p0 =	sne.s32 s17, $0x1;
	s17 =	sadd.s32 $0xFFFFFFFF, s17;
	[sflag:s3] =	ssyncadd.s32 $0xFFFF6000  }
0x28: {  	[tilespmem:s2], [sflag:$0x2] =	stream.linear.gather [hbm4b:s4+s2], $0x280, $0x38;
	[tilespmem:$0xA280] =	vst v63  }
0x29: {  	_ =	swait.ge [sflag:s3], $0x280  }
0x2a: {  	[sflag:s3] =	ssyncset.done $0x0  }
0x2b: {  	[sflag:s3] =	ssyncadd.s32 $0xFFFFFD80  }
0x2c: {  	[tilespmem:s7], [sflag:$0x1] =	stream.indirect.gather [hbm4b:s5+s6], $0x40, s2, s6, $0xb8;
	[tilespmem:$0xA280] =	vst v63  }
0x2d: {  	_ = 	snop  }
0x2e: {  	[tilespmem:s8], [sflag:$0x1] =	stream.indirect.gather [hbm4b:s5+s6], $0x40, s6, s6, $0xb8;
	[tilespmem:$0xA280] =	vst v63  }
0x2f: {  	_ = 	snop  }
0x30: {  	[tilespmem:s10], [sflag:$0x1] =	stream.indirect.gather [hbm4b:s5+s6], $0x40, s9, s6, $0xb8;
	[tilespmem:$0xA280] =	vst v63  }
0x31: {  	_ = 	snop  }
0x32: {  	[tilespmem:s12], [sflag:$0x1] =	stream.indirect.gather [hbm4b:s5+s6], $0x40, s11, s6, $0xb8;
	[tilespmem:$0xA280] =	vst v63  }
0x33: {  	_ = 	snop  }
0x34: {  	[tilespmem:s14], [sflag:$0x1] =	stream.indirect.gather [hbm4b:s5+s6], $0x40, s13, s6, $0xb8;
	[tilespmem:$0xA280] =	vst v63  }
0x35: {  	_ =	swait.ge [sflag:s15], $0x2000  }
0x36: {  	[sflag:s15] =	ssyncset.done $0x0  }
0x37: {  	[sflag:s15] =	ssyncadd.s32 $0xFFFFE000  }
0x38: {  	_ =	swait.ge [sflag:s15], $0x2000  }
0x39: {  	[sflag:s15] =	ssyncset.done $0x0  }
0x3a: {  	[sflag:s15] =	ssyncadd.s32 $0xFFFFE000  }
0x3b: {  	_ =	swait.ge [sflag:s15], $0x2000  }
0x3c: {  	[sflag:s15] =	ssyncset.done $0x0  }
0x3d: {  	[sflag:s15] =	ssyncadd.s32 $0xFFFFE000  }
0x3e: {  	_ =	swait.ge [sflag:s15], $0x2000  }
0x3f: {  	[sflag:s15] =	ssyncset.done $0x0  }
0x40: {  	[sflag:s15] =	ssyncadd.s32 $0xFFFFE000  }
0x41: {  	_ =	swait.ge [sflag:s15], $0x2000  }
.Ltmp1:
0x42: {  	[sflag:s15] =	ssyncset.done $0x0;
	(pc) =	sbr.rel @p0 .LBB2_1-.Ltmp1, $4  }
0x43: {  	[sflag:s15] =	ssyncadd.s32 $0xFFFFE000  }
0x44: {  	[hbm4b:s16+s2] =	stream.linear.scatter [tilespmem:s7], [sflag:$0x2], $0xA000, $0x38;
	[tilespmem:$0xA280] =	vst v63  }
0x45: {  	_ =	swait.ge [sflag:s3], $0xA000  }
0x46: {  	[sflag:s3] =	ssyncset.done $0x0  }
.LBB2_2:
0x47: {  	[sflag:s3] =	ssyncadd.s32 $0xFFFF6000  }
0x48: {  	_ =	sfence.sel $0x180000  }
0x49: {  	[bflag:$0x0] =	sbarrier.arrive $0xFFFF  }
0x4a: {  	p0 =	sne.s32 s0, $0x0;
	_ =	strace $0x90000050  }
0x4b: {  	s0 =	sadd.s32 @!p0 $0x100000, s1;
	[bflag:$0x2] =	sbarrier.arrive $0xFFFF  }
0x4c: {  	[sflag:s0] =	ssyncadd.tile.s32 @!p0 $0x1;
	_ =	shalt  }
.Lfunc_end2:
_tile_overlayer_lowered:
.L_overlay_start_2:
0x4d: {  	(tag) =	ssettag $0x2  }
0x4e: {  	s0 =	rddreg [dreg:$0x0];
	s2 =	stileid.u32  }
0x4f: {  	s1 =	rddreg [dreg:$0x1];
	p0 =	sne.s32 s2, $0x0  }
0x50: {  	s3 =	rddreg [dreg:$0x2];
	[bflag:$0x3] =	sbarrier.arrive $0xFFFF;
	s2 =	simm.s32 @!p0 $0x1C02  }
0x51: {  	[timem:s3], [sflag:s2] =	dma.local @!p0 [hbm:s0], s1  }
0x52: {  	s0 =	simm.s32 @!p0 $0x2  }
0x53: {  	_ =	swait.ge @!p0 [sflag:s0], s1  }
0x54: {  	s1 =	ssub.s32 @!p0 $0x0, s1;
	[sflag:s0] =	ssyncset.done @!p0 $0x0  }
0x55: {  	[sflag:s0] =	ssyncadd.s32 @!p0 s1  }
0x56: {  	[bflag:$0x3] =	sbarrier.arrive $0xFFFF  }
0x57: {  	_ =	shalt  }

</sc_bundles>
